<compile_context>
chip_gen: v7x
topology: tpu7x:2x2x1
jax: 0.10.2.dev20260603
libtpu: 0.0.44.dev20260713+nightly
codegen_flags: <defaults>
</compile_context>

<pallas_src>
import functools

import jax
import jax.numpy as jnp
from jax import lax
from jax.experimental import pallas as pl
from jax.experimental.pallas import tpu as pltpu
from jax.experimental.pallas import tpu_sc as plsc

N_POKES = 256
N_ABS = 212
N_ITEMS = 133
NHIDDEN = 128
B = 16384
L = 200

NTOK = B * L
CHUNK = 128
NROWS = NTOK // CHUNK
NC, NS = 2, 16
NW = NC * NS
ROWS_PER_W = NROWS // NW
K = 16
NBLK = ROWS_PER_W // K


def _make_sc_call():
    mesh = plsc.VectorSubcoreMesh(core_axis_name="c", subcore_axis_name="s")

    @functools.partial(
        pl.kernel,
        mesh=mesh,
        out_type=jax.ShapeDtypeStruct((NTOK, 3 * NHIDDEN), jnp.float32),
        scratch_types=[
            pltpu.VMEM((K, CHUNK), jnp.int32),
            pltpu.VMEM((K, CHUNK), jnp.int32),
            pltpu.VMEM((K, CHUNK), jnp.int32),
            pltpu.VMEM((2, CHUNK, NHIDDEN), jnp.float32),
            pltpu.VMEM((2, CHUNK, NHIDDEN), jnp.float32),
            pltpu.VMEM((2, CHUNK, NHIDDEN), jnp.float32),
            pltpu.SemaphoreType.DMA,
            pltpu.SemaphoreType.DMA,
            pltpu.SemaphoreType.DMA,
            pltpu.VMEM_SHARED((N_POKES, NHIDDEN), jnp.float32),
            pltpu.VMEM_SHARED((N_ABS, NHIDDEN), jnp.float32),
            pltpu.VMEM_SHARED((N_ITEMS, NHIDDEN), jnp.float32),
        ],
    )
    def sc_kernel(poke_i, ab_i, item_i, pt, abt, itt, out,
                  idx_p, idx_a, idx_i, rows_p, rows_a, rows_i,
                  sem_g, sem_w0, sem_w1, pt_sh, abt_sh, itt_sh):
        wid = lax.axis_index("s") * NC + lax.axis_index("c")
        row0 = wid * ROWS_PER_W
        sem_w = (sem_w0, sem_w1)

        @pl.when(lax.axis_index("s") == 0)
        def _stage():
            pltpu.sync_copy(pt, pt_sh)
            pltpu.sync_copy(abt, abt_sh)
            pltpu.sync_copy(itt, itt_sh)

        plsc.subcore_barrier()

        def blk(b, carry):
            r0 = row0 + b * K
            pltpu.sync_copy(poke_i.at[pl.ds(r0, K)], idx_p)
            pltpu.sync_copy(ab_i.at[pl.ds(r0, K)], idx_a)
            pltpu.sync_copy(item_i.at[pl.ds(r0, K)], idx_i)
            pending = [[], []]
            for j in range(K):
                par = j % 2
                for cw in pending[par]:
                    cw.wait()
                pending[par] = []
                cp = pltpu.async_copy(pt_sh.at[idx_p.at[j]], rows_p.at[par], sem_g)
                ca = pltpu.async_copy(abt_sh.at[idx_a.at[j]], rows_a.at[par], sem_g)
                ci = pltpu.async_copy(itt_sh.at[idx_i.at[j]], rows_i.at[par], sem_g)
                cp.wait()
                ca.wait()
                ci.wait()
                tok0 = (r0 + j) * CHUNK
                s = sem_w[par]
                pending[par] = [
                    pltpu.async_copy(
                        rows_p.at[par],
                        out.at[pl.ds(tok0, CHUNK), pl.ds(0, NHIDDEN)], s),
                    pltpu.async_copy(
                        rows_a.at[par],
                        out.at[pl.ds(tok0, CHUNK), pl.ds(NHIDDEN, NHIDDEN)], s),
                    pltpu.async_copy(
                        rows_i.at[par],
                        out.at[pl.ds(tok0, CHUNK), pl.ds(2 * NHIDDEN, NHIDDEN)], s),
                ]
            for par in (0, 1):
                for cw in pending[par]:
                    cw.wait()
            return carry

        lax.fori_loop(0, NBLK, blk, 0)

    return sc_kernel


def kernel(poke_idx, ab_idx, item_idx, pokeEmb, abEmb, itemEmb):
    pi = poke_idx.astype(jnp.int32).reshape(NROWS, CHUNK)
    ai = ab_idx.astype(jnp.int32).reshape(NROWS, CHUNK)
    ii = item_idx.astype(jnp.int32).reshape(NROWS, CHUNK)
    out = _make_sc_call()(pi, ai, ii, pokeEmb, abEmb, itemEmb)
    return out.reshape(B, L, 3 * NHIDDEN)

# --- scband reference (transcript-rebuilt; emitter-appended) ---
"""Pipeline reference for scband-poke-encoder-78855599555297 (READ-ONLY COPY).

The authoritative reference and input builder live on the scoring server;
editing this copy changes nothing except your own understanding.
"""

import jax, jax.numpy as jnp
import numpy as np

N_POKES = 256
N_ABS = 212
N_ITEMS = 133
NHIDDEN = 128
B = 16384
L = 200

def setup_inputs(seed: int = 0) -> dict:
    key = jax.random.key(seed)
    k1, k2, k3, k4, k5, k6 = jax.random.split(key, 6)
    poke_idx = jax.random.randint(k1, (B, L), 0, N_POKES, dtype=jnp.int64 if jax.config.jax_enable_x64 else jnp.int32)
    ab_idx = jax.random.randint(k2, (B, L), 0, N_ABS, dtype=jnp.int64 if jax.config.jax_enable_x64 else jnp.int32)
    item_idx = jax.random.randint(k3, (B, L), 0, N_ITEMS, dtype=jnp.int64 if jax.config.jax_enable_x64 else jnp.int32)
    pokeEmb = jax.random.normal(k4, (N_POKES, NHIDDEN), dtype=jnp.float32)
    abEmb = jax.random.normal(k5, (N_ABS, NHIDDEN), dtype=jnp.float32)
    itemEmb = jax.random.normal(k6, (N_ITEMS, NHIDDEN), dtype=jnp.float32)
    return {"poke_idx": poke_idx, "ab_idx": ab_idx, "item_idx": item_idx,
            "pokeEmb": pokeEmb, "abEmb": abEmb, "itemEmb": itemEmb}

def reference(poke_idx, ab_idx, item_idx, pokeEmb, abEmb, itemEmb):
    # nn.Embedding lookups: table[idx] -> gather along axis 0
    p = jnp.take(pokeEmb, poke_idx, axis=0)   # [B, L, NHIDDEN]
    a = jnp.take(abEmb, ab_idx, axis=0)       # [B, L, NHIDDEN]
    it = jnp.take(itemEmb, item_idx, axis=0)  # [B, L, NHIDDEN]
    # concatenate per-entity embeddings along feature dim
    return jnp.concatenate([p, a, it], axis=-1)  # [B, L, 3*NHIDDEN]

if __name__ == "__main__":
    import jax
    _d = setup_inputs()
    print(jax.jit(kernel)(*tuple(_d.values())))

</pallas_src>

<mosaic_0001>
#map = affine_map<(d0, d1) -> (0, 0)>
module attributes {stable_mosaic.version = 14 : i64} {
  func.func @sc_kernel(%arg0: i32, %arg1: i32, %arg2: memref<25600x128xi32, #tpu.memory_space<hbm>>, %arg3: memref<25600x128xi32, #tpu.memory_space<hbm>>, %arg4: memref<25600x128xi32, #tpu.memory_space<hbm>>, %arg5: memref<256x128xf32, #tpu.memory_space<hbm>>, %arg6: memref<212x128xf32, #tpu.memory_space<hbm>>, %arg7: memref<133x128xf32, #tpu.memory_space<hbm>>, %arg8: memref<3276800x384xf32, #tpu.memory_space<hbm>>, %arg9: memref<16x128xi32, #tpu.memory_space<vmem>>, %arg10: memref<16x128xi32, #tpu.memory_space<vmem>>, %arg11: memref<16x128xi32, #tpu.memory_space<vmem>>, %arg12: memref<2x128x128xf32, #tpu.memory_space<vmem>>, %arg13: memref<2x128x128xf32, #tpu.memory_space<vmem>>, %arg14: memref<2x128x128xf32, #tpu.memory_space<vmem>>, %arg15: memref<!tpu.dma_semaphore, #tpu.memory_space<semaphore_mem>>, %arg16: memref<!tpu.dma_semaphore, #tpu.memory_space<semaphore_mem>>, %arg17: memref<!tpu.dma_semaphore, #tpu.memory_space<semaphore_mem>>, %arg18: memref<256x128xf32, #tpu.memory_space<vmem_shared>>, %arg19: memref<212x128xf32, #tpu.memory_space<vmem_shared>>, %arg20: memref<133x128xf32, #tpu.memory_space<vmem_shared>>) attributes {dimension_semantics = [#tpu.dimension_semantics<core_parallel>, #tpu.dimension_semantics<subcore_parallel>], iteration_bounds = array<i64: 2, 16>, scalar_prefetch = 0 : i64, scratch_operands = 12 : i64, tpu.core_type = #tpu.core_type<sc_vector_subcore>, window_params = [{transform_indices = #map}, {transform_indices = #map}, {transform_indices = #map}, {transform_indices = #map}, {transform_indices = #map}, {transform_indices = #map}, {transform_indices = #map}]} {
    %mul3A = arith.constant 2 : i32
    %mul3A_0 = arith.muli %arg1, %mul3A : i32
    %add3A = arith.addi %mul3A_0, %arg0 : i32
    %mul3A_1 = arith.constant 800 : i32
    %mul3A_2 = arith.muli %add3A, %mul3A_1 : i32
    %eq3A = arith.constant 0 : i32
    %eq3A_3 = arith.cmpi eq, %arg1, %eq3A : i32
    %convert_element_type3A = arith.extui %eq3A_3 : i1 to i32
    %cond3A = arith.constant 0 : i32
    %cond3A_4 = arith.cmpi ne, %convert_element_type3A, %cond3A : i32
    scf.if %cond3A_4 {
      "tpu.region"() ({
        %run_scoped3A = tpu.sem_alloc : memref<!tpu.dma_semaphore, #tpu.memory_space<semaphore_mem>>
        tpu.enqueue_dma source(%arg5 : memref<256x128xf32, #tpu.memory_space<hbm>>) target(%arg18 : memref<256x128xf32, #tpu.memory_space<vmem_shared>>) target_semaphore(%run_scoped3A : memref<!tpu.dma_semaphore, #tpu.memory_space<semaphore_mem>>)
        tpu.wait_dma2 semaphore(%run_scoped3A : memref<!tpu.dma_semaphore, #tpu.memory_space<semaphore_mem>>) src(%arg5 : memref<256x128xf32, #tpu.memory_space<hbm>>) dst(%arg18 : memref<256x128xf32, #tpu.memory_space<vmem_shared>>)
        tpu.yield
      }) : () -> ()
      "tpu.region"() ({
        %run_scoped3A = tpu.sem_alloc : memref<!tpu.dma_semaphore, #tpu.memory_space<semaphore_mem>>
        tpu.enqueue_dma source(%arg6 : memref<212x128xf32, #tpu.memory_space<hbm>>) target(%arg19 : memref<212x128xf32, #tpu.memory_space<vmem_shared>>) target_semaphore(%run_scoped3A : memref<!tpu.dma_semaphore, #tpu.memory_space<semaphore_mem>>)
        tpu.wait_dma2 semaphore(%run_scoped3A : memref<!tpu.dma_semaphore, #tpu.memory_space<semaphore_mem>>) src(%arg6 : memref<212x128xf32, #tpu.memory_space<hbm>>) dst(%arg19 : memref<212x128xf32, #tpu.memory_space<vmem_shared>>)
        tpu.yield
      }) : () -> ()
      "tpu.region"() ({
        %run_scoped3A = tpu.sem_alloc : memref<!tpu.dma_semaphore, #tpu.memory_space<semaphore_mem>>
        tpu.enqueue_dma source(%arg7 : memref<133x128xf32, #tpu.memory_space<hbm>>) target(%arg20 : memref<133x128xf32, #tpu.memory_space<vmem_shared>>) target_semaphore(%run_scoped3A : memref<!tpu.dma_semaphore, #tpu.memory_space<semaphore_mem>>)
        tpu.wait_dma2 semaphore(%run_scoped3A : memref<!tpu.dma_semaphore, #tpu.memory_space<semaphore_mem>>) src(%arg7 : memref<133x128xf32, #tpu.memory_space<hbm>>) dst(%arg20 : memref<133x128xf32, #tpu.memory_space<vmem_shared>>)
        tpu.yield
      }) : () -> ()
    } else {
    }
    %barrier3A = arith.constant 0 : index
    tpu.barrier barrier_id(%barrier3A)
    %scan3A = arith.constant 0 : i32
    %scan3A_5 = arith.constant 0 : i32
    %scan3A_6 = arith.constant 50 : i32
    %scan3A_7 = arith.addi %scan3A_5, %scan3A_6 : i32
    %scan3A_8 = arith.constant 1 : i32
    scf.for %scan3A_10 = %scan3A_5 to %scan3A_7 step %scan3A_8  : i32 {
      %mul3A_11 = arith.constant 16 : i32
      %mul3A_12 = arith.muli %scan3A_10, %mul3A_11 : i32
      %add3A_13 = arith.addi %mul3A_2, %mul3A_12 : i32
      "tpu.region"() ({
        %run_scoped3A = tpu.sem_alloc : memref<!tpu.dma_semaphore, #tpu.memory_space<semaphore_mem>>
        %dma_start3A_2476 = arith.constant 0 : i32
        %dma_start3A_2477 = tpu.memref_slice %arg2[%add3A_13, %dma_start3A_2476] : memref<25600x128xi32, #tpu.memory_space<hbm>> -> memref<16x128xi32, #tpu.memory_space<hbm>>
        %dma_start3A_2478 = arith.constant 0 : i32
        %dma_start3A_2479 = tpu.memref_slice %arg2[%add3A_13, %dma_start3A_2478] : memref<25600x128xi32, #tpu.memory_space<hbm>> -> memref<16x128xi32, #tpu.memory_space<hbm>>
        tpu.enqueue_dma source(%dma_start3A_2479 : memref<16x128xi32, #tpu.memory_space<hbm>>) target(%arg9 : memref<16x128xi32, #tpu.memory_space<vmem>>) target_semaphore(%run_scoped3A : memref<!tpu.dma_semaphore, #tpu.memory_space<semaphore_mem>>)
        %dma_wait3A_2480 = arith.constant 0 : i32
        %dma_wait3A_2481 = tpu.memref_slice %arg2[%add3A_13, %dma_wait3A_2480] : memref<25600x128xi32, #tpu.memory_space<hbm>> -> memref<16x128xi32, #tpu.memory_space<hbm>>
        %dma_wait3A_2482 = arith.constant 0 : i32
        %dma_wait3A_2483 = tpu.memref_slice %arg2[%add3A_13, %dma_wait3A_2482] : memref<25600x128xi32, #tpu.memory_space<hbm>> -> memref<16x128xi32, #tpu.memory_space<hbm>>
        tpu.wait_dma2 semaphore(%run_scoped3A : memref<!tpu.dma_semaphore, #tpu.memory_space<semaphore_mem>>) src(%dma_wait3A_2483 : memref<16x128xi32, #tpu.memory_space<hbm>>) dst(%arg9 : memref<16x128xi32, #tpu.memory_space<vmem>>)
        tpu.yield
      }) : () -> ()
      "tpu.region"() ({
        %run_scoped3A = tpu.sem_alloc : memref<!tpu.dma_semaphore, #tpu.memory_space<semaphore_mem>>
        %dma_start3A_2476 = arith.constant 0 : i32
        %dma_start3A_2477 = tpu.memref_slice %arg3[%add3A_13, %dma_start3A_2476] : memref<25600x128xi32, #tpu.memory_space<hbm>> -> memref<16x128xi32, #tpu.memory_space<hbm>>
        %dma_start3A_2478 = arith.constant 0 : i32
        %dma_start3A_2479 = tpu.memref_slice %arg3[%add3A_13, %dma_start3A_2478] : memref<25600x128xi32, #tpu.memory_space<hbm>> -> memref<16x128xi32, #tpu.memory_space<hbm>>
        tpu.enqueue_dma source(%dma_start3A_2479 : memref<16x128xi32, #tpu.memory_space<hbm>>) target(%arg10 : memref<16x128xi32, #tpu.memory_space<vmem>>) target_semaphore(%run_scoped3A : memref<!tpu.dma_semaphore, #tpu.memory_space<semaphore_mem>>)
        %dma_wait3A_2480 = arith.constant 0 : i32
        %dma_wait3A_2481 = tpu.memref_slice %arg3[%add3A_13, %dma_wait3A_2480] : memref<25600x128xi32, #tpu.memory_space<hbm>> -> memref<16x128xi32, #tpu.memory_space<hbm>>
        %dma_wait3A_2482 = arith.constant 0 : i32
        %dma_wait3A_2483 = tpu.memref_slice %arg3[%add3A_13, %dma_wait3A_2482] : memref<25600x128xi32, #tpu.memory_space<hbm>> -> memref<16x128xi32, #tpu.memory_space<hbm>>
        tpu.wait_dma2 semaphore(%run_scoped3A : memref<!tpu.dma_semaphore, #tpu.memory_space<semaphore_mem>>) src(%dma_wait3A_2483 : memref<16x128xi32, #tpu.memory_space<hbm>>) dst(%arg10 : memref<16x128xi32, #tpu.memory_space<vmem>>)
        tpu.yield
      }) : () -> ()
      "tpu.region"() ({
        %run_scoped3A = tpu.sem_alloc : memref<!tpu.dma_semaphore, #tpu.memory_space<semaphore_mem>>
        %dma_start3A_2476 = arith.constant 0 : i32
        %dma_start3A_2477 = tpu.memref_slice %arg4[%add3A_13, %dma_start3A_2476] : memref<25600x128xi32, #tpu.memory_space<hbm>> -> memref<16x128xi32, #tpu.memory_space<hbm>>
        %dma_start3A_2478 = arith.constant 0 : i32
        %dma_start3A_2479 = tpu.memref_slice %arg4[%add3A_13, %dma_start3A_2478] : memref<25600x128xi32, #tpu.memory_space<hbm>> -> memref<16x128xi32, #tpu.memory_space<hbm>>
        tpu.enqueue_dma source(%dma_start3A_2479 : memref<16x128xi32, #tpu.memory_space<hbm>>) target(%arg11 : memref<16x128xi32, #tpu.memory_space<vmem>>) target_semaphore(%run_scoped3A : memref<!tpu.dma_semaphore, #tpu.memory_space<semaphore_mem>>)
        %dma_wait3A_2480 = arith.constant 0 : i32
        %dma_wait3A_2481 = tpu.memref_slice %arg4[%add3A_13, %dma_wait3A_2480] : memref<25600x128xi32, #tpu.memory_space<hbm>> -> memref<16x128xi32, #tpu.memory_space<hbm>>
        %dma_wait3A_2482 = arith.constant 0 : i32
        %dma_wait3A_2483 = tpu.memref_slice %arg4[%add3A_13, %dma_wait3A_2482] : memref<25600x128xi32, #tpu.memory_space<hbm>> -> memref<16x128xi32, #tpu.memory_space<hbm>>
        tpu.wait_dma2 semaphore(%run_scoped3A : memref<!tpu.dma_semaphore, #tpu.memory_space<semaphore_mem>>) src(%dma_wait3A_2483 : memref<16x128xi32, #tpu.memory_space<hbm>>) dst(%arg11 : memref<16x128xi32, #tpu.memory_space<vmem>>)
        tpu.yield
      }) : () -> ()
      %dma_start3A = arith.constant 0 : i32
      %dma_start3A_14 = arith.constant 0 : i32
      %dma_start3A_15 = arith.constant 0 : i32
      %dma_start3A_16 = arith.constant 0 : i32
      %dma_start3A_17 = tpu.memref_slice %arg12[%dma_start3A_14, %dma_start3A_15, %dma_start3A_16] : memref<2x128x128xf32, #tpu.memory_space<vmem>> -> memref<1x128x128xf32, #tpu.memory_space<vmem>>
      %dma_start3A_18 = tpu.memref_squeeze %dma_start3A_17 : memref<1x128x128xf32, #tpu.memory_space<vmem>> -> memref<128x128xf32, #tpu.memory_space<vmem>>
      %dma_start3A_19 = arith.constant 0 : i32
      %dma_start3A_20 = tpu.memref_slice %arg9[%dma_start3A, %dma_start3A_19] : memref<16x128xi32, #tpu.memory_space<vmem>> -> memref<1x128xi32, #tpu.memory_space<vmem>>
      %dma_start3A_21 = tpu.memref_squeeze %dma_start3A_20 : memref<1x128xi32, #tpu.memory_space<vmem>> -> memref<128xi32, #tpu.memory_space<vmem>>
      %dma_start3A_22 = arith.constant 0 : i32
      %dma_start3A_23 = arith.constant 0 : i32
      %dma_start3A_24 = tpu.memref_slice %arg18[%dma_start3A_22, %dma_start3A_23] : memref<256x128xf32, #tpu.memory_space<vmem_shared>> -> memref<256x128xf32, #tpu.memory_space<vmem_shared>>
      tpu.enqueue_indirect_dma source(%dma_start3A_24 : memref<256x128xf32, #tpu.memory_space<vmem_shared>>) target(%dma_start3A_18 : memref<128x128xf32, #tpu.memory_space<vmem>>) offsets(%dma_start3A_21 : memref<128xi32, #tpu.memory_space<vmem>>) semaphore(%arg15 : memref<!tpu.dma_semaphore, #tpu.memory_space<semaphore_mem>>)
      %dma_start3A_25 = arith.constant 0 : i32
      %dma_start3A_26 = arith.constant 0 : i32
      %dma_start3A_27 = arith.constant 0 : i32
      %dma_start3A_28 = arith.constant 0 : i32
      %dma_start3A_29 = tpu.memref_slice %arg13[%dma_start3A_26, %dma_start3A_27, %dma_start3A_28] : memref<2x128x128xf32, #tpu.memory_space<vmem>> -> memref<1x128x128xf32, #tpu.memory_space<vmem>>
      %dma_start3A_30 = tpu.memref_squeeze %dma_start3A_29 : memref<1x128x128xf32, #tpu.memory_space<vmem>> -> memref<128x128xf32, #tpu.memory_space<vmem>>
      %dma_start3A_31 = arith.constant 0 : i32
      %dma_start3A_32 = tpu.memref_slice %arg10[%dma_start3A_25, %dma_start3A_31] : memref<16x128xi32, #tpu.memory_space<vmem>> -> memref<1x128xi32, #tpu.memory_space<vmem>>
      %dma_start3A_33 = tpu.memref_squeeze %dma_start3A_32 : memref<1x128xi32, #tpu.memory_space<vmem>> -> memref<128xi32, #tpu.memory_space<vmem>>
      %dma_start3A_34 = arith.constant 0 : i32
      %dma_start3A_35 = arith.constant 0 : i32
      %dma_start3A_36 = tpu.memref_slice %arg19[%dma_start3A_34, %dma_start3A_35] : memref<212x128xf32, #tpu.memory_space<vmem_shared>> -> memref<212x128xf32, #tpu.memory_space<vmem_shared>>
      tpu.enqueue_indirect_dma source(%dma_start3A_36 : memref<212x128xf32, #tpu.memory_space<vmem_shared>>) target(%dma_start3A_30 : memref<128x128xf32, #tpu.memory_space<vmem>>) offsets(%dma_start3A_33 : memref<128xi32, #tpu.memory_space<vmem>>) semaphore(%arg15 : memref<!tpu.dma_semaphore, #tpu.memory_space<semaphore_mem>>)
      %dma_start3A_37 = arith.constant 0 : i32
      %dma_start3A_38 = arith.constant 0 : i32
      %dma_start3A_39 = arith.constant 0 : i32
      %dma_start3A_40 = arith.constant 0 : i32
      %dma_start3A_41 = tpu.memref_slice %arg14[%dma_start3A_38, %dma_start3A_39, %dma_start3A_40] : memref<2x128x128xf32, #tpu.memory_space<vmem>> -> memref<1x128x128xf32, #tpu.memory_space<vmem>>
      %dma_start3A_42 = tpu.memref_squeeze %dma_start3A_41 : memref<1x128x128xf32, #tpu.memory_space<vmem>> -> memref<128x128xf32, #tpu.memory_space<vmem>>
      %dma_start3A_43 = arith.constant 0 : i32
      %dma_start3A_44 = tpu.memref_slice %arg11[%dma_start3A_37, %dma_start3A_43] : memref<16x128xi32, #tpu.memory_space<vmem>> -> memref<1x128xi32, #tpu.memory_space<vmem>>
      %dma_start3A_45 = tpu.memref_squeeze %dma_start3A_44 : memref<1x128xi32, #tpu.memory_space<vmem>> -> memref<128xi32, #tpu.memory_space<vmem>>
      %dma_start3A_46 = arith.constant 0 : i32
      %dma_start3A_47 = arith.constant 0 : i32
      %dma_start3A_48 = tpu.memref_slice %arg20[%dma_start3A_46, %dma_start3A_47] : memref<133x128xf32, #tpu.memory_space<vmem_shared>> -> memref<133x128xf32, #tpu.memory_space<vmem_shared>>
      tpu.enqueue_indirect_dma source(%dma_start3A_48 : memref<133x128xf32, #tpu.memory_space<vmem_shared>>) target(%dma_start3A_42 : memref<128x128xf32, #tpu.memory_space<vmem>>) offsets(%dma_start3A_45 : memref<128xi32, #tpu.memory_space<vmem>>) semaphore(%arg15 : memref<!tpu.dma_semaphore, #tpu.memory_space<semaphore_mem>>)
      %dma_wait3A = arith.constant 0 : i32
      %dma_wait3A_49 = arith.constant 0 : i32
      %dma_wait3A_50 = arith.constant 0 : i32
      %dma_wait3A_51 = arith.constant 0 : i32
      %dma_wait3A_52 = tpu.memref_slice %arg12[%dma_wait3A_49, %dma_wait3A_50, %dma_wait3A_51] : memref<2x128x128xf32, #tpu.memory_space<vmem>> -> memref<1x128x128xf32, #tpu.memory_space<vmem>>
      %dma_wait3A_53 = tpu.memref_squeeze %dma_wait3A_52 : memref<1x128x128xf32, #tpu.memory_space<vmem>> -> memref<128x128xf32, #tpu.memory_space<vmem>>
      %dma_wait3A_54 = arith.constant 0 : i32
      %dma_wait3A_55 = tpu.memref_slice %arg9[%dma_wait3A, %dma_wait3A_54] : memref<16x128xi32, #tpu.memory_space<vmem>> -> memref<1x128xi32, #tpu.memory_space<vmem>>
      %dma_wait3A_56 = tpu.memref_squeeze %dma_wait3A_55 : memref<1x128xi32, #tpu.memory_space<vmem>> -> memref<128xi32, #tpu.memory_space<vmem>>
      %dma_wait3A_57 = arith.constant 0 : i32
      %dma_wait3A_58 = arith.constant 0 : i32
      %dma_wait3A_59 = tpu.memref_slice %arg18[%dma_wait3A_57, %dma_wait3A_58] : memref<256x128xf32, #tpu.memory_space<vmem_shared>> -> memref<256x128xf32, #tpu.memory_space<vmem_shared>>
      tpu.wait_indirect_dma semaphore(%arg15 : memref<!tpu.dma_semaphore, #tpu.memory_space<semaphore_mem>>) src(%dma_wait3A_59 : memref<256x128xf32, #tpu.memory_space<vmem_shared>>) dst(%dma_wait3A_53 : memref<128x128xf32, #tpu.memory_space<vmem>>)
      %dma_wait3A_60 = arith.constant 0 : i32
      %dma_wait3A_61 = arith.constant 0 : i32
      %dma_wait3A_62 = arith.constant 0 : i32
      %dma_wait3A_63 = arith.constant 0 : i32
      %dma_wait3A_64 = tpu.memref_slice %arg13[%dma_wait3A_61, %dma_wait3A_62, %dma_wait3A_63] : memref<2x128x128xf32, #tpu.memory_space<vmem>> -> memref<1x128x128xf32, #tpu.memory_space<vmem>>
      %dma_wait3A_65 = tpu.memref_squeeze %dma_wait3A_64 : memref<1x128x128xf32, #tpu.memory_space<vmem>> -> memref<128x128xf32, #tpu.memory_space<vmem>>
      %dma_wait3A_66 = arith.constant 0 : i32
      %dma_wait3A_67 = tpu.memref_slice %arg10[%dma_wait3A_60, %dma_wait3A_66] : memref<16x128xi32, #tpu.memory_space<vmem>> -> memref<1x128xi32, #tpu.memory_space<vmem>>
      %dma_wait3A_68 = tpu.memref_squeeze %dma_wait3A_67 : memref<1x128xi32, #tpu.memory_space<vmem>> -> memref<128xi32, #tpu.memory_space<vmem>>
      %dma_wait3A_69 = arith.constant 0 : i32
      %dma_wait3A_70 = arith.constant 0 : i32
      %dma_wait3A_71 = tpu.memref_slice %arg19[%dma_wait3A_69, %dma_wait3A_70] : memref<212x128xf32, #tpu.memory_space<vmem_shared>> -> memref<212x128xf32, #tpu.memory_space<vmem_shared>>
      tpu.wait_indirect_dma semaphore(%arg15 : memref<!tpu.dma_semaphore, #tpu.memory_space<semaphore_mem>>) src(%dma_wait3A_71 : memref<212x128xf32, #tpu.memory_space<vmem_shared>>) dst(%dma_wait3A_65 : memref<128x128xf32, #tpu.memory_space<vmem>>)
      %dma_wait3A_72 = arith.constant 0 : i32
      %dma_wait3A_73 = arith.constant 0 : i32
      %dma_wait3A_74 = arith.constant 0 : i32
      %dma_wait3A_75 = arith.constant 0 : i32
      %dma_wait3A_76 = tpu.memref_slice %arg14[%dma_wait3A_73, %dma_wait3A_74, %dma_wait3A_75] : memref<2x128x128xf32, #tpu.memory_space<vmem>> -> memref<1x128x128xf32, #tpu.memory_space<vmem>>
      %dma_wait3A_77 = tpu.memref_squeeze %dma_wait3A_76 : memref<1x128x128xf32, #tpu.memory_space<vmem>> -> memref<128x128xf32, #tpu.memory_space<vmem>>
      %dma_wait3A_78 = arith.constant 0 : i32
      %dma_wait3A_79 = tpu.memref_slice %arg11[%dma_wait3A_72, %dma_wait3A_78] : memref<16x128xi32, #tpu.memory_space<vmem>> -> memref<1x128xi32, #tpu.memory_space<vmem>>
      %dma_wait3A_80 = tpu.memref_squeeze %dma_wait3A_79 : memref<1x128xi32, #tpu.memory_space<vmem>> -> memref<128xi32, #tpu.memory_space<vmem>>
      %dma_wait3A_81 = arith.constant 0 : i32
      %dma_wait3A_82 = arith.constant 0 : i32
      %dma_wait3A_83 = tpu.memref_slice %arg20[%dma_wait3A_81, %dma_wait3A_82] : memref<133x128xf32, #tpu.memory_space<vmem_shared>> -> memref<133x128xf32, #tpu.memory_space<vmem_shared>>
      tpu.wait_indirect_dma semaphore(%arg15 : memref<!tpu.dma_semaphore, #tpu.memory_space<semaphore_mem>>) src(%dma_wait3A_83 : memref<133x128xf32, #tpu.memory_space<vmem_shared>>) dst(%dma_wait3A_77 : memref<128x128xf32, #tpu.memory_space<vmem>>)
      %add3A_84 = arith.constant 0 : i32
      %add3A_85 = arith.addi %add3A_13, %add3A_84 : i32
      %mul3A_86 = arith.constant 128 : i32
      %mul3A_87 = arith.muli %add3A_85, %mul3A_86 : i32
      %dma_start3A_88 = arith.constant 0 : i32
      %dma_start3A_89 = arith.constant 0 : i32
      %dma_start3A_90 = arith.constant 0 : i32
      %dma_start3A_91 = tpu.memref_slice %arg12[%dma_start3A_88, %dma_start3A_89, %dma_start3A_90] : memref<2x128x128xf32, #tpu.memory_space<vmem>> -> memref<1x128x128xf32, #tpu.memory_space<vmem>>
      %dma_start3A_92 = tpu.memref_squeeze %dma_start3A_91 : memref<1x128x128xf32, #tpu.memory_space<vmem>> -> memref<128x128xf32, #tpu.memory_space<vmem>>
      %dma_start3A_93 = arith.constant 0 : i32
      %dma_start3A_94 = tpu.memref_slice %arg8[%mul3A_87, %dma_start3A_93] : memref<3276800x384xf32, #tpu.memory_space<hbm>> -> memref<128x128xf32, #tpu.memory_space<hbm>>
      %dma_start3A_95 = arith.constant 0 : i32
      %dma_start3A_96 = tpu.memref_slice %arg8[%mul3A_87, %dma_start3A_95] : memref<3276800x384xf32, #tpu.memory_space<hbm>> -> memref<128x128xf32, #tpu.memory_space<hbm>>
      %dma_start3A_97 = arith.constant 0 : i32
      %dma_start3A_98 = arith.constant 0 : i32
      %dma_start3A_99 = tpu.memref_slice %arg12[%dma_start3A_88, %dma_start3A_97, %dma_start3A_98] : memref<2x128x128xf32, #tpu.memory_space<vmem>> -> memref<1x128x128xf32, #tpu.memory_space<vmem>>
      %dma_start3A_100 = tpu.memref_squeeze %dma_start3A_99 : memref<1x128x128xf32, #tpu.memory_space<vmem>> -> memref<128x128xf32, #tpu.memory_space<vmem>>
      tpu.enqueue_dma source(%dma_start3A_100 : memref<128x128xf32, #tpu.memory_space<vmem>>) target(%dma_start3A_96 : memref<128x128xf32, #tpu.memory_space<hbm>>) target_semaphore(%arg16 : memref<!tpu.dma_semaphore, #tpu.memory_space<semaphore_mem>>)
      %dma_start3A_101 = arith.constant 0 : i32
      %dma_start3A_102 = arith.constant 0 : i32
      %dma_start3A_103 = arith.constant 0 : i32
      %dma_start3A_104 = tpu.memref_slice %arg13[%dma_start3A_101, %dma_start3A_102, %dma_start3A_103] : memref<2x128x128xf32, #tpu.memory_space<vmem>> -> memref<1x128x128xf32, #tpu.memory_space<vmem>>
      %dma_start3A_105 = tpu.memref_squeeze %dma_start3A_104 : memref<1x128x128xf32, #tpu.memory_space<vmem>> -> memref<128x128xf32, #tpu.memory_space<vmem>>
      %dma_start3A_106 = arith.constant 128 : i32
      %dma_start3A_107 = tpu.memref_slice %arg8[%mul3A_87, %dma_start3A_106] : memref<3276800x384xf32, #tpu.memory_space<hbm>> -> memref<128x128xf32, #tpu.memory_space<hbm>>
      %dma_start3A_108 = arith.constant 128 : i32
      %dma_start3A_109 = tpu.memref_slice %arg8[%mul3A_87, %dma_start3A_108] : memref<3276800x384xf32, #tpu.memory_space<hbm>> -> memref<128x128xf32, #tpu.memory_space<hbm>>
      %dma_start3A_110 = arith.constant 0 : i32
      %dma_start3A_111 = arith.constant 0 : i32
      %dma_start3A_112 = tpu.memref_slice %arg13[%dma_start3A_101, %dma_start3A_110, %dma_start3A_111] : memref<2x128x128xf32, #tpu.memory_space<vmem>> -> memref<1x128x128xf32, #tpu.memory_space<vmem>>
      %dma_start3A_113 = tpu.memref_squeeze %dma_start3A_112 : memref<1x128x128xf32, #tpu.memory_space<vmem>> -> memref<128x128xf32, #tpu.memory_space<vmem>>
      tpu.enqueue_dma source(%dma_start3A_113 : memref<128x128xf32, #tpu.memory_space<vmem>>) target(%dma_start3A_109 : memref<128x128xf32, #tpu.memory_space<hbm>>) target_semaphore(%arg16 : memref<!tpu.dma_semaphore, #tpu.memory_space<semaphore_mem>>)
      %dma_start3A_114 = arith.constant 0 : i32
      %dma_start3A_115 = arith.constant 0 : i32
      %dma_start3A_116 = arith.constant 0 : i32
      %dma_start3A_117 = tpu.memref_slice %arg14[%dma_start3A_114, %dma_start3A_115, %dma_start3A_116] : memref<2x128x128xf32, #tpu.memory_space<vmem>> -> memref<1x128x128xf32, #tpu.memory_space<vmem>>
      %dma_start3A_118 = tpu.memref_squeeze %dma_start3A_117 : memref<1x128x128xf32, #tpu.memory_space<vmem>> -> memref<128x128xf32, #tpu.memory_space<vmem>>
      %dma_start3A_119 = arith.constant 256 : i32
      %dma_start3A_120 = tpu.memref_slice %arg8[%mul3A_87, %dma_start3A_119] : memref<3276800x384xf32, #tpu.memory_space<hbm>> -> memref<128x128xf32, #tpu.memory_space<hbm>>
      %dma_start3A_121 = arith.constant 256 : i32
      %dma_start3A_122 = tpu.memref_slice %arg8[%mul3A_87, %dma_start3A_121] : memref<3276800x384xf32, #tpu.memory_space<hbm>> -> memref<128x128xf32, #tpu.memory_space<hbm>>
      %dma_start3A_123 = arith.constant 0 : i32
      %dma_start3A_124 = arith.constant 0 : i32
      %dma_start3A_125 = tpu.memref_slice %arg14[%dma_start3A_114, %dma_start3A_123, %dma_start3A_124] : memref<2x128x128xf32, #tpu.memory_space<vmem>> -> memref<1x128x128xf32, #tpu.memory_space<vmem>>
      %dma_start3A_126 = tpu.memref_squeeze %dma_start3A_125 : memref<1x128x128xf32, #tpu.memory_space<vmem>> -> memref<128x128xf32, #tpu.memory_space<vmem>>
      tpu.enqueue_dma source(%dma_start3A_126 : memref<128x128xf32, #tpu.memory_space<vmem>>) target(%dma_start3A_122 : memref<128x128xf32, #tpu.memory_space<hbm>>) target_semaphore(%arg16 : memref<!tpu.dma_semaphore, #tpu.memory_space<semaphore_mem>>)
      %dma_start3A_127 = arith.constant 1 : i32
      %dma_start3A_128 = arith.constant 1 : i32
      %dma_start3A_129 = arith.constant 0 : i32
      %dma_start3A_130 = arith.constant 0 : i32
      %dma_start3A_131 = tpu.memref_slice %arg12[%dma_start3A_128, %dma_start3A_129, %dma_start3A_130] : memref<2x128x128xf32, #tpu.memory_space<vmem>> -> memref<1x128x128xf32, #tpu.memory_space<vmem>>
      %dma_start3A_132 = tpu.memref_squeeze %dma_start3A_131 : memref<1x128x128xf32, #tpu.memory_space<vmem>> -> memref<128x128xf32, #tpu.memory_space<vmem>>
      %dma_start3A_133 = arith.constant 0 : i32
      %dma_start3A_134 = tpu.memref_slice %arg9[%dma_start3A_127, %dma_start3A_133] : memref<16x128xi32, #tpu.memory_space<vmem>> -> memref<1x128xi32, #tpu.memory_space<vmem>>
      %dma_start3A_135 = tpu.memref_squeeze %dma_start3A_134 : memref<1x128xi32, #tpu.memory_space<vmem>> -> memref<128xi32, #tpu.memory_space<vmem>>
      %dma_start3A_136 = arith.constant 0 : i32
      %dma_start3A_137 = arith.constant 0 : i32
      %dma_start3A_138 = tpu.memref_slice %arg18[%dma_start3A_136, %dma_start3A_137] : memref<256x128xf32, #tpu.memory_space<vmem_shared>> -> memref<256x128xf32, #tpu.memory_space<vmem_shared>>
      tpu.enqueue_indirect_dma source(%dma_start3A_138 : memref<256x128xf32, #tpu.memory_space<vmem_shared>>) target(%dma_start3A_132 : memref<128x128xf32, #tpu.memory_space<vmem>>) offsets(%dma_start3A_135 : memref<128xi32, #tpu.memory_space<vmem>>) semaphore(%arg15 : memref<!tpu.dma_semaphore, #tpu.memory_space<semaphore_mem>>)
      %dma_start3A_139 = arith.constant 1 : i32
      %dma_start3A_140 = arith.constant 1 : i32
      %dma_start3A_141 = arith.constant 0 : i32
      %dma_start3A_142 = arith.constant 0 : i32
      %dma_start3A_143 = tpu.memref_slice %arg13[%dma_start3A_140, %dma_start3A_141, %dma_start3A_142] : memref<2x128x128xf32, #tpu.memory_space<vmem>> -> memref<1x128x128xf32, #tpu.memory_space<vmem>>
      %dma_start3A_144 = tpu.memref_squeeze %dma_start3A_143 : memref<1x128x128xf32, #tpu.memory_space<vmem>> -> memref<128x128xf32, #tpu.memory_space<vmem>>
      %dma_start3A_145 = arith.constant 0 : i32
      %dma_start3A_146 = tpu.memref_slice %arg10[%dma_start3A_139, %dma_start3A_145] : memref<16x128xi32, #tpu.memory_space<vmem>> -> memref<1x128xi32, #tpu.memory_space<vmem>>
      %dma_start3A_147 = tpu.memref_squeeze %dma_start3A_146 : memref<1x128xi32, #tpu.memory_space<vmem>> -> memref<128xi32, #tpu.memory_space<vmem>>
      %dma_start3A_148 = arith.constant 0 : i32
      %dma_start3A_149 = arith.constant 0 : i32
      %dma_start3A_150 = tpu.memref_slice %arg19[%dma_start3A_148, %dma_start3A_149] : memref<212x128xf32, #tpu.memory_space<vmem_shared>> -> memref<212x128xf32, #tpu.memory_space<vmem_shared>>
      tpu.enqueue_indirect_dma source(%dma_start3A_150 : memref<212x128xf32, #tpu.memory_space<vmem_shared>>) target(%dma_start3A_144 : memref<128x128xf32, #tpu.memory_space<vmem>>) offsets(%dma_start3A_147 : memref<128xi32, #tpu.memory_space<vmem>>) semaphore(%arg15 : memref<!tpu.dma_semaphore, #tpu.memory_space<semaphore_mem>>)
      %dma_start3A_151 = arith.constant 1 : i32
      %dma_start3A_152 = arith.constant 1 : i32
      %dma_start3A_153 = arith.constant 0 : i32
      %dma_start3A_154 = arith.constant 0 : i32
      %dma_start3A_155 = tpu.memref_slice %arg14[%dma_start3A_152, %dma_start3A_153, %dma_start3A_154] : memref<2x128x128xf32, #tpu.memory_space<vmem>> -> memref<1x128x128xf32, #tpu.memory_space<vmem>>
      %dma_start3A_156 = tpu.memref_squeeze %dma_start3A_155 : memref<1x128x128xf32, #tpu.memory_space<vmem>> -> memref<128x128xf32, #tpu.memory_space<vmem>>
      %dma_start3A_157 = arith.constant 0 : i32
      %dma_start3A_158 = tpu.memref_slice %arg11[%dma_start3A_151, %dma_start3A_157] : memref<16x128xi32, #tpu.memory_space<vmem>> -> memref<1x128xi32, #tpu.memory_space<vmem>>
      %dma_start3A_159 = tpu.memref_squeeze %dma_start3A_158 : memref<1x128xi32, #tpu.memory_space<vmem>> -> memref<128xi32, #tpu.memory_space<vmem>>
      %dma_start3A_160 = arith.constant 0 : i32
      %dma_start3A_161 = arith.constant 0 : i32
      %dma_start3A_162 = tpu.memref_slice %arg20[%dma_start3A_160, %dma_start3A_161] : memref<133x128xf32, #tpu.memory_space<vmem_shared>> -> memref<133x128xf32, #tpu.memory_space<vmem_shared>>
      tpu.enqueue_indirect_dma source(%dma_start3A_162 : memref<133x128xf32, #tpu.memory_space<vmem_shared>>) target(%dma_start3A_156 : memref<128x128xf32, #tpu.memory_space<vmem>>) offsets(%dma_start3A_159 : memref<128xi32, #tpu.memory_space<vmem>>) semaphore(%arg15 : memref<!tpu.dma_semaphore, #tpu.memory_space<semaphore_mem>>)
      %dma_wait3A_163 = arith.constant 1 : i32
      %dma_wait3A_164 = arith.constant 1 : i32
      %dma_wait3A_165 = arith.constant 0 : i32
      %dma_wait3A_166 = arith.constant 0 : i32
      %dma_wait3A_167 = tpu.memref_slice %arg12[%dma_wait3A_164, %dma_wait3A_165, %dma_wait3A_166] : memref<2x128x128xf32, #tpu.memory_space<vmem>> -> memref<1x128x128xf32, #tpu.memory_space<vmem>>
      %dma_wait3A_168 = tpu.memref_squeeze %dma_wait3A_167 : memref<1x128x128xf32, #tpu.memory_space<vmem>> -> memref<128x128xf32, #tpu.memory_space<vmem>>
      %dma_wait3A_169 = arith.constant 0 : i32
      %dma_wait3A_170 = tpu.memref_slice %arg9[%dma_wait3A_163, %dma_wait3A_169] : memref<16x128xi32, #tpu.memory_space<vmem>> -> memref<1x128xi32, #tpu.memory_space<vmem>>
      %dma_wait3A_171 = tpu.memref_squeeze %dma_wait3A_170 : memref<1x128xi32, #tpu.memory_space<vmem>> -> memref<128xi32, #tpu.memory_space<vmem>>
      %dma_wait3A_172 = arith.constant 0 : i32
      %dma_wait3A_173 = arith.constant 0 : i32
      %dma_wait3A_174 = tpu.memref_slice %arg18[%dma_wait3A_172, %dma_wait3A_173] : memref<256x128xf32, #tpu.memory_space<vmem_shared>> -> memref<256x128xf32, #tpu.memory_space<vmem_shared>>
      tpu.wait_indirect_dma semaphore(%arg15 : memref<!tpu.dma_semaphore, #tpu.memory_space<semaphore_mem>>) src(%dma_wait3A_174 : memref<256x128xf32, #tpu.memory_space<vmem_shared>>) dst(%dma_wait3A_168 : memref<128x128xf32, #tpu.memory_space<vmem>>)
      %dma_wait3A_175 = arith.constant 1 : i32
      %dma_wait3A_176 = arith.constant 1 : i32
      %dma_wait3A_177 = arith.constant 0 : i32
      %dma_wait3A_178 = arith.constant 0 : i32
      %dma_wait3A_179 = tpu.memref_slice %arg13[%dma_wait3A_176, %dma_wait3A_177, %dma_wait3A_178] : memref<2x128x128xf32, #tpu.memory_space<vmem>> -> memref<1x128x128xf32, #tpu.memory_space<vmem>>
      %dma_wait3A_180 = tpu.memref_squeeze %dma_wait3A_179 : memref<1x128x128xf32, #tpu.memory_space<vmem>> -> memref<128x128xf32, #tpu.memory_space<vmem>>
      %dma_wait3A_181 = arith.constant 0 : i32
      %dma_wait3A_182 = tpu.memref_slice %arg10[%dma_wait3A_175, %dma_wait3A_181] : memref<16x128xi32, #tpu.memory_space<vmem>> -> memref<1x128xi32, #tpu.memory_space<vmem>>
      %dma_wait3A_183 = tpu.memref_squeeze %dma_wait3A_182 : memref<1x128xi32, #tpu.memory_space<vmem>> -> memref<128xi32, #tpu.memory_space<vmem>>
      %dma_wait3A_184 = arith.constant 0 : i32
      %dma_wait3A_185 = arith.constant 0 : i32
      %dma_wait3A_186 = tpu.memref_slice %arg19[%dma_wait3A_184, %dma_wait3A_185] : memref<212x128xf32, #tpu.memory_space<vmem_shared>> -> memref<212x128xf32, #tpu.memory_space<vmem_shared>>
      tpu.wait_indirect_dma semaphore(%arg15 : memref<!tpu.dma_semaphore, #tpu.memory_space<semaphore_mem>>) src(%dma_wait3A_186 : memref<212x128xf32, #tpu.memory_space<vmem_shared>>) dst(%dma_wait3A_180 : memref<128x128xf32, #tpu.memory_space<vmem>>)
      %dma_wait3A_187 = arith.constant 1 : i32
      %dma_wait3A_188 = arith.constant 1 : i32
      %dma_wait3A_189 = arith.constant 0 : i32
      %dma_wait3A_190 = arith.constant 0 : i32
      %dma_wait3A_191 = tpu.memref_slice %arg14[%dma_wait3A_188, %dma_wait3A_189, %dma_wait3A_190] : memref<2x128x128xf32, #tpu.memory_space<vmem>> -> memref<1x128x128xf32, #tpu.memory_space<vmem>>
      %dma_wait3A_192 = tpu.memref_squeeze %dma_wait3A_191 : memref<1x128x128xf32, #tpu.memory_space<vmem>> -> memref<128x128xf32, #tpu.memory_space<vmem>>
      %dma_wait3A_193 = arith.constant 0 : i32
      %dma_wait3A_194 = tpu.memref_slice %arg11[%dma_wait3A_187, %dma_wait3A_193] : memref<16x128xi32, #tpu.memory_space<vmem>> -> memref<1x128xi32, #tpu.memory_space<vmem>>
      %dma_wait3A_195 = tpu.memref_squeeze %dma_wait3A_194 : memref<1x128xi32, #tpu.memory_space<vmem>> -> memref<128xi32, #tpu.memory_space<vmem>>
      %dma_wait3A_196 = arith.constant 0 : i32
      %dma_wait3A_197 = arith.constant 0 : i32
      %dma_wait3A_198 = tpu.memref_slice %arg20[%dma_wait3A_196, %dma_wait3A_197] : memref<133x128xf32, #tpu.memory_space<vmem_shared>> -> memref<133x128xf32, #tpu.memory_space<vmem_shared>>
      tpu.wait_indirect_dma semaphore(%arg15 : memref<!tpu.dma_semaphore, #tpu.memory_space<semaphore_mem>>) src(%dma_wait3A_198 : memref<133x128xf32, #tpu.memory_space<vmem_shared>>) dst(%dma_wait3A_192 : memref<128x128xf32, #tpu.memory_space<vmem>>)
      %add3A_199 = arith.constant 1 : i32
      %add3A_200 = arith.addi %add3A_13, %add3A_199 : i32
      %mul3A_201 = arith.constant 128 : i32
      %mul3A_202 = arith.muli %add3A_200, %mul3A_201 : i32
      %dma_start3A_203 = arith.constant 1 : i32
      %dma_start3A_204 = arith.constant 0 : i32
      %dma_start3A_205 = arith.constant 0 : i32
      %dma_start3A_206 = tpu.memref_slice %arg12[%dma_start3A_203, %dma_start3A_204, %dma_start3A_205] : memref<2x128x128xf32, #tpu.memory_space<vmem>> -> memref<1x128x128xf32, #tpu.memory_space<vmem>>
      %dma_start3A_207 = tpu.memref_squeeze %dma_start3A_206 : memref<1x128x128xf32, #tpu.memory_space<vmem>> -> memref<128x128xf32, #tpu.memory_space<vmem>>
      %dma_start3A_208 = arith.constant 0 : i32
      %dma_start3A_209 = tpu.memref_slice %arg8[%mul3A_202, %dma_start3A_208] : memref<3276800x384xf32, #tpu.memory_space<hbm>> -> memref<128x128xf32, #tpu.memory_space<hbm>>
      %dma_start3A_210 = arith.constant 0 : i32
      %dma_start3A_211 = tpu.memref_slice %arg8[%mul3A_202, %dma_start3A_210] : memref<3276800x384xf32, #tpu.memory_space<hbm>> -> memref<128x128xf32, #tpu.memory_space<hbm>>
      %dma_start3A_212 = arith.constant 0 : i32
      %dma_start3A_213 = arith.constant 0 : i32
      %dma_start3A_214 = tpu.memref_slice %arg12[%dma_start3A_203, %dma_start3A_212, %dma_start3A_213] : memref<2x128x128xf32, #tpu.memory_space<vmem>> -> memref<1x128x128xf32, #tpu.memory_space<vmem>>
      %dma_start3A_215 = tpu.memref_squeeze %dma_start3A_214 : memref<1x128x128xf32, #tpu.memory_space<vmem>> -> memref<128x128xf32, #tpu.memory_space<vmem>>
      tpu.enqueue_dma source(%dma_start3A_215 : memref<128x128xf32, #tpu.memory_space<vmem>>) target(%dma_start3A_211 : memref<128x128xf32, #tpu.memory_space<hbm>>) target_semaphore(%arg17 : memref<!tpu.dma_semaphore, #tpu.memory_space<semaphore_mem>>)
      %dma_start3A_216 = arith.constant 1 : i32
      %dma_start3A_217 = arith.constant 0 : i32
      %dma_start3A_218 = arith.constant 0 : i32
      %dma_start3A_219 = tpu.memref_slice %arg13[%dma_start3A_216, %dma_start3A_217, %dma_start3A_218] : memref<2x128x128xf32, #tpu.memory_space<vmem>> -> memref<1x128x128xf32, #tpu.memory_space<vmem>>
      %dma_start3A_220 = tpu.memref_squeeze %dma_start3A_219 : memref<1x128x128xf32, #tpu.memory_space<vmem>> -> memref<128x128xf32, #tpu.memory_space<vmem>>
      %dma_start3A_221 = arith.constant 128 : i32
      %dma_start3A_222 = tpu.memref_slice %arg8[%mul3A_202, %dma_start3A_221] : memref<3276800x384xf32, #tpu.memory_space<hbm>> -> memref<128x128xf32, #tpu.memory_space<hbm>>
      %dma_start3A_223 = arith.constant 128 : i32
      %dma_start3A_224 = tpu.memref_slice %arg8[%mul3A_202, %dma_start3A_223] : memref<3276800x384xf32, #tpu.memory_space<hbm>> -> memref<128x128xf32, #tpu.memory_space<hbm>>
      %dma_start3A_225 = arith.constant 0 : i32
      %dma_start3A_226 = arith.constant 0 : i32
      %dma_start3A_227 = tpu.memref_slice %arg13[%dma_start3A_216, %dma_start3A_225, %dma_start3A_226] : memref<2x128x128xf32, #tpu.memory_space<vmem>> -> memref<1x128x128xf32, #tpu.memory_space<vmem>>
      %dma_start3A_228 = tpu.memref_squeeze %dma_start3A_227 : memref<1x128x128xf32, #tpu.memory_space<vmem>> -> memref<128x128xf32, #tpu.memory_space<vmem>>
      tpu.enqueue_dma source(%dma_start3A_228 : memref<128x128xf32, #tpu.memory_space<vmem>>) target(%dma_start3A_224 : memref<128x128xf32, #tpu.memory_space<hbm>>) target_semaphore(%arg17 : memref<!tpu.dma_semaphore, #tpu.memory_space<semaphore_mem>>)
      %dma_start3A_229 = arith.constant 1 : i32
      %dma_start3A_230 = arith.constant 0 : i32
      %dma_start3A_231 = arith.constant 0 : i32
      %dma_start3A_232 = tpu.memref_slice %arg14[%dma_start3A_229, %dma_start3A_230, %dma_start3A_231] : memref<2x128x128xf32, #tpu.memory_space<vmem>> -> memref<1x128x128xf32, #tpu.memory_space<vmem>>
      %dma_start3A_233 = tpu.memref_squeeze %dma_start3A_232 : memref<1x128x128xf32, #tpu.memory_space<vmem>> -> memref<128x128xf32, #tpu.memory_space<vmem>>
      %dma_start3A_234 = arith.constant 256 : i32
      %dma_start3A_235 = tpu.memref_slice %arg8[%mul3A_202, %dma_start3A_234] : memref<3276800x384xf32, #tpu.memory_space<hbm>> -> memref<128x128xf32, #tpu.memory_space<hbm>>
      %dma_start3A_236 = arith.constant 256 : i32
      %dma_start3A_237 = tpu.memref_slice %arg8[%mul3A_202, %dma_start3A_236] : memref<3276800x384xf32, #tpu.memory_space<hbm>> -> memref<128x128xf32, #tpu.memory_space<hbm>>
      %dma_start3A_238 = arith.constant 0 : i32
      %dma_start3A_239 = arith.constant 0 : i32
      %dma_start3A_240 = tpu.memref_slice %arg14[%dma_start3A_229, %dma_start3A_238, %dma_start3A_239] : memref<2x128x128xf32, #tpu.memory_space<vmem>> -> memref<1x128x128xf32, #tpu.memory_space<vmem>>
      %dma_start3A_241 = tpu.memref_squeeze %dma_start3A_240 : memref<1x128x128xf32, #tpu.memory_space<vmem>> -> memref<128x128xf32, #tpu.memory_space<vmem>>
      tpu.enqueue_dma source(%dma_start3A_241 : memref<128x128xf32, #tpu.memory_space<vmem>>) target(%dma_start3A_237 : memref<128x128xf32, #tpu.memory_space<hbm>>) target_semaphore(%arg17 : memref<!tpu.dma_semaphore, #tpu.memory_space<semaphore_mem>>)
      %dma_wait3A_242 = arith.constant 0 : i32
      %dma_wait3A_243 = arith.constant 0 : i32
      %dma_wait3A_244 = arith.constant 0 : i32
      %dma_wait3A_245 = tpu.memref_slice %arg12[%dma_wait3A_242, %dma_wait3A_243, %dma_wait3A_244] : memref<2x128x128xf32, #tpu.memory_space<vmem>> -> memref<1x128x128xf32, #tpu.memory_space<vmem>>
      %dma_wait3A_246 = tpu.memref_squeeze %dma_wait3A_245 : memref<1x128x128xf32, #tpu.memory_space<vmem>> -> memref<128x128xf32, #tpu.memory_space<vmem>>
      %dma_wait3A_247 = arith.constant 0 : i32
      %dma_wait3A_248 = tpu.memref_slice %arg8[%mul3A_87, %dma_wait3A_247] : memref<3276800x384xf32, #tpu.memory_space<hbm>> -> memref<128x128xf32, #tpu.memory_space<hbm>>
      %dma_wait3A_249 = arith.constant 0 : i32
      %dma_wait3A_250 = tpu.memref_slice %arg8[%mul3A_87, %dma_wait3A_249] : memref<3276800x384xf32, #tpu.memory_space<hbm>> -> memref<128x128xf32, #tpu.memory_space<hbm>>
      %dma_wait3A_251 = arith.constant 0 : i32
      %dma_wait3A_252 = arith.constant 0 : i32
      %dma_wait3A_253 = tpu.memref_slice %arg12[%dma_wait3A_242, %dma_wait3A_251, %dma_wait3A_252] : memref<2x128x128xf32, #tpu.memory_space<vmem>> -> memref<1x128x128xf32, #tpu.memory_space<vmem>>
      %dma_wait3A_254 = tpu.memref_squeeze %dma_wait3A_253 : memref<1x128x128xf32, #tpu.memory_space<vmem>> -> memref<128x128xf32, #tpu.memory_space<vmem>>
      tpu.wait_dma2 semaphore(%arg16 : memref<!tpu.dma_semaphore, #tpu.memory_space<semaphore_mem>>) src(%dma_wait3A_254 : memref<128x128xf32, #tpu.memory_space<vmem>>) dst(%dma_wait3A_250 : memref<128x128xf32, #tpu.memory_space<hbm>>)
      %dma_wait3A_255 = arith.constant 0 : i32
      %dma_wait3A_256 = arith.constant 0 : i32
      %dma_wait3A_257 = arith.constant 0 : i32
      %dma_wait3A_258 = tpu.memref_slice %arg13[%dma_wait3A_255, %dma_wait3A_256, %dma_wait3A_257] : memref<2x128x128xf32, #tpu.memory_space<vmem>> -> memref<1x128x128xf32, #tpu.memory_space<vmem>>
      %dma_wait3A_259 = tpu.memref_squeeze %dma_wait3A_258 : memref<1x128x128xf32, #tpu.memory_space<vmem>> -> memref<128x128xf32, #tpu.memory_space<vmem>>
      %dma_wait3A_260 = arith.constant 128 : i32
      %dma_wait3A_261 = tpu.memref_slice %arg8[%mul3A_87, %dma_wait3A_260] : memref<3276800x384xf32, #tpu.memory_space<hbm>> -> memref<128x128xf32, #tpu.memory_space<hbm>>
      %dma_wait3A_262 = arith.constant 128 : i32
      %dma_wait3A_263 = tpu.memref_slice %arg8[%mul3A_87, %dma_wait3A_262] : memref<3276800x384xf32, #tpu.memory_space<hbm>> -> memref<128x128xf32, #tpu.memory_space<hbm>>
      %dma_wait3A_264 = arith.constant 0 : i32
      %dma_wait3A_265 = arith.constant 0 : i32
      %dma_wait3A_266 = tpu.memref_slice %arg13[%dma_wait3A_255, %dma_wait3A_264, %dma_wait3A_265] : memref<2x128x128xf32, #tpu.memory_space<vmem>> -> memref<1x128x128xf32, #tpu.memory_space<vmem>>
      %dma_wait3A_267 = tpu.memref_squeeze %dma_wait3A_266 : memref<1x128x128xf32, #tpu.memory_space<vmem>> -> memref<128x128xf32, #tpu.memory_space<vmem>>
      tpu.wait_dma2 semaphore(%arg16 : memref<!tpu.dma_semaphore, #tpu.memory_space<semaphore_mem>>) src(%dma_wait3A_267 : memref<128x128xf32, #tpu.memory_space<vmem>>) dst(%dma_wait3A_263 : memref<128x128xf32, #tpu.memory_space<hbm>>)
      %dma_wait3A_268 = arith.constant 0 : i32
      %dma_wait3A_269 = arith.constant 0 : i32
      %dma_wait3A_270 = arith.constant 0 : i32
      %dma_wait3A_271 = tpu.memref_slice %arg14[%dma_wait3A_268, %dma_wait3A_269, %dma_wait3A_270] : memref<2x128x128xf32, #tpu.memory_space<vmem>> -> memref<1x128x128xf32, #tpu.memory_space<vmem>>
      %dma_wait3A_272 = tpu.memref_squeeze %dma_wait3A_271 : memref<1x128x128xf32, #tpu.memory_space<vmem>> -> memref<128x128xf32, #tpu.memory_space<vmem>>
      %dma_wait3A_273 = arith.constant 256 : i32
      %dma_wait3A_274 = tpu.memref_slice %arg8[%mul3A_87, %dma_wait3A_273] : memref<3276800x384xf32, #tpu.memory_space<hbm>> -> memref<128x128xf32, #tpu.memory_space<hbm>>
      %dma_wait3A_275 = arith.constant 256 : i32
      %dma_wait3A_276 = tpu.memref_slice %arg8[%mul3A_87, %dma_wait3A_275] : memref<3276800x384xf32, #tpu.memory_space<hbm>> -> memref<128x128xf32, #tpu.memory_space<hbm>>
      %dma_wait3A_277 = arith.constant 0 : i32
      %dma_wait3A_278 = arith.constant 0 : i32
      %dma_wait3A_279 = tpu.memref_slice %arg14[%dma_wait3A_268, %dma_wait3A_277, %dma_wait3A_278] : memref<2x128x128xf32, #tpu.memory_space<vmem>> -> memref<1x128x128xf32, #tpu.memory_space<vmem>>
      %dma_wait3A_280 = tpu.memref_squeeze %dma_wait3A_279 : memref<1x128x128xf32, #tpu.memory_space<vmem>> -> memref<128x128xf32, #tpu.memory_space<vmem>>
      tpu.wait_dma2 semaphore(%arg16 : memref<!tpu.dma_semaphore, #tpu.memory_space<semaphore_mem>>) src(%dma_wait3A_280 : memref<128x128xf32, #tpu.memory_space<vmem>>) dst(%dma_wait3A_276 : memref<128x128xf32, #tpu.memory_space<hbm>>)
      %dma_start3A_281 = arith.constant 2 : i32
      %dma_start3A_282 = arith.constant 0 : i32
      %dma_start3A_283 = arith.constant 0 : i32
      %dma_start3A_284 = arith.constant 0 : i32
      %dma_start3A_285 = tpu.memref_slice %arg12[%dma_start3A_282, %dma_start3A_283, %dma_start3A_284] : memref<2x128x128xf32, #tpu.memory_space<vmem>> -> memref<1x128x128xf32, #tpu.memory_space<vmem>>
      %dma_start3A_286 = tpu.memref_squeeze %dma_start3A_285 : memref<1x128x128xf32, #tpu.memory_space<vmem>> -> memref<128x128xf32, #tpu.memory_space<vmem>>
      %dma_start3A_287 = arith.constant 0 : i32
      %dma_start3A_288 = tpu.memref_slice %arg9[%dma_start3A_281, %dma_start3A_287] : memref<16x128xi32, #tpu.memory_space<vmem>> -> memref<1x128xi32, #tpu.memory_space<vmem>>
      %dma_start3A_289 = tpu.memref_squeeze %dma_start3A_288 : memref<1x128xi32, #tpu.memory_space<vmem>> -> memref<128xi32, #tpu.memory_space<vmem>>
      %dma_start3A_290 = arith.constant 0 : i32
      %dma_start3A_291 = arith.constant 0 : i32
      %dma_start3A_292 = tpu.memref_slice %arg18[%dma_start3A_290, %dma_start3A_291] : memref<256x128xf32, #tpu.memory_space<vmem_shared>> -> memref<256x128xf32, #tpu.memory_space<vmem_shared>>
      tpu.enqueue_indirect_dma source(%dma_start3A_292 : memref<256x128xf32, #tpu.memory_space<vmem_shared>>) target(%dma_start3A_286 : memref<128x128xf32, #tpu.memory_space<vmem>>) offsets(%dma_start3A_289 : memref<128xi32, #tpu.memory_space<vmem>>) semaphore(%arg15 : memref<!tpu.dma_semaphore, #tpu.memory_space<semaphore_mem>>)
      %dma_start3A_293 = arith.constant 2 : i32
      %dma_start3A_294 = arith.constant 0 : i32
      %dma_start3A_295 = arith.constant 0 : i32
      %dma_start3A_296 = arith.constant 0 : i32
      %dma_start3A_297 = tpu.memref_slice %arg13[%dma_start3A_294, %dma_start3A_295, %dma_start3A_296] : memref<2x128x128xf32, #tpu.memory_space<vmem>> -> memref<1x128x128xf32, #tpu.memory_space<vmem>>
      %dma_start3A_298 = tpu.memref_squeeze %dma_start3A_297 : memref<1x128x128xf32, #tpu.memory_space<vmem>> -> memref<128x128xf32, #tpu.memory_space<vmem>>
      %dma_start3A_299 = arith.constant 0 : i32
      %dma_start3A_300 = tpu.memref_slice %arg10[%dma_start3A_293, %dma_start3A_299] : memref<16x128xi32, #tpu.memory_space<vmem>> -> memref<1x128xi32, #tpu.memory_space<vmem>>
      %dma_start3A_301 = tpu.memref_squeeze %dma_start3A_300 : memref<1x128xi32, #tpu.memory_space<vmem>> -> memref<128xi32, #tpu.memory_space<vmem>>
      %dma_start3A_302 = arith.constant 0 : i32
      %dma_start3A_303 = arith.constant 0 : i32
      %dma_start3A_304 = tpu.memref_slice %arg19[%dma_start3A_302, %dma_start3A_303] : memref<212x128xf32, #tpu.memory_space<vmem_shared>> -> memref<212x128xf32, #tpu.memory_space<vmem_shared>>
      tpu.enqueue_indirect_dma source(%dma_start3A_304 : memref<212x128xf32, #tpu.memory_space<vmem_shared>>) target(%dma_start3A_298 : memref<128x128xf32, #tpu.memory_space<vmem>>) offsets(%dma_start3A_301 : memref<128xi32, #tpu.memory_space<vmem>>) semaphore(%arg15 : memref<!tpu.dma_semaphore, #tpu.memory_space<semaphore_mem>>)
      %dma_start3A_305 = arith.constant 2 : i32
      %dma_start3A_306 = arith.constant 0 : i32
      %dma_start3A_307 = arith.constant 0 : i32
      %dma_start3A_308 = arith.constant 0 : i32
      %dma_start3A_309 = tpu.memref_slice %arg14[%dma_start3A_306, %dma_start3A_307, %dma_start3A_308] : memref<2x128x128xf32, #tpu.memory_space<vmem>> -> memref<1x128x128xf32, #tpu.memory_space<vmem>>
      %dma_start3A_310 = tpu.memref_squeeze %dma_start3A_309 : memref<1x128x128xf32, #tpu.memory_space<vmem>> -> memref<128x128xf32, #tpu.memory_space<vmem>>
      %dma_start3A_311 = arith.constant 0 : i32
      %dma_start3A_312 = tpu.memref_slice %arg11[%dma_start3A_305, %dma_start3A_311] : memref<16x128xi32, #tpu.memory_space<vmem>> -> memref<1x128xi32, #tpu.memory_space<vmem>>
      %dma_start3A_313 = tpu.memref_squeeze %dma_start3A_312 : memref<1x128xi32, #tpu.memory_space<vmem>> -> memref<128xi32, #tpu.memory_space<vmem>>
      %dma_start3A_314 = arith.constant 0 : i32
      %dma_start3A_315 = arith.constant 0 : i32
      %dma_start3A_316 = tpu.memref_slice %arg20[%dma_start3A_314, %dma_start3A_315] : memref<133x128xf32, #tpu.memory_space<vmem_shared>> -> memref<133x128xf32, #tpu.memory_space<vmem_shared>>
      tpu.enqueue_indirect_dma source(%dma_start3A_316 : memref<133x128xf32, #tpu.memory_space<vmem_shared>>) target(%dma_start3A_310 : memref<128x128xf32, #tpu.memory_space<vmem>>) offsets(%dma_start3A_313 : memref<128xi32, #tpu.memory_space<vmem>>) semaphore(%arg15 : memref<!tpu.dma_semaphore, #tpu.memory_space<semaphore_mem>>)
      %dma_wait3A_317 = arith.constant 2 : i32
      %dma_wait3A_318 = arith.constant 0 : i32
      %dma_wait3A_319 = arith.constant 0 : i32
      %dma_wait3A_320 = arith.constant 0 : i32
      %dma_wait3A_321 = tpu.memref_slice %arg12[%dma_wait3A_318, %dma_wait3A_319, %dma_wait3A_320] : memref<2x128x128xf32, #tpu.memory_space<vmem>> -> memref<1x128x128xf32, #tpu.memory_space<vmem>>
      %dma_wait3A_322 = tpu.memref_squeeze %dma_wait3A_321 : memref<1x128x128xf32, #tpu.memory_space<vmem>> -> memref<128x128xf32, #tpu.memory_space<vmem>>
      %dma_wait3A_323 = arith.constant 0 : i32
      %dma_wait3A_324 = tpu.memref_slice %arg9[%dma_wait3A_317, %dma_wait3A_323] : memref<16x128xi32, #tpu.memory_space<vmem>> -> memref<1x128xi32, #tpu.memory_space<vmem>>
      %dma_wait3A_325 = tpu.memref_squeeze %dma_wait3A_324 : memref<1x128xi32, #tpu.memory_space<vmem>> -> memref<128xi32, #tpu.memory_space<vmem>>
      %dma_wait3A_326 = arith.constant 0 : i32
      %dma_wait3A_327 = arith.constant 0 : i32
      %dma_wait3A_328 = tpu.memref_slice %arg18[%dma_wait3A_326, %dma_wait3A_327] : memref<256x128xf32, #tpu.memory_space<vmem_shared>> -> memref<256x128xf32, #tpu.memory_space<vmem_shared>>
      tpu.wait_indirect_dma semaphore(%arg15 : memref<!tpu.dma_semaphore, #tpu.memory_space<semaphore_mem>>) src(%dma_wait3A_328 : memref<256x128xf32, #tpu.memory_space<vmem_shared>>) dst(%dma_wait3A_322 : memref<128x128xf32, #tpu.memory_space<vmem>>)
      %dma_wait3A_329 = arith.constant 2 : i32
      %dma_wait3A_330 = arith.constant 0 : i32
      %dma_wait3A_331 = arith.constant 0 : i32
      %dma_wait3A_332 = arith.constant 0 : i32
      %dma_wait3A_333 = tpu.memref_slice %arg13[%dma_wait3A_330, %dma_wait3A_331, %dma_wait3A_332] : memref<2x128x128xf32, #tpu.memory_space<vmem>> -> memref<1x128x128xf32, #tpu.memory_space<vmem>>
      %dma_wait3A_334 = tpu.memref_squeeze %dma_wait3A_333 : memref<1x128x128xf32, #tpu.memory_space<vmem>> -> memref<128x128xf32, #tpu.memory_space<vmem>>
      %dma_wait3A_335 = arith.constant 0 : i32
      %dma_wait3A_336 = tpu.memref_slice %arg10[%dma_wait3A_329, %dma_wait3A_335] : memref<16x128xi32, #tpu.memory_space<vmem>> -> memref<1x128xi32, #tpu.memory_space<vmem>>
      %dma_wait3A_337 = tpu.memref_squeeze %dma_wait3A_336 : memref<1x128xi32, #tpu.memory_space<vmem>> -> memref<128xi32, #tpu.memory_space<vmem>>
      %dma_wait3A_338 = arith.constant 0 : i32
      %dma_wait3A_339 = arith.constant 0 : i32
      %dma_wait3A_340 = tpu.memref_slice %arg19[%dma_wait3A_338, %dma_wait3A_339] : memref<212x128xf32, #tpu.memory_space<vmem_shared>> -> memref<212x128xf32, #tpu.memory_space<vmem_shared>>
      tpu.wait_indirect_dma semaphore(%arg15 : memref<!tpu.dma_semaphore, #tpu.memory_space<semaphore_mem>>) src(%dma_wait3A_340 : memref<212x128xf32, #tpu.memory_space<vmem_shared>>) dst(%dma_wait3A_334 : memref<128x128xf32, #tpu.memory_space<vmem>>)
      %dma_wait3A_341 = arith.constant 2 : i32
      %dma_wait3A_342 = arith.constant 0 : i32
      %dma_wait3A_343 = arith.constant 0 : i32
      %dma_wait3A_344 = arith.constant 0 : i32
      %dma_wait3A_345 = tpu.memref_slice %arg14[%dma_wait3A_342, %dma_wait3A_343, %dma_wait3A_344] : memref<2x128x128xf32, #tpu.memory_space<vmem>> -> memref<1x128x128xf32, #tpu.memory_space<vmem>>
      %dma_wait3A_346 = tpu.memref_squeeze %dma_wait3A_345 : memref<1x128x128xf32, #tpu.memory_space<vmem>> -> memref<128x128xf32, #tpu.memory_space<vmem>>
      %dma_wait3A_347 = arith.constant 0 : i32
      %dma_wait3A_348 = tpu.memref_slice %arg11[%dma_wait3A_341, %dma_wait3A_347] : memref<16x128xi32, #tpu.memory_space<vmem>> -> memref<1x128xi32, #tpu.memory_space<vmem>>
      %dma_wait3A_349 = tpu.memref_squeeze %dma_wait3A_348 : memref<1x128xi32, #tpu.memory_space<vmem>> -> memref<128xi32, #tpu.memory_space<vmem>>
      %dma_wait3A_350 = arith.constant 0 : i32
      %dma_wait3A_351 = arith.constant 0 : i32
      %dma_wait3A_352 = tpu.memref_slice %arg20[%dma_wait3A_350, %dma_wait3A_351] : memref<133x128xf32, #tpu.memory_space<vmem_shared>> -> memref<133x128xf32, #tpu.memory_space<vmem_shared>>
      tpu.wait_indirect_dma semaphore(%arg15 : memref<!tpu.dma_semaphore, #tpu.memory_space<semaphore_mem>>) src(%dma_wait3A_352 : memref<133x128xf32, #tpu.memory_space<vmem_shared>>) dst(%dma_wait3A_346 : memref<128x128xf32, #tpu.memory_space<vmem>>)
      %add3A_353 = arith.constant 2 : i32
      %add3A_354 = arith.addi %add3A_13, %add3A_353 : i32
      %mul3A_355 = arith.constant 128 : i32
      %mul3A_356 = arith.muli %add3A_354, %mul3A_355 : i32
      %dma_start3A_357 = arith.constant 0 : i32
      %dma_start3A_358 = arith.constant 0 : i32
      %dma_start3A_359 = arith.constant 0 : i32
      %dma_start3A_360 = tpu.memref_slice %arg12[%dma_start3A_357, %dma_start3A_358, %dma_start3A_359] : memref<2x128x128xf32, #tpu.memory_space<vmem>> -> memref<1x128x128xf32, #tpu.memory_space<vmem>>
      %dma_start3A_361 = tpu.memref_squeeze %dma_start3A_360 : memref<1x128x128xf32, #tpu.memory_space<vmem>> -> memref<128x128xf32, #tpu.memory_space<vmem>>
      %dma_start3A_362 = arith.constant 0 : i32
      %dma_start3A_363 = tpu.memref_slice %arg8[%mul3A_356, %dma_start3A_362] : memref<3276800x384xf32, #tpu.memory_space<hbm>> -> memref<128x128xf32, #tpu.memory_space<hbm>>
      %dma_start3A_364 = arith.constant 0 : i32
      %dma_start3A_365 = tpu.memref_slice %arg8[%mul3A_356, %dma_start3A_364] : memref<3276800x384xf32, #tpu.memory_space<hbm>> -> memref<128x128xf32, #tpu.memory_space<hbm>>
      %dma_start3A_366 = arith.constant 0 : i32
      %dma_start3A_367 = arith.constant 0 : i32
      %dma_start3A_368 = tpu.memref_slice %arg12[%dma_start3A_357, %dma_start3A_366, %dma_start3A_367] : memref<2x128x128xf32, #tpu.memory_space<vmem>> -> memref<1x128x128xf32, #tpu.memory_space<vmem>>
      %dma_start3A_369 = tpu.memref_squeeze %dma_start3A_368 : memref<1x128x128xf32, #tpu.memory_space<vmem>> -> memref<128x128xf32, #tpu.memory_space<vmem>>
      tpu.enqueue_dma source(%dma_start3A_369 : memref<128x128xf32, #tpu.memory_space<vmem>>) target(%dma_start3A_365 : memref<128x128xf32, #tpu.memory_space<hbm>>) target_semaphore(%arg16 : memref<!tpu.dma_semaphore, #tpu.memory_space<semaphore_mem>>)
      %dma_start3A_370 = arith.constant 0 : i32
      %dma_start3A_371 = arith.constant 0 : i32
      %dma_start3A_372 = arith.constant 0 : i32
      %dma_start3A_373 = tpu.memref_slice %arg13[%dma_start3A_370, %dma_start3A_371, %dma_start3A_372] : memref<2x128x128xf32, #tpu.memory_space<vmem>> -> memref<1x128x128xf32, #tpu.memory_space<vmem>>
      %dma_start3A_374 = tpu.memref_squeeze %dma_start3A_373 : memref<1x128x128xf32, #tpu.memory_space<vmem>> -> memref<128x128xf32, #tpu.memory_space<vmem>>
      %dma_start3A_375 = arith.constant 128 : i32
      %dma_start3A_376 = tpu.memref_slice %arg8[%mul3A_356, %dma_start3A_375] : memref<3276800x384xf32, #tpu.memory_space<hbm>> -> memref<128x128xf32, #tpu.memory_space<hbm>>
      %dma_start3A_377 = arith.constant 128 : i32
      %dma_start3A_378 = tpu.memref_slice %arg8[%mul3A_356, %dma_start3A_377] : memref<3276800x384xf32, #tpu.memory_space<hbm>> -> memref<128x128xf32, #tpu.memory_space<hbm>>
      %dma_start3A_379 = arith.constant 0 : i32
      %dma_start3A_380 = arith.constant 0 : i32
      %dma_start3A_381 = tpu.memref_slice %arg13[%dma_start3A_370, %dma_start3A_379, %dma_start3A_380] : memref<2x128x128xf32, #tpu.memory_space<vmem>> -> memref<1x128x128xf32, #tpu.memory_space<vmem>>
      %dma_start3A_382 = tpu.memref_squeeze %dma_start3A_381 : memref<1x128x128xf32, #tpu.memory_space<vmem>> -> memref<128x128xf32, #tpu.memory_space<vmem>>
      tpu.enqueue_dma source(%dma_start3A_382 : memref<128x128xf32, #tpu.memory_space<vmem>>) target(%dma_start3A_378 : memref<128x128xf32, #tpu.memory_space<hbm>>) target_semaphore(%arg16 : memref<!tpu.dma_semaphore, #tpu.memory_space<semaphore_mem>>)
      %dma_start3A_383 = arith.constant 0 : i32
      %dma_start3A_384 = arith.constant 0 : i32
      %dma_start3A_385 = arith.constant 0 : i32
      %dma_start3A_386 = tpu.memref_slice %arg14[%dma_start3A_383, %dma_start3A_384, %dma_start3A_385] : memref<2x128x128xf32, #tpu.memory_space<vmem>> -> memref<1x128x128xf32, #tpu.memory_space<vmem>>
      %dma_start3A_387 = tpu.memref_squeeze %dma_start3A_386 : memref<1x128x128xf32, #tpu.memory_space<vmem>> -> memref<128x128xf32, #tpu.memory_space<vmem>>
      %dma_start3A_388 = arith.constant 256 : i32
      %dma_start3A_389 = tpu.memref_slice %arg8[%mul3A_356, %dma_start3A_388] : memref<3276800x384xf32, #tpu.memory_space<hbm>> -> memref<128x128xf32, #tpu.memory_space<hbm>>
      %dma_start3A_390 = arith.constant 256 : i32
      %dma_start3A_391 = tpu.memref_slice %arg8[%mul3A_356, %dma_start3A_390] : memref<3276800x384xf32, #tpu.memory_space<hbm>> -> memref<128x128xf32, #tpu.memory_space<hbm>>
      %dma_start3A_392 = arith.constant 0 : i32
      %dma_start3A_393 = arith.constant 0 : i32
      %dma_start3A_394 = tpu.memref_slice %arg14[%dma_start3A_383, %dma_start3A_392, %dma_start3A_393] : memref<2x128x128xf32, #tpu.memory_space<vmem>> -> memref<1x128x128xf32, #tpu.memory_space<vmem>>
      %dma_start3A_395 = tpu.memref_squeeze %dma_start3A_394 : memref<1x128x128xf32, #tpu.memory_space<vmem>> -> memref<128x128xf32, #tpu.memory_space<vmem>>
      tpu.enqueue_dma source(%dma_start3A_395 : memref<128x128xf32, #tpu.memory_space<vmem>>) target(%dma_start3A_391 : memref<128x128xf32, #tpu.memory_space<hbm>>) target_semaphore(%arg16 : memref<!tpu.dma_semaphore, #tpu.memory_space<semaphore_mem>>)
      %dma_wait3A_396 = arith.constant 1 : i32
      %dma_wait3A_397 = arith.constant 0 : i32
      %dma_wait3A_398 = arith.constant 0 : i32
      %dma_wait3A_399 = tpu.memref_slice %arg12[%dma_wait3A_396, %dma_wait3A_397, %dma_wait3A_398] : memref<2x128x128xf32, #tpu.memory_space<vmem>> -> memref<1x128x128xf32, #tpu.memory_space<vmem>>
      %dma_wait3A_400 = tpu.memref_squeeze %dma_wait3A_399 : memref<1x128x128xf32, #tpu.memory_space<vmem>> -> memref<128x128xf32, #tpu.memory_space<vmem>>
      %dma_wait3A_401 = arith.constant 0 : i32
      %dma_wait3A_402 = tpu.memref_slice %arg8[%mul3A_202, %dma_wait3A_401] : memref<3276800x384xf32, #tpu.memory_space<hbm>> -> memref<128x128xf32, #tpu.memory_space<hbm>>
      %dma_wait3A_403 = arith.constant 0 : i32
      %dma_wait3A_404 = tpu.memref_slice %arg8[%mul3A_202, %dma_wait3A_403] : memref<3276800x384xf32, #tpu.memory_space<hbm>> -> memref<128x128xf32, #tpu.memory_space<hbm>>
      %dma_wait3A_405 = arith.constant 0 : i32
      %dma_wait3A_406 = arith.constant 0 : i32
      %dma_wait3A_407 = tpu.memref_slice %arg12[%dma_wait3A_396, %dma_wait3A_405, %dma_wait3A_406] : memref<2x128x128xf32, #tpu.memory_space<vmem>> -> memref<1x128x128xf32, #tpu.memory_space<vmem>>
      %dma_wait3A_408 = tpu.memref_squeeze %dma_wait3A_407 : memref<1x128x128xf32, #tpu.memory_space<vmem>> -> memref<128x128xf32, #tpu.memory_space<vmem>>
      tpu.wait_dma2 semaphore(%arg17 : memref<!tpu.dma_semaphore, #tpu.memory_space<semaphore_mem>>) src(%dma_wait3A_408 : memref<128x128xf32, #tpu.memory_space<vmem>>) dst(%dma_wait3A_404 : memref<128x128xf32, #tpu.memory_space<hbm>>)
      %dma_wait3A_409 = arith.constant 1 : i32
      %dma_wait3A_410 = arith.constant 0 : i32
      %dma_wait3A_411 = arith.constant 0 : i32
      %dma_wait3A_412 = tpu.memref_slice %arg13[%dma_wait3A_409, %dma_wait3A_410, %dma_wait3A_411] : memref<2x128x128xf32, #tpu.memory_space<vmem>> -> memref<1x128x128xf32, #tpu.memory_space<vmem>>
      %dma_wait3A_413 = tpu.memref_squeeze %dma_wait3A_412 : memref<1x128x128xf32, #tpu.memory_space<vmem>> -> memref<128x128xf32, #tpu.memory_space<vmem>>
      %dma_wait3A_414 = arith.constant 128 : i32
      %dma_wait3A_415 = tpu.memref_slice %arg8[%mul3A_202, %dma_wait3A_414] : memref<3276800x384xf32, #tpu.memory_space<hbm>> -> memref<128x128xf32, #tpu.memory_space<hbm>>
      %dma_wait3A_416 = arith.constant 128 : i32
      %dma_wait3A_417 = tpu.memref_slice %arg8[%mul3A_202, %dma_wait3A_416] : memref<3276800x384xf32, #tpu.memory_space<hbm>> -> memref<128x128xf32, #tpu.memory_space<hbm>>
      %dma_wait3A_418 = arith.constant 0 : i32
      %dma_wait3A_419 = arith.constant 0 : i32
      %dma_wait3A_420 = tpu.memref_slice %arg13[%dma_wait3A_409, %dma_wait3A_418, %dma_wait3A_419] : memref<2x128x128xf32, #tpu.memory_space<vmem>> -> memref<1x128x128xf32, #tpu.memory_space<vmem>>
      %dma_wait3A_421 = tpu.memref_squeeze %dma_wait3A_420 : memref<1x128x128xf32, #tpu.memory_space<vmem>> -> memref<128x128xf32, #tpu.memory_space<vmem>>
      tpu.wait_dma2 semaphore(%arg17 : memref<!tpu.dma_semaphore, #tpu.memory_space<semaphore_mem>>) src(%dma_wait3A_421 : memref<128x128xf32, #tpu.memory_space<vmem>>) dst(%dma_wait3A_417 : memref<128x128xf32, #tpu.memory_space<hbm>>)
      %dma_wait3A_422 = arith.constant 1 : i32
      %dma_wait3A_423 = arith.constant 0 : i32
      %dma_wait3A_424 = arith.constant 0 : i32
      %dma_wait3A_425 = tpu.memref_slice %arg14[%dma_wait3A_422, %dma_wait3A_423, %dma_wait3A_424] : memref<2x128x128xf32, #tpu.memory_space<vmem>> -> memref<1x128x128xf32, #tpu.memory_space<vmem>>
      %dma_wait3A_426 = tpu.memref_squeeze %dma_wait3A_425 : memref<1x128x128xf32, #tpu.memory_space<vmem>> -> memref<128x128xf32, #tpu.memory_space<vmem>>
      %dma_wait3A_427 = arith.constant 256 : i32
      %dma_wait3A_428 = tpu.memref_slice %arg8[%mul3A_202, %dma_wait3A_427] : memref<3276800x384xf32, #tpu.memory_space<hbm>> -> memref<128x128xf32, #tpu.memory_space<hbm>>
      %dma_wait3A_429 = arith.constant 256 : i32
      %dma_wait3A_430 = tpu.memref_slice %arg8[%mul3A_202, %dma_wait3A_429] : memref<3276800x384xf32, #tpu.memory_space<hbm>> -> memref<128x128xf32, #tpu.memory_space<hbm>>
      %dma_wait3A_431 = arith.constant 0 : i32
      %dma_wait3A_432 = arith.constant 0 : i32
      %dma_wait3A_433 = tpu.memref_slice %arg14[%dma_wait3A_422, %dma_wait3A_431, %dma_wait3A_432] : memref<2x128x128xf32, #tpu.memory_space<vmem>> -> memref<1x128x128xf32, #tpu.memory_space<vmem>>
      %dma_wait3A_434 = tpu.memref_squeeze %dma_wait3A_433 : memref<1x128x128xf32, #tpu.memory_space<vmem>> -> memref<128x128xf32, #tpu.memory_space<vmem>>
      tpu.wait_dma2 semaphore(%arg17 : memref<!tpu.dma_semaphore, #tpu.memory_space<semaphore_mem>>) src(%dma_wait3A_434 : memref<128x128xf32, #tpu.memory_space<vmem>>) dst(%dma_wait3A_430 : memref<128x128xf32, #tpu.memory_space<hbm>>)
      %dma_start3A_435 = arith.constant 3 : i32
      %dma_start3A_436 = arith.constant 1 : i32
      %dma_start3A_437 = arith.constant 0 : i32
      %dma_start3A_438 = arith.constant 0 : i32
      %dma_start3A_439 = tpu.memref_slice %arg12[%dma_start3A_436, %dma_start3A_437, %dma_start3A_438] : memref<2x128x128xf32, #tpu.memory_space<vmem>> -> memref<1x128x128xf32, #tpu.memory_space<vmem>>
      %dma_start3A_440 = tpu.memref_squeeze %dma_start3A_439 : memref<1x128x128xf32, #tpu.memory_space<vmem>> -> memref<128x128xf32, #tpu.memory_space<vmem>>
      %dma_start3A_441 = arith.constant 0 : i32
      %dma_start3A_442 = tpu.memref_slice %arg9[%dma_start3A_435, %dma_start3A_441] : memref<16x128xi32, #tpu.memory_space<vmem>> -> memref<1x128xi32, #tpu.memory_space<vmem>>
      %dma_start3A_443 = tpu.memref_squeeze %dma_start3A_442 : memref<1x128xi32, #tpu.memory_space<vmem>> -> memref<128xi32, #tpu.memory_space<vmem>>
      %dma_start3A_444 = arith.constant 0 : i32
      %dma_start3A_445 = arith.constant 0 : i32
      %dma_start3A_446 = tpu.memref_slice %arg18[%dma_start3A_444, %dma_start3A_445] : memref<256x128xf32, #tpu.memory_space<vmem_shared>> -> memref<256x128xf32, #tpu.memory_space<vmem_shared>>
      tpu.enqueue_indirect_dma source(%dma_start3A_446 : memref<256x128xf32, #tpu.memory_space<vmem_shared>>) target(%dma_start3A_440 : memref<128x128xf32, #tpu.memory_space<vmem>>) offsets(%dma_start3A_443 : memref<128xi32, #tpu.memory_space<vmem>>) semaphore(%arg15 : memref<!tpu.dma_semaphore, #tpu.memory_space<semaphore_mem>>)
      %dma_start3A_447 = arith.constant 3 : i32
      %dma_start3A_448 = arith.constant 1 : i32
      %dma_start3A_449 = arith.constant 0 : i32
      %dma_start3A_450 = arith.constant 0 : i32
      %dma_start3A_451 = tpu.memref_slice %arg13[%dma_start3A_448, %dma_start3A_449, %dma_start3A_450] : memref<2x128x128xf32, #tpu.memory_space<vmem>> -> memref<1x128x128xf32, #tpu.memory_space<vmem>>
      %dma_start3A_452 = tpu.memref_squeeze %dma_start3A_451 : memref<1x128x128xf32, #tpu.memory_space<vmem>> -> memref<128x128xf32, #tpu.memory_space<vmem>>
      %dma_start3A_453 = arith.constant 0 : i32
      %dma_start3A_454 = tpu.memref_slice %arg10[%dma_start3A_447, %dma_start3A_453] : memref<16x128xi32, #tpu.memory_space<vmem>> -> memref<1x128xi32, #tpu.memory_space<vmem>>
      %dma_start3A_455 = tpu.memref_squeeze %dma_start3A_454 : memref<1x128xi32, #tpu.memory_space<vmem>> -> memref<128xi32, #tpu.memory_space<vmem>>
      %dma_start3A_456 = arith.constant 0 : i32
      %dma_start3A_457 = arith.constant 0 : i32
      %dma_start3A_458 = tpu.memref_slice %arg19[%dma_start3A_456, %dma_start3A_457] : memref<212x128xf32, #tpu.memory_space<vmem_shared>> -> memref<212x128xf32, #tpu.memory_space<vmem_shared>>
      tpu.enqueue_indirect_dma source(%dma_start3A_458 : memref<212x128xf32, #tpu.memory_space<vmem_shared>>) target(%dma_start3A_452 : memref<128x128xf32, #tpu.memory_space<vmem>>) offsets(%dma_start3A_455 : memref<128xi32, #tpu.memory_space<vmem>>) semaphore(%arg15 : memref<!tpu.dma_semaphore, #tpu.memory_space<semaphore_mem>>)
      %dma_start3A_459 = arith.constant 3 : i32
      %dma_start3A_460 = arith.constant 1 : i32
      %dma_start3A_461 = arith.constant 0 : i32
      %dma_start3A_462 = arith.constant 0 : i32
      %dma_start3A_463 = tpu.memref_slice %arg14[%dma_start3A_460, %dma_start3A_461, %dma_start3A_462] : memref<2x128x128xf32, #tpu.memory_space<vmem>> -> memref<1x128x128xf32, #tpu.memory_space<vmem>>
      %dma_start3A_464 = tpu.memref_squeeze %dma_start3A_463 : memref<1x128x128xf32, #tpu.memory_space<vmem>> -> memref<128x128xf32, #tpu.memory_space<vmem>>
      %dma_start3A_465 = arith.constant 0 : i32
      %dma_start3A_466 = tpu.memref_slice %arg11[%dma_start3A_459, %dma_start3A_465] : memref<16x128xi32, #tpu.memory_space<vmem>> -> memref<1x128xi32, #tpu.memory_space<vmem>>
      %dma_start3A_467 = tpu.memref_squeeze %dma_start3A_466 : memref<1x128xi32, #tpu.memory_space<vmem>> -> memref<128xi32, #tpu.memory_space<vmem>>
      %dma_start3A_468 = arith.constant 0 : i32
      %dma_start3A_469 = arith.constant 0 : i32
      %dma_start3A_470 = tpu.memref_slice %arg20[%dma_start3A_468, %dma_start3A_469] : memref<133x128xf32, #tpu.memory_space<vmem_shared>> -> memref<133x128xf32, #tpu.memory_space<vmem_shared>>
      tpu.enqueue_indirect_dma source(%dma_start3A_470 : memref<133x128xf32, #tpu.memory_space<vmem_shared>>) target(%dma_start3A_464 : memref<128x128xf32, #tpu.memory_space<vmem>>) offsets(%dma_start3A_467 : memref<128xi32, #tpu.memory_space<vmem>>) semaphore(%arg15 : memref<!tpu.dma_semaphore, #tpu.memory_space<semaphore_mem>>)
      %dma_wait3A_471 = arith.constant 3 : i32
      %dma_wait3A_472 = arith.constant 1 : i32
      %dma_wait3A_473 = arith.constant 0 : i32
      %dma_wait3A_474 = arith.constant 0 : i32
      %dma_wait3A_475 = tpu.memref_slice %arg12[%dma_wait3A_472, %dma_wait3A_473, %dma_wait3A_474] : memref<2x128x128xf32, #tpu.memory_space<vmem>> -> memref<1x128x128xf32, #tpu.memory_space<vmem>>
      %dma_wait3A_476 = tpu.memref_squeeze %dma_wait3A_475 : memref<1x128x128xf32, #tpu.memory_space<vmem>> -> memref<128x128xf32, #tpu.memory_space<vmem>>
      %dma_wait3A_477 = arith.constant 0 : i32
      %dma_wait3A_478 = tpu.memref_slice %arg9[%dma_wait3A_471, %dma_wait3A_477] : memref<16x128xi32, #tpu.memory_space<vmem>> -> memref<1x128xi32, #tpu.memory_space<vmem>>
      %dma_wait3A_479 = tpu.memref_squeeze %dma_wait3A_478 : memref<1x128xi32, #tpu.memory_space<vmem>> -> memref<128xi32, #tpu.memory_space<vmem>>
      %dma_wait3A_480 = arith.constant 0 : i32
      %dma_wait3A_481 = arith.constant 0 : i32
      %dma_wait3A_482 = tpu.memref_slice %arg18[%dma_wait3A_480, %dma_wait3A_481] : memref<256x128xf32, #tpu.memory_space<vmem_shared>> -> memref<256x128xf32, #tpu.memory_space<vmem_shared>>
      tpu.wait_indirect_dma semaphore(%arg15 : memref<!tpu.dma_semaphore, #tpu.memory_space<semaphore_mem>>) src(%dma_wait3A_482 : memref<256x128xf32, #tpu.memory_space<vmem_shared>>) dst(%dma_wait3A_476 : memref<128x128xf32, #tpu.memory_space<vmem>>)
      %dma_wait3A_483 = arith.constant 3 : i32
      %dma_wait3A_484 = arith.constant 1 : i32
      %dma_wait3A_485 = arith.constant 0 : i32
      %dma_wait3A_486 = arith.constant 0 : i32
      %dma_wait3A_487 = tpu.memref_slice %arg13[%dma_wait3A_484, %dma_wait3A_485, %dma_wait3A_486] : memref<2x128x128xf32, #tpu.memory_space<vmem>> -> memref<1x128x128xf32, #tpu.memory_space<vmem>>
      %dma_wait3A_488 = tpu.memref_squeeze %dma_wait3A_487 : memref<1x128x128xf32, #tpu.memory_space<vmem>> -> memref<128x128xf32, #tpu.memory_space<vmem>>
      %dma_wait3A_489 = arith.constant 0 : i32
      %dma_wait3A_490 = tpu.memref_slice %arg10[%dma_wait3A_483, %dma_wait3A_489] : memref<16x128xi32, #tpu.memory_space<vmem>> -> memref<1x128xi32, #tpu.memory_space<vmem>>
      %dma_wait3A_491 = tpu.memref_squeeze %dma_wait3A_490 : memref<1x128xi32, #tpu.memory_space<vmem>> -> memref<128xi32, #tpu.memory_space<vmem>>
      %dma_wait3A_492 = arith.constant 0 : i32
      %dma_wait3A_493 = arith.constant 0 : i32
      %dma_wait3A_494 = tpu.memref_slice %arg19[%dma_wait3A_492, %dma_wait3A_493] : memref<212x128xf32, #tpu.memory_space<vmem_shared>> -> memref<212x128xf32, #tpu.memory_space<vmem_shared>>
      tpu.wait_indirect_dma semaphore(%arg15 : memref<!tpu.dma_semaphore, #tpu.memory_space<semaphore_mem>>) src(%dma_wait3A_494 : memref<212x128xf32, #tpu.memory_space<vmem_shared>>) dst(%dma_wait3A_488 : memref<128x128xf32, #tpu.memory_space<vmem>>)
      %dma_wait3A_495 = arith.constant 3 : i32
      %dma_wait3A_496 = arith.constant 1 : i32
      %dma_wait3A_497 = arith.constant 0 : i32
      %dma_wait3A_498 = arith.constant 0 : i32
      %dma_wait3A_499 = tpu.memref_slice %arg14[%dma_wait3A_496, %dma_wait3A_497, %dma_wait3A_498] : memref<2x128x128xf32, #tpu.memory_space<vmem>> -> memref<1x128x128xf32, #tpu.memory_space<vmem>>
      %dma_wait3A_500 = tpu.memref_squeeze %dma_wait3A_499 : memref<1x128x128xf32, #tpu.memory_space<vmem>> -> memref<128x128xf32, #tpu.memory_space<vmem>>
      %dma_wait3A_501 = arith.constant 0 : i32
      %dma_wait3A_502 = tpu.memref_slice %arg11[%dma_wait3A_495, %dma_wait3A_501] : memref<16x128xi32, #tpu.memory_space<vmem>> -> memref<1x128xi32, #tpu.memory_space<vmem>>
      %dma_wait3A_503 = tpu.memref_squeeze %dma_wait3A_502 : memref<1x128xi32, #tpu.memory_space<vmem>> -> memref<128xi32, #tpu.memory_space<vmem>>
      %dma_wait3A_504 = arith.constant 0 : i32
      %dma_wait3A_505 = arith.constant 0 : i32
      %dma_wait3A_506 = tpu.memref_slice %arg20[%dma_wait3A_504, %dma_wait3A_505] : memref<133x128xf32, #tpu.memory_space<vmem_shared>> -> memref<133x128xf32, #tpu.memory_space<vmem_shared>>
      tpu.wait_indirect_dma semaphore(%arg15 : memref<!tpu.dma_semaphore, #tpu.memory_space<semaphore_mem>>) src(%dma_wait3A_506 : memref<133x128xf32, #tpu.memory_space<vmem_shared>>) dst(%dma_wait3A_500 : memref<128x128xf32, #tpu.memory_space<vmem>>)
      %add3A_507 = arith.constant 3 : i32
      %add3A_508 = arith.addi %add3A_13, %add3A_507 : i32
      %mul3A_509 = arith.constant 128 : i32
      %mul3A_510 = arith.muli %add3A_508, %mul3A_509 : i32
      %dma_start3A_511 = arith.constant 1 : i32
      %dma_start3A_512 = arith.constant 0 : i32
      %dma_start3A_513 = arith.constant 0 : i32
      %dma_start3A_514 = tpu.memref_slice %arg12[%dma_start3A_511, %dma_start3A_512, %dma_start3A_513] : memref<2x128x128xf32, #tpu.memory_space<vmem>> -> memref<1x128x128xf32, #tpu.memory_space<vmem>>
      %dma_start3A_515 = tpu.memref_squeeze %dma_start3A_514 : memref<1x128x128xf32, #tpu.memory_space<vmem>> -> memref<128x128xf32, #tpu.memory_space<vmem>>
      %dma_start3A_516 = arith.constant 0 : i32
      %dma_start3A_517 = tpu.memref_slice %arg8[%mul3A_510, %dma_start3A_516] : memref<3276800x384xf32, #tpu.memory_space<hbm>> -> memref<128x128xf32, #tpu.memory_space<hbm>>
      %dma_start3A_518 = arith.constant 0 : i32
      %dma_start3A_519 = tpu.memref_slice %arg8[%mul3A_510, %dma_start3A_518] : memref<3276800x384xf32, #tpu.memory_space<hbm>> -> memref<128x128xf32, #tpu.memory_space<hbm>>
      %dma_start3A_520 = arith.constant 0 : i32
      %dma_start3A_521 = arith.constant 0 : i32
      %dma_start3A_522 = tpu.memref_slice %arg12[%dma_start3A_511, %dma_start3A_520, %dma_start3A_521] : memref<2x128x128xf32, #tpu.memory_space<vmem>> -> memref<1x128x128xf32, #tpu.memory_space<vmem>>
      %dma_start3A_523 = tpu.memref_squeeze %dma_start3A_522 : memref<1x128x128xf32, #tpu.memory_space<vmem>> -> memref<128x128xf32, #tpu.memory_space<vmem>>
      tpu.enqueue_dma source(%dma_start3A_523 : memref<128x128xf32, #tpu.memory_space<vmem>>) target(%dma_start3A_519 : memref<128x128xf32, #tpu.memory_space<hbm>>) target_semaphore(%arg17 : memref<!tpu.dma_semaphore, #tpu.memory_space<semaphore_mem>>)
      %dma_start3A_524 = arith.constant 1 : i32
      %dma_start3A_525 = arith.constant 0 : i32
      %dma_start3A_526 = arith.constant 0 : i32
      %dma_start3A_527 = tpu.memref_slice %arg13[%dma_start3A_524, %dma_start3A_525, %dma_start3A_526] : memref<2x128x128xf32, #tpu.memory_space<vmem>> -> memref<1x128x128xf32, #tpu.memory_space<vmem>>
      %dma_start3A_528 = tpu.memref_squeeze %dma_start3A_527 : memref<1x128x128xf32, #tpu.memory_space<vmem>> -> memref<128x128xf32, #tpu.memory_space<vmem>>
      %dma_start3A_529 = arith.constant 128 : i32
      %dma_start3A_530 = tpu.memref_slice %arg8[%mul3A_510, %dma_start3A_529] : memref<3276800x384xf32, #tpu.memory_space<hbm>> -> memref<128x128xf32, #tpu.memory_space<hbm>>
      %dma_start3A_531 = arith.constant 128 : i32
      %dma_start3A_532 = tpu.memref_slice %arg8[%mul3A_510, %dma_start3A_531] : memref<3276800x384xf32, #tpu.memory_space<hbm>> -> memref<128x128xf32, #tpu.memory_space<hbm>>
      %dma_start3A_533 = arith.constant 0 : i32
      %dma_start3A_534 = arith.constant 0 : i32
      %dma_start3A_535 = tpu.memref_slice %arg13[%dma_start3A_524, %dma_start3A_533, %dma_start3A_534] : memref<2x128x128xf32, #tpu.memory_space<vmem>> -> memref<1x128x128xf32, #tpu.memory_space<vmem>>
      %dma_start3A_536 = tpu.memref_squeeze %dma_start3A_535 : memref<1x128x128xf32, #tpu.memory_space<vmem>> -> memref<128x128xf32, #tpu.memory_space<vmem>>
      tpu.enqueue_dma source(%dma_start3A_536 : memref<128x128xf32, #tpu.memory_space<vmem>>) target(%dma_start3A_532 : memref<128x128xf32, #tpu.memory_space<hbm>>) target_semaphore(%arg17 : memref<!tpu.dma_semaphore, #tpu.memory_space<semaphore_mem>>)
      %dma_start3A_537 = arith.constant 1 : i32
      %dma_start3A_538 = arith.constant 0 : i32
      %dma_start3A_539 = arith.constant 0 : i32
      %dma_start3A_540 = tpu.memref_slice %arg14[%dma_start3A_537, %dma_start3A_538, %dma_start3A_539] : memref<2x128x128xf32, #tpu.memory_space<vmem>> -> memref<1x128x128xf32, #tpu.memory_space<vmem>>
      %dma_start3A_541 = tpu.memref_squeeze %dma_start3A_540 : memref<1x128x128xf32, #tpu.memory_space<vmem>> -> memref<128x128xf32, #tpu.memory_space<vmem>>
      %dma_start3A_542 = arith.constant 256 : i32
      %dma_start3A_543 = tpu.memref_slice %arg8[%mul3A_510, %dma_start3A_542] : memref<3276800x384xf32, #tpu.memory_space<hbm>> -> memref<128x128xf32, #tpu.memory_space<hbm>>
      %dma_start3A_544 = arith.constant 256 : i32
      %dma_start3A_545 = tpu.memref_slice %arg8[%mul3A_510, %dma_start3A_544] : memref<3276800x384xf32, #tpu.memory_space<hbm>> -> memref<128x128xf32, #tpu.memory_space<hbm>>
      %dma_start3A_546 = arith.constant 0 : i32
      %dma_start3A_547 = arith.constant 0 : i32
      %dma_start3A_548 = tpu.memref_slice %arg14[%dma_start3A_537, %dma_start3A_546, %dma_start3A_547] : memref<2x128x128xf32, #tpu.memory_space<vmem>> -> memref<1x128x128xf32, #tpu.memory_space<vmem>>
      %dma_start3A_549 = tpu.memref_squeeze %dma_start3A_548 : memref<1x128x128xf32, #tpu.memory_space<vmem>> -> memref<128x128xf32, #tpu.memory_space<vmem>>
      tpu.enqueue_dma source(%dma_start3A_549 : memref<128x128xf32, #tpu.memory_space<vmem>>) target(%dma_start3A_545 : memref<128x128xf32, #tpu.memory_space<hbm>>) target_semaphore(%arg17 : memref<!tpu.dma_semaphore, #tpu.memory_space<semaphore_mem>>)
      %dma_wait3A_550 = arith.constant 0 : i32
      %dma_wait3A_551 = arith.constant 0 : i32
      %dma_wait3A_552 = arith.constant 0 : i32
      %dma_wait3A_553 = tpu.memref_slice %arg12[%dma_wait3A_550, %dma_wait3A_551, %dma_wait3A_552] : memref<2x128x128xf32, #tpu.memory_space<vmem>> -> memref<1x128x128xf32, #tpu.memory_space<vmem>>
      %dma_wait3A_554 = tpu.memref_squeeze %dma_wait3A_553 : memref<1x128x128xf32, #tpu.memory_space<vmem>> -> memref<128x128xf32, #tpu.memory_space<vmem>>
      %dma_wait3A_555 = arith.constant 0 : i32
      %dma_wait3A_556 = tpu.memref_slice %arg8[%mul3A_356, %dma_wait3A_555] : memref<3276800x384xf32, #tpu.memory_space<hbm>> -> memref<128x128xf32, #tpu.memory_space<hbm>>
      %dma_wait3A_557 = arith.constant 0 : i32
      %dma_wait3A_558 = tpu.memref_slice %arg8[%mul3A_356, %dma_wait3A_557] : memref<3276800x384xf32, #tpu.memory_space<hbm>> -> memref<128x128xf32, #tpu.memory_space<hbm>>
      %dma_wait3A_559 = arith.constant 0 : i32
      %dma_wait3A_560 = arith.constant 0 : i32
      %dma_wait3A_561 = tpu.memref_slice %arg12[%dma_wait3A_550, %dma_wait3A_559, %dma_wait3A_560] : memref<2x128x128xf32, #tpu.memory_space<vmem>> -> memref<1x128x128xf32, #tpu.memory_space<vmem>>
      %dma_wait3A_562 = tpu.memref_squeeze %dma_wait3A_561 : memref<1x128x128xf32, #tpu.memory_space<vmem>> -> memref<128x128xf32, #tpu.memory_space<vmem>>
      tpu.wait_dma2 semaphore(%arg16 : memref<!tpu.dma_semaphore, #tpu.memory_space<semaphore_mem>>) src(%dma_wait3A_562 : memref<128x128xf32, #tpu.memory_space<vmem>>) dst(%dma_wait3A_558 : memref<128x128xf32, #tpu.memory_space<hbm>>)
      %dma_wait3A_563 = arith.constant 0 : i32
      %dma_wait3A_564 = arith.constant 0 : i32
      %dma_wait3A_565 = arith.constant 0 : i32
      %dma_wait3A_566 = tpu.memref_slice %arg13[%dma_wait3A_563, %dma_wait3A_564, %dma_wait3A_565] : memref<2x128x128xf32, #tpu.memory_space<vmem>> -> memref<1x128x128xf32, #tpu.memory_space<vmem>>
      %dma_wait3A_567 = tpu.memref_squeeze %dma_wait3A_566 : memref<1x128x128xf32, #tpu.memory_space<vmem>> -> memref<128x128xf32, #tpu.memory_space<vmem>>
      %dma_wait3A_568 = arith.constant 128 : i32
      %dma_wait3A_569 = tpu.memref_slice %arg8[%mul3A_356, %dma_wait3A_568] : memref<3276800x384xf32, #tpu.memory_space<hbm>> -> memref<128x128xf32, #tpu.memory_space<hbm>>
      %dma_wait3A_570 = arith.constant 128 : i32
      %dma_wait3A_571 = tpu.memref_slice %arg8[%mul3A_356, %dma_wait3A_570] : memref<3276800x384xf32, #tpu.memory_space<hbm>> -> memref<128x128xf32, #tpu.memory_space<hbm>>
      %dma_wait3A_572 = arith.constant 0 : i32
      %dma_wait3A_573 = arith.constant 0 : i32
      %dma_wait3A_574 = tpu.memref_slice %arg13[%dma_wait3A_563, %dma_wait3A_572, %dma_wait3A_573] : memref<2x128x128xf32, #tpu.memory_space<vmem>> -> memref<1x128x128xf32, #tpu.memory_space<vmem>>
      %dma_wait3A_575 = tpu.memref_squeeze %dma_wait3A_574 : memref<1x128x128xf32, #tpu.memory_space<vmem>> -> memref<128x128xf32, #tpu.memory_space<vmem>>
      tpu.wait_dma2 semaphore(%arg16 : memref<!tpu.dma_semaphore, #tpu.memory_space<semaphore_mem>>) src(%dma_wait3A_575 : memref<128x128xf32, #tpu.memory_space<vmem>>) dst(%dma_wait3A_571 : memref<128x128xf32, #tpu.memory_space<hbm>>)
      %dma_wait3A_576 = arith.constant 0 : i32
      %dma_wait3A_577 = arith.constant 0 : i32
      %dma_wait3A_578 = arith.constant 0 : i32
      %dma_wait3A_579 = tpu.memref_slice %arg14[%dma_wait3A_576, %dma_wait3A_577, %dma_wait3A_578] : memref<2x128x128xf32, #tpu.memory_space<vmem>> -> memref<1x128x128xf32, #tpu.memory_space<vmem>>
      %dma_wait3A_580 = tpu.memref_squeeze %dma_wait3A_579 : memref<1x128x128xf32, #tpu.memory_space<vmem>> -> memref<128x128xf32, #tpu.memory_space<vmem>>
      %dma_wait3A_581 = arith.constant 256 : i32
      %dma_wait3A_582 = tpu.memref_slice %arg8[%mul3A_356, %dma_wait3A_581] : memref<3276800x384xf32, #tpu.memory_space<hbm>> -> memref<128x128xf32, #tpu.memory_space<hbm>>
      %dma_wait3A_583 = arith.constant 256 : i32
      %dma_wait3A_584 = tpu.memref_slice %arg8[%mul3A_356, %dma_wait3A_583] : memref<3276800x384xf32, #tpu.memory_space<hbm>> -> memref<128x128xf32, #tpu.memory_space<hbm>>
      %dma_wait3A_585 = arith.constant 0 : i32
      %dma_wait3A_586 = arith.constant 0 : i32
      %dma_wait3A_587 = tpu.memref_slice %arg14[%dma_wait3A_576, %dma_wait3A_585, %dma_wait3A_586] : memref<2x128x128xf32, #tpu.memory_space<vmem>> -> memref<1x128x128xf32, #tpu.memory_space<vmem>>
      %dma_wait3A_588 = tpu.memref_squeeze %dma_wait3A_587 : memref<1x128x128xf32, #tpu.memory_space<vmem>> -> memref<128x128xf32, #tpu.memory_space<vmem>>
      tpu.wait_dma2 semaphore(%arg16 : memref<!tpu.dma_semaphore, #tpu.memory_space<semaphore_mem>>) src(%dma_wait3A_588 : memref<128x128xf32, #tpu.memory_space<vmem>>) dst(%dma_wait3A_584 : memref<128x128xf32, #tpu.memory_space<hbm>>)
      %dma_start3A_589 = arith.constant 4 : i32
      %dma_start3A_590 = arith.constant 0 : i32
      %dma_start3A_591 = arith.constant 0 : i32
      %dma_start3A_592 = arith.constant 0 : i32
      %dma_start3A_593 = tpu.memref_slice %arg12[%dma_start3A_590, %dma_start3A_591, %dma_start3A_592] : memref<2x128x128xf32, #tpu.memory_space<vmem>> -> memref<1x128x128xf32, #tpu.memory_space<vmem>>
      %dma_start3A_594 = tpu.memref_squeeze %dma_start3A_593 : memref<1x128x128xf32, #tpu.memory_space<vmem>> -> memref<128x128xf32, #tpu.memory_space<vmem>>
      %dma_start3A_595 = arith.constant 0 : i32
      %dma_start3A_596 = tpu.memref_slice %arg9[%dma_start3A_589, %dma_start3A_595] : memref<16x128xi32, #tpu.memory_space<vmem>> -> memref<1x128xi32, #tpu.memory_space<vmem>>
      %dma_start3A_597 = tpu.memref_squeeze %dma_start3A_596 : memref<1x128xi32, #tpu.memory_space<vmem>> -> memref<128xi32, #tpu.memory_space<vmem>>
      %dma_start3A_598 = arith.constant 0 : i32
      %dma_start3A_599 = arith.constant 0 : i32
      %dma_start3A_600 = tpu.memref_slice %arg18[%dma_start3A_598, %dma_start3A_599] : memref<256x128xf32, #tpu.memory_space<vmem_shared>> -> memref<256x128xf32, #tpu.memory_space<vmem_shared>>
      tpu.enqueue_indirect_dma source(%dma_start3A_600 : memref<256x128xf32, #tpu.memory_space<vmem_shared>>) target(%dma_start3A_594 : memref<128x128xf32, #tpu.memory_space<vmem>>) offsets(%dma_start3A_597 : memref<128xi32, #tpu.memory_space<vmem>>) semaphore(%arg15 : memref<!tpu.dma_semaphore, #tpu.memory_space<semaphore_mem>>)
      %dma_start3A_601 = arith.constant 4 : i32
      %dma_start3A_602 = arith.constant 0 : i32
      %dma_start3A_603 = arith.constant 0 : i32
      %dma_start3A_604 = arith.constant 0 : i32
      %dma_start3A_605 = tpu.memref_slice %arg13[%dma_start3A_602, %dma_start3A_603, %dma_start3A_604] : memref<2x128x128xf32, #tpu.memory_space<vmem>> -> memref<1x128x128xf32, #tpu.memory_space<vmem>>
      %dma_start3A_606 = tpu.memref_squeeze %dma_start3A_605 : memref<1x128x128xf32, #tpu.memory_space<vmem>> -> memref<128x128xf32, #tpu.memory_space<vmem>>
      %dma_start3A_607 = arith.constant 0 : i32
      %dma_start3A_608 = tpu.memref_slice %arg10[%dma_start3A_601, %dma_start3A_607] : memref<16x128xi32, #tpu.memory_space<vmem>> -> memref<1x128xi32, #tpu.memory_space<vmem>>
      %dma_start3A_609 = tpu.memref_squeeze %dma_start3A_608 : memref<1x128xi32, #tpu.memory_space<vmem>> -> memref<128xi32, #tpu.memory_space<vmem>>
      %dma_start3A_610 = arith.constant 0 : i32
      %dma_start3A_611 = arith.constant 0 : i32
      %dma_start3A_612 = tpu.memref_slice %arg19[%dma_start3A_610, %dma_start3A_611] : memref<212x128xf32, #tpu.memory_space<vmem_shared>> -> memref<212x128xf32, #tpu.memory_space<vmem_shared>>
      tpu.enqueue_indirect_dma source(%dma_start3A_612 : memref<212x128xf32, #tpu.memory_space<vmem_shared>>) target(%dma_start3A_606 : memref<128x128xf32, #tpu.memory_space<vmem>>) offsets(%dma_start3A_609 : memref<128xi32, #tpu.memory_space<vmem>>) semaphore(%arg15 : memref<!tpu.dma_semaphore, #tpu.memory_space<semaphore_mem>>)
      %dma_start3A_613 = arith.constant 4 : i32
      %dma_start3A_614 = arith.constant 0 : i32
      %dma_start3A_615 = arith.constant 0 : i32
      %dma_start3A_616 = arith.constant 0 : i32
      %dma_start3A_617 = tpu.memref_slice %arg14[%dma_start3A_614, %dma_start3A_615, %dma_start3A_616] : memref<2x128x128xf32, #tpu.memory_space<vmem>> -> memref<1x128x128xf32, #tpu.memory_space<vmem>>
      %dma_start3A_618 = tpu.memref_squeeze %dma_start3A_617 : memref<1x128x128xf32, #tpu.memory_space<vmem>> -> memref<128x128xf32, #tpu.memory_space<vmem>>
      %dma_start3A_619 = arith.constant 0 : i32
      %dma_start3A_620 = tpu.memref_slice %arg11[%dma_start3A_613, %dma_start3A_619] : memref<16x128xi32, #tpu.memory_space<vmem>> -> memref<1x128xi32, #tpu.memory_space<vmem>>
      %dma_start3A_621 = tpu.memref_squeeze %dma_start3A_620 : memref<1x128xi32, #tpu.memory_space<vmem>> -> memref<128xi32, #tpu.memory_space<vmem>>
      %dma_start3A_622 = arith.constant 0 : i32
      %dma_start3A_623 = arith.constant 0 : i32
      %dma_start3A_624 = tpu.memref_slice %arg20[%dma_start3A_622, %dma_start3A_623] : memref<133x128xf32, #tpu.memory_space<vmem_shared>> -> memref<133x128xf32, #tpu.memory_space<vmem_shared>>
      tpu.enqueue_indirect_dma source(%dma_start3A_624 : memref<133x128xf32, #tpu.memory_space<vmem_shared>>) target(%dma_start3A_618 : memref<128x128xf32, #tpu.memory_space<vmem>>) offsets(%dma_start3A_621 : memref<128xi32, #tpu.memory_space<vmem>>) semaphore(%arg15 : memref<!tpu.dma_semaphore, #tpu.memory_space<semaphore_mem>>)
      %dma_wait3A_625 = arith.constant 4 : i32
      %dma_wait3A_626 = arith.constant 0 : i32
      %dma_wait3A_627 = arith.constant 0 : i32
      %dma_wait3A_628 = arith.constant 0 : i32
      %dma_wait3A_629 = tpu.memref_slice %arg12[%dma_wait3A_626, %dma_wait3A_627, %dma_wait3A_628] : memref<2x128x128xf32, #tpu.memory_space<vmem>> -> memref<1x128x128xf32, #tpu.memory_space<vmem>>
      %dma_wait3A_630 = tpu.memref_squeeze %dma_wait3A_629 : memref<1x128x128xf32, #tpu.memory_space<vmem>> -> memref<128x128xf32, #tpu.memory_space<vmem>>
      %dma_wait3A_631 = arith.constant 0 : i32
      %dma_wait3A_632 = tpu.memref_slice %arg9[%dma_wait3A_625, %dma_wait3A_631] : memref<16x128xi32, #tpu.memory_space<vmem>> -> memref<1x128xi32, #tpu.memory_space<vmem>>
      %dma_wait3A_633 = tpu.memref_squeeze %dma_wait3A_632 : memref<1x128xi32, #tpu.memory_space<vmem>> -> memref<128xi32, #tpu.memory_space<vmem>>
      %dma_wait3A_634 = arith.constant 0 : i32
      %dma_wait3A_635 = arith.constant 0 : i32
      %dma_wait3A_636 = tpu.memref_slice %arg18[%dma_wait3A_634, %dma_wait3A_635] : memref<256x128xf32, #tpu.memory_space<vmem_shared>> -> memref<256x128xf32, #tpu.memory_space<vmem_shared>>
      tpu.wait_indirect_dma semaphore(%arg15 : memref<!tpu.dma_semaphore, #tpu.memory_space<semaphore_mem>>) src(%dma_wait3A_636 : memref<256x128xf32, #tpu.memory_space<vmem_shared>>) dst(%dma_wait3A_630 : memref<128x128xf32, #tpu.memory_space<vmem>>)
      %dma_wait3A_637 = arith.constant 4 : i32
      %dma_wait3A_638 = arith.constant 0 : i32
      %dma_wait3A_639 = arith.constant 0 : i32
      %dma_wait3A_640 = arith.constant 0 : i32
      %dma_wait3A_641 = tpu.memref_slice %arg13[%dma_wait3A_638, %dma_wait3A_639, %dma_wait3A_640] : memref<2x128x128xf32, #tpu.memory_space<vmem>> -> memref<1x128x128xf32, #tpu.memory_space<vmem>>
      %dma_wait3A_642 = tpu.memref_squeeze %dma_wait3A_641 : memref<1x128x128xf32, #tpu.memory_space<vmem>> -> memref<128x128xf32, #tpu.memory_space<vmem>>
      %dma_wait3A_643 = arith.constant 0 : i32
      %dma_wait3A_644 = tpu.memref_slice %arg10[%dma_wait3A_637, %dma_wait3A_643] : memref<16x128xi32, #tpu.memory_space<vmem>> -> memref<1x128xi32, #tpu.memory_space<vmem>>
      %dma_wait3A_645 = tpu.memref_squeeze %dma_wait3A_644 : memref<1x128xi32, #tpu.memory_space<vmem>> -> memref<128xi32, #tpu.memory_space<vmem>>
      %dma_wait3A_646 = arith.constant 0 : i32
      %dma_wait3A_647 = arith.constant 0 : i32
      %dma_wait3A_648 = tpu.memref_slice %arg19[%dma_wait3A_646, %dma_wait3A_647] : memref<212x128xf32, #tpu.memory_space<vmem_shared>> -> memref<212x128xf32, #tpu.memory_space<vmem_shared>>
      tpu.wait_indirect_dma semaphore(%arg15 : memref<!tpu.dma_semaphore, #tpu.memory_space<semaphore_mem>>) src(%dma_wait3A_648 : memref<212x128xf32, #tpu.memory_space<vmem_shared>>) dst(%dma_wait3A_642 : memref<128x128xf32, #tpu.memory_space<vmem>>)
      %dma_wait3A_649 = arith.constant 4 : i32
      %dma_wait3A_650 = arith.constant 0 : i32
      %dma_wait3A_651 = arith.constant 0 : i32
      %dma_wait3A_652 = arith.constant 0 : i32
      %dma_wait3A_653 = tpu.memref_slice %arg14[%dma_wait3A_650, %dma_wait3A_651, %dma_wait3A_652] : memref<2x128x128xf32, #tpu.memory_space<vmem>> -> memref<1x128x128xf32, #tpu.memory_space<vmem>>
      %dma_wait3A_654 = tpu.memref_squeeze %dma_wait3A_653 : memref<1x128x128xf32, #tpu.memory_space<vmem>> -> memref<128x128xf32, #tpu.memory_space<vmem>>
      %dma_wait3A_655 = arith.constant 0 : i32
      %dma_wait3A_656 = tpu.memref_slice %arg11[%dma_wait3A_649, %dma_wait3A_655] : memref<16x128xi32, #tpu.memory_space<vmem>> -> memref<1x128xi32, #tpu.memory_space<vmem>>
      %dma_wait3A_657 = tpu.memref_squeeze %dma_wait3A_656 : memref<1x128xi32, #tpu.memory_space<vmem>> -> memref<128xi32, #tpu.memory_space<vmem>>
      %dma_wait3A_658 = arith.constant 0 : i32
      %dma_wait3A_659 = arith.constant 0 : i32
      %dma_wait3A_660 = tpu.memref_slice %arg20[%dma_wait3A_658, %dma_wait3A_659] : memref<133x128xf32, #tpu.memory_space<vmem_shared>> -> memref<133x128xf32, #tpu.memory_space<vmem_shared>>
      tpu.wait_indirect_dma semaphore(%arg15 : memref<!tpu.dma_semaphore, #tpu.memory_space<semaphore_mem>>) src(%dma_wait3A_660 : memref<133x128xf32, #tpu.memory_space<vmem_shared>>) dst(%dma_wait3A_654 : memref<128x128xf32, #tpu.memory_space<vmem>>)
      %add3A_661 = arith.constant 4 : i32
      %add3A_662 = arith.addi %add3A_13, %add3A_661 : i32
      %mul3A_663 = arith.constant 128 : i32
      %mul3A_664 = arith.muli %add3A_662, %mul3A_663 : i32
      %dma_start3A_665 = arith.constant 0 : i32
      %dma_start3A_666 = arith.constant 0 : i32
      %dma_start3A_667 = arith.constant 0 : i32
      %dma_start3A_668 = tpu.memref_slice %arg12[%dma_start3A_665, %dma_start3A_666, %dma_start3A_667] : memref<2x128x128xf32, #tpu.memory_space<vmem>> -> memref<1x128x128xf32, #tpu.memory_space<vmem>>
      %dma_start3A_669 = tpu.memref_squeeze %dma_start3A_668 : memref<1x128x128xf32, #tpu.memory_space<vmem>> -> memref<128x128xf32, #tpu.memory_space<vmem>>
      %dma_start3A_670 = arith.constant 0 : i32
      %dma_start3A_671 = tpu.memref_slice %arg8[%mul3A_664, %dma_start3A_670] : memref<3276800x384xf32, #tpu.memory_space<hbm>> -> memref<128x128xf32, #tpu.memory_space<hbm>>
      %dma_start3A_672 = arith.constant 0 : i32
      %dma_start3A_673 = tpu.memref_slice %arg8[%mul3A_664, %dma_start3A_672] : memref<3276800x384xf32, #tpu.memory_space<hbm>> -> memref<128x128xf32, #tpu.memory_space<hbm>>
      %dma_start3A_674 = arith.constant 0 : i32
      %dma_start3A_675 = arith.constant 0 : i32
      %dma_start3A_676 = tpu.memref_slice %arg12[%dma_start3A_665, %dma_start3A_674, %dma_start3A_675] : memref<2x128x128xf32, #tpu.memory_space<vmem>> -> memref<1x128x128xf32, #tpu.memory_space<vmem>>
      %dma_start3A_677 = tpu.memref_squeeze %dma_start3A_676 : memref<1x128x128xf32, #tpu.memory_space<vmem>> -> memref<128x128xf32, #tpu.memory_space<vmem>>
      tpu.enqueue_dma source(%dma_start3A_677 : memref<128x128xf32, #tpu.memory_space<vmem>>) target(%dma_start3A_673 : memref<128x128xf32, #tpu.memory_space<hbm>>) target_semaphore(%arg16 : memref<!tpu.dma_semaphore, #tpu.memory_space<semaphore_mem>>)
      %dma_start3A_678 = arith.constant 0 : i32
      %dma_start3A_679 = arith.constant 0 : i32
      %dma_start3A_680 = arith.constant 0 : i32
      %dma_start3A_681 = tpu.memref_slice %arg13[%dma_start3A_678, %dma_start3A_679, %dma_start3A_680] : memref<2x128x128xf32, #tpu.memory_space<vmem>> -> memref<1x128x128xf32, #tpu.memory_space<vmem>>
      %dma_start3A_682 = tpu.memref_squeeze %dma_start3A_681 : memref<1x128x128xf32, #tpu.memory_space<vmem>> -> memref<128x128xf32, #tpu.memory_space<vmem>>
      %dma_start3A_683 = arith.constant 128 : i32
      %dma_start3A_684 = tpu.memref_slice %arg8[%mul3A_664, %dma_start3A_683] : memref<3276800x384xf32, #tpu.memory_space<hbm>> -> memref<128x128xf32, #tpu.memory_space<hbm>>
      %dma_start3A_685 = arith.constant 128 : i32
      %dma_start3A_686 = tpu.memref_slice %arg8[%mul3A_664, %dma_start3A_685] : memref<3276800x384xf32, #tpu.memory_space<hbm>> -> memref<128x128xf32, #tpu.memory_space<hbm>>
      %dma_start3A_687 = arith.constant 0 : i32
      %dma_start3A_688 = arith.constant 0 : i32
      %dma_start3A_689 = tpu.memref_slice %arg13[%dma_start3A_678, %dma_start3A_687, %dma_start3A_688] : memref<2x128x128xf32, #tpu.memory_space<vmem>> -> memref<1x128x128xf32, #tpu.memory_space<vmem>>
      %dma_start3A_690 = tpu.memref_squeeze %dma_start3A_689 : memref<1x128x128xf32, #tpu.memory_space<vmem>> -> memref<128x128xf32, #tpu.memory_space<vmem>>
      tpu.enqueue_dma source(%dma_start3A_690 : memref<128x128xf32, #tpu.memory_space<vmem>>) target(%dma_start3A_686 : memref<128x128xf32, #tpu.memory_space<hbm>>) target_semaphore(%arg16 : memref<!tpu.dma_semaphore, #tpu.memory_space<semaphore_mem>>)
      %dma_start3A_691 = arith.constant 0 : i32
      %dma_start3A_692 = arith.constant 0 : i32
      %dma_start3A_693 = arith.constant 0 : i32
      %dma_start3A_694 = tpu.memref_slice %arg14[%dma_start3A_691, %dma_start3A_692, %dma_start3A_693] : memref<2x128x128xf32, #tpu.memory_space<vmem>> -> memref<1x128x128xf32, #tpu.memory_space<vmem>>
      %dma_start3A_695 = tpu.memref_squeeze %dma_start3A_694 : memref<1x128x128xf32, #tpu.memory_space<vmem>> -> memref<128x128xf32, #tpu.memory_space<vmem>>
      %dma_start3A_696 = arith.constant 256 : i32
      %dma_start3A_697 = tpu.memref_slice %arg8[%mul3A_664, %dma_start3A_696] : memref<3276800x384xf32, #tpu.memory_space<hbm>> -> memref<128x128xf32, #tpu.memory_space<hbm>>
      %dma_start3A_698 = arith.constant 256 : i32
      %dma_start3A_699 = tpu.memref_slice %arg8[%mul3A_664, %dma_start3A_698] : memref<3276800x384xf32, #tpu.memory_space<hbm>> -> memref<128x128xf32, #tpu.memory_space<hbm>>
      %dma_start3A_700 = arith.constant 0 : i32
      %dma_start3A_701 = arith.constant 0 : i32
      %dma_start3A_702 = tpu.memref_slice %arg14[%dma_start3A_691, %dma_start3A_700, %dma_start3A_701] : memref<2x128x128xf32, #tpu.memory_space<vmem>> -> memref<1x128x128xf32, #tpu.memory_space<vmem>>
      %dma_start3A_703 = tpu.memref_squeeze %dma_start3A_702 : memref<1x128x128xf32, #tpu.memory_space<vmem>> -> memref<128x128xf32, #tpu.memory_space<vmem>>
      tpu.enqueue_dma source(%dma_start3A_703 : memref<128x128xf32, #tpu.memory_space<vmem>>) target(%dma_start3A_699 : memref<128x128xf32, #tpu.memory_space<hbm>>) target_semaphore(%arg16 : memref<!tpu.dma_semaphore, #tpu.memory_space<semaphore_mem>>)
      %dma_wait3A_704 = arith.constant 1 : i32
      %dma_wait3A_705 = arith.constant 0 : i32
      %dma_wait3A_706 = arith.constant 0 : i32
      %dma_wait3A_707 = tpu.memref_slice %arg12[%dma_wait3A_704, %dma_wait3A_705, %dma_wait3A_706] : memref<2x128x128xf32, #tpu.memory_space<vmem>> -> memref<1x128x128xf32, #tpu.memory_space<vmem>>
      %dma_wait3A_708 = tpu.memref_squeeze %dma_wait3A_707 : memref<1x128x128xf32, #tpu.memory_space<vmem>> -> memref<128x128xf32, #tpu.memory_space<vmem>>
      %dma_wait3A_709 = arith.constant 0 : i32
      %dma_wait3A_710 = tpu.memref_slice %arg8[%mul3A_510, %dma_wait3A_709] : memref<3276800x384xf32, #tpu.memory_space<hbm>> -> memref<128x128xf32, #tpu.memory_space<hbm>>
      %dma_wait3A_711 = arith.constant 0 : i32
      %dma_wait3A_712 = tpu.memref_slice %arg8[%mul3A_510, %dma_wait3A_711] : memref<3276800x384xf32, #tpu.memory_space<hbm>> -> memref<128x128xf32, #tpu.memory_space<hbm>>
      %dma_wait3A_713 = arith.constant 0 : i32
      %dma_wait3A_714 = arith.constant 0 : i32
      %dma_wait3A_715 = tpu.memref_slice %arg12[%dma_wait3A_704, %dma_wait3A_713, %dma_wait3A_714] : memref<2x128x128xf32, #tpu.memory_space<vmem>> -> memref<1x128x128xf32, #tpu.memory_space<vmem>>
      %dma_wait3A_716 = tpu.memref_squeeze %dma_wait3A_715 : memref<1x128x128xf32, #tpu.memory_space<vmem>> -> memref<128x128xf32, #tpu.memory_space<vmem>>
      tpu.wait_dma2 semaphore(%arg17 : memref<!tpu.dma_semaphore, #tpu.memory_space<semaphore_mem>>) src(%dma_wait3A_716 : memref<128x128xf32, #tpu.memory_space<vmem>>) dst(%dma_wait3A_712 : memref<128x128xf32, #tpu.memory_space<hbm>>)
      %dma_wait3A_717 = arith.constant 1 : i32
      %dma_wait3A_718 = arith.constant 0 : i32
      %dma_wait3A_719 = arith.constant 0 : i32
      %dma_wait3A_720 = tpu.memref_slice %arg13[%dma_wait3A_717, %dma_wait3A_718, %dma_wait3A_719] : memref<2x128x128xf32, #tpu.memory_space<vmem>> -> memref<1x128x128xf32, #tpu.memory_space<vmem>>
      %dma_wait3A_721 = tpu.memref_squeeze %dma_wait3A_720 : memref<1x128x128xf32, #tpu.memory_space<vmem>> -> memref<128x128xf32, #tpu.memory_space<vmem>>
      %dma_wait3A_722 = arith.constant 128 : i32
      %dma_wait3A_723 = tpu.memref_slice %arg8[%mul3A_510, %dma_wait3A_722] : memref<3276800x384xf32, #tpu.memory_space<hbm>> -> memref<128x128xf32, #tpu.memory_space<hbm>>
      %dma_wait3A_724 = arith.constant 128 : i32
      %dma_wait3A_725 = tpu.memref_slice %arg8[%mul3A_510, %dma_wait3A_724] : memref<3276800x384xf32, #tpu.memory_space<hbm>> -> memref<128x128xf32, #tpu.memory_space<hbm>>
      %dma_wait3A_726 = arith.constant 0 : i32
      %dma_wait3A_727 = arith.constant 0 : i32
      %dma_wait3A_728 = tpu.memref_slice %arg13[%dma_wait3A_717, %dma_wait3A_726, %dma_wait3A_727] : memref<2x128x128xf32, #tpu.memory_space<vmem>> -> memref<1x128x128xf32, #tpu.memory_space<vmem>>
      %dma_wait3A_729 = tpu.memref_squeeze %dma_wait3A_728 : memref<1x128x128xf32, #tpu.memory_space<vmem>> -> memref<128x128xf32, #tpu.memory_space<vmem>>
      tpu.wait_dma2 semaphore(%arg17 : memref<!tpu.dma_semaphore, #tpu.memory_space<semaphore_mem>>) src(%dma_wait3A_729 : memref<128x128xf32, #tpu.memory_space<vmem>>) dst(%dma_wait3A_725 : memref<128x128xf32, #tpu.memory_space<hbm>>)
      %dma_wait3A_730 = arith.constant 1 : i32
      %dma_wait3A_731 = arith.constant 0 : i32
      %dma_wait3A_732 = arith.constant 0 : i32
      %dma_wait3A_733 = tpu.memref_slice %arg14[%dma_wait3A_730, %dma_wait3A_731, %dma_wait3A_732] : memref<2x128x128xf32, #tpu.memory_space<vmem>> -> memref<1x128x128xf32, #tpu.memory_space<vmem>>
      %dma_wait3A_734 = tpu.memref_squeeze %dma_wait3A_733 : memref<1x128x128xf32, #tpu.memory_space<vmem>> -> memref<128x128xf32, #tpu.memory_space<vmem>>
      %dma_wait3A_735 = arith.constant 256 : i32
      %dma_wait3A_736 = tpu.memref_slice %arg8[%mul3A_510, %dma_wait3A_735] : memref<3276800x384xf32, #tpu.memory_space<hbm>> -> memref<128x128xf32, #tpu.memory_space<hbm>>
      %dma_wait3A_737 = arith.constant 256 : i32
      %dma_wait3A_738 = tpu.memref_slice %arg8[%mul3A_510, %dma_wait3A_737] : memref<3276800x384xf32, #tpu.memory_space<hbm>> -> memref<128x128xf32, #tpu.memory_space<hbm>>
      %dma_wait3A_739 = arith.constant 0 : i32
      %dma_wait3A_740 = arith.constant 0 : i32
      %dma_wait3A_741 = tpu.memref_slice %arg14[%dma_wait3A_730, %dma_wait3A_739, %dma_wait3A_740] : memref<2x128x128xf32, #tpu.memory_space<vmem>> -> memref<1x128x128xf32, #tpu.memory_space<vmem>>
      %dma_wait3A_742 = tpu.memref_squeeze %dma_wait3A_741 : memref<1x128x128xf32, #tpu.memory_space<vmem>> -> memref<128x128xf32, #tpu.memory_space<vmem>>
      tpu.wait_dma2 semaphore(%arg17 : memref<!tpu.dma_semaphore, #tpu.memory_space<semaphore_mem>>) src(%dma_wait3A_742 : memref<128x128xf32, #tpu.memory_space<vmem>>) dst(%dma_wait3A_738 : memref<128x128xf32, #tpu.memory_space<hbm>>)
      %dma_start3A_743 = arith.constant 5 : i32
      %dma_start3A_744 = arith.constant 1 : i32
      %dma_start3A_745 = arith.constant 0 : i32
      %dma_start3A_746 = arith.constant 0 : i32
      %dma_start3A_747 = tpu.memref_slice %arg12[%dma_start3A_744, %dma_start3A_745, %dma_start3A_746] : memref<2x128x128xf32, #tpu.memory_space<vmem>> -> memref<1x128x128xf32, #tpu.memory_space<vmem>>
      %dma_start3A_748 = tpu.memref_squeeze %dma_start3A_747 : memref<1x128x128xf32, #tpu.memory_space<vmem>> -> memref<128x128xf32, #tpu.memory_space<vmem>>
      %dma_start3A_749 = arith.constant 0 : i32
      %dma_start3A_750 = tpu.memref_slice %arg9[%dma_start3A_743, %dma_start3A_749] : memref<16x128xi32, #tpu.memory_space<vmem>> -> memref<1x128xi32, #tpu.memory_space<vmem>>
      %dma_start3A_751 = tpu.memref_squeeze %dma_start3A_750 : memref<1x128xi32, #tpu.memory_space<vmem>> -> memref<128xi32, #tpu.memory_space<vmem>>
      %dma_start3A_752 = arith.constant 0 : i32
      %dma_start3A_753 = arith.constant 0 : i32
      %dma_start3A_754 = tpu.memref_slice %arg18[%dma_start3A_752, %dma_start3A_753] : memref<256x128xf32, #tpu.memory_space<vmem_shared>> -> memref<256x128xf32, #tpu.memory_space<vmem_shared>>
      tpu.enqueue_indirect_dma source(%dma_start3A_754 : memref<256x128xf32, #tpu.memory_space<vmem_shared>>) target(%dma_start3A_748 : memref<128x128xf32, #tpu.memory_space<vmem>>) offsets(%dma_start3A_751 : memref<128xi32, #tpu.memory_space<vmem>>) semaphore(%arg15 : memref<!tpu.dma_semaphore, #tpu.memory_space<semaphore_mem>>)
      %dma_start3A_755 = arith.constant 5 : i32
      %dma_start3A_756 = arith.constant 1 : i32
      %dma_start3A_757 = arith.constant 0 : i32
      %dma_start3A_758 = arith.constant 0 : i32
      %dma_start3A_759 = tpu.memref_slice %arg13[%dma_start3A_756, %dma_start3A_757, %dma_start3A_758] : memref<2x128x128xf32, #tpu.memory_space<vmem>> -> memref<1x128x128xf32, #tpu.memory_space<vmem>>
      %dma_start3A_760 = tpu.memref_squeeze %dma_start3A_759 : memref<1x128x128xf32, #tpu.memory_space<vmem>> -> memref<128x128xf32, #tpu.memory_space<vmem>>
      %dma_start3A_761 = arith.constant 0 : i32
      %dma_start3A_762 = tpu.memref_slice %arg10[%dma_start3A_755, %dma_start3A_761] : memref<16x128xi32, #tpu.memory_space<vmem>> -> memref<1x128xi32, #tpu.memory_space<vmem>>
      %dma_start3A_763 = tpu.memref_squeeze %dma_start3A_762 : memref<1x128xi32, #tpu.memory_space<vmem>> -> memref<128xi32, #tpu.memory_space<vmem>>
      %dma_start3A_764 = arith.constant 0 : i32
      %dma_start3A_765 = arith.constant 0 : i32
      %dma_start3A_766 = tpu.memref_slice %arg19[%dma_start3A_764, %dma_start3A_765] : memref<212x128xf32, #tpu.memory_space<vmem_shared>> -> memref<212x128xf32, #tpu.memory_space<vmem_shared>>
      tpu.enqueue_indirect_dma source(%dma_start3A_766 : memref<212x128xf32, #tpu.memory_space<vmem_shared>>) target(%dma_start3A_760 : memref<128x128xf32, #tpu.memory_space<vmem>>) offsets(%dma_start3A_763 : memref<128xi32, #tpu.memory_space<vmem>>) semaphore(%arg15 : memref<!tpu.dma_semaphore, #tpu.memory_space<semaphore_mem>>)
      %dma_start3A_767 = arith.constant 5 : i32
      %dma_start3A_768 = arith.constant 1 : i32
      %dma_start3A_769 = arith.constant 0 : i32
      %dma_start3A_770 = arith.constant 0 : i32
      %dma_start3A_771 = tpu.memref_slice %arg14[%dma_start3A_768, %dma_start3A_769, %dma_start3A_770] : memref<2x128x128xf32, #tpu.memory_space<vmem>> -> memref<1x128x128xf32, #tpu.memory_space<vmem>>
      %dma_start3A_772 = tpu.memref_squeeze %dma_start3A_771 : memref<1x128x128xf32, #tpu.memory_space<vmem>> -> memref<128x128xf32, #tpu.memory_space<vmem>>
      %dma_start3A_773 = arith.constant 0 : i32
      %dma_start3A_774 = tpu.memref_slice %arg11[%dma_start3A_767, %dma_start3A_773] : memref<16x128xi32, #tpu.memory_space<vmem>> -> memref<1x128xi32, #tpu.memory_space<vmem>>
      %dma_start3A_775 = tpu.memref_squeeze %dma_start3A_774 : memref<1x128xi32, #tpu.memory_space<vmem>> -> memref<128xi32, #tpu.memory_space<vmem>>
      %dma_start3A_776 = arith.constant 0 : i32
      %dma_start3A_777 = arith.constant 0 : i32
      %dma_start3A_778 = tpu.memref_slice %arg20[%dma_start3A_776, %dma_start3A_777] : memref<133x128xf32, #tpu.memory_space<vmem_shared>> -> memref<133x128xf32, #tpu.memory_space<vmem_shared>>
      tpu.enqueue_indirect_dma source(%dma_start3A_778 : memref<133x128xf32, #tpu.memory_space<vmem_shared>>) target(%dma_start3A_772 : memref<128x128xf32, #tpu.memory_space<vmem>>) offsets(%dma_start3A_775 : memref<128xi32, #tpu.memory_space<vmem>>) semaphore(%arg15 : memref<!tpu.dma_semaphore, #tpu.memory_space<semaphore_mem>>)
      %dma_wait3A_779 = arith.constant 5 : i32
      %dma_wait3A_780 = arith.constant 1 : i32
      %dma_wait3A_781 = arith.constant 0 : i32
      %dma_wait3A_782 = arith.constant 0 : i32
      %dma_wait3A_783 = tpu.memref_slice %arg12[%dma_wait3A_780, %dma_wait3A_781, %dma_wait3A_782] : memref<2x128x128xf32, #tpu.memory_space<vmem>> -> memref<1x128x128xf32, #tpu.memory_space<vmem>>
      %dma_wait3A_784 = tpu.memref_squeeze %dma_wait3A_783 : memref<1x128x128xf32, #tpu.memory_space<vmem>> -> memref<128x128xf32, #tpu.memory_space<vmem>>
      %dma_wait3A_785 = arith.constant 0 : i32
      %dma_wait3A_786 = tpu.memref_slice %arg9[%dma_wait3A_779, %dma_wait3A_785] : memref<16x128xi32, #tpu.memory_space<vmem>> -> memref<1x128xi32, #tpu.memory_space<vmem>>
      %dma_wait3A_787 = tpu.memref_squeeze %dma_wait3A_786 : memref<1x128xi32, #tpu.memory_space<vmem>> -> memref<128xi32, #tpu.memory_space<vmem>>
      %dma_wait3A_788 = arith.constant 0 : i32
      %dma_wait3A_789 = arith.constant 0 : i32
      %dma_wait3A_790 = tpu.memref_slice %arg18[%dma_wait3A_788, %dma_wait3A_789] : memref<256x128xf32, #tpu.memory_space<vmem_shared>> -> memref<256x128xf32, #tpu.memory_space<vmem_shared>>
      tpu.wait_indirect_dma semaphore(%arg15 : memref<!tpu.dma_semaphore, #tpu.memory_space<semaphore_mem>>) src(%dma_wait3A_790 : memref<256x128xf32, #tpu.memory_space<vmem_shared>>) dst(%dma_wait3A_784 : memref<128x128xf32, #tpu.memory_space<vmem>>)
      %dma_wait3A_791 = arith.constant 5 : i32
      %dma_wait3A_792 = arith.constant 1 : i32
      %dma_wait3A_793 = arith.constant 0 : i32
      %dma_wait3A_794 = arith.constant 0 : i32
      %dma_wait3A_795 = tpu.memref_slice %arg13[%dma_wait3A_792, %dma_wait3A_793, %dma_wait3A_794] : memref<2x128x128xf32, #tpu.memory_space<vmem>> -> memref<1x128x128xf32, #tpu.memory_space<vmem>>
      %dma_wait3A_796 = tpu.memref_squeeze %dma_wait3A_795 : memref<1x128x128xf32, #tpu.memory_space<vmem>> -> memref<128x128xf32, #tpu.memory_space<vmem>>
      %dma_wait3A_797 = arith.constant 0 : i32
      %dma_wait3A_798 = tpu.memref_slice %arg10[%dma_wait3A_791, %dma_wait3A_797] : memref<16x128xi32, #tpu.memory_space<vmem>> -> memref<1x128xi32, #tpu.memory_space<vmem>>
      %dma_wait3A_799 = tpu.memref_squeeze %dma_wait3A_798 : memref<1x128xi32, #tpu.memory_space<vmem>> -> memref<128xi32, #tpu.memory_space<vmem>>
      %dma_wait3A_800 = arith.constant 0 : i32
      %dma_wait3A_801 = arith.constant 0 : i32
      %dma_wait3A_802 = tpu.memref_slice %arg19[%dma_wait3A_800, %dma_wait3A_801] : memref<212x128xf32, #tpu.memory_space<vmem_shared>> -> memref<212x128xf32, #tpu.memory_space<vmem_shared>>
      tpu.wait_indirect_dma semaphore(%arg15 : memref<!tpu.dma_semaphore, #tpu.memory_space<semaphore_mem>>) src(%dma_wait3A_802 : memref<212x128xf32, #tpu.memory_space<vmem_shared>>) dst(%dma_wait3A_796 : memref<128x128xf32, #tpu.memory_space<vmem>>)
      %dma_wait3A_803 = arith.constant 5 : i32
      %dma_wait3A_804 = arith.constant 1 : i32
      %dma_wait3A_805 = arith.constant 0 : i32
      %dma_wait3A_806 = arith.constant 0 : i32
      %dma_wait3A_807 = tpu.memref_slice %arg14[%dma_wait3A_804, %dma_wait3A_805, %dma_wait3A_806] : memref<2x128x128xf32, #tpu.memory_space<vmem>> -> memref<1x128x128xf32, #tpu.memory_space<vmem>>
      %dma_wait3A_808 = tpu.memref_squeeze %dma_wait3A_807 : memref<1x128x128xf32, #tpu.memory_space<vmem>> -> memref<128x128xf32, #tpu.memory_space<vmem>>
      %dma_wait3A_809 = arith.constant 0 : i32
      %dma_wait3A_810 = tpu.memref_slice %arg11[%dma_wait3A_803, %dma_wait3A_809] : memref<16x128xi32, #tpu.memory_space<vmem>> -> memref<1x128xi32, #tpu.memory_space<vmem>>
      %dma_wait3A_811 = tpu.memref_squeeze %dma_wait3A_810 : memref<1x128xi32, #tpu.memory_space<vmem>> -> memref<128xi32, #tpu.memory_space<vmem>>
      %dma_wait3A_812 = arith.constant 0 : i32
      %dma_wait3A_813 = arith.constant 0 : i32
      %dma_wait3A_814 = tpu.memref_slice %arg20[%dma_wait3A_812, %dma_wait3A_813] : memref<133x128xf32, #tpu.memory_space<vmem_shared>> -> memref<133x128xf32, #tpu.memory_space<vmem_shared>>
      tpu.wait_indirect_dma semaphore(%arg15 : memref<!tpu.dma_semaphore, #tpu.memory_space<semaphore_mem>>) src(%dma_wait3A_814 : memref<133x128xf32, #tpu.memory_space<vmem_shared>>) dst(%dma_wait3A_808 : memref<128x128xf32, #tpu.memory_space<vmem>>)
      %add3A_815 = arith.constant 5 : i32
      %add3A_816 = arith.addi %add3A_13, %add3A_815 : i32
      %mul3A_817 = arith.constant 128 : i32
      %mul3A_818 = arith.muli %add3A_816, %mul3A_817 : i32
      %dma_start3A_819 = arith.constant 1 : i32
      %dma_start3A_820 = arith.constant 0 : i32
      %dma_start3A_821 = arith.constant 0 : i32
      %dma_start3A_822 = tpu.memref_slice %arg12[%dma_start3A_819, %dma_start3A_820, %dma_start3A_821] : memref<2x128x128xf32, #tpu.memory_space<vmem>> -> memref<1x128x128xf32, #tpu.memory_space<vmem>>
      %dma_start3A_823 = tpu.memref_squeeze %dma_start3A_822 : memref<1x128x128xf32, #tpu.memory_space<vmem>> -> memref<128x128xf32, #tpu.memory_space<vmem>>
      %dma_start3A_824 = arith.constant 0 : i32
      %dma_start3A_825 = tpu.memref_slice %arg8[%mul3A_818, %dma_start3A_824] : memref<3276800x384xf32, #tpu.memory_space<hbm>> -> memref<128x128xf32, #tpu.memory_space<hbm>>
      %dma_start3A_826 = arith.constant 0 : i32
      %dma_start3A_827 = tpu.memref_slice %arg8[%mul3A_818, %dma_start3A_826] : memref<3276800x384xf32, #tpu.memory_space<hbm>> -> memref<128x128xf32, #tpu.memory_space<hbm>>
      %dma_start3A_828 = arith.constant 0 : i32
      %dma_start3A_829 = arith.constant 0 : i32
      %dma_start3A_830 = tpu.memref_slice %arg12[%dma_start3A_819, %dma_start3A_828, %dma_start3A_829] : memref<2x128x128xf32, #tpu.memory_space<vmem>> -> memref<1x128x128xf32, #tpu.memory_space<vmem>>
      %dma_start3A_831 = tpu.memref_squeeze %dma_start3A_830 : memref<1x128x128xf32, #tpu.memory_space<vmem>> -> memref<128x128xf32, #tpu.memory_space<vmem>>
      tpu.enqueue_dma source(%dma_start3A_831 : memref<128x128xf32, #tpu.memory_space<vmem>>) target(%dma_start3A_827 : memref<128x128xf32, #tpu.memory_space<hbm>>) target_semaphore(%arg17 : memref<!tpu.dma_semaphore, #tpu.memory_space<semaphore_mem>>)
      %dma_start3A_832 = arith.constant 1 : i32
      %dma_start3A_833 = arith.constant 0 : i32
      %dma_start3A_834 = arith.constant 0 : i32
      %dma_start3A_835 = tpu.memref_slice %arg13[%dma_start3A_832, %dma_start3A_833, %dma_start3A_834] : memref<2x128x128xf32, #tpu.memory_space<vmem>> -> memref<1x128x128xf32, #tpu.memory_space<vmem>>
      %dma_start3A_836 = tpu.memref_squeeze %dma_start3A_835 : memref<1x128x128xf32, #tpu.memory_space<vmem>> -> memref<128x128xf32, #tpu.memory_space<vmem>>
      %dma_start3A_837 = arith.constant 128 : i32
      %dma_start3A_838 = tpu.memref_slice %arg8[%mul3A_818, %dma_start3A_837] : memref<3276800x384xf32, #tpu.memory_space<hbm>> -> memref<128x128xf32, #tpu.memory_space<hbm>>
      %dma_start3A_839 = arith.constant 128 : i32
      %dma_start3A_840 = tpu.memref_slice %arg8[%mul3A_818, %dma_start3A_839] : memref<3276800x384xf32, #tpu.memory_space<hbm>> -> memref<128x128xf32, #tpu.memory_space<hbm>>
      %dma_start3A_841 = arith.constant 0 : i32
      %dma_start3A_842 = arith.constant 0 : i32
      %dma_start3A_843 = tpu.memref_slice %arg13[%dma_start3A_832, %dma_start3A_841, %dma_start3A_842] : memref<2x128x128xf32, #tpu.memory_space<vmem>> -> memref<1x128x128xf32, #tpu.memory_space<vmem>>
      %dma_start3A_844 = tpu.memref_squeeze %dma_start3A_843 : memref<1x128x128xf32, #tpu.memory_space<vmem>> -> memref<128x128xf32, #tpu.memory_space<vmem>>
      tpu.enqueue_dma source(%dma_start3A_844 : memref<128x128xf32, #tpu.memory_space<vmem>>) target(%dma_start3A_840 : memref<128x128xf32, #tpu.memory_space<hbm>>) target_semaphore(%arg17 : memref<!tpu.dma_semaphore, #tpu.memory_space<semaphore_mem>>)
      %dma_start3A_845 = arith.constant 1 : i32
      %dma_start3A_846 = arith.constant 0 : i32
      %dma_start3A_847 = arith.constant 0 : i32
      %dma_start3A_848 = tpu.memref_slice %arg14[%dma_start3A_845, %dma_start3A_846, %dma_start3A_847] : memref<2x128x128xf32, #tpu.memory_space<vmem>> -> memref<1x128x128xf32, #tpu.memory_space<vmem>>
      %dma_start3A_849 = tpu.memref_squeeze %dma_start3A_848 : memref<1x128x128xf32, #tpu.memory_space<vmem>> -> memref<128x128xf32, #tpu.memory_space<vmem>>
      %dma_start3A_850 = arith.constant 256 : i32
      %dma_start3A_851 = tpu.memref_slice %arg8[%mul3A_818, %dma_start3A_850] : memref<3276800x384xf32, #tpu.memory_space<hbm>> -> memref<128x128xf32, #tpu.memory_space<hbm>>
      %dma_start3A_852 = arith.constant 256 : i32
      %dma_start3A_853 = tpu.memref_slice %arg8[%mul3A_818, %dma_start3A_852] : memref<3276800x384xf32, #tpu.memory_space<hbm>> -> memref<128x128xf32, #tpu.memory_space<hbm>>
      %dma_start3A_854 = arith.constant 0 : i32
      %dma_start3A_855 = arith.constant 0 : i32
      %dma_start3A_856 = tpu.memref_slice %arg14[%dma_start3A_845, %dma_start3A_854, %dma_start3A_855] : memref<2x128x128xf32, #tpu.memory_space<vmem>> -> memref<1x128x128xf32, #tpu.memory_space<vmem>>
      %dma_start3A_857 = tpu.memref_squeeze %dma_start3A_856 : memref<1x128x128xf32, #tpu.memory_space<vmem>> -> memref<128x128xf32, #tpu.memory_space<vmem>>
      tpu.enqueue_dma source(%dma_start3A_857 : memref<128x128xf32, #tpu.memory_space<vmem>>) target(%dma_start3A_853 : memref<128x128xf32, #tpu.memory_space<hbm>>) target_semaphore(%arg17 : memref<!tpu.dma_semaphore, #tpu.memory_space<semaphore_mem>>)
      %dma_wait3A_858 = arith.constant 0 : i32
      %dma_wait3A_859 = arith.constant 0 : i32
      %dma_wait3A_860 = arith.constant 0 : i32
      %dma_wait3A_861 = tpu.memref_slice %arg12[%dma_wait3A_858, %dma_wait3A_859, %dma_wait3A_860] : memref<2x128x128xf32, #tpu.memory_space<vmem>> -> memref<1x128x128xf32, #tpu.memory_space<vmem>>
      %dma_wait3A_862 = tpu.memref_squeeze %dma_wait3A_861 : memref<1x128x128xf32, #tpu.memory_space<vmem>> -> memref<128x128xf32, #tpu.memory_space<vmem>>
      %dma_wait3A_863 = arith.constant 0 : i32
      %dma_wait3A_864 = tpu.memref_slice %arg8[%mul3A_664, %dma_wait3A_863] : memref<3276800x384xf32, #tpu.memory_space<hbm>> -> memref<128x128xf32, #tpu.memory_space<hbm>>
      %dma_wait3A_865 = arith.constant 0 : i32
      %dma_wait3A_866 = tpu.memref_slice %arg8[%mul3A_664, %dma_wait3A_865] : memref<3276800x384xf32, #tpu.memory_space<hbm>> -> memref<128x128xf32, #tpu.memory_space<hbm>>
      %dma_wait3A_867 = arith.constant 0 : i32
      %dma_wait3A_868 = arith.constant 0 : i32
      %dma_wait3A_869 = tpu.memref_slice %arg12[%dma_wait3A_858, %dma_wait3A_867, %dma_wait3A_868] : memref<2x128x128xf32, #tpu.memory_space<vmem>> -> memref<1x128x128xf32, #tpu.memory_space<vmem>>
      %dma_wait3A_870 = tpu.memref_squeeze %dma_wait3A_869 : memref<1x128x128xf32, #tpu.memory_space<vmem>> -> memref<128x128xf32, #tpu.memory_space<vmem>>
      tpu.wait_dma2 semaphore(%arg16 : memref<!tpu.dma_semaphore, #tpu.memory_space<semaphore_mem>>) src(%dma_wait3A_870 : memref<128x128xf32, #tpu.memory_space<vmem>>) dst(%dma_wait3A_866 : memref<128x128xf32, #tpu.memory_space<hbm>>)
      %dma_wait3A_871 = arith.constant 0 : i32
      %dma_wait3A_872 = arith.constant 0 : i32
      %dma_wait3A_873 = arith.constant 0 : i32
      %dma_wait3A_874 = tpu.memref_slice %arg13[%dma_wait3A_871, %dma_wait3A_872, %dma_wait3A_873] : memref<2x128x128xf32, #tpu.memory_space<vmem>> -> memref<1x128x128xf32, #tpu.memory_space<vmem>>
      %dma_wait3A_875 = tpu.memref_squeeze %dma_wait3A_874 : memref<1x128x128xf32, #tpu.memory_space<vmem>> -> memref<128x128xf32, #tpu.memory_space<vmem>>
      %dma_wait3A_876 = arith.constant 128 : i32
      %dma_wait3A_877 = tpu.memref_slice %arg8[%mul3A_664, %dma_wait3A_876] : memref<3276800x384xf32, #tpu.memory_space<hbm>> -> memref<128x128xf32, #tpu.memory_space<hbm>>
      %dma_wait3A_878 = arith.constant 128 : i32
      %dma_wait3A_879 = tpu.memref_slice %arg8[%mul3A_664, %dma_wait3A_878] : memref<3276800x384xf32, #tpu.memory_space<hbm>> -> memref<128x128xf32, #tpu.memory_space<hbm>>
      %dma_wait3A_880 = arith.constant 0 : i32
      %dma_wait3A_881 = arith.constant 0 : i32
      %dma_wait3A_882 = tpu.memref_slice %arg13[%dma_wait3A_871, %dma_wait3A_880, %dma_wait3A_881] : memref<2x128x128xf32, #tpu.memory_space<vmem>> -> memref<1x128x128xf32, #tpu.memory_space<vmem>>
      %dma_wait3A_883 = tpu.memref_squeeze %dma_wait3A_882 : memref<1x128x128xf32, #tpu.memory_space<vmem>> -> memref<128x128xf32, #tpu.memory_space<vmem>>
      tpu.wait_dma2 semaphore(%arg16 : memref<!tpu.dma_semaphore, #tpu.memory_space<semaphore_mem>>) src(%dma_wait3A_883 : memref<128x128xf32, #tpu.memory_space<vmem>>) dst(%dma_wait3A_879 : memref<128x128xf32, #tpu.memory_space<hbm>>)
      %dma_wait3A_884 = arith.constant 0 : i32
      %dma_wait3A_885 = arith.constant 0 : i32
      %dma_wait3A_886 = arith.constant 0 : i32
      %dma_wait3A_887 = tpu.memref_slice %arg14[%dma_wait3A_884, %dma_wait3A_885, %dma_wait3A_886] : memref<2x128x128xf32, #tpu.memory_space<vmem>> -> memref<1x128x128xf32, #tpu.memory_space<vmem>>
      %dma_wait3A_888 = tpu.memref_squeeze %dma_wait3A_887 : memref<1x128x128xf32, #tpu.memory_space<vmem>> -> memref<128x128xf32, #tpu.memory_space<vmem>>
      %dma_wait3A_889 = arith.constant 256 : i32
      %dma_wait3A_890 = tpu.memref_slice %arg8[%mul3A_664, %dma_wait3A_889] : memref<3276800x384xf32, #tpu.memory_space<hbm>> -> memref<128x128xf32, #tpu.memory_space<hbm>>
      %dma_wait3A_891 = arith.constant 256 : i32
      %dma_wait3A_892 = tpu.memref_slice %arg8[%mul3A_664, %dma_wait3A_891] : memref<3276800x384xf32, #tpu.memory_space<hbm>> -> memref<128x128xf32, #tpu.memory_space<hbm>>
      %dma_wait3A_893 = arith.constant 0 : i32
      %dma_wait3A_894 = arith.constant 0 : i32
      %dma_wait3A_895 = tpu.memref_slice %arg14[%dma_wait3A_884, %dma_wait3A_893, %dma_wait3A_894] : memref<2x128x128xf32, #tpu.memory_space<vmem>> -> memref<1x128x128xf32, #tpu.memory_space<vmem>>
      %dma_wait3A_896 = tpu.memref_squeeze %dma_wait3A_895 : memref<1x128x128xf32, #tpu.memory_space<vmem>> -> memref<128x128xf32, #tpu.memory_space<vmem>>
      tpu.wait_dma2 semaphore(%arg16 : memref<!tpu.dma_semaphore, #tpu.memory_space<semaphore_mem>>) src(%dma_wait3A_896 : memref<128x128xf32, #tpu.memory_space<vmem>>) dst(%dma_wait3A_892 : memref<128x128xf32, #tpu.memory_space<hbm>>)
      %dma_start3A_897 = arith.constant 6 : i32
      %dma_start3A_898 = arith.constant 0 : i32
      %dma_start3A_899 = arith.constant 0 : i32
      %dma_start3A_900 = arith.constant 0 : i32
      %dma_start3A_901 = tpu.memref_slice %arg12[%dma_start3A_898, %dma_start3A_899, %dma_start3A_900] : memref<2x128x128xf32, #tpu.memory_space<vmem>> -> memref<1x128x128xf32, #tpu.memory_space<vmem>>
      %dma_start3A_902 = tpu.memref_squeeze %dma_start3A_901 : memref<1x128x128xf32, #tpu.memory_space<vmem>> -> memref<128x128xf32, #tpu.memory_space<vmem>>
      %dma_start3A_903 = arith.constant 0 : i32
      %dma_start3A_904 = tpu.memref_slice %arg9[%dma_start3A_897, %dma_start3A_903] : memref<16x128xi32, #tpu.memory_space<vmem>> -> memref<1x128xi32, #tpu.memory_space<vmem>>
      %dma_start3A_905 = tpu.memref_squeeze %dma_start3A_904 : memref<1x128xi32, #tpu.memory_space<vmem>> -> memref<128xi32, #tpu.memory_space<vmem>>
      %dma_start3A_906 = arith.constant 0 : i32
      %dma_start3A_907 = arith.constant 0 : i32
      %dma_start3A_908 = tpu.memref_slice %arg18[%dma_start3A_906, %dma_start3A_907] : memref<256x128xf32, #tpu.memory_space<vmem_shared>> -> memref<256x128xf32, #tpu.memory_space<vmem_shared>>
      tpu.enqueue_indirect_dma source(%dma_start3A_908 : memref<256x128xf32, #tpu.memory_space<vmem_shared>>) target(%dma_start3A_902 : memref<128x128xf32, #tpu.memory_space<vmem>>) offsets(%dma_start3A_905 : memref<128xi32, #tpu.memory_space<vmem>>) semaphore(%arg15 : memref<!tpu.dma_semaphore, #tpu.memory_space<semaphore_mem>>)
      %dma_start3A_909 = arith.constant 6 : i32
      %dma_start3A_910 = arith.constant 0 : i32
      %dma_start3A_911 = arith.constant 0 : i32
      %dma_start3A_912 = arith.constant 0 : i32
      %dma_start3A_913 = tpu.memref_slice %arg13[%dma_start3A_910, %dma_start3A_911, %dma_start3A_912] : memref<2x128x128xf32, #tpu.memory_space<vmem>> -> memref<1x128x128xf32, #tpu.memory_space<vmem>>
      %dma_start3A_914 = tpu.memref_squeeze %dma_start3A_913 : memref<1x128x128xf32, #tpu.memory_space<vmem>> -> memref<128x128xf32, #tpu.memory_space<vmem>>
      %dma_start3A_915 = arith.constant 0 : i32
      %dma_start3A_916 = tpu.memref_slice %arg10[%dma_start3A_909, %dma_start3A_915] : memref<16x128xi32, #tpu.memory_space<vmem>> -> memref<1x128xi32, #tpu.memory_space<vmem>>
      %dma_start3A_917 = tpu.memref_squeeze %dma_start3A_916 : memref<1x128xi32, #tpu.memory_space<vmem>> -> memref<128xi32, #tpu.memory_space<vmem>>
      %dma_start3A_918 = arith.constant 0 : i32
      %dma_start3A_919 = arith.constant 0 : i32
      %dma_start3A_920 = tpu.memref_slice %arg19[%dma_start3A_918, %dma_start3A_919] : memref<212x128xf32, #tpu.memory_space<vmem_shared>> -> memref<212x128xf32, #tpu.memory_space<vmem_shared>>
      tpu.enqueue_indirect_dma source(%dma_start3A_920 : memref<212x128xf32, #tpu.memory_space<vmem_shared>>) target(%dma_start3A_914 : memref<128x128xf32, #tpu.memory_space<vmem>>) offsets(%dma_start3A_917 : memref<128xi32, #tpu.memory_space<vmem>>) semaphore(%arg15 : memref<!tpu.dma_semaphore, #tpu.memory_space<semaphore_mem>>)
      %dma_start3A_921 = arith.constant 6 : i32
      %dma_start3A_922 = arith.constant 0 : i32
      %dma_start3A_923 = arith.constant 0 : i32
      %dma_start3A_924 = arith.constant 0 : i32
      %dma_start3A_925 = tpu.memref_slice %arg14[%dma_start3A_922, %dma_start3A_923, %dma_start3A_924] : memref<2x128x128xf32, #tpu.memory_space<vmem>> -> memref<1x128x128xf32, #tpu.memory_space<vmem>>
      %dma_start3A_926 = tpu.memref_squeeze %dma_start3A_925 : memref<1x128x128xf32, #tpu.memory_space<vmem>> -> memref<128x128xf32, #tpu.memory_space<vmem>>
      %dma_start3A_927 = arith.constant 0 : i32
      %dma_start3A_928 = tpu.memref_slice %arg11[%dma_start3A_921, %dma_start3A_927] : memref<16x128xi32, #tpu.memory_space<vmem>> -> memref<1x128xi32, #tpu.memory_space<vmem>>
      %dma_start3A_929 = tpu.memref_squeeze %dma_start3A_928 : memref<1x128xi32, #tpu.memory_space<vmem>> -> memref<128xi32, #tpu.memory_space<vmem>>
      %dma_start3A_930 = arith.constant 0 : i32
      %dma_start3A_931 = arith.constant 0 : i32
      %dma_start3A_932 = tpu.memref_slice %arg20[%dma_start3A_930, %dma_start3A_931] : memref<133x128xf32, #tpu.memory_space<vmem_shared>> -> memref<133x128xf32, #tpu.memory_space<vmem_shared>>
      tpu.enqueue_indirect_dma source(%dma_start3A_932 : memref<133x128xf32, #tpu.memory_space<vmem_shared>>) target(%dma_start3A_926 : memref<128x128xf32, #tpu.memory_space<vmem>>) offsets(%dma_start3A_929 : memref<128xi32, #tpu.memory_space<vmem>>) semaphore(%arg15 : memref<!tpu.dma_semaphore, #tpu.memory_space<semaphore_mem>>)
      %dma_wait3A_933 = arith.constant 6 : i32
      %dma_wait3A_934 = arith.constant 0 : i32
      %dma_wait3A_935 = arith.constant 0 : i32
      %dma_wait3A_936 = arith.constant 0 : i32
      %dma_wait3A_937 = tpu.memref_slice %arg12[%dma_wait3A_934, %dma_wait3A_935, %dma_wait3A_936] : memref<2x128x128xf32, #tpu.memory_space<vmem>> -> memref<1x128x128xf32, #tpu.memory_space<vmem>>
      %dma_wait3A_938 = tpu.memref_squeeze %dma_wait3A_937 : memref<1x128x128xf32, #tpu.memory_space<vmem>> -> memref<128x128xf32, #tpu.memory_space<vmem>>
      %dma_wait3A_939 = arith.constant 0 : i32
      %dma_wait3A_940 = tpu.memref_slice %arg9[%dma_wait3A_933, %dma_wait3A_939] : memref<16x128xi32, #tpu.memory_space<vmem>> -> memref<1x128xi32, #tpu.memory_space<vmem>>
      %dma_wait3A_941 = tpu.memref_squeeze %dma_wait3A_940 : memref<1x128xi32, #tpu.memory_space<vmem>> -> memref<128xi32, #tpu.memory_space<vmem>>
      %dma_wait3A_942 = arith.constant 0 : i32
      %dma_wait3A_943 = arith.constant 0 : i32
      %dma_wait3A_944 = tpu.memref_slice %arg18[%dma_wait3A_942, %dma_wait3A_943] : memref<256x128xf32, #tpu.memory_space<vmem_shared>> -> memref<256x128xf32, #tpu.memory_space<vmem_shared>>
      tpu.wait_indirect_dma semaphore(%arg15 : memref<!tpu.dma_semaphore, #tpu.memory_space<semaphore_mem>>) src(%dma_wait3A_944 : memref<256x128xf32, #tpu.memory_space<vmem_shared>>) dst(%dma_wait3A_938 : memref<128x128xf32, #tpu.memory_space<vmem>>)
      %dma_wait3A_945 = arith.constant 6 : i32
      %dma_wait3A_946 = arith.constant 0 : i32
      %dma_wait3A_947 = arith.constant 0 : i32
      %dma_wait3A_948 = arith.constant 0 : i32
      %dma_wait3A_949 = tpu.memref_slice %arg13[%dma_wait3A_946, %dma_wait3A_947, %dma_wait3A_948] : memref<2x128x128xf32, #tpu.memory_space<vmem>> -> memref<1x128x128xf32, #tpu.memory_space<vmem>>
      %dma_wait3A_950 = tpu.memref_squeeze %dma_wait3A_949 : memref<1x128x128xf32, #tpu.memory_space<vmem>> -> memref<128x128xf32, #tpu.memory_space<vmem>>
      %dma_wait3A_951 = arith.constant 0 : i32
      %dma_wait3A_952 = tpu.memref_slice %arg10[%dma_wait3A_945, %dma_wait3A_951] : memref<16x128xi32, #tpu.memory_space<vmem>> -> memref<1x128xi32, #tpu.memory_space<vmem>>
      %dma_wait3A_953 = tpu.memref_squeeze %dma_wait3A_952 : memref<1x128xi32, #tpu.memory_space<vmem>> -> memref<128xi32, #tpu.memory_space<vmem>>
      %dma_wait3A_954 = arith.constant 0 : i32
      %dma_wait3A_955 = arith.constant 0 : i32
      %dma_wait3A_956 = tpu.memref_slice %arg19[%dma_wait3A_954, %dma_wait3A_955] : memref<212x128xf32, #tpu.memory_space<vmem_shared>> -> memref<212x128xf32, #tpu.memory_space<vmem_shared>>
      tpu.wait_indirect_dma semaphore(%arg15 : memref<!tpu.dma_semaphore, #tpu.memory_space<semaphore_mem>>) src(%dma_wait3A_956 : memref<212x128xf32, #tpu.memory_space<vmem_shared>>) dst(%dma_wait3A_950 : memref<128x128xf32, #tpu.memory_space<vmem>>)
      %dma_wait3A_957 = arith.constant 6 : i32
      %dma_wait3A_958 = arith.constant 0 : i32
      %dma_wait3A_959 = arith.constant 0 : i32
      %dma_wait3A_960 = arith.constant 0 : i32
      %dma_wait3A_961 = tpu.memref_slice %arg14[%dma_wait3A_958, %dma_wait3A_959, %dma_wait3A_960] : memref<2x128x128xf32, #tpu.memory_space<vmem>> -> memref<1x128x128xf32, #tpu.memory_space<vmem>>
      %dma_wait3A_962 = tpu.memref_squeeze %dma_wait3A_961 : memref<1x128x128xf32, #tpu.memory_space<vmem>> -> memref<128x128xf32, #tpu.memory_space<vmem>>
      %dma_wait3A_963 = arith.constant 0 : i32
      %dma_wait3A_964 = tpu.memref_slice %arg11[%dma_wait3A_957, %dma_wait3A_963] : memref<16x128xi32, #tpu.memory_space<vmem>> -> memref<1x128xi32, #tpu.memory_space<vmem>>
      %dma_wait3A_965 = tpu.memref_squeeze %dma_wait3A_964 : memref<1x128xi32, #tpu.memory_space<vmem>> -> memref<128xi32, #tpu.memory_space<vmem>>
      %dma_wait3A_966 = arith.constant 0 : i32
      %dma_wait3A_967 = arith.constant 0 : i32
      %dma_wait3A_968 = tpu.memref_slice %arg20[%dma_wait3A_966, %dma_wait3A_967] : memref<133x128xf32, #tpu.memory_space<vmem_shared>> -> memref<133x128xf32, #tpu.memory_space<vmem_shared>>
      tpu.wait_indirect_dma semaphore(%arg15 : memref<!tpu.dma_semaphore, #tpu.memory_space<semaphore_mem>>) src(%dma_wait3A_968 : memref<133x128xf32, #tpu.memory_space<vmem_shared>>) dst(%dma_wait3A_962 : memref<128x128xf32, #tpu.memory_space<vmem>>)
      %add3A_969 = arith.constant 6 : i32
      %add3A_970 = arith.addi %add3A_13, %add3A_969 : i32
      %mul3A_971 = arith.constant 128 : i32
      %mul3A_972 = arith.muli %add3A_970, %mul3A_971 : i32
      %dma_start3A_973 = arith.constant 0 : i32
      %dma_start3A_974 = arith.constant 0 : i32
      %dma_start3A_975 = arith.constant 0 : i32
      %dma_start3A_976 = tpu.memref_slice %arg12[%dma_start3A_973, %dma_start3A_974, %dma_start3A_975] : memref<2x128x128xf32, #tpu.memory_space<vmem>> -> memref<1x128x128xf32, #tpu.memory_space<vmem>>
      %dma_start3A_977 = tpu.memref_squeeze %dma_start3A_976 : memref<1x128x128xf32, #tpu.memory_space<vmem>> -> memref<128x128xf32, #tpu.memory_space<vmem>>
      %dma_start3A_978 = arith.constant 0 : i32
      %dma_start3A_979 = tpu.memref_slice %arg8[%mul3A_972, %dma_start3A_978] : memref<3276800x384xf32, #tpu.memory_space<hbm>> -> memref<128x128xf32, #tpu.memory_space<hbm>>
      %dma_start3A_980 = arith.constant 0 : i32
      %dma_start3A_981 = tpu.memref_slice %arg8[%mul3A_972, %dma_start3A_980] : memref<3276800x384xf32, #tpu.memory_space<hbm>> -> memref<128x128xf32, #tpu.memory_space<hbm>>
      %dma_start3A_982 = arith.constant 0 : i32
      %dma_start3A_983 = arith.constant 0 : i32
      %dma_start3A_984 = tpu.memref_slice %arg12[%dma_start3A_973, %dma_start3A_982, %dma_start3A_983] : memref<2x128x128xf32, #tpu.memory_space<vmem>> -> memref<1x128x128xf32, #tpu.memory_space<vmem>>
      %dma_start3A_985 = tpu.memref_squeeze %dma_start3A_984 : memref<1x128x128xf32, #tpu.memory_space<vmem>> -> memref<128x128xf32, #tpu.memory_space<vmem>>
      tpu.enqueue_dma source(%dma_start3A_985 : memref<128x128xf32, #tpu.memory_space<vmem>>) target(%dma_start3A_981 : memref<128x128xf32, #tpu.memory_space<hbm>>) target_semaphore(%arg16 : memref<!tpu.dma_semaphore, #tpu.memory_space<semaphore_mem>>)
      %dma_start3A_986 = arith.constant 0 : i32
      %dma_start3A_987 = arith.constant 0 : i32
      %dma_start3A_988 = arith.constant 0 : i32
      %dma_start3A_989 = tpu.memref_slice %arg13[%dma_start3A_986, %dma_start3A_987, %dma_start3A_988] : memref<2x128x128xf32, #tpu.memory_space<vmem>> -> memref<1x128x128xf32, #tpu.memory_space<vmem>>
      %dma_start3A_990 = tpu.memref_squeeze %dma_start3A_989 : memref<1x128x128xf32, #tpu.memory_space<vmem>> -> memref<128x128xf32, #tpu.memory_space<vmem>>
      %dma_start3A_991 = arith.constant 128 : i32
      %dma_start3A_992 = tpu.memref_slice %arg8[%mul3A_972, %dma_start3A_991] : memref<3276800x384xf32, #tpu.memory_space<hbm>> -> memref<128x128xf32, #tpu.memory_space<hbm>>
      %dma_start3A_993 = arith.constant 128 : i32
      %dma_start3A_994 = tpu.memref_slice %arg8[%mul3A_972, %dma_start3A_993] : memref<3276800x384xf32, #tpu.memory_space<hbm>> -> memref<128x128xf32, #tpu.memory_space<hbm>>
      %dma_start3A_995 = arith.constant 0 : i32
      %dma_start3A_996 = arith.constant 0 : i32
      %dma_start3A_997 = tpu.memref_slice %arg13[%dma_start3A_986, %dma_start3A_995, %dma_start3A_996] : memref<2x128x128xf32, #tpu.memory_space<vmem>> -> memref<1x128x128xf32, #tpu.memory_space<vmem>>
      %dma_start3A_998 = tpu.memref_squeeze %dma_start3A_997 : memref<1x128x128xf32, #tpu.memory_space<vmem>> -> memref<128x128xf32, #tpu.memory_space<vmem>>
      tpu.enqueue_dma source(%dma_start3A_998 : memref<128x128xf32, #tpu.memory_space<vmem>>) target(%dma_start3A_994 : memref<128x128xf32, #tpu.memory_space<hbm>>) target_semaphore(%arg16 : memref<!tpu.dma_semaphore, #tpu.memory_space<semaphore_mem>>)
      %dma_start3A_999 = arith.constant 0 : i32
      %dma_start3A_1000 = arith.constant 0 : i32
      %dma_start3A_1001 = arith.constant 0 : i32
      %dma_start3A_1002 = tpu.memref_slice %arg14[%dma_start3A_999, %dma_start3A_1000, %dma_start3A_1001] : memref<2x128x128xf32, #tpu.memory_space<vmem>> -> memref<1x128x128xf32, #tpu.memory_space<vmem>>
      %dma_start3A_1003 = tpu.memref_squeeze %dma_start3A_1002 : memref<1x128x128xf32, #tpu.memory_space<vmem>> -> memref<128x128xf32, #tpu.memory_space<vmem>>
      %dma_start3A_1004 = arith.constant 256 : i32
      %dma_start3A_1005 = tpu.memref_slice %arg8[%mul3A_972, %dma_start3A_1004] : memref<3276800x384xf32, #tpu.memory_space<hbm>> -> memref<128x128xf32, #tpu.memory_space<hbm>>
      %dma_start3A_1006 = arith.constant 256 : i32
      %dma_start3A_1007 = tpu.memref_slice %arg8[%mul3A_972, %dma_start3A_1006] : memref<3276800x384xf32, #tpu.memory_space<hbm>> -> memref<128x128xf32, #tpu.memory_space<hbm>>
      %dma_start3A_1008 = arith.constant 0 : i32
      %dma_start3A_1009 = arith.constant 0 : i32
      %dma_start3A_1010 = tpu.memref_slice %arg14[%dma_start3A_999, %dma_start3A_1008, %dma_start3A_1009] : memref<2x128x128xf32, #tpu.memory_space<vmem>> -> memref<1x128x128xf32, #tpu.memory_space<vmem>>
      %dma_start3A_1011 = tpu.memref_squeeze %dma_start3A_1010 : memref<1x128x128xf32, #tpu.memory_space<vmem>> -> memref<128x128xf32, #tpu.memory_space<vmem>>
      tpu.enqueue_dma source(%dma_start3A_1011 : memref<128x128xf32, #tpu.memory_space<vmem>>) target(%dma_start3A_1007 : memref<128x128xf32, #tpu.memory_space<hbm>>) target_semaphore(%arg16 : memref<!tpu.dma_semaphore, #tpu.memory_space<semaphore_mem>>)
      %dma_wait3A_1012 = arith.constant 1 : i32
      %dma_wait3A_1013 = arith.constant 0 : i32
      %dma_wait3A_1014 = arith.constant 0 : i32
      %dma_wait3A_1015 = tpu.memref_slice %arg12[%dma_wait3A_1012, %dma_wait3A_1013, %dma_wait3A_1014] : memref<2x128x128xf32, #tpu.memory_space<vmem>> -> memref<1x128x128xf32, #tpu.memory_space<vmem>>
      %dma_wait3A_1016 = tpu.memref_squeeze %dma_wait3A_1015 : memref<1x128x128xf32, #tpu.memory_space<vmem>> -> memref<128x128xf32, #tpu.memory_space<vmem>>
      %dma_wait3A_1017 = arith.constant 0 : i32
      %dma_wait3A_1018 = tpu.memref_slice %arg8[%mul3A_818, %dma_wait3A_1017] : memref<3276800x384xf32, #tpu.memory_space<hbm>> -> memref<128x128xf32, #tpu.memory_space<hbm>>
      %dma_wait3A_1019 = arith.constant 0 : i32
      %dma_wait3A_1020 = tpu.memref_slice %arg8[%mul3A_818, %dma_wait3A_1019] : memref<3276800x384xf32, #tpu.memory_space<hbm>> -> memref<128x128xf32, #tpu.memory_space<hbm>>
      %dma_wait3A_1021 = arith.constant 0 : i32
      %dma_wait3A_1022 = arith.constant 0 : i32
      %dma_wait3A_1023 = tpu.memref_slice %arg12[%dma_wait3A_1012, %dma_wait3A_1021, %dma_wait3A_1022] : memref<2x128x128xf32, #tpu.memory_space<vmem>> -> memref<1x128x128xf32, #tpu.memory_space<vmem>>
      %dma_wait3A_1024 = tpu.memref_squeeze %dma_wait3A_1023 : memref<1x128x128xf32, #tpu.memory_space<vmem>> -> memref<128x128xf32, #tpu.memory_space<vmem>>
      tpu.wait_dma2 semaphore(%arg17 : memref<!tpu.dma_semaphore, #tpu.memory_space<semaphore_mem>>) src(%dma_wait3A_1024 : memref<128x128xf32, #tpu.memory_space<vmem>>) dst(%dma_wait3A_1020 : memref<128x128xf32, #tpu.memory_space<hbm>>)
      %dma_wait3A_1025 = arith.constant 1 : i32
      %dma_wait3A_1026 = arith.constant 0 : i32
      %dma_wait3A_1027 = arith.constant 0 : i32
      %dma_wait3A_1028 = tpu.memref_slice %arg13[%dma_wait3A_1025, %dma_wait3A_1026, %dma_wait3A_1027] : memref<2x128x128xf32, #tpu.memory_space<vmem>> -> memref<1x128x128xf32, #tpu.memory_space<vmem>>
      %dma_wait3A_1029 = tpu.memref_squeeze %dma_wait3A_1028 : memref<1x128x128xf32, #tpu.memory_space<vmem>> -> memref<128x128xf32, #tpu.memory_space<vmem>>
      %dma_wait3A_1030 = arith.constant 128 : i32
      %dma_wait3A_1031 = tpu.memref_slice %arg8[%mul3A_818, %dma_wait3A_1030] : memref<3276800x384xf32, #tpu.memory_space<hbm>> -> memref<128x128xf32, #tpu.memory_space<hbm>>
      %dma_wait3A_1032 = arith.constant 128 : i32
      %dma_wait3A_1033 = tpu.memref_slice %arg8[%mul3A_818, %dma_wait3A_1032] : memref<3276800x384xf32, #tpu.memory_space<hbm>> -> memref<128x128xf32, #tpu.memory_space<hbm>>
      %dma_wait3A_1034 = arith.constant 0 : i32
      %dma_wait3A_1035 = arith.constant 0 : i32
      %dma_wait3A_1036 = tpu.memref_slice %arg13[%dma_wait3A_1025, %dma_wait3A_1034, %dma_wait3A_1035] : memref<2x128x128xf32, #tpu.memory_space<vmem>> -> memref<1x128x128xf32, #tpu.memory_space<vmem>>
      %dma_wait3A_1037 = tpu.memref_squeeze %dma_wait3A_1036 : memref<1x128x128xf32, #tpu.memory_space<vmem>> -> memref<128x128xf32, #tpu.memory_space<vmem>>
      tpu.wait_dma2 semaphore(%arg17 : memref<!tpu.dma_semaphore, #tpu.memory_space<semaphore_mem>>) src(%dma_wait3A_1037 : memref<128x128xf32, #tpu.memory_space<vmem>>) dst(%dma_wait3A_1033 : memref<128x128xf32, #tpu.memory_space<hbm>>)
      %dma_wait3A_1038 = arith.constant 1 : i32
      %dma_wait3A_1039 = arith.constant 0 : i32
      %dma_wait3A_1040 = arith.constant 0 : i32
      %dma_wait3A_1041 = tpu.memref_slice %arg14[%dma_wait3A_1038, %dma_wait3A_1039, %dma_wait3A_1040] : memref<2x128x128xf32, #tpu.memory_space<vmem>> -> memref<1x128x128xf32, #tpu.memory_space<vmem>>
      %dma_wait3A_1042 = tpu.memref_squeeze %dma_wait3A_1041 : memref<1x128x128xf32, #tpu.memory_space<vmem>> -> memref<128x128xf32, #tpu.memory_space<vmem>>
      %dma_wait3A_1043 = arith.constant 256 : i32
      %dma_wait3A_1044 = tpu.memref_slice %arg8[%mul3A_818, %dma_wait3A_1043] : memref<3276800x384xf32, #tpu.memory_space<hbm>> -> memref<128x128xf32, #tpu.memory_space<hbm>>
      %dma_wait3A_1045 = arith.constant 256 : i32
      %dma_wait3A_1046 = tpu.memref_slice %arg8[%mul3A_818, %dma_wait3A_1045] : memref<3276800x384xf32, #tpu.memory_space<hbm>> -> memref<128x128xf32, #tpu.memory_space<hbm>>
      %dma_wait3A_1047 = arith.constant 0 : i32
      %dma_wait3A_1048 = arith.constant 0 : i32
      %dma_wait3A_1049 = tpu.memref_slice %arg14[%dma_wait3A_1038, %dma_wait3A_1047, %dma_wait3A_1048] : memref<2x128x128xf32, #tpu.memory_space<vmem>> -> memref<1x128x128xf32, #tpu.memory_space<vmem>>
      %dma_wait3A_1050 = tpu.memref_squeeze %dma_wait3A_1049 : memref<1x128x128xf32, #tpu.memory_space<vmem>> -> memref<128x128xf32, #tpu.memory_space<vmem>>
      tpu.wait_dma2 semaphore(%arg17 : memref<!tpu.dma_semaphore, #tpu.memory_space<semaphore_mem>>) src(%dma_wait3A_1050 : memref<128x128xf32, #tpu.memory_space<vmem>>) dst(%dma_wait3A_1046 : memref<128x128xf32, #tpu.memory_space<hbm>>)
      %dma_start3A_1051 = arith.constant 7 : i32
      %dma_start3A_1052 = arith.constant 1 : i32
      %dma_start3A_1053 = arith.constant 0 : i32
      %dma_start3A_1054 = arith.constant 0 : i32
      %dma_start3A_1055 = tpu.memref_slice %arg12[%dma_start3A_1052, %dma_start3A_1053, %dma_start3A_1054] : memref<2x128x128xf32, #tpu.memory_space<vmem>> -> memref<1x128x128xf32, #tpu.memory_space<vmem>>
      %dma_start3A_1056 = tpu.memref_squeeze %dma_start3A_1055 : memref<1x128x128xf32, #tpu.memory_space<vmem>> -> memref<128x128xf32, #tpu.memory_space<vmem>>
      %dma_start3A_1057 = arith.constant 0 : i32
      %dma_start3A_1058 = tpu.memref_slice %arg9[%dma_start3A_1051, %dma_start3A_1057] : memref<16x128xi32, #tpu.memory_space<vmem>> -> memref<1x128xi32, #tpu.memory_space<vmem>>
      %dma_start3A_1059 = tpu.memref_squeeze %dma_start3A_1058 : memref<1x128xi32, #tpu.memory_space<vmem>> -> memref<128xi32, #tpu.memory_space<vmem>>
      %dma_start3A_1060 = arith.constant 0 : i32
      %dma_start3A_1061 = arith.constant 0 : i32
      %dma_start3A_1062 = tpu.memref_slice %arg18[%dma_start3A_1060, %dma_start3A_1061] : memref<256x128xf32, #tpu.memory_space<vmem_shared>> -> memref<256x128xf32, #tpu.memory_space<vmem_shared>>
      tpu.enqueue_indirect_dma source(%dma_start3A_1062 : memref<256x128xf32, #tpu.memory_space<vmem_shared>>) target(%dma_start3A_1056 : memref<128x128xf32, #tpu.memory_space<vmem>>) offsets(%dma_start3A_1059 : memref<128xi32, #tpu.memory_space<vmem>>) semaphore(%arg15 : memref<!tpu.dma_semaphore, #tpu.memory_space<semaphore_mem>>)
      %dma_start3A_1063 = arith.constant 7 : i32
      %dma_start3A_1064 = arith.constant 1 : i32
      %dma_start3A_1065 = arith.constant 0 : i32
      %dma_start3A_1066 = arith.constant 0 : i32
      %dma_start3A_1067 = tpu.memref_slice %arg13[%dma_start3A_1064, %dma_start3A_1065, %dma_start3A_1066] : memref<2x128x128xf32, #tpu.memory_space<vmem>> -> memref<1x128x128xf32, #tpu.memory_space<vmem>>
      %dma_start3A_1068 = tpu.memref_squeeze %dma_start3A_1067 : memref<1x128x128xf32, #tpu.memory_space<vmem>> -> memref<128x128xf32, #tpu.memory_space<vmem>>
      %dma_start3A_1069 = arith.constant 0 : i32
      %dma_start3A_1070 = tpu.memref_slice %arg10[%dma_start3A_1063, %dma_start3A_1069] : memref<16x128xi32, #tpu.memory_space<vmem>> -> memref<1x128xi32, #tpu.memory_space<vmem>>
      %dma_start3A_1071 = tpu.memref_squeeze %dma_start3A_1070 : memref<1x128xi32, #tpu.memory_space<vmem>> -> memref<128xi32, #tpu.memory_space<vmem>>
      %dma_start3A_1072 = arith.constant 0 : i32
      %dma_start3A_1073 = arith.constant 0 : i32
      %dma_start3A_1074 = tpu.memref_slice %arg19[%dma_start3A_1072, %dma_start3A_1073] : memref<212x128xf32, #tpu.memory_space<vmem_shared>> -> memref<212x128xf32, #tpu.memory_space<vmem_shared>>
      tpu.enqueue_indirect_dma source(%dma_start3A_1074 : memref<212x128xf32, #tpu.memory_space<vmem_shared>>) target(%dma_start3A_1068 : memref<128x128xf32, #tpu.memory_space<vmem>>) offsets(%dma_start3A_1071 : memref<128xi32, #tpu.memory_space<vmem>>) semaphore(%arg15 : memref<!tpu.dma_semaphore, #tpu.memory_space<semaphore_mem>>)
      %dma_start3A_1075 = arith.constant 7 : i32
      %dma_start3A_1076 = arith.constant 1 : i32
      %dma_start3A_1077 = arith.constant 0 : i32
      %dma_start3A_1078 = arith.constant 0 : i32
      %dma_start3A_1079 = tpu.memref_slice %arg14[%dma_start3A_1076, %dma_start3A_1077, %dma_start3A_1078] : memref<2x128x128xf32, #tpu.memory_space<vmem>> -> memref<1x128x128xf32, #tpu.memory_space<vmem>>
      %dma_start3A_1080 = tpu.memref_squeeze %dma_start3A_1079 : memref<1x128x128xf32, #tpu.memory_space<vmem>> -> memref<128x128xf32, #tpu.memory_space<vmem>>
      %dma_start3A_1081 = arith.constant 0 : i32
      %dma_start3A_1082 = tpu.memref_slice %arg11[%dma_start3A_1075, %dma_start3A_1081] : memref<16x128xi32, #tpu.memory_space<vmem>> -> memref<1x128xi32, #tpu.memory_space<vmem>>
      %dma_start3A_1083 = tpu.memref_squeeze %dma_start3A_1082 : memref<1x128xi32, #tpu.memory_space<vmem>> -> memref<128xi32, #tpu.memory_space<vmem>>
      %dma_start3A_1084 = arith.constant 0 : i32
      %dma_start3A_1085 = arith.constant 0 : i32
      %dma_start3A_1086 = tpu.memref_slice %arg20[%dma_start3A_1084, %dma_start3A_1085] : memref<133x128xf32, #tpu.memory_space<vmem_shared>> -> memref<133x128xf32, #tpu.memory_space<vmem_shared>>
      tpu.enqueue_indirect_dma source(%dma_start3A_1086 : memref<133x128xf32, #tpu.memory_space<vmem_shared>>) target(%dma_start3A_1080 : memref<128x128xf32, #tpu.memory_space<vmem>>) offsets(%dma_start3A_1083 : memref<128xi32, #tpu.memory_space<vmem>>) semaphore(%arg15 : memref<!tpu.dma_semaphore, #tpu.memory_space<semaphore_mem>>)
      %dma_wait3A_1087 = arith.constant 7 : i32
      %dma_wait3A_1088 = arith.constant 1 : i32
      %dma_wait3A_1089 = arith.constant 0 : i32
      %dma_wait3A_1090 = arith.constant 0 : i32
      %dma_wait3A_1091 = tpu.memref_slice %arg12[%dma_wait3A_1088, %dma_wait3A_1089, %dma_wait3A_1090] : memref<2x128x128xf32, #tpu.memory_space<vmem>> -> memref<1x128x128xf32, #tpu.memory_space<vmem>>
      %dma_wait3A_1092 = tpu.memref_squeeze %dma_wait3A_1091 : memref<1x128x128xf32, #tpu.memory_space<vmem>> -> memref<128x128xf32, #tpu.memory_space<vmem>>
      %dma_wait3A_1093 = arith.constant 0 : i32
      %dma_wait3A_1094 = tpu.memref_slice %arg9[%dma_wait3A_1087, %dma_wait3A_1093] : memref<16x128xi32, #tpu.memory_space<vmem>> -> memref<1x128xi32, #tpu.memory_space<vmem>>
      %dma_wait3A_1095 = tpu.memref_squeeze %dma_wait3A_1094 : memref<1x128xi32, #tpu.memory_space<vmem>> -> memref<128xi32, #tpu.memory_space<vmem>>
      %dma_wait3A_1096 = arith.constant 0 : i32
      %dma_wait3A_1097 = arith.constant 0 : i32
      %dma_wait3A_1098 = tpu.memref_slice %arg18[%dma_wait3A_1096, %dma_wait3A_1097] : memref<256x128xf32, #tpu.memory_space<vmem_shared>> -> memref<256x128xf32, #tpu.memory_space<vmem_shared>>
      tpu.wait_indirect_dma semaphore(%arg15 : memref<!tpu.dma_semaphore, #tpu.memory_space<semaphore_mem>>) src(%dma_wait3A_1098 : memref<256x128xf32, #tpu.memory_space<vmem_shared>>) dst(%dma_wait3A_1092 : memref<128x128xf32, #tpu.memory_space<vmem>>)
      %dma_wait3A_1099 = arith.constant 7 : i32
      %dma_wait3A_1100 = arith.constant 1 : i32
      %dma_wait3A_1101 = arith.constant 0 : i32
      %dma_wait3A_1102 = arith.constant 0 : i32
      %dma_wait3A_1103 = tpu.memref_slice %arg13[%dma_wait3A_1100, %dma_wait3A_1101, %dma_wait3A_1102] : memref<2x128x128xf32, #tpu.memory_space<vmem>> -> memref<1x128x128xf32, #tpu.memory_space<vmem>>
      %dma_wait3A_1104 = tpu.memref_squeeze %dma_wait3A_1103 : memref<1x128x128xf32, #tpu.memory_space<vmem>> -> memref<128x128xf32, #tpu.memory_space<vmem>>
      %dma_wait3A_1105 = arith.constant 0 : i32
      %dma_wait3A_1106 = tpu.memref_slice %arg10[%dma_wait3A_1099, %dma_wait3A_1105] : memref<16x128xi32, #tpu.memory_space<vmem>> -> memref<1x128xi32, #tpu.memory_space<vmem>>
      %dma_wait3A_1107 = tpu.memref_squeeze %dma_wait3A_1106 : memref<1x128xi32, #tpu.memory_space<vmem>> -> memref<128xi32, #tpu.memory_space<vmem>>
      %dma_wait3A_1108 = arith.constant 0 : i32
      %dma_wait3A_1109 = arith.constant 0 : i32
      %dma_wait3A_1110 = tpu.memref_slice %arg19[%dma_wait3A_1108, %dma_wait3A_1109] : memref<212x128xf32, #tpu.memory_space<vmem_shared>> -> memref<212x128xf32, #tpu.memory_space<vmem_shared>>
      tpu.wait_indirect_dma semaphore(%arg15 : memref<!tpu.dma_semaphore, #tpu.memory_space<semaphore_mem>>) src(%dma_wait3A_1110 : memref<212x128xf32, #tpu.memory_space<vmem_shared>>) dst(%dma_wait3A_1104 : memref<128x128xf32, #tpu.memory_space<vmem>>)
      %dma_wait3A_1111 = arith.constant 7 : i32
      %dma_wait3A_1112 = arith.constant 1 : i32
      %dma_wait3A_1113 = arith.constant 0 : i32
      %dma_wait3A_1114 = arith.constant 0 : i32
      %dma_wait3A_1115 = tpu.memref_slice %arg14[%dma_wait3A_1112, %dma_wait3A_1113, %dma_wait3A_1114] : memref<2x128x128xf32, #tpu.memory_space<vmem>> -> memref<1x128x128xf32, #tpu.memory_space<vmem>>
      %dma_wait3A_1116 = tpu.memref_squeeze %dma_wait3A_1115 : memref<1x128x128xf32, #tpu.memory_space<vmem>> -> memref<128x128xf32, #tpu.memory_space<vmem>>
      %dma_wait3A_1117 = arith.constant 0 : i32
      %dma_wait3A_1118 = tpu.memref_slice %arg11[%dma_wait3A_1111, %dma_wait3A_1117] : memref<16x128xi32, #tpu.memory_space<vmem>> -> memref<1x128xi32, #tpu.memory_space<vmem>>
      %dma_wait3A_1119 = tpu.memref_squeeze %dma_wait3A_1118 : memref<1x128xi32, #tpu.memory_space<vmem>> -> memref<128xi32, #tpu.memory_space<vmem>>
      %dma_wait3A_1120 = arith.constant 0 : i32
      %dma_wait3A_1121 = arith.constant 0 : i32
      %dma_wait3A_1122 = tpu.memref_slice %arg20[%dma_wait3A_1120, %dma_wait3A_1121] : memref<133x128xf32, #tpu.memory_space<vmem_shared>> -> memref<133x128xf32, #tpu.memory_space<vmem_shared>>
      tpu.wait_indirect_dma semaphore(%arg15 : memref<!tpu.dma_semaphore, #tpu.memory_space<semaphore_mem>>) src(%dma_wait3A_1122 : memref<133x128xf32, #tpu.memory_space<vmem_shared>>) dst(%dma_wait3A_1116 : memref<128x128xf32, #tpu.memory_space<vmem>>)
      %add3A_1123 = arith.constant 7 : i32
      %add3A_1124 = arith.addi %add3A_13, %add3A_1123 : i32
      %mul3A_1125 = arith.constant 128 : i32
      %mul3A_1126 = arith.muli %add3A_1124, %mul3A_1125 : i32
      %dma_start3A_1127 = arith.constant 1 : i32
      %dma_start3A_1128 = arith.constant 0 : i32
      %dma_start3A_1129 = arith.constant 0 : i32
      %dma_start3A_1130 = tpu.memref_slice %arg12[%dma_start3A_1127, %dma_start3A_1128, %dma_start3A_1129] : memref<2x128x128xf32, #tpu.memory_space<vmem>> -> memref<1x128x128xf32, #tpu.memory_space<vmem>>
      %dma_start3A_1131 = tpu.memref_squeeze %dma_start3A_1130 : memref<1x128x128xf32, #tpu.memory_space<vmem>> -> memref<128x128xf32, #tpu.memory_space<vmem>>
      %dma_start3A_1132 = arith.constant 0 : i32
      %dma_start3A_1133 = tpu.memref_slice %arg8[%mul3A_1126, %dma_start3A_1132] : memref<3276800x384xf32, #tpu.memory_space<hbm>> -> memref<128x128xf32, #tpu.memory_space<hbm>>
      %dma_start3A_1134 = arith.constant 0 : i32
      %dma_start3A_1135 = tpu.memref_slice %arg8[%mul3A_1126, %dma_start3A_1134] : memref<3276800x384xf32, #tpu.memory_space<hbm>> -> memref<128x128xf32, #tpu.memory_space<hbm>>
      %dma_start3A_1136 = arith.constant 0 : i32
      %dma_start3A_1137 = arith.constant 0 : i32
      %dma_start3A_1138 = tpu.memref_slice %arg12[%dma_start3A_1127, %dma_start3A_1136, %dma_start3A_1137] : memref<2x128x128xf32, #tpu.memory_space<vmem>> -> memref<1x128x128xf32, #tpu.memory_space<vmem>>
      %dma_start3A_1139 = tpu.memref_squeeze %dma_start3A_1138 : memref<1x128x128xf32, #tpu.memory_space<vmem>> -> memref<128x128xf32, #tpu.memory_space<vmem>>
      tpu.enqueue_dma source(%dma_start3A_1139 : memref<128x128xf32, #tpu.memory_space<vmem>>) target(%dma_start3A_1135 : memref<128x128xf32, #tpu.memory_space<hbm>>) target_semaphore(%arg17 : memref<!tpu.dma_semaphore, #tpu.memory_space<semaphore_mem>>)
      %dma_start3A_1140 = arith.constant 1 : i32
      %dma_start3A_1141 = arith.constant 0 : i32
      %dma_start3A_1142 = arith.constant 0 : i32
      %dma_start3A_1143 = tpu.memref_slice %arg13[%dma_start3A_1140, %dma_start3A_1141, %dma_start3A_1142] : memref<2x128x128xf32, #tpu.memory_space<vmem>> -> memref<1x128x128xf32, #tpu.memory_space<vmem>>
      %dma_start3A_1144 = tpu.memref_squeeze %dma_start3A_1143 : memref<1x128x128xf32, #tpu.memory_space<vmem>> -> memref<128x128xf32, #tpu.memory_space<vmem>>
      %dma_start3A_1145 = arith.constant 128 : i32
      %dma_start3A_1146 = tpu.memref_slice %arg8[%mul3A_1126, %dma_start3A_1145] : memref<3276800x384xf32, #tpu.memory_space<hbm>> -> memref<128x128xf32, #tpu.memory_space<hbm>>
      %dma_start3A_1147 = arith.constant 128 : i32
      %dma_start3A_1148 = tpu.memref_slice %arg8[%mul3A_1126, %dma_start3A_1147] : memref<3276800x384xf32, #tpu.memory_space<hbm>> -> memref<128x128xf32, #tpu.memory_space<hbm>>
      %dma_start3A_1149 = arith.constant 0 : i32
      %dma_start3A_1150 = arith.constant 0 : i32
      %dma_start3A_1151 = tpu.memref_slice %arg13[%dma_start3A_1140, %dma_start3A_1149, %dma_start3A_1150] : memref<2x128x128xf32, #tpu.memory_space<vmem>> -> memref<1x128x128xf32, #tpu.memory_space<vmem>>
      %dma_start3A_1152 = tpu.memref_squeeze %dma_start3A_1151 : memref<1x128x128xf32, #tpu.memory_space<vmem>> -> memref<128x128xf32, #tpu.memory_space<vmem>>
      tpu.enqueue_dma source(%dma_start3A_1152 : memref<128x128xf32, #tpu.memory_space<vmem>>) target(%dma_start3A_1148 : memref<128x128xf32, #tpu.memory_space<hbm>>) target_semaphore(%arg17 : memref<!tpu.dma_semaphore, #tpu.memory_space<semaphore_mem>>)
      %dma_start3A_1153 = arith.constant 1 : i32
      %dma_start3A_1154 = arith.constant 0 : i32
      %dma_start3A_1155 = arith.constant 0 : i32
      %dma_start3A_1156 = tpu.memref_slice %arg14[%dma_start3A_1153, %dma_start3A_1154, %dma_start3A_1155] : memref<2x128x128xf32, #tpu.memory_space<vmem>> -> memref<1x128x128xf32, #tpu.memory_space<vmem>>
      %dma_start3A_1157 = tpu.memref_squeeze %dma_start3A_1156 : memref<1x128x128xf32, #tpu.memory_space<vmem>> -> memref<128x128xf32, #tpu.memory_space<vmem>>
      %dma_start3A_1158 = arith.constant 256 : i32
      %dma_start3A_1159 = tpu.memref_slice %arg8[%mul3A_1126, %dma_start3A_1158] : memref<3276800x384xf32, #tpu.memory_space<hbm>> -> memref<128x128xf32, #tpu.memory_space<hbm>>
      %dma_start3A_1160 = arith.constant 256 : i32
      %dma_start3A_1161 = tpu.memref_slice %arg8[%mul3A_1126, %dma_start3A_1160] : memref<3276800x384xf32, #tpu.memory_space<hbm>> -> memref<128x128xf32, #tpu.memory_space<hbm>>
      %dma_start3A_1162 = arith.constant 0 : i32
      %dma_start3A_1163 = arith.constant 0 : i32
      %dma_start3A_1164 = tpu.memref_slice %arg14[%dma_start3A_1153, %dma_start3A_1162, %dma_start3A_1163] : memref<2x128x128xf32, #tpu.memory_space<vmem>> -> memref<1x128x128xf32, #tpu.memory_space<vmem>>
      %dma_start3A_1165 = tpu.memref_squeeze %dma_start3A_1164 : memref<1x128x128xf32, #tpu.memory_space<vmem>> -> memref<128x128xf32, #tpu.memory_space<vmem>>
      tpu.enqueue_dma source(%dma_start3A_1165 : memref<128x128xf32, #tpu.memory_space<vmem>>) target(%dma_start3A_1161 : memref<128x128xf32, #tpu.memory_space<hbm>>) target_semaphore(%arg17 : memref<!tpu.dma_semaphore, #tpu.memory_space<semaphore_mem>>)
      %dma_wait3A_1166 = arith.constant 0 : i32
      %dma_wait3A_1167 = arith.constant 0 : i32
      %dma_wait3A_1168 = arith.constant 0 : i32
      %dma_wait3A_1169 = tpu.memref_slice %arg12[%dma_wait3A_1166, %dma_wait3A_1167, %dma_wait3A_1168] : memref<2x128x128xf32, #tpu.memory_space<vmem>> -> memref<1x128x128xf32, #tpu.memory_space<vmem>>
      %dma_wait3A_1170 = tpu.memref_squeeze %dma_wait3A_1169 : memref<1x128x128xf32, #tpu.memory_space<vmem>> -> memref<128x128xf32, #tpu.memory_space<vmem>>
      %dma_wait3A_1171 = arith.constant 0 : i32
      %dma_wait3A_1172 = tpu.memref_slice %arg8[%mul3A_972, %dma_wait3A_1171] : memref<3276800x384xf32, #tpu.memory_space<hbm>> -> memref<128x128xf32, #tpu.memory_space<hbm>>
      %dma_wait3A_1173 = arith.constant 0 : i32
      %dma_wait3A_1174 = tpu.memref_slice %arg8[%mul3A_972, %dma_wait3A_1173] : memref<3276800x384xf32, #tpu.memory_space<hbm>> -> memref<128x128xf32, #tpu.memory_space<hbm>>
      %dma_wait3A_1175 = arith.constant 0 : i32
      %dma_wait3A_1176 = arith.constant 0 : i32
      %dma_wait3A_1177 = tpu.memref_slice %arg12[%dma_wait3A_1166, %dma_wait3A_1175, %dma_wait3A_1176] : memref<2x128x128xf32, #tpu.memory_space<vmem>> -> memref<1x128x128xf32, #tpu.memory_space<vmem>>
      %dma_wait3A_1178 = tpu.memref_squeeze %dma_wait3A_1177 : memref<1x128x128xf32, #tpu.memory_space<vmem>> -> memref<128x128xf32, #tpu.memory_space<vmem>>
      tpu.wait_dma2 semaphore(%arg16 : memref<!tpu.dma_semaphore, #tpu.memory_space<semaphore_mem>>) src(%dma_wait3A_1178 : memref<128x128xf32, #tpu.memory_space<vmem>>) dst(%dma_wait3A_1174 : memref<128x128xf32, #tpu.memory_space<hbm>>)
      %dma_wait3A_1179 = arith.constant 0 : i32
      %dma_wait3A_1180 = arith.constant 0 : i32
      %dma_wait3A_1181 = arith.constant 0 : i32
      %dma_wait3A_1182 = tpu.memref_slice %arg13[%dma_wait3A_1179, %dma_wait3A_1180, %dma_wait3A_1181] : memref<2x128x128xf32, #tpu.memory_space<vmem>> -> memref<1x128x128xf32, #tpu.memory_space<vmem>>
      %dma_wait3A_1183 = tpu.memref_squeeze %dma_wait3A_1182 : memref<1x128x128xf32, #tpu.memory_space<vmem>> -> memref<128x128xf32, #tpu.memory_space<vmem>>
      %dma_wait3A_1184 = arith.constant 128 : i32
      %dma_wait3A_1185 = tpu.memref_slice %arg8[%mul3A_972, %dma_wait3A_1184] : memref<3276800x384xf32, #tpu.memory_space<hbm>> -> memref<128x128xf32, #tpu.memory_space<hbm>>
      %dma_wait3A_1186 = arith.constant 128 : i32
      %dma_wait3A_1187 = tpu.memref_slice %arg8[%mul3A_972, %dma_wait3A_1186] : memref<3276800x384xf32, #tpu.memory_space<hbm>> -> memref<128x128xf32, #tpu.memory_space<hbm>>
      %dma_wait3A_1188 = arith.constant 0 : i32
      %dma_wait3A_1189 = arith.constant 0 : i32
      %dma_wait3A_1190 = tpu.memref_slice %arg13[%dma_wait3A_1179, %dma_wait3A_1188, %dma_wait3A_1189] : memref<2x128x128xf32, #tpu.memory_space<vmem>> -> memref<1x128x128xf32, #tpu.memory_space<vmem>>
      %dma_wait3A_1191 = tpu.memref_squeeze %dma_wait3A_1190 : memref<1x128x128xf32, #tpu.memory_space<vmem>> -> memref<128x128xf32, #tpu.memory_space<vmem>>
      tpu.wait_dma2 semaphore(%arg16 : memref<!tpu.dma_semaphore, #tpu.memory_space<semaphore_mem>>) src(%dma_wait3A_1191 : memref<128x128xf32, #tpu.memory_space<vmem>>) dst(%dma_wait3A_1187 : memref<128x128xf32, #tpu.memory_space<hbm>>)
      %dma_wait3A_1192 = arith.constant 0 : i32
      %dma_wait3A_1193 = arith.constant 0 : i32
      %dma_wait3A_1194 = arith.constant 0 : i32
      %dma_wait3A_1195 = tpu.memref_slice %arg14[%dma_wait3A_1192, %dma_wait3A_1193, %dma_wait3A_1194] : memref<2x128x128xf32, #tpu.memory_space<vmem>> -> memref<1x128x128xf32, #tpu.memory_space<vmem>>
      %dma_wait3A_1196 = tpu.memref_squeeze %dma_wait3A_1195 : memref<1x128x128xf32, #tpu.memory_space<vmem>> -> memref<128x128xf32, #tpu.memory_space<vmem>>
      %dma_wait3A_1197 = arith.constant 256 : i32
      %dma_wait3A_1198 = tpu.memref_slice %arg8[%mul3A_972, %dma_wait3A_1197] : memref<3276800x384xf32, #tpu.memory_space<hbm>> -> memref<128x128xf32, #tpu.memory_space<hbm>>
      %dma_wait3A_1199 = arith.constant 256 : i32
      %dma_wait3A_1200 = tpu.memref_slice %arg8[%mul3A_972, %dma_wait3A_1199] : memref<3276800x384xf32, #tpu.memory_space<hbm>> -> memref<128x128xf32, #tpu.memory_space<hbm>>
      %dma_wait3A_1201 = arith.constant 0 : i32
      %dma_wait3A_1202 = arith.constant 0 : i32
      %dma_wait3A_1203 = tpu.memref_slice %arg14[%dma_wait3A_1192, %dma_wait3A_1201, %dma_wait3A_1202] : memref<2x128x128xf32, #tpu.memory_space<vmem>> -> memref<1x128x128xf32, #tpu.memory_space<vmem>>
      %dma_wait3A_1204 = tpu.memref_squeeze %dma_wait3A_1203 : memref<1x128x128xf32, #tpu.memory_space<vmem>> -> memref<128x128xf32, #tpu.memory_space<vmem>>
      tpu.wait_dma2 semaphore(%arg16 : memref<!tpu.dma_semaphore, #tpu.memory_space<semaphore_mem>>) src(%dma_wait3A_1204 : memref<128x128xf32, #tpu.memory_space<vmem>>) dst(%dma_wait3A_1200 : memref<128x128xf32, #tpu.memory_space<hbm>>)
      %dma_start3A_1205 = arith.constant 8 : i32
      %dma_start3A_1206 = arith.constant 0 : i32
      %dma_start3A_1207 = arith.constant 0 : i32
      %dma_start3A_1208 = arith.constant 0 : i32
      %dma_start3A_1209 = tpu.memref_slice %arg12[%dma_start3A_1206, %dma_start3A_1207, %dma_start3A_1208] : memref<2x128x128xf32, #tpu.memory_space<vmem>> -> memref<1x128x128xf32, #tpu.memory_space<vmem>>
      %dma_start3A_1210 = tpu.memref_squeeze %dma_start3A_1209 : memref<1x128x128xf32, #tpu.memory_space<vmem>> -> memref<128x128xf32, #tpu.memory_space<vmem>>
      %dma_start3A_1211 = arith.constant 0 : i32
      %dma_start3A_1212 = tpu.memref_slice %arg9[%dma_start3A_1205, %dma_start3A_1211] : memref<16x128xi32, #tpu.memory_space<vmem>> -> memref<1x128xi32, #tpu.memory_space<vmem>>
      %dma_start3A_1213 = tpu.memref_squeeze %dma_start3A_1212 : memref<1x128xi32, #tpu.memory_space<vmem>> -> memref<128xi32, #tpu.memory_space<vmem>>
      %dma_start3A_1214 = arith.constant 0 : i32
      %dma_start3A_1215 = arith.constant 0 : i32
      %dma_start3A_1216 = tpu.memref_slice %arg18[%dma_start3A_1214, %dma_start3A_1215] : memref<256x128xf32, #tpu.memory_space<vmem_shared>> -> memref<256x128xf32, #tpu.memory_space<vmem_shared>>
      tpu.enqueue_indirect_dma source(%dma_start3A_1216 : memref<256x128xf32, #tpu.memory_space<vmem_shared>>) target(%dma_start3A_1210 : memref<128x128xf32, #tpu.memory_space<vmem>>) offsets(%dma_start3A_1213 : memref<128xi32, #tpu.memory_space<vmem>>) semaphore(%arg15 : memref<!tpu.dma_semaphore, #tpu.memory_space<semaphore_mem>>)
      %dma_start3A_1217 = arith.constant 8 : i32
      %dma_start3A_1218 = arith.constant 0 : i32
      %dma_start3A_1219 = arith.constant 0 : i32
      %dma_start3A_1220 = arith.constant 0 : i32
      %dma_start3A_1221 = tpu.memref_slice %arg13[%dma_start3A_1218, %dma_start3A_1219, %dma_start3A_1220] : memref<2x128x128xf32, #tpu.memory_space<vmem>> -> memref<1x128x128xf32, #tpu.memory_space<vmem>>
      %dma_start3A_1222 = tpu.memref_squeeze %dma_start3A_1221 : memref<1x128x128xf32, #tpu.memory_space<vmem>> -> memref<128x128xf32, #tpu.memory_space<vmem>>
      %dma_start3A_1223 = arith.constant 0 : i32
      %dma_start3A_1224 = tpu.memref_slice %arg10[%dma_start3A_1217, %dma_start3A_1223] : memref<16x128xi32, #tpu.memory_space<vmem>> -> memref<1x128xi32, #tpu.memory_space<vmem>>
      %dma_start3A_1225 = tpu.memref_squeeze %dma_start3A_1224 : memref<1x128xi32, #tpu.memory_space<vmem>> -> memref<128xi32, #tpu.memory_space<vmem>>
      %dma_start3A_1226 = arith.constant 0 : i32
      %dma_start3A_1227 = arith.constant 0 : i32
      %dma_start3A_1228 = tpu.memref_slice %arg19[%dma_start3A_1226, %dma_start3A_1227] : memref<212x128xf32, #tpu.memory_space<vmem_shared>> -> memref<212x128xf32, #tpu.memory_space<vmem_shared>>
      tpu.enqueue_indirect_dma source(%dma_start3A_1228 : memref<212x128xf32, #tpu.memory_space<vmem_shared>>) target(%dma_start3A_1222 : memref<128x128xf32, #tpu.memory_space<vmem>>) offsets(%dma_start3A_1225 : memref<128xi32, #tpu.memory_space<vmem>>) semaphore(%arg15 : memref<!tpu.dma_semaphore, #tpu.memory_space<semaphore_mem>>)
      %dma_start3A_1229 = arith.constant 8 : i32
      %dma_start3A_1230 = arith.constant 0 : i32
      %dma_start3A_1231 = arith.constant 0 : i32
      %dma_start3A_1232 = arith.constant 0 : i32
      %dma_start3A_1233 = tpu.memref_slice %arg14[%dma_start3A_1230, %dma_start3A_1231, %dma_start3A_1232] : memref<2x128x128xf32, #tpu.memory_space<vmem>> -> memref<1x128x128xf32, #tpu.memory_space<vmem>>
      %dma_start3A_1234 = tpu.memref_squeeze %dma_start3A_1233 : memref<1x128x128xf32, #tpu.memory_space<vmem>> -> memref<128x128xf32, #tpu.memory_space<vmem>>
      %dma_start3A_1235 = arith.constant 0 : i32
      %dma_start3A_1236 = tpu.memref_slice %arg11[%dma_start3A_1229, %dma_start3A_1235] : memref<16x128xi32, #tpu.memory_space<vmem>> -> memref<1x128xi32, #tpu.memory_space<vmem>>
      %dma_start3A_1237 = tpu.memref_squeeze %dma_start3A_1236 : memref<1x128xi32, #tpu.memory_space<vmem>> -> memref<128xi32, #tpu.memory_space<vmem>>
      %dma_start3A_1238 = arith.constant 0 : i32
      %dma_start3A_1239 = arith.constant 0 : i32
      %dma_start3A_1240 = tpu.memref_slice %arg20[%dma_start3A_1238, %dma_start3A_1239] : memref<133x128xf32, #tpu.memory_space<vmem_shared>> -> memref<133x128xf32, #tpu.memory_space<vmem_shared>>
      tpu.enqueue_indirect_dma source(%dma_start3A_1240 : memref<133x128xf32, #tpu.memory_space<vmem_shared>>) target(%dma_start3A_1234 : memref<128x128xf32, #tpu.memory_space<vmem>>) offsets(%dma_start3A_1237 : memref<128xi32, #tpu.memory_space<vmem>>) semaphore(%arg15 : memref<!tpu.dma_semaphore, #tpu.memory_space<semaphore_mem>>)
      %dma_wait3A_1241 = arith.constant 8 : i32
      %dma_wait3A_1242 = arith.constant 0 : i32
      %dma_wait3A_1243 = arith.constant 0 : i32
      %dma_wait3A_1244 = arith.constant 0 : i32
      %dma_wait3A_1245 = tpu.memref_slice %arg12[%dma_wait3A_1242, %dma_wait3A_1243, %dma_wait3A_1244] : memref<2x128x128xf32, #tpu.memory_space<vmem>> -> memref<1x128x128xf32, #tpu.memory_space<vmem>>
      %dma_wait3A_1246 = tpu.memref_squeeze %dma_wait3A_1245 : memref<1x128x128xf32, #tpu.memory_space<vmem>> -> memref<128x128xf32, #tpu.memory_space<vmem>>
      %dma_wait3A_1247 = arith.constant 0 : i32
      %dma_wait3A_1248 = tpu.memref_slice %arg9[%dma_wait3A_1241, %dma_wait3A_1247] : memref<16x128xi32, #tpu.memory_space<vmem>> -> memref<1x128xi32, #tpu.memory_space<vmem>>
      %dma_wait3A_1249 = tpu.memref_squeeze %dma_wait3A_1248 : memref<1x128xi32, #tpu.memory_space<vmem>> -> memref<128xi32, #tpu.memory_space<vmem>>
      %dma_wait3A_1250 = arith.constant 0 : i32
      %dma_wait3A_1251 = arith.constant 0 : i32
      %dma_wait3A_1252 = tpu.memref_slice %arg18[%dma_wait3A_1250, %dma_wait3A_1251] : memref<256x128xf32, #tpu.memory_space<vmem_shared>> -> memref<256x128xf32, #tpu.memory_space<vmem_shared>>
      tpu.wait_indirect_dma semaphore(%arg15 : memref<!tpu.dma_semaphore, #tpu.memory_space<semaphore_mem>>) src(%dma_wait3A_1252 : memref<256x128xf32, #tpu.memory_space<vmem_shared>>) dst(%dma_wait3A_1246 : memref<128x128xf32, #tpu.memory_space<vmem>>)
      %dma_wait3A_1253 = arith.constant 8 : i32
      %dma_wait3A_1254 = arith.constant 0 : i32
      %dma_wait3A_1255 = arith.constant 0 : i32
      %dma_wait3A_1256 = arith.constant 0 : i32
      %dma_wait3A_1257 = tpu.memref_slice %arg13[%dma_wait3A_1254, %dma_wait3A_1255, %dma_wait3A_1256] : memref<2x128x128xf32, #tpu.memory_space<vmem>> -> memref<1x128x128xf32, #tpu.memory_space<vmem>>
      %dma_wait3A_1258 = tpu.memref_squeeze %dma_wait3A_1257 : memref<1x128x128xf32, #tpu.memory_space<vmem>> -> memref<128x128xf32, #tpu.memory_space<vmem>>
      %dma_wait3A_1259 = arith.constant 0 : i32
      %dma_wait3A_1260 = tpu.memref_slice %arg10[%dma_wait3A_1253, %dma_wait3A_1259] : memref<16x128xi32, #tpu.memory_space<vmem>> -> memref<1x128xi32, #tpu.memory_space<vmem>>
      %dma_wait3A_1261 = tpu.memref_squeeze %dma_wait3A_1260 : memref<1x128xi32, #tpu.memory_space<vmem>> -> memref<128xi32, #tpu.memory_space<vmem>>
      %dma_wait3A_1262 = arith.constant 0 : i32
      %dma_wait3A_1263 = arith.constant 0 : i32
      %dma_wait3A_1264 = tpu.memref_slice %arg19[%dma_wait3A_1262, %dma_wait3A_1263] : memref<212x128xf32, #tpu.memory_space<vmem_shared>> -> memref<212x128xf32, #tpu.memory_space<vmem_shared>>
      tpu.wait_indirect_dma semaphore(%arg15 : memref<!tpu.dma_semaphore, #tpu.memory_space<semaphore_mem>>) src(%dma_wait3A_1264 : memref<212x128xf32, #tpu.memory_space<vmem_shared>>) dst(%dma_wait3A_1258 : memref<128x128xf32, #tpu.memory_space<vmem>>)
      %dma_wait3A_1265 = arith.constant 8 : i32
      %dma_wait3A_1266 = arith.constant 0 : i32
      %dma_wait3A_1267 = arith.constant 0 : i32
      %dma_wait3A_1268 = arith.constant 0 : i32
      %dma_wait3A_1269 = tpu.memref_slice %arg14[%dma_wait3A_1266, %dma_wait3A_1267, %dma_wait3A_1268] : memref<2x128x128xf32, #tpu.memory_space<vmem>> -> memref<1x128x128xf32, #tpu.memory_space<vmem>>
      %dma_wait3A_1270 = tpu.memref_squeeze %dma_wait3A_1269 : memref<1x128x128xf32, #tpu.memory_space<vmem>> -> memref<128x128xf32, #tpu.memory_space<vmem>>
      %dma_wait3A_1271 = arith.constant 0 : i32
      %dma_wait3A_1272 = tpu.memref_slice %arg11[%dma_wait3A_1265, %dma_wait3A_1271] : memref<16x128xi32, #tpu.memory_space<vmem>> -> memref<1x128xi32, #tpu.memory_space<vmem>>
      %dma_wait3A_1273 = tpu.memref_squeeze %dma_wait3A_1272 : memref<1x128xi32, #tpu.memory_space<vmem>> -> memref<128xi32, #tpu.memory_space<vmem>>
      %dma_wait3A_1274 = arith.constant 0 : i32
      %dma_wait3A_1275 = arith.constant 0 : i32
      %dma_wait3A_1276 = tpu.memref_slice %arg20[%dma_wait3A_1274, %dma_wait3A_1275] : memref<133x128xf32, #tpu.memory_space<vmem_shared>> -> memref<133x128xf32, #tpu.memory_space<vmem_shared>>
      tpu.wait_indirect_dma semaphore(%arg15 : memref<!tpu.dma_semaphore, #tpu.memory_space<semaphore_mem>>) src(%dma_wait3A_1276 : memref<133x128xf32, #tpu.memory_space<vmem_shared>>) dst(%dma_wait3A_1270 : memref<128x128xf32, #tpu.memory_space<vmem>>)
      %add3A_1277 = arith.constant 8 : i32
      %add3A_1278 = arith.addi %add3A_13, %add3A_1277 : i32
      %mul3A_1279 = arith.constant 128 : i32
      %mul3A_1280 = arith.muli %add3A_1278, %mul3A_1279 : i32
      %dma_start3A_1281 = arith.constant 0 : i32
      %dma_start3A_1282 = arith.constant 0 : i32
      %dma_start3A_1283 = arith.constant 0 : i32
      %dma_start3A_1284 = tpu.memref_slice %arg12[%dma_start3A_1281, %dma_start3A_1282, %dma_start3A_1283] : memref<2x128x128xf32, #tpu.memory_space<vmem>> -> memref<1x128x128xf32, #tpu.memory_space<vmem>>
      %dma_start3A_1285 = tpu.memref_squeeze %dma_start3A_1284 : memref<1x128x128xf32, #tpu.memory_space<vmem>> -> memref<128x128xf32, #tpu.memory_space<vmem>>
      %dma_start3A_1286 = arith.constant 0 : i32
      %dma_start3A_1287 = tpu.memref_slice %arg8[%mul3A_1280, %dma_start3A_1286] : memref<3276800x384xf32, #tpu.memory_space<hbm>> -> memref<128x128xf32, #tpu.memory_space<hbm>>
      %dma_start3A_1288 = arith.constant 0 : i32
      %dma_start3A_1289 = tpu.memref_slice %arg8[%mul3A_1280, %dma_start3A_1288] : memref<3276800x384xf32, #tpu.memory_space<hbm>> -> memref<128x128xf32, #tpu.memory_space<hbm>>
      %dma_start3A_1290 = arith.constant 0 : i32
      %dma_start3A_1291 = arith.constant 0 : i32
      %dma_start3A_1292 = tpu.memref_slice %arg12[%dma_start3A_1281, %dma_start3A_1290, %dma_start3A_1291] : memref<2x128x128xf32, #tpu.memory_space<vmem>> -> memref<1x128x128xf32, #tpu.memory_space<vmem>>
      %dma_start3A_1293 = tpu.memref_squeeze %dma_start3A_1292 : memref<1x128x128xf32, #tpu.memory_space<vmem>> -> memref<128x128xf32, #tpu.memory_space<vmem>>
      tpu.enqueue_dma source(%dma_start3A_1293 : memref<128x128xf32, #tpu.memory_space<vmem>>) target(%dma_start3A_1289 : memref<128x128xf32, #tpu.memory_space<hbm>>) target_semaphore(%arg16 : memref<!tpu.dma_semaphore, #tpu.memory_space<semaphore_mem>>)
      %dma_start3A_1294 = arith.constant 0 : i32
      %dma_start3A_1295 = arith.constant 0 : i32
      %dma_start3A_1296 = arith.constant 0 : i32
      %dma_start3A_1297 = tpu.memref_slice %arg13[%dma_start3A_1294, %dma_start3A_1295, %dma_start3A_1296] : memref<2x128x128xf32, #tpu.memory_space<vmem>> -> memref<1x128x128xf32, #tpu.memory_space<vmem>>
      %dma_start3A_1298 = tpu.memref_squeeze %dma_start3A_1297 : memref<1x128x128xf32, #tpu.memory_space<vmem>> -> memref<128x128xf32, #tpu.memory_space<vmem>>
      %dma_start3A_1299 = arith.constant 128 : i32
      %dma_start3A_1300 = tpu.memref_slice %arg8[%mul3A_1280, %dma_start3A_1299] : memref<3276800x384xf32, #tpu.memory_space<hbm>> -> memref<128x128xf32, #tpu.memory_space<hbm>>
      %dma_start3A_1301 = arith.constant 128 : i32
      %dma_start3A_1302 = tpu.memref_slice %arg8[%mul3A_1280, %dma_start3A_1301] : memref<3276800x384xf32, #tpu.memory_space<hbm>> -> memref<128x128xf32, #tpu.memory_space<hbm>>
      %dma_start3A_1303 = arith.constant 0 : i32
      %dma_start3A_1304 = arith.constant 0 : i32
      %dma_start3A_1305 = tpu.memref_slice %arg13[%dma_start3A_1294, %dma_start3A_1303, %dma_start3A_1304] : memref<2x128x128xf32, #tpu.memory_space<vmem>> -> memref<1x128x128xf32, #tpu.memory_space<vmem>>
      %dma_start3A_1306 = tpu.memref_squeeze %dma_start3A_1305 : memref<1x128x128xf32, #tpu.memory_space<vmem>> -> memref<128x128xf32, #tpu.memory_space<vmem>>
      tpu.enqueue_dma source(%dma_start3A_1306 : memref<128x128xf32, #tpu.memory_space<vmem>>) target(%dma_start3A_1302 : memref<128x128xf32, #tpu.memory_space<hbm>>) target_semaphore(%arg16 : memref<!tpu.dma_semaphore, #tpu.memory_space<semaphore_mem>>)
      %dma_start3A_1307 = arith.constant 0 : i32
      %dma_start3A_1308 = arith.constant 0 : i32
      %dma_start3A_1309 = arith.constant 0 : i32
      %dma_start3A_1310 = tpu.memref_slice %arg14[%dma_start3A_1307, %dma_start3A_1308, %dma_start3A_1309] : memref<2x128x128xf32, #tpu.memory_space<vmem>> -> memref<1x128x128xf32, #tpu.memory_space<vmem>>
      %dma_start3A_1311 = tpu.memref_squeeze %dma_start3A_1310 : memref<1x128x128xf32, #tpu.memory_space<vmem>> -> memref<128x128xf32, #tpu.memory_space<vmem>>
      %dma_start3A_1312 = arith.constant 256 : i32
      %dma_start3A_1313 = tpu.memref_slice %arg8[%mul3A_1280, %dma_start3A_1312] : memref<3276800x384xf32, #tpu.memory_space<hbm>> -> memref<128x128xf32, #tpu.memory_space<hbm>>
      %dma_start3A_1314 = arith.constant 256 : i32
      %dma_start3A_1315 = tpu.memref_slice %arg8[%mul3A_1280, %dma_start3A_1314] : memref<3276800x384xf32, #tpu.memory_space<hbm>> -> memref<128x128xf32, #tpu.memory_space<hbm>>
      %dma_start3A_1316 = arith.constant 0 : i32
      %dma_start3A_1317 = arith.constant 0 : i32
      %dma_start3A_1318 = tpu.memref_slice %arg14[%dma_start3A_1307, %dma_start3A_1316, %dma_start3A_1317] : memref<2x128x128xf32, #tpu.memory_space<vmem>> -> memref<1x128x128xf32, #tpu.memory_space<vmem>>
      %dma_start3A_1319 = tpu.memref_squeeze %dma_start3A_1318 : memref<1x128x128xf32, #tpu.memory_space<vmem>> -> memref<128x128xf32, #tpu.memory_space<vmem>>
      tpu.enqueue_dma source(%dma_start3A_1319 : memref<128x128xf32, #tpu.memory_space<vmem>>) target(%dma_start3A_1315 : memref<128x128xf32, #tpu.memory_space<hbm>>) target_semaphore(%arg16 : memref<!tpu.dma_semaphore, #tpu.memory_space<semaphore_mem>>)
      %dma_wait3A_1320 = arith.constant 1 : i32
      %dma_wait3A_1321 = arith.constant 0 : i32
      %dma_wait3A_1322 = arith.constant 0 : i32
      %dma_wait3A_1323 = tpu.memref_slice %arg12[%dma_wait3A_1320, %dma_wait3A_1321, %dma_wait3A_1322] : memref<2x128x128xf32, #tpu.memory_space<vmem>> -> memref<1x128x128xf32, #tpu.memory_space<vmem>>
      %dma_wait3A_1324 = tpu.memref_squeeze %dma_wait3A_1323 : memref<1x128x128xf32, #tpu.memory_space<vmem>> -> memref<128x128xf32, #tpu.memory_space<vmem>>
      %dma_wait3A_1325 = arith.constant 0 : i32
      %dma_wait3A_1326 = tpu.memref_slice %arg8[%mul3A_1126, %dma_wait3A_1325] : memref<3276800x384xf32, #tpu.memory_space<hbm>> -> memref<128x128xf32, #tpu.memory_space<hbm>>
      %dma_wait3A_1327 = arith.constant 0 : i32
      %dma_wait3A_1328 = tpu.memref_slice %arg8[%mul3A_1126, %dma_wait3A_1327] : memref<3276800x384xf32, #tpu.memory_space<hbm>> -> memref<128x128xf32, #tpu.memory_space<hbm>>
      %dma_wait3A_1329 = arith.constant 0 : i32
      %dma_wait3A_1330 = arith.constant 0 : i32
      %dma_wait3A_1331 = tpu.memref_slice %arg12[%dma_wait3A_1320, %dma_wait3A_1329, %dma_wait3A_1330] : memref<2x128x128xf32, #tpu.memory_space<vmem>> -> memref<1x128x128xf32, #tpu.memory_space<vmem>>
      %dma_wait3A_1332 = tpu.memref_squeeze %dma_wait3A_1331 : memref<1x128x128xf32, #tpu.memory_space<vmem>> -> memref<128x128xf32, #tpu.memory_space<vmem>>
      tpu.wait_dma2 semaphore(%arg17 : memref<!tpu.dma_semaphore, #tpu.memory_space<semaphore_mem>>) src(%dma_wait3A_1332 : memref<128x128xf32, #tpu.memory_space<vmem>>) dst(%dma_wait3A_1328 : memref<128x128xf32, #tpu.memory_space<hbm>>)
      %dma_wait3A_1333 = arith.constant 1 : i32
      %dma_wait3A_1334 = arith.constant 0 : i32
      %dma_wait3A_1335 = arith.constant 0 : i32
      %dma_wait3A_1336 = tpu.memref_slice %arg13[%dma_wait3A_1333, %dma_wait3A_1334, %dma_wait3A_1335] : memref<2x128x128xf32, #tpu.memory_space<vmem>> -> memref<1x128x128xf32, #tpu.memory_space<vmem>>
      %dma_wait3A_1337 = tpu.memref_squeeze %dma_wait3A_1336 : memref<1x128x128xf32, #tpu.memory_space<vmem>> -> memref<128x128xf32, #tpu.memory_space<vmem>>
      %dma_wait3A_1338 = arith.constant 128 : i32
      %dma_wait3A_1339 = tpu.memref_slice %arg8[%mul3A_1126, %dma_wait3A_1338] : memref<3276800x384xf32, #tpu.memory_space<hbm>> -> memref<128x128xf32, #tpu.memory_space<hbm>>
      %dma_wait3A_1340 = arith.constant 128 : i32
      %dma_wait3A_1341 = tpu.memref_slice %arg8[%mul3A_1126, %dma_wait3A_1340] : memref<3276800x384xf32, #tpu.memory_space<hbm>> -> memref<128x128xf32, #tpu.memory_space<hbm>>
      %dma_wait3A_1342 = arith.constant 0 : i32
      %dma_wait3A_1343 = arith.constant 0 : i32
      %dma_wait3A_1344 = tpu.memref_slice %arg13[%dma_wait3A_1333, %dma_wait3A_1342, %dma_wait3A_1343] : memref<2x128x128xf32, #tpu.memory_space<vmem>> -> memref<1x128x128xf32, #tpu.memory_space<vmem>>
      %dma_wait3A_1345 = tpu.memref_squeeze %dma_wait3A_1344 : memref<1x128x128xf32, #tpu.memory_space<vmem>> -> memref<128x128xf32, #tpu.memory_space<vmem>>
      tpu.wait_dma2 semaphore(%arg17 : memref<!tpu.dma_semaphore, #tpu.memory_space<semaphore_mem>>) src(%dma_wait3A_1345 : memref<128x128xf32, #tpu.memory_space<vmem>>) dst(%dma_wait3A_1341 : memref<128x128xf32, #tpu.memory_space<hbm>>)
      %dma_wait3A_1346 = arith.constant 1 : i32
      %dma_wait3A_1347 = arith.constant 0 : i32
      %dma_wait3A_1348 = arith.constant 0 : i32
      %dma_wait3A_1349 = tpu.memref_slice %arg14[%dma_wait3A_1346, %dma_wait3A_1347, %dma_wait3A_1348] : memref<2x128x128xf32, #tpu.memory_space<vmem>> -> memref<1x128x128xf32, #tpu.memory_space<vmem>>
      %dma_wait3A_1350 = tpu.memref_squeeze %dma_wait3A_1349 : memref<1x128x128xf32, #tpu.memory_space<vmem>> -> memref<128x128xf32, #tpu.memory_space<vmem>>
      %dma_wait3A_1351 = arith.constant 256 : i32
      %dma_wait3A_1352 = tpu.memref_slice %arg8[%mul3A_1126, %dma_wait3A_1351] : memref<3276800x384xf32, #tpu.memory_space<hbm>> -> memref<128x128xf32, #tpu.memory_space<hbm>>
      %dma_wait3A_1353 = arith.constant 256 : i32
      %dma_wait3A_1354 = tpu.memref_slice %arg8[%mul3A_1126, %dma_wait3A_1353] : memref<3276800x384xf32, #tpu.memory_space<hbm>> -> memref<128x128xf32, #tpu.memory_space<hbm>>
      %dma_wait3A_1355 = arith.constant 0 : i32
      %dma_wait3A_1356 = arith.constant 0 : i32
      %dma_wait3A_1357 = tpu.memref_slice %arg14[%dma_wait3A_1346, %dma_wait3A_1355, %dma_wait3A_1356] : memref<2x128x128xf32, #tpu.memory_space<vmem>> -> memref<1x128x128xf32, #tpu.memory_space<vmem>>
      %dma_wait3A_1358 = tpu.memref_squeeze %dma_wait3A_1357 : memref<1x128x128xf32, #tpu.memory_space<vmem>> -> memref<128x128xf32, #tpu.memory_space<vmem>>
      tpu.wait_dma2 semaphore(%arg17 : memref<!tpu.dma_semaphore, #tpu.memory_space<semaphore_mem>>) src(%dma_wait3A_1358 : memref<128x128xf32, #tpu.memory_space<vmem>>) dst(%dma_wait3A_1354 : memref<128x128xf32, #tpu.memory_space<hbm>>)
      %dma_start3A_1359 = arith.constant 9 : i32
      %dma_start3A_1360 = arith.constant 1 : i32
      %dma_start3A_1361 = arith.constant 0 : i32
      %dma_start3A_1362 = arith.constant 0 : i32
      %dma_start3A_1363 = tpu.memref_slice %arg12[%dma_start3A_1360, %dma_start3A_1361, %dma_start3A_1362] : memref<2x128x128xf32, #tpu.memory_space<vmem>> -> memref<1x128x128xf32, #tpu.memory_space<vmem>>
      %dma_start3A_1364 = tpu.memref_squeeze %dma_start3A_1363 : memref<1x128x128xf32, #tpu.memory_space<vmem>> -> memref<128x128xf32, #tpu.memory_space<vmem>>
      %dma_start3A_1365 = arith.constant 0 : i32
      %dma_start3A_1366 = tpu.memref_slice %arg9[%dma_start3A_1359, %dma_start3A_1365] : memref<16x128xi32, #tpu.memory_space<vmem>> -> memref<1x128xi32, #tpu.memory_space<vmem>>
      %dma_start3A_1367 = tpu.memref_squeeze %dma_start3A_1366 : memref<1x128xi32, #tpu.memory_space<vmem>> -> memref<128xi32, #tpu.memory_space<vmem>>
      %dma_start3A_1368 = arith.constant 0 : i32
      %dma_start3A_1369 = arith.constant 0 : i32
      %dma_start3A_1370 = tpu.memref_slice %arg18[%dma_start3A_1368, %dma_start3A_1369] : memref<256x128xf32, #tpu.memory_space<vmem_shared>> -> memref<256x128xf32, #tpu.memory_space<vmem_shared>>
      tpu.enqueue_indirect_dma source(%dma_start3A_1370 : memref<256x128xf32, #tpu.memory_space<vmem_shared>>) target(%dma_start3A_1364 : memref<128x128xf32, #tpu.memory_space<vmem>>) offsets(%dma_start3A_1367 : memref<128xi32, #tpu.memory_space<vmem>>) semaphore(%arg15 : memref<!tpu.dma_semaphore, #tpu.memory_space<semaphore_mem>>)
      %dma_start3A_1371 = arith.constant 9 : i32
      %dma_start3A_1372 = arith.constant 1 : i32
      %dma_start3A_1373 = arith.constant 0 : i32
      %dma_start3A_1374 = arith.constant 0 : i32
      %dma_start3A_1375 = tpu.memref_slice %arg13[%dma_start3A_1372, %dma_start3A_1373, %dma_start3A_1374] : memref<2x128x128xf32, #tpu.memory_space<vmem>> -> memref<1x128x128xf32, #tpu.memory_space<vmem>>
      %dma_start3A_1376 = tpu.memref_squeeze %dma_start3A_1375 : memref<1x128x128xf32, #tpu.memory_space<vmem>> -> memref<128x128xf32, #tpu.memory_space<vmem>>
      %dma_start3A_1377 = arith.constant 0 : i32
      %dma_start3A_1378 = tpu.memref_slice %arg10[%dma_start3A_1371, %dma_start3A_1377] : memref<16x128xi32, #tpu.memory_space<vmem>> -> memref<1x128xi32, #tpu.memory_space<vmem>>
      %dma_start3A_1379 = tpu.memref_squeeze %dma_start3A_1378 : memref<1x128xi32, #tpu.memory_space<vmem>> -> memref<128xi32, #tpu.memory_space<vmem>>
      %dma_start3A_1380 = arith.constant 0 : i32
      %dma_start3A_1381 = arith.constant 0 : i32
      %dma_start3A_1382 = tpu.memref_slice %arg19[%dma_start3A_1380, %dma_start3A_1381] : memref<212x128xf32, #tpu.memory_space<vmem_shared>> -> memref<212x128xf32, #tpu.memory_space<vmem_shared>>
      tpu.enqueue_indirect_dma source(%dma_start3A_1382 : memref<212x128xf32, #tpu.memory_space<vmem_shared>>) target(%dma_start3A_1376 : memref<128x128xf32, #tpu.memory_space<vmem>>) offsets(%dma_start3A_1379 : memref<128xi32, #tpu.memory_space<vmem>>) semaphore(%arg15 : memref<!tpu.dma_semaphore, #tpu.memory_space<semaphore_mem>>)
      %dma_start3A_1383 = arith.constant 9 : i32
      %dma_start3A_1384 = arith.constant 1 : i32
      %dma_start3A_1385 = arith.constant 0 : i32
      %dma_start3A_1386 = arith.constant 0 : i32
      %dma_start3A_1387 = tpu.memref_slice %arg14[%dma_start3A_1384, %dma_start3A_1385, %dma_start3A_1386] : memref<2x128x128xf32, #tpu.memory_space<vmem>> -> memref<1x128x128xf32, #tpu.memory_space<vmem>>
      %dma_start3A_1388 = tpu.memref_squeeze %dma_start3A_1387 : memref<1x128x128xf32, #tpu.memory_space<vmem>> -> memref<128x128xf32, #tpu.memory_space<vmem>>
      %dma_start3A_1389 = arith.constant 0 : i32
      %dma_start3A_1390 = tpu.memref_slice %arg11[%dma_start3A_1383, %dma_start3A_1389] : memref<16x128xi32, #tpu.memory_space<vmem>> -> memref<1x128xi32, #tpu.memory_space<vmem>>
      %dma_start3A_1391 = tpu.memref_squeeze %dma_start3A_1390 : memref<1x128xi32, #tpu.memory_space<vmem>> -> memref<128xi32, #tpu.memory_space<vmem>>
      %dma_start3A_1392 = arith.constant 0 : i32
      %dma_start3A_1393 = arith.constant 0 : i32
      %dma_start3A_1394 = tpu.memref_slice %arg20[%dma_start3A_1392, %dma_start3A_1393] : memref<133x128xf32, #tpu.memory_space<vmem_shared>> -> memref<133x128xf32, #tpu.memory_space<vmem_shared>>
      tpu.enqueue_indirect_dma source(%dma_start3A_1394 : memref<133x128xf32, #tpu.memory_space<vmem_shared>>) target(%dma_start3A_1388 : memref<128x128xf32, #tpu.memory_space<vmem>>) offsets(%dma_start3A_1391 : memref<128xi32, #tpu.memory_space<vmem>>) semaphore(%arg15 : memref<!tpu.dma_semaphore, #tpu.memory_space<semaphore_mem>>)
      %dma_wait3A_1395 = arith.constant 9 : i32
      %dma_wait3A_1396 = arith.constant 1 : i32
      %dma_wait3A_1397 = arith.constant 0 : i32
      %dma_wait3A_1398 = arith.constant 0 : i32
      %dma_wait3A_1399 = tpu.memref_slice %arg12[%dma_wait3A_1396, %dma_wait3A_1397, %dma_wait3A_1398] : memref<2x128x128xf32, #tpu.memory_space<vmem>> -> memref<1x128x128xf32, #tpu.memory_space<vmem>>
      %dma_wait3A_1400 = tpu.memref_squeeze %dma_wait3A_1399 : memref<1x128x128xf32, #tpu.memory_space<vmem>> -> memref<128x128xf32, #tpu.memory_space<vmem>>
      %dma_wait3A_1401 = arith.constant 0 : i32
      %dma_wait3A_1402 = tpu.memref_slice %arg9[%dma_wait3A_1395, %dma_wait3A_1401] : memref<16x128xi32, #tpu.memory_space<vmem>> -> memref<1x128xi32, #tpu.memory_space<vmem>>
      %dma_wait3A_1403 = tpu.memref_squeeze %dma_wait3A_1402 : memref<1x128xi32, #tpu.memory_space<vmem>> -> memref<128xi32, #tpu.memory_space<vmem>>
      %dma_wait3A_1404 = arith.constant 0 : i32
      %dma_wait3A_1405 = arith.constant 0 : i32
      %dma_wait3A_1406 = tpu.memref_slice %arg18[%dma_wait3A_1404, %dma_wait3A_1405] : memref<256x128xf32, #tpu.memory_space<vmem_shared>> -> memref<256x128xf32, #tpu.memory_space<vmem_shared>>
      tpu.wait_indirect_dma semaphore(%arg15 : memref<!tpu.dma_semaphore, #tpu.memory_space<semaphore_mem>>) src(%dma_wait3A_1406 : memref<256x128xf32, #tpu.memory_space<vmem_shared>>) dst(%dma_wait3A_1400 : memref<128x128xf32, #tpu.memory_space<vmem>>)
      %dma_wait3A_1407 = arith.constant 9 : i32
      %dma_wait3A_1408 = arith.constant 1 : i32
      %dma_wait3A_1409 = arith.constant 0 : i32
      %dma_wait3A_1410 = arith.constant 0 : i32
      %dma_wait3A_1411 = tpu.memref_slice %arg13[%dma_wait3A_1408, %dma_wait3A_1409, %dma_wait3A_1410] : memref<2x128x128xf32, #tpu.memory_space<vmem>> -> memref<1x128x128xf32, #tpu.memory_space<vmem>>
      %dma_wait3A_1412 = tpu.memref_squeeze %dma_wait3A_1411 : memref<1x128x128xf32, #tpu.memory_space<vmem>> -> memref<128x128xf32, #tpu.memory_space<vmem>>
      %dma_wait3A_1413 = arith.constant 0 : i32
      %dma_wait3A_1414 = tpu.memref_slice %arg10[%dma_wait3A_1407, %dma_wait3A_1413] : memref<16x128xi32, #tpu.memory_space<vmem>> -> memref<1x128xi32, #tpu.memory_space<vmem>>
      %dma_wait3A_1415 = tpu.memref_squeeze %dma_wait3A_1414 : memref<1x128xi32, #tpu.memory_space<vmem>> -> memref<128xi32, #tpu.memory_space<vmem>>
      %dma_wait3A_1416 = arith.constant 0 : i32
      %dma_wait3A_1417 = arith.constant 0 : i32
      %dma_wait3A_1418 = tpu.memref_slice %arg19[%dma_wait3A_1416, %dma_wait3A_1417] : memref<212x128xf32, #tpu.memory_space<vmem_shared>> -> memref<212x128xf32, #tpu.memory_space<vmem_shared>>
      tpu.wait_indirect_dma semaphore(%arg15 : memref<!tpu.dma_semaphore, #tpu.memory_space<semaphore_mem>>) src(%dma_wait3A_1418 : memref<212x128xf32, #tpu.memory_space<vmem_shared>>) dst(%dma_wait3A_1412 : memref<128x128xf32, #tpu.memory_space<vmem>>)
      %dma_wait3A_1419 = arith.constant 9 : i32
      %dma_wait3A_1420 = arith.constant 1 : i32
      %dma_wait3A_1421 = arith.constant 0 : i32
      %dma_wait3A_1422 = arith.constant 0 : i32
      %dma_wait3A_1423 = tpu.memref_slice %arg14[%dma_wait3A_1420, %dma_wait3A_1421, %dma_wait3A_1422] : memref<2x128x128xf32, #tpu.memory_space<vmem>> -> memref<1x128x128xf32, #tpu.memory_space<vmem>>
      %dma_wait3A_1424 = tpu.memref_squeeze %dma_wait3A_1423 : memref<1x128x128xf32, #tpu.memory_space<vmem>> -> memref<128x128xf32, #tpu.memory_space<vmem>>
      %dma_wait3A_1425 = arith.constant 0 : i32
      %dma_wait3A_1426 = tpu.memref_slice %arg11[%dma_wait3A_1419, %dma_wait3A_1425] : memref<16x128xi32, #tpu.memory_space<vmem>> -> memref<1x128xi32, #tpu.memory_space<vmem>>
      %dma_wait3A_1427 = tpu.memref_squeeze %dma_wait3A_1426 : memref<1x128xi32, #tpu.memory_space<vmem>> -> memref<128xi32, #tpu.memory_space<vmem>>
      %dma_wait3A_1428 = arith.constant 0 : i32
      %dma_wait3A_1429 = arith.constant 0 : i32
      %dma_wait3A_1430 = tpu.memref_slice %arg20[%dma_wait3A_1428, %dma_wait3A_1429] : memref<133x128xf32, #tpu.memory_space<vmem_shared>> -> memref<133x128xf32, #tpu.memory_space<vmem_shared>>
      tpu.wait_indirect_dma semaphore(%arg15 : memref<!tpu.dma_semaphore, #tpu.memory_space<semaphore_mem>>) src(%dma_wait3A_1430 : memref<133x128xf32, #tpu.memory_space<vmem_shared>>) dst(%dma_wait3A_1424 : memref<128x128xf32, #tpu.memory_space<vmem>>)
      %add3A_1431 = arith.constant 9 : i32
      %add3A_1432 = arith.addi %add3A_13, %add3A_1431 : i32
      %mul3A_1433 = arith.constant 128 : i32
      %mul3A_1434 = arith.muli %add3A_1432, %mul3A_1433 : i32
      %dma_start3A_1435 = arith.constant 1 : i32
      %dma_start3A_1436 = arith.constant 0 : i32
      %dma_start3A_1437 = arith.constant 0 : i32
      %dma_start3A_1438 = tpu.memref_slice %arg12[%dma_start3A_1435, %dma_start3A_1436, %dma_start3A_1437] : memref<2x128x128xf32, #tpu.memory_space<vmem>> -> memref<1x128x128xf32, #tpu.memory_space<vmem>>
      %dma_start3A_1439 = tpu.memref_squeeze %dma_start3A_1438 : memref<1x128x128xf32, #tpu.memory_space<vmem>> -> memref<128x128xf32, #tpu.memory_space<vmem>>
      %dma_start3A_1440 = arith.constant 0 : i32
      %dma_start3A_1441 = tpu.memref_slice %arg8[%mul3A_1434, %dma_start3A_1440] : memref<3276800x384xf32, #tpu.memory_space<hbm>> -> memref<128x128xf32, #tpu.memory_space<hbm>>
      %dma_start3A_1442 = arith.constant 0 : i32
      %dma_start3A_1443 = tpu.memref_slice %arg8[%mul3A_1434, %dma_start3A_1442] : memref<3276800x384xf32, #tpu.memory_space<hbm>> -> memref<128x128xf32, #tpu.memory_space<hbm>>
      %dma_start3A_1444 = arith.constant 0 : i32
      %dma_start3A_1445 = arith.constant 0 : i32
      %dma_start3A_1446 = tpu.memref_slice %arg12[%dma_start3A_1435, %dma_start3A_1444, %dma_start3A_1445] : memref<2x128x128xf32, #tpu.memory_space<vmem>> -> memref<1x128x128xf32, #tpu.memory_space<vmem>>
      %dma_start3A_1447 = tpu.memref_squeeze %dma_start3A_1446 : memref<1x128x128xf32, #tpu.memory_space<vmem>> -> memref<128x128xf32, #tpu.memory_space<vmem>>
      tpu.enqueue_dma source(%dma_start3A_1447 : memref<128x128xf32, #tpu.memory_space<vmem>>) target(%dma_start3A_1443 : memref<128x128xf32, #tpu.memory_space<hbm>>) target_semaphore(%arg17 : memref<!tpu.dma_semaphore, #tpu.memory_space<semaphore_mem>>)
      %dma_start3A_1448 = arith.constant 1 : i32
      %dma_start3A_1449 = arith.constant 0 : i32
      %dma_start3A_1450 = arith.constant 0 : i32
      %dma_start3A_1451 = tpu.memref_slice %arg13[%dma_start3A_1448, %dma_start3A_1449, %dma_start3A_1450] : memref<2x128x128xf32, #tpu.memory_space<vmem>> -> memref<1x128x128xf32, #tpu.memory_space<vmem>>
      %dma_start3A_1452 = tpu.memref_squeeze %dma_start3A_1451 : memref<1x128x128xf32, #tpu.memory_space<vmem>> -> memref<128x128xf32, #tpu.memory_space<vmem>>
      %dma_start3A_1453 = arith.constant 128 : i32
      %dma_start3A_1454 = tpu.memref_slice %arg8[%mul3A_1434, %dma_start3A_1453] : memref<3276800x384xf32, #tpu.memory_space<hbm>> -> memref<128x128xf32, #tpu.memory_space<hbm>>
      %dma_start3A_1455 = arith.constant 128 : i32
      %dma_start3A_1456 = tpu.memref_slice %arg8[%mul3A_1434, %dma_start3A_1455] : memref<3276800x384xf32, #tpu.memory_space<hbm>> -> memref<128x128xf32, #tpu.memory_space<hbm>>
      %dma_start3A_1457 = arith.constant 0 : i32
      %dma_start3A_1458 = arith.constant 0 : i32
      %dma_start3A_1459 = tpu.memref_slice %arg13[%dma_start3A_1448, %dma_start3A_1457, %dma_start3A_1458] : memref<2x128x128xf32, #tpu.memory_space<vmem>> -> memref<1x128x128xf32, #tpu.memory_space<vmem>>
      %dma_start3A_1460 = tpu.memref_squeeze %dma_start3A_1459 : memref<1x128x128xf32, #tpu.memory_space<vmem>> -> memref<128x128xf32, #tpu.memory_space<vmem>>
      tpu.enqueue_dma source(%dma_start3A_1460 : memref<128x128xf32, #tpu.memory_space<vmem>>) target(%dma_start3A_1456 : memref<128x128xf32, #tpu.memory_space<hbm>>) target_semaphore(%arg17 : memref<!tpu.dma_semaphore, #tpu.memory_space<semaphore_mem>>)
      %dma_start3A_1461 = arith.constant 1 : i32
      %dma_start3A_1462 = arith.constant 0 : i32
      %dma_start3A_1463 = arith.constant 0 : i32
      %dma_start3A_1464 = tpu.memref_slice %arg14[%dma_start3A_1461, %dma_start3A_1462, %dma_start3A_1463] : memref<2x128x128xf32, #tpu.memory_space<vmem>> -> memref<1x128x128xf32, #tpu.memory_space<vmem>>
      %dma_start3A_1465 = tpu.memref_squeeze %dma_start3A_1464 : memref<1x128x128xf32, #tpu.memory_space<vmem>> -> memref<128x128xf32, #tpu.memory_space<vmem>>
      %dma_start3A_1466 = arith.constant 256 : i32
      %dma_start3A_1467 = tpu.memref_slice %arg8[%mul3A_1434, %dma_start3A_1466] : memref<3276800x384xf32, #tpu.memory_space<hbm>> -> memref<128x128xf32, #tpu.memory_space<hbm>>
      %dma_start3A_1468 = arith.constant 256 : i32
      %dma_start3A_1469 = tpu.memref_slice %arg8[%mul3A_1434, %dma_start3A_1468] : memref<3276800x384xf32, #tpu.memory_space<hbm>> -> memref<128x128xf32, #tpu.memory_space<hbm>>
      %dma_start3A_1470 = arith.constant 0 : i32
      %dma_start3A_1471 = arith.constant 0 : i32
      %dma_start3A_1472 = tpu.memref_slice %arg14[%dma_start3A_1461, %dma_start3A_1470, %dma_start3A_1471] : memref<2x128x128xf32, #tpu.memory_space<vmem>> -> memref<1x128x128xf32, #tpu.memory_space<vmem>>
      %dma_start3A_1473 = tpu.memref_squeeze %dma_start3A_1472 : memref<1x128x128xf32, #tpu.memory_space<vmem>> -> memref<128x128xf32, #tpu.memory_space<vmem>>
      tpu.enqueue_dma source(%dma_start3A_1473 : memref<128x128xf32, #tpu.memory_space<vmem>>) target(%dma_start3A_1469 : memref<128x128xf32, #tpu.memory_space<hbm>>) target_semaphore(%arg17 : memref<!tpu.dma_semaphore, #tpu.memory_space<semaphore_mem>>)
      %dma_wait3A_1474 = arith.constant 0 : i32
      %dma_wait3A_1475 = arith.constant 0 : i32
      %dma_wait3A_1476 = arith.constant 0 : i32
      %dma_wait3A_1477 = tpu.memref_slice %arg12[%dma_wait3A_1474, %dma_wait3A_1475, %dma_wait3A_1476] : memref<2x128x128xf32, #tpu.memory_space<vmem>> -> memref<1x128x128xf32, #tpu.memory_space<vmem>>
      %dma_wait3A_1478 = tpu.memref_squeeze %dma_wait3A_1477 : memref<1x128x128xf32, #tpu.memory_space<vmem>> -> memref<128x128xf32, #tpu.memory_space<vmem>>
      %dma_wait3A_1479 = arith.constant 0 : i32
      %dma_wait3A_1480 = tpu.memref_slice %arg8[%mul3A_1280, %dma_wait3A_1479] : memref<3276800x384xf32, #tpu.memory_space<hbm>> -> memref<128x128xf32, #tpu.memory_space<hbm>>
      %dma_wait3A_1481 = arith.constant 0 : i32
      %dma_wait3A_1482 = tpu.memref_slice %arg8[%mul3A_1280, %dma_wait3A_1481] : memref<3276800x384xf32, #tpu.memory_space<hbm>> -> memref<128x128xf32, #tpu.memory_space<hbm>>
      %dma_wait3A_1483 = arith.constant 0 : i32
      %dma_wait3A_1484 = arith.constant 0 : i32
      %dma_wait3A_1485 = tpu.memref_slice %arg12[%dma_wait3A_1474, %dma_wait3A_1483, %dma_wait3A_1484] : memref<2x128x128xf32, #tpu.memory_space<vmem>> -> memref<1x128x128xf32, #tpu.memory_space<vmem>>
      %dma_wait3A_1486 = tpu.memref_squeeze %dma_wait3A_1485 : memref<1x128x128xf32, #tpu.memory_space<vmem>> -> memref<128x128xf32, #tpu.memory_space<vmem>>
      tpu.wait_dma2 semaphore(%arg16 : memref<!tpu.dma_semaphore, #tpu.memory_space<semaphore_mem>>) src(%dma_wait3A_1486 : memref<128x128xf32, #tpu.memory_space<vmem>>) dst(%dma_wait3A_1482 : memref<128x128xf32, #tpu.memory_space<hbm>>)
      %dma_wait3A_1487 = arith.constant 0 : i32
      %dma_wait3A_1488 = arith.constant 0 : i32
      %dma_wait3A_1489 = arith.constant 0 : i32
      %dma_wait3A_1490 = tpu.memref_slice %arg13[%dma_wait3A_1487, %dma_wait3A_1488, %dma_wait3A_1489] : memref<2x128x128xf32, #tpu.memory_space<vmem>> -> memref<1x128x128xf32, #tpu.memory_space<vmem>>
      %dma_wait3A_1491 = tpu.memref_squeeze %dma_wait3A_1490 : memref<1x128x128xf32, #tpu.memory_space<vmem>> -> memref<128x128xf32, #tpu.memory_space<vmem>>
      %dma_wait3A_1492 = arith.constant 128 : i32
      %dma_wait3A_1493 = tpu.memref_slice %arg8[%mul3A_1280, %dma_wait3A_1492] : memref<3276800x384xf32, #tpu.memory_space<hbm>> -> memref<128x128xf32, #tpu.memory_space<hbm>>
      %dma_wait3A_1494 = arith.constant 128 : i32
      %dma_wait3A_1495 = tpu.memref_slice %arg8[%mul3A_1280, %dma_wait3A_1494] : memref<3276800x384xf32, #tpu.memory_space<hbm>> -> memref<128x128xf32, #tpu.memory_space<hbm>>
      %dma_wait3A_1496 = arith.constant 0 : i32
      %dma_wait3A_1497 = arith.constant 0 : i32
      %dma_wait3A_1498 = tpu.memref_slice %arg13[%dma_wait3A_1487, %dma_wait3A_1496, %dma_wait3A_1497] : memref<2x128x128xf32, #tpu.memory_space<vmem>> -> memref<1x128x128xf32, #tpu.memory_space<vmem>>
      %dma_wait3A_1499 = tpu.memref_squeeze %dma_wait3A_1498 : memref<1x128x128xf32, #tpu.memory_space<vmem>> -> memref<128x128xf32, #tpu.memory_space<vmem>>
      tpu.wait_dma2 semaphore(%arg16 : memref<!tpu.dma_semaphore, #tpu.memory_space<semaphore_mem>>) src(%dma_wait3A_1499 : memref<128x128xf32, #tpu.memory_space<vmem>>) dst(%dma_wait3A_1495 : memref<128x128xf32, #tpu.memory_space<hbm>>)
      %dma_wait3A_1500 = arith.constant 0 : i32
      %dma_wait3A_1501 = arith.constant 0 : i32
      %dma_wait3A_1502 = arith.constant 0 : i32
      %dma_wait3A_1503 = tpu.memref_slice %arg14[%dma_wait3A_1500, %dma_wait3A_1501, %dma_wait3A_1502] : memref<2x128x128xf32, #tpu.memory_space<vmem>> -> memref<1x128x128xf32, #tpu.memory_space<vmem>>
      %dma_wait3A_1504 = tpu.memref_squeeze %dma_wait3A_1503 : memref<1x128x128xf32, #tpu.memory_space<vmem>> -> memref<128x128xf32, #tpu.memory_space<vmem>>
      %dma_wait3A_1505 = arith.constant 256 : i32
      %dma_wait3A_1506 = tpu.memref_slice %arg8[%mul3A_1280, %dma_wait3A_1505] : memref<3276800x384xf32, #tpu.memory_space<hbm>> -> memref<128x128xf32, #tpu.memory_space<hbm>>
      %dma_wait3A_1507 = arith.constant 256 : i32
      %dma_wait3A_1508 = tpu.memref_slice %arg8[%mul3A_1280, %dma_wait3A_1507] : memref<3276800x384xf32, #tpu.memory_space<hbm>> -> memref<128x128xf32, #tpu.memory_space<hbm>>
      %dma_wait3A_1509 = arith.constant 0 : i32
      %dma_wait3A_1510 = arith.constant 0 : i32
      %dma_wait3A_1511 = tpu.memref_slice %arg14[%dma_wait3A_1500, %dma_wait3A_1509, %dma_wait3A_1510] : memref<2x128x128xf32, #tpu.memory_space<vmem>> -> memref<1x128x128xf32, #tpu.memory_space<vmem>>
      %dma_wait3A_1512 = tpu.memref_squeeze %dma_wait3A_1511 : memref<1x128x128xf32, #tpu.memory_space<vmem>> -> memref<128x128xf32, #tpu.memory_space<vmem>>
      tpu.wait_dma2 semaphore(%arg16 : memref<!tpu.dma_semaphore, #tpu.memory_space<semaphore_mem>>) src(%dma_wait3A_1512 : memref<128x128xf32, #tpu.memory_space<vmem>>) dst(%dma_wait3A_1508 : memref<128x128xf32, #tpu.memory_space<hbm>>)
      %dma_start3A_1513 = arith.constant 10 : i32
      %dma_start3A_1514 = arith.constant 0 : i32
      %dma_start3A_1515 = arith.constant 0 : i32
      %dma_start3A_1516 = arith.constant 0 : i32
      %dma_start3A_1517 = tpu.memref_slice %arg12[%dma_start3A_1514, %dma_start3A_1515, %dma_start3A_1516] : memref<2x128x128xf32, #tpu.memory_space<vmem>> -> memref<1x128x128xf32, #tpu.memory_space<vmem>>
      %dma_start3A_1518 = tpu.memref_squeeze %dma_start3A_1517 : memref<1x128x128xf32, #tpu.memory_space<vmem>> -> memref<128x128xf32, #tpu.memory_space<vmem>>
      %dma_start3A_1519 = arith.constant 0 : i32
      %dma_start3A_1520 = tpu.memref_slice %arg9[%dma_start3A_1513, %dma_start3A_1519] : memref<16x128xi32, #tpu.memory_space<vmem>> -> memref<1x128xi32, #tpu.memory_space<vmem>>
      %dma_start3A_1521 = tpu.memref_squeeze %dma_start3A_1520 : memref<1x128xi32, #tpu.memory_space<vmem>> -> memref<128xi32, #tpu.memory_space<vmem>>
      %dma_start3A_1522 = arith.constant 0 : i32
      %dma_start3A_1523 = arith.constant 0 : i32
      %dma_start3A_1524 = tpu.memref_slice %arg18[%dma_start3A_1522, %dma_start3A_1523] : memref<256x128xf32, #tpu.memory_space<vmem_shared>> -> memref<256x128xf32, #tpu.memory_space<vmem_shared>>
      tpu.enqueue_indirect_dma source(%dma_start3A_1524 : memref<256x128xf32, #tpu.memory_space<vmem_shared>>) target(%dma_start3A_1518 : memref<128x128xf32, #tpu.memory_space<vmem>>) offsets(%dma_start3A_1521 : memref<128xi32, #tpu.memory_space<vmem>>) semaphore(%arg15 : memref<!tpu.dma_semaphore, #tpu.memory_space<semaphore_mem>>)
      %dma_start3A_1525 = arith.constant 10 : i32
      %dma_start3A_1526 = arith.constant 0 : i32
      %dma_start3A_1527 = arith.constant 0 : i32
      %dma_start3A_1528 = arith.constant 0 : i32
      %dma_start3A_1529 = tpu.memref_slice %arg13[%dma_start3A_1526, %dma_start3A_1527, %dma_start3A_1528] : memref<2x128x128xf32, #tpu.memory_space<vmem>> -> memref<1x128x128xf32, #tpu.memory_space<vmem>>
      %dma_start3A_1530 = tpu.memref_squeeze %dma_start3A_1529 : memref<1x128x128xf32, #tpu.memory_space<vmem>> -> memref<128x128xf32, #tpu.memory_space<vmem>>
      %dma_start3A_1531 = arith.constant 0 : i32
      %dma_start3A_1532 = tpu.memref_slice %arg10[%dma_start3A_1525, %dma_start3A_1531] : memref<16x128xi32, #tpu.memory_space<vmem>> -> memref<1x128xi32, #tpu.memory_space<vmem>>
      %dma_start3A_1533 = tpu.memref_squeeze %dma_start3A_1532 : memref<1x128xi32, #tpu.memory_space<vmem>> -> memref<128xi32, #tpu.memory_space<vmem>>
      %dma_start3A_1534 = arith.constant 0 : i32
      %dma_start3A_1535 = arith.constant 0 : i32
      %dma_start3A_1536 = tpu.memref_slice %arg19[%dma_start3A_1534, %dma_start3A_1535] : memref<212x128xf32, #tpu.memory_space<vmem_shared>> -> memref<212x128xf32, #tpu.memory_space<vmem_shared>>
      tpu.enqueue_indirect_dma source(%dma_start3A_1536 : memref<212x128xf32, #tpu.memory_space<vmem_shared>>) target(%dma_start3A_1530 : memref<128x128xf32, #tpu.memory_space<vmem>>) offsets(%dma_start3A_1533 : memref<128xi32, #tpu.memory_space<vmem>>) semaphore(%arg15 : memref<!tpu.dma_semaphore, #tpu.memory_space<semaphore_mem>>)
      %dma_start3A_1537 = arith.constant 10 : i32
      %dma_start3A_1538 = arith.constant 0 : i32
      %dma_start3A_1539 = arith.constant 0 : i32
      %dma_start3A_1540 = arith.constant 0 : i32
      %dma_start3A_1541 = tpu.memref_slice %arg14[%dma_start3A_1538, %dma_start3A_1539, %dma_start3A_1540] : memref<2x128x128xf32, #tpu.memory_space<vmem>> -> memref<1x128x128xf32, #tpu.memory_space<vmem>>
      %dma_start3A_1542 = tpu.memref_squeeze %dma_start3A_1541 : memref<1x128x128xf32, #tpu.memory_space<vmem>> -> memref<128x128xf32, #tpu.memory_space<vmem>>
      %dma_start3A_1543 = arith.constant 0 : i32
      %dma_start3A_1544 = tpu.memref_slice %arg11[%dma_start3A_1537, %dma_start3A_1543] : memref<16x128xi32, #tpu.memory_space<vmem>> -> memref<1x128xi32, #tpu.memory_space<vmem>>
      %dma_start3A_1545 = tpu.memref_squeeze %dma_start3A_1544 : memref<1x128xi32, #tpu.memory_space<vmem>> -> memref<128xi32, #tpu.memory_space<vmem>>
      %dma_start3A_1546 = arith.constant 0 : i32
      %dma_start3A_1547 = arith.constant 0 : i32
      %dma_start3A_1548 = tpu.memref_slice %arg20[%dma_start3A_1546, %dma_start3A_1547] : memref<133x128xf32, #tpu.memory_space<vmem_shared>> -> memref<133x128xf32, #tpu.memory_space<vmem_shared>>
      tpu.enqueue_indirect_dma source(%dma_start3A_1548 : memref<133x128xf32, #tpu.memory_space<vmem_shared>>) target(%dma_start3A_1542 : memref<128x128xf32, #tpu.memory_space<vmem>>) offsets(%dma_start3A_1545 : memref<128xi32, #tpu.memory_space<vmem>>) semaphore(%arg15 : memref<!tpu.dma_semaphore, #tpu.memory_space<semaphore_mem>>)
      %dma_wait3A_1549 = arith.constant 10 : i32
      %dma_wait3A_1550 = arith.constant 0 : i32
      %dma_wait3A_1551 = arith.constant 0 : i32
      %dma_wait3A_1552 = arith.constant 0 : i32
      %dma_wait3A_1553 = tpu.memref_slice %arg12[%dma_wait3A_1550, %dma_wait3A_1551, %dma_wait3A_1552] : memref<2x128x128xf32, #tpu.memory_space<vmem>> -> memref<1x128x128xf32, #tpu.memory_space<vmem>>
      %dma_wait3A_1554 = tpu.memref_squeeze %dma_wait3A_1553 : memref<1x128x128xf32, #tpu.memory_space<vmem>> -> memref<128x128xf32, #tpu.memory_space<vmem>>
      %dma_wait3A_1555 = arith.constant 0 : i32
      %dma_wait3A_1556 = tpu.memref_slice %arg9[%dma_wait3A_1549, %dma_wait3A_1555] : memref<16x128xi32, #tpu.memory_space<vmem>> -> memref<1x128xi32, #tpu.memory_space<vmem>>
      %dma_wait3A_1557 = tpu.memref_squeeze %dma_wait3A_1556 : memref<1x128xi32, #tpu.memory_space<vmem>> -> memref<128xi32, #tpu.memory_space<vmem>>
      %dma_wait3A_1558 = arith.constant 0 : i32
      %dma_wait3A_1559 = arith.constant 0 : i32
      %dma_wait3A_1560 = tpu.memref_slice %arg18[%dma_wait3A_1558, %dma_wait3A_1559] : memref<256x128xf32, #tpu.memory_space<vmem_shared>> -> memref<256x128xf32, #tpu.memory_space<vmem_shared>>
      tpu.wait_indirect_dma semaphore(%arg15 : memref<!tpu.dma_semaphore, #tpu.memory_space<semaphore_mem>>) src(%dma_wait3A_1560 : memref<256x128xf32, #tpu.memory_space<vmem_shared>>) dst(%dma_wait3A_1554 : memref<128x128xf32, #tpu.memory_space<vmem>>)
      %dma_wait3A_1561 = arith.constant 10 : i32
      %dma_wait3A_1562 = arith.constant 0 : i32
      %dma_wait3A_1563 = arith.constant 0 : i32
      %dma_wait3A_1564 = arith.constant 0 : i32
      %dma_wait3A_1565 = tpu.memref_slice %arg13[%dma_wait3A_1562, %dma_wait3A_1563, %dma_wait3A_1564] : memref<2x128x128xf32, #tpu.memory_space<vmem>> -> memref<1x128x128xf32, #tpu.memory_space<vmem>>
      %dma_wait3A_1566 = tpu.memref_squeeze %dma_wait3A_1565 : memref<1x128x128xf32, #tpu.memory_space<vmem>> -> memref<128x128xf32, #tpu.memory_space<vmem>>
      %dma_wait3A_1567 = arith.constant 0 : i32
      %dma_wait3A_1568 = tpu.memref_slice %arg10[%dma_wait3A_1561, %dma_wait3A_1567] : memref<16x128xi32, #tpu.memory_space<vmem>> -> memref<1x128xi32, #tpu.memory_space<vmem>>
      %dma_wait3A_1569 = tpu.memref_squeeze %dma_wait3A_1568 : memref<1x128xi32, #tpu.memory_space<vmem>> -> memref<128xi32, #tpu.memory_space<vmem>>
      %dma_wait3A_1570 = arith.constant 0 : i32
      %dma_wait3A_1571 = arith.constant 0 : i32
      %dma_wait3A_1572 = tpu.memref_slice %arg19[%dma_wait3A_1570, %dma_wait3A_1571] : memref<212x128xf32, #tpu.memory_space<vmem_shared>> -> memref<212x128xf32, #tpu.memory_space<vmem_shared>>
      tpu.wait_indirect_dma semaphore(%arg15 : memref<!tpu.dma_semaphore, #tpu.memory_space<semaphore_mem>>) src(%dma_wait3A_1572 : memref<212x128xf32, #tpu.memory_space<vmem_shared>>) dst(%dma_wait3A_1566 : memref<128x128xf32, #tpu.memory_space<vmem>>)
      %dma_wait3A_1573 = arith.constant 10 : i32
      %dma_wait3A_1574 = arith.constant 0 : i32
      %dma_wait3A_1575 = arith.constant 0 : i32
      %dma_wait3A_1576 = arith.constant 0 : i32
      %dma_wait3A_1577 = tpu.memref_slice %arg14[%dma_wait3A_1574, %dma_wait3A_1575, %dma_wait3A_1576] : memref<2x128x128xf32, #tpu.memory_space<vmem>> -> memref<1x128x128xf32, #tpu.memory_space<vmem>>
      %dma_wait3A_1578 = tpu.memref_squeeze %dma_wait3A_1577 : memref<1x128x128xf32, #tpu.memory_space<vmem>> -> memref<128x128xf32, #tpu.memory_space<vmem>>
      %dma_wait3A_1579 = arith.constant 0 : i32
      %dma_wait3A_1580 = tpu.memref_slice %arg11[%dma_wait3A_1573, %dma_wait3A_1579] : memref<16x128xi32, #tpu.memory_space<vmem>> -> memref<1x128xi32, #tpu.memory_space<vmem>>
      %dma_wait3A_1581 = tpu.memref_squeeze %dma_wait3A_1580 : memref<1x128xi32, #tpu.memory_space<vmem>> -> memref<128xi32, #tpu.memory_space<vmem>>
      %dma_wait3A_1582 = arith.constant 0 : i32
      %dma_wait3A_1583 = arith.constant 0 : i32
      %dma_wait3A_1584 = tpu.memref_slice %arg20[%dma_wait3A_1582, %dma_wait3A_1583] : memref<133x128xf32, #tpu.memory_space<vmem_shared>> -> memref<133x128xf32, #tpu.memory_space<vmem_shared>>
      tpu.wait_indirect_dma semaphore(%arg15 : memref<!tpu.dma_semaphore, #tpu.memory_space<semaphore_mem>>) src(%dma_wait3A_1584 : memref<133x128xf32, #tpu.memory_space<vmem_shared>>) dst(%dma_wait3A_1578 : memref<128x128xf32, #tpu.memory_space<vmem>>)
      %add3A_1585 = arith.constant 10 : i32
      %add3A_1586 = arith.addi %add3A_13, %add3A_1585 : i32
      %mul3A_1587 = arith.constant 128 : i32
      %mul3A_1588 = arith.muli %add3A_1586, %mul3A_1587 : i32
      %dma_start3A_1589 = arith.constant 0 : i32
      %dma_start3A_1590 = arith.constant 0 : i32
      %dma_start3A_1591 = arith.constant 0 : i32
      %dma_start3A_1592 = tpu.memref_slice %arg12[%dma_start3A_1589, %dma_start3A_1590, %dma_start3A_1591] : memref<2x128x128xf32, #tpu.memory_space<vmem>> -> memref<1x128x128xf32, #tpu.memory_space<vmem>>
      %dma_start3A_1593 = tpu.memref_squeeze %dma_start3A_1592 : memref<1x128x128xf32, #tpu.memory_space<vmem>> -> memref<128x128xf32, #tpu.memory_space<vmem>>
      %dma_start3A_1594 = arith.constant 0 : i32
      %dma_start3A_1595 = tpu.memref_slice %arg8[%mul3A_1588, %dma_start3A_1594] : memref<3276800x384xf32, #tpu.memory_space<hbm>> -> memref<128x128xf32, #tpu.memory_space<hbm>>
      %dma_start3A_1596 = arith.constant 0 : i32
      %dma_start3A_1597 = tpu.memref_slice %arg8[%mul3A_1588, %dma_start3A_1596] : memref<3276800x384xf32, #tpu.memory_space<hbm>> -> memref<128x128xf32, #tpu.memory_space<hbm>>
      %dma_start3A_1598 = arith.constant 0 : i32
      %dma_start3A_1599 = arith.constant 0 : i32
      %dma_start3A_1600 = tpu.memref_slice %arg12[%dma_start3A_1589, %dma_start3A_1598, %dma_start3A_1599] : memref<2x128x128xf32, #tpu.memory_space<vmem>> -> memref<1x128x128xf32, #tpu.memory_space<vmem>>
      %dma_start3A_1601 = tpu.memref_squeeze %dma_start3A_1600 : memref<1x128x128xf32, #tpu.memory_space<vmem>> -> memref<128x128xf32, #tpu.memory_space<vmem>>
      tpu.enqueue_dma source(%dma_start3A_1601 : memref<128x128xf32, #tpu.memory_space<vmem>>) target(%dma_start3A_1597 : memref<128x128xf32, #tpu.memory_space<hbm>>) target_semaphore(%arg16 : memref<!tpu.dma_semaphore, #tpu.memory_space<semaphore_mem>>)
      %dma_start3A_1602 = arith.constant 0 : i32
      %dma_start3A_1603 = arith.constant 0 : i32
      %dma_start3A_1604 = arith.constant 0 : i32
      %dma_start3A_1605 = tpu.memref_slice %arg13[%dma_start3A_1602, %dma_start3A_1603, %dma_start3A_1604] : memref<2x128x128xf32, #tpu.memory_space<vmem>> -> memref<1x128x128xf32, #tpu.memory_space<vmem>>
      %dma_start3A_1606 = tpu.memref_squeeze %dma_start3A_1605 : memref<1x128x128xf32, #tpu.memory_space<vmem>> -> memref<128x128xf32, #tpu.memory_space<vmem>>
      %dma_start3A_1607 = arith.constant 128 : i32
      %dma_start3A_1608 = tpu.memref_slice %arg8[%mul3A_1588, %dma_start3A_1607] : memref<3276800x384xf32, #tpu.memory_space<hbm>> -> memref<128x128xf32, #tpu.memory_space<hbm>>
      %dma_start3A_1609 = arith.constant 128 : i32
      %dma_start3A_1610 = tpu.memref_slice %arg8[%mul3A_1588, %dma_start3A_1609] : memref<3276800x384xf32, #tpu.memory_space<hbm>> -> memref<128x128xf32, #tpu.memory_space<hbm>>
      %dma_start3A_1611 = arith.constant 0 : i32
      %dma_start3A_1612 = arith.constant 0 : i32
      %dma_start3A_1613 = tpu.memref_slice %arg13[%dma_start3A_1602, %dma_start3A_1611, %dma_start3A_1612] : memref<2x128x128xf32, #tpu.memory_space<vmem>> -> memref<1x128x128xf32, #tpu.memory_space<vmem>>
      %dma_start3A_1614 = tpu.memref_squeeze %dma_start3A_1613 : memref<1x128x128xf32, #tpu.memory_space<vmem>> -> memref<128x128xf32, #tpu.memory_space<vmem>>
      tpu.enqueue_dma source(%dma_start3A_1614 : memref<128x128xf32, #tpu.memory_space<vmem>>) target(%dma_start3A_1610 : memref<128x128xf32, #tpu.memory_space<hbm>>) target_semaphore(%arg16 : memref<!tpu.dma_semaphore, #tpu.memory_space<semaphore_mem>>)
      %dma_start3A_1615 = arith.constant 0 : i32
      %dma_start3A_1616 = arith.constant 0 : i32
      %dma_start3A_1617 = arith.constant 0 : i32
      %dma_start3A_1618 = tpu.memref_slice %arg14[%dma_start3A_1615, %dma_start3A_1616, %dma_start3A_1617] : memref<2x128x128xf32, #tpu.memory_space<vmem>> -> memref<1x128x128xf32, #tpu.memory_space<vmem>>
      %dma_start3A_1619 = tpu.memref_squeeze %dma_start3A_1618 : memref<1x128x128xf32, #tpu.memory_space<vmem>> -> memref<128x128xf32, #tpu.memory_space<vmem>>
      %dma_start3A_1620 = arith.constant 256 : i32
      %dma_start3A_1621 = tpu.memref_slice %arg8[%mul3A_1588, %dma_start3A_1620] : memref<3276800x384xf32, #tpu.memory_space<hbm>> -> memref<128x128xf32, #tpu.memory_space<hbm>>
      %dma_start3A_1622 = arith.constant 256 : i32
      %dma_start3A_1623 = tpu.memref_slice %arg8[%mul3A_1588, %dma_start3A_1622] : memref<3276800x384xf32, #tpu.memory_space<hbm>> -> memref<128x128xf32, #tpu.memory_space<hbm>>
      %dma_start3A_1624 = arith.constant 0 : i32
      %dma_start3A_1625 = arith.constant 0 : i32
      %dma_start3A_1626 = tpu.memref_slice %arg14[%dma_start3A_1615, %dma_start3A_1624, %dma_start3A_1625] : memref<2x128x128xf32, #tpu.memory_space<vmem>> -> memref<1x128x128xf32, #tpu.memory_space<vmem>>
      %dma_start3A_1627 = tpu.memref_squeeze %dma_start3A_1626 : memref<1x128x128xf32, #tpu.memory_space<vmem>> -> memref<128x128xf32, #tpu.memory_space<vmem>>
      tpu.enqueue_dma source(%dma_start3A_1627 : memref<128x128xf32, #tpu.memory_space<vmem>>) target(%dma_start3A_1623 : memref<128x128xf32, #tpu.memory_space<hbm>>) target_semaphore(%arg16 : memref<!tpu.dma_semaphore, #tpu.memory_space<semaphore_mem>>)
      %dma_wait3A_1628 = arith.constant 1 : i32
      %dma_wait3A_1629 = arith.constant 0 : i32
      %dma_wait3A_1630 = arith.constant 0 : i32
      %dma_wait3A_1631 = tpu.memref_slice %arg12[%dma_wait3A_1628, %dma_wait3A_1629, %dma_wait3A_1630] : memref<2x128x128xf32, #tpu.memory_space<vmem>> -> memref<1x128x128xf32, #tpu.memory_space<vmem>>
      %dma_wait3A_1632 = tpu.memref_squeeze %dma_wait3A_1631 : memref<1x128x128xf32, #tpu.memory_space<vmem>> -> memref<128x128xf32, #tpu.memory_space<vmem>>
      %dma_wait3A_1633 = arith.constant 0 : i32
      %dma_wait3A_1634 = tpu.memref_slice %arg8[%mul3A_1434, %dma_wait3A_1633] : memref<3276800x384xf32, #tpu.memory_space<hbm>> -> memref<128x128xf32, #tpu.memory_space<hbm>>
      %dma_wait3A_1635 = arith.constant 0 : i32
      %dma_wait3A_1636 = tpu.memref_slice %arg8[%mul3A_1434, %dma_wait3A_1635] : memref<3276800x384xf32, #tpu.memory_space<hbm>> -> memref<128x128xf32, #tpu.memory_space<hbm>>
      %dma_wait3A_1637 = arith.constant 0 : i32
      %dma_wait3A_1638 = arith.constant 0 : i32
      %dma_wait3A_1639 = tpu.memref_slice %arg12[%dma_wait3A_1628, %dma_wait3A_1637, %dma_wait3A_1638] : memref<2x128x128xf32, #tpu.memory_space<vmem>> -> memref<1x128x128xf32, #tpu.memory_space<vmem>>
      %dma_wait3A_1640 = tpu.memref_squeeze %dma_wait3A_1639 : memref<1x128x128xf32, #tpu.memory_space<vmem>> -> memref<128x128xf32, #tpu.memory_space<vmem>>
      tpu.wait_dma2 semaphore(%arg17 : memref<!tpu.dma_semaphore, #tpu.memory_space<semaphore_mem>>) src(%dma_wait3A_1640 : memref<128x128xf32, #tpu.memory_space<vmem>>) dst(%dma_wait3A_1636 : memref<128x128xf32, #tpu.memory_space<hbm>>)
      %dma_wait3A_1641 = arith.constant 1 : i32
      %dma_wait3A_1642 = arith.constant 0 : i32
      %dma_wait3A_1643 = arith.constant 0 : i32
      %dma_wait3A_1644 = tpu.memref_slice %arg13[%dma_wait3A_1641, %dma_wait3A_1642, %dma_wait3A_1643] : memref<2x128x128xf32, #tpu.memory_space<vmem>> -> memref<1x128x128xf32, #tpu.memory_space<vmem>>
      %dma_wait3A_1645 = tpu.memref_squeeze %dma_wait3A_1644 : memref<1x128x128xf32, #tpu.memory_space<vmem>> -> memref<128x128xf32, #tpu.memory_space<vmem>>
      %dma_wait3A_1646 = arith.constant 128 : i32
      %dma_wait3A_1647 = tpu.memref_slice %arg8[%mul3A_1434, %dma_wait3A_1646] : memref<3276800x384xf32, #tpu.memory_space<hbm>> -> memref<128x128xf32, #tpu.memory_space<hbm>>
      %dma_wait3A_1648 = arith.constant 128 : i32
      %dma_wait3A_1649 = tpu.memref_slice %arg8[%mul3A_1434, %dma_wait3A_1648] : memref<3276800x384xf32, #tpu.memory_space<hbm>> -> memref<128x128xf32, #tpu.memory_space<hbm>>
      %dma_wait3A_1650 = arith.constant 0 : i32
      %dma_wait3A_1651 = arith.constant 0 : i32
      %dma_wait3A_1652 = tpu.memref_slice %arg13[%dma_wait3A_1641, %dma_wait3A_1650, %dma_wait3A_1651] : memref<2x128x128xf32, #tpu.memory_space<vmem>> -> memref<1x128x128xf32, #tpu.memory_space<vmem>>
      %dma_wait3A_1653 = tpu.memref_squeeze %dma_wait3A_1652 : memref<1x128x128xf32, #tpu.memory_space<vmem>> -> memref<128x128xf32, #tpu.memory_space<vmem>>
      tpu.wait_dma2 semaphore(%arg17 : memref<!tpu.dma_semaphore, #tpu.memory_space<semaphore_mem>>) src(%dma_wait3A_1653 : memref<128x128xf32, #tpu.memory_space<vmem>>) dst(%dma_wait3A_1649 : memref<128x128xf32, #tpu.memory_space<hbm>>)
      %dma_wait3A_1654 = arith.constant 1 : i32
      %dma_wait3A_1655 = arith.constant 0 : i32
      %dma_wait3A_1656 = arith.constant 0 : i32
      %dma_wait3A_1657 = tpu.memref_slice %arg14[%dma_wait3A_1654, %dma_wait3A_1655, %dma_wait3A_1656] : memref<2x128x128xf32, #tpu.memory_space<vmem>> -> memref<1x128x128xf32, #tpu.memory_space<vmem>>
      %dma_wait3A_1658 = tpu.memref_squeeze %dma_wait3A_1657 : memref<1x128x128xf32, #tpu.memory_space<vmem>> -> memref<128x128xf32, #tpu.memory_space<vmem>>
      %dma_wait3A_1659 = arith.constant 256 : i32
      %dma_wait3A_1660 = tpu.memref_slice %arg8[%mul3A_1434, %dma_wait3A_1659] : memref<3276800x384xf32, #tpu.memory_space<hbm>> -> memref<128x128xf32, #tpu.memory_space<hbm>>
      %dma_wait3A_1661 = arith.constant 256 : i32
      %dma_wait3A_1662 = tpu.memref_slice %arg8[%mul3A_1434, %dma_wait3A_1661] : memref<3276800x384xf32, #tpu.memory_space<hbm>> -> memref<128x128xf32, #tpu.memory_space<hbm>>
      %dma_wait3A_1663 = arith.constant 0 : i32
      %dma_wait3A_1664 = arith.constant 0 : i32
      %dma_wait3A_1665 = tpu.memref_slice %arg14[%dma_wait3A_1654, %dma_wait3A_1663, %dma_wait3A_1664] : memref<2x128x128xf32, #tpu.memory_space<vmem>> -> memref<1x128x128xf32, #tpu.memory_space<vmem>>
      %dma_wait3A_1666 = tpu.memref_squeeze %dma_wait3A_1665 : memref<1x128x128xf32, #tpu.memory_space<vmem>> -> memref<128x128xf32, #tpu.memory_space<vmem>>
      tpu.wait_dma2 semaphore(%arg17 : memref<!tpu.dma_semaphore, #tpu.memory_space<semaphore_mem>>) src(%dma_wait3A_1666 : memref<128x128xf32, #tpu.memory_space<vmem>>) dst(%dma_wait3A_1662 : memref<128x128xf32, #tpu.memory_space<hbm>>)
      %dma_start3A_1667 = arith.constant 11 : i32
      %dma_start3A_1668 = arith.constant 1 : i32
      %dma_start3A_1669 = arith.constant 0 : i32
      %dma_start3A_1670 = arith.constant 0 : i32
      %dma_start3A_1671 = tpu.memref_slice %arg12[%dma_start3A_1668, %dma_start3A_1669, %dma_start3A_1670] : memref<2x128x128xf32, #tpu.memory_space<vmem>> -> memref<1x128x128xf32, #tpu.memory_space<vmem>>
      %dma_start3A_1672 = tpu.memref_squeeze %dma_start3A_1671 : memref<1x128x128xf32, #tpu.memory_space<vmem>> -> memref<128x128xf32, #tpu.memory_space<vmem>>
      %dma_start3A_1673 = arith.constant 0 : i32
      %dma_start3A_1674 = tpu.memref_slice %arg9[%dma_start3A_1667, %dma_start3A_1673] : memref<16x128xi32, #tpu.memory_space<vmem>> -> memref<1x128xi32, #tpu.memory_space<vmem>>
      %dma_start3A_1675 = tpu.memref_squeeze %dma_start3A_1674 : memref<1x128xi32, #tpu.memory_space<vmem>> -> memref<128xi32, #tpu.memory_space<vmem>>
      %dma_start3A_1676 = arith.constant 0 : i32
      %dma_start3A_1677 = arith.constant 0 : i32
      %dma_start3A_1678 = tpu.memref_slice %arg18[%dma_start3A_1676, %dma_start3A_1677] : memref<256x128xf32, #tpu.memory_space<vmem_shared>> -> memref<256x128xf32, #tpu.memory_space<vmem_shared>>
      tpu.enqueue_indirect_dma source(%dma_start3A_1678 : memref<256x128xf32, #tpu.memory_space<vmem_shared>>) target(%dma_start3A_1672 : memref<128x128xf32, #tpu.memory_space<vmem>>) offsets(%dma_start3A_1675 : memref<128xi32, #tpu.memory_space<vmem>>) semaphore(%arg15 : memref<!tpu.dma_semaphore, #tpu.memory_space<semaphore_mem>>)
      %dma_start3A_1679 = arith.constant 11 : i32
      %dma_start3A_1680 = arith.constant 1 : i32
      %dma_start3A_1681 = arith.constant 0 : i32
      %dma_start3A_1682 = arith.constant 0 : i32
      %dma_start3A_1683 = tpu.memref_slice %arg13[%dma_start3A_1680, %dma_start3A_1681, %dma_start3A_1682] : memref<2x128x128xf32, #tpu.memory_space<vmem>> -> memref<1x128x128xf32, #tpu.memory_space<vmem>>
      %dma_start3A_1684 = tpu.memref_squeeze %dma_start3A_1683 : memref<1x128x128xf32, #tpu.memory_space<vmem>> -> memref<128x128xf32, #tpu.memory_space<vmem>>
      %dma_start3A_1685 = arith.constant 0 : i32
      %dma_start3A_1686 = tpu.memref_slice %arg10[%dma_start3A_1679, %dma_start3A_1685] : memref<16x128xi32, #tpu.memory_space<vmem>> -> memref<1x128xi32, #tpu.memory_space<vmem>>
      %dma_start3A_1687 = tpu.memref_squeeze %dma_start3A_1686 : memref<1x128xi32, #tpu.memory_space<vmem>> -> memref<128xi32, #tpu.memory_space<vmem>>
      %dma_start3A_1688 = arith.constant 0 : i32
      %dma_start3A_1689 = arith.constant 0 : i32
      %dma_start3A_1690 = tpu.memref_slice %arg19[%dma_start3A_1688, %dma_start3A_1689] : memref<212x128xf32, #tpu.memory_space<vmem_shared>> -> memref<212x128xf32, #tpu.memory_space<vmem_shared>>
      tpu.enqueue_indirect_dma source(%dma_start3A_1690 : memref<212x128xf32, #tpu.memory_space<vmem_shared>>) target(%dma_start3A_1684 : memref<128x128xf32, #tpu.memory_space<vmem>>) offsets(%dma_start3A_1687 : memref<128xi32, #tpu.memory_space<vmem>>) semaphore(%arg15 : memref<!tpu.dma_semaphore, #tpu.memory_space<semaphore_mem>>)
      %dma_start3A_1691 = arith.constant 11 : i32
      %dma_start3A_1692 = arith.constant 1 : i32
      %dma_start3A_1693 = arith.constant 0 : i32
      %dma_start3A_1694 = arith.constant 0 : i32
      %dma_start3A_1695 = tpu.memref_slice %arg14[%dma_start3A_1692, %dma_start3A_1693, %dma_start3A_1694] : memref<2x128x128xf32, #tpu.memory_space<vmem>> -> memref<1x128x128xf32, #tpu.memory_space<vmem>>
      %dma_start3A_1696 = tpu.memref_squeeze %dma_start3A_1695 : memref<1x128x128xf32, #tpu.memory_space<vmem>> -> memref<128x128xf32, #tpu.memory_space<vmem>>
      %dma_start3A_1697 = arith.constant 0 : i32
      %dma_start3A_1698 = tpu.memref_slice %arg11[%dma_start3A_1691, %dma_start3A_1697] : memref<16x128xi32, #tpu.memory_space<vmem>> -> memref<1x128xi32, #tpu.memory_space<vmem>>
      %dma_start3A_1699 = tpu.memref_squeeze %dma_start3A_1698 : memref<1x128xi32, #tpu.memory_space<vmem>> -> memref<128xi32, #tpu.memory_space<vmem>>
      %dma_start3A_1700 = arith.constant 0 : i32
      %dma_start3A_1701 = arith.constant 0 : i32
      %dma_start3A_1702 = tpu.memref_slice %arg20[%dma_start3A_1700, %dma_start3A_1701] : memref<133x128xf32, #tpu.memory_space<vmem_shared>> -> memref<133x128xf32, #tpu.memory_space<vmem_shared>>
      tpu.enqueue_indirect_dma source(%dma_start3A_1702 : memref<133x128xf32, #tpu.memory_space<vmem_shared>>) target(%dma_start3A_1696 : memref<128x128xf32, #tpu.memory_space<vmem>>) offsets(%dma_start3A_1699 : memref<128xi32, #tpu.memory_space<vmem>>) semaphore(%arg15 : memref<!tpu.dma_semaphore, #tpu.memory_space<semaphore_mem>>)
      %dma_wait3A_1703 = arith.constant 11 : i32
      %dma_wait3A_1704 = arith.constant 1 : i32
      %dma_wait3A_1705 = arith.constant 0 : i32
      %dma_wait3A_1706 = arith.constant 0 : i32
      %dma_wait3A_1707 = tpu.memref_slice %arg12[%dma_wait3A_1704, %dma_wait3A_1705, %dma_wait3A_1706] : memref<2x128x128xf32, #tpu.memory_space<vmem>> -> memref<1x128x128xf32, #tpu.memory_space<vmem>>
      %dma_wait3A_1708 = tpu.memref_squeeze %dma_wait3A_1707 : memref<1x128x128xf32, #tpu.memory_space<vmem>> -> memref<128x128xf32, #tpu.memory_space<vmem>>
      %dma_wait3A_1709 = arith.constant 0 : i32
      %dma_wait3A_1710 = tpu.memref_slice %arg9[%dma_wait3A_1703, %dma_wait3A_1709] : memref<16x128xi32, #tpu.memory_space<vmem>> -> memref<1x128xi32, #tpu.memory_space<vmem>>
      %dma_wait3A_1711 = tpu.memref_squeeze %dma_wait3A_1710 : memref<1x128xi32, #tpu.memory_space<vmem>> -> memref<128xi32, #tpu.memory_space<vmem>>
      %dma_wait3A_1712 = arith.constant 0 : i32
      %dma_wait3A_1713 = arith.constant 0 : i32
      %dma_wait3A_1714 = tpu.memref_slice %arg18[%dma_wait3A_1712, %dma_wait3A_1713] : memref<256x128xf32, #tpu.memory_space<vmem_shared>> -> memref<256x128xf32, #tpu.memory_space<vmem_shared>>
      tpu.wait_indirect_dma semaphore(%arg15 : memref<!tpu.dma_semaphore, #tpu.memory_space<semaphore_mem>>) src(%dma_wait3A_1714 : memref<256x128xf32, #tpu.memory_space<vmem_shared>>) dst(%dma_wait3A_1708 : memref<128x128xf32, #tpu.memory_space<vmem>>)
      %dma_wait3A_1715 = arith.constant 11 : i32
      %dma_wait3A_1716 = arith.constant 1 : i32
      %dma_wait3A_1717 = arith.constant 0 : i32
      %dma_wait3A_1718 = arith.constant 0 : i32
      %dma_wait3A_1719 = tpu.memref_slice %arg13[%dma_wait3A_1716, %dma_wait3A_1717, %dma_wait3A_1718] : memref<2x128x128xf32, #tpu.memory_space<vmem>> -> memref<1x128x128xf32, #tpu.memory_space<vmem>>
      %dma_wait3A_1720 = tpu.memref_squeeze %dma_wait3A_1719 : memref<1x128x128xf32, #tpu.memory_space<vmem>> -> memref<128x128xf32, #tpu.memory_space<vmem>>
      %dma_wait3A_1721 = arith.constant 0 : i32
      %dma_wait3A_1722 = tpu.memref_slice %arg10[%dma_wait3A_1715, %dma_wait3A_1721] : memref<16x128xi32, #tpu.memory_space<vmem>> -> memref<1x128xi32, #tpu.memory_space<vmem>>
      %dma_wait3A_1723 = tpu.memref_squeeze %dma_wait3A_1722 : memref<1x128xi32, #tpu.memory_space<vmem>> -> memref<128xi32, #tpu.memory_space<vmem>>
      %dma_wait3A_1724 = arith.constant 0 : i32
      %dma_wait3A_1725 = arith.constant 0 : i32
      %dma_wait3A_1726 = tpu.memref_slice %arg19[%dma_wait3A_1724, %dma_wait3A_1725] : memref<212x128xf32, #tpu.memory_space<vmem_shared>> -> memref<212x128xf32, #tpu.memory_space<vmem_shared>>
      tpu.wait_indirect_dma semaphore(%arg15 : memref<!tpu.dma_semaphore, #tpu.memory_space<semaphore_mem>>) src(%dma_wait3A_1726 : memref<212x128xf32, #tpu.memory_space<vmem_shared>>) dst(%dma_wait3A_1720 : memref<128x128xf32, #tpu.memory_space<vmem>>)
      %dma_wait3A_1727 = arith.constant 11 : i32
      %dma_wait3A_1728 = arith.constant 1 : i32
      %dma_wait3A_1729 = arith.constant 0 : i32
      %dma_wait3A_1730 = arith.constant 0 : i32
      %dma_wait3A_1731 = tpu.memref_slice %arg14[%dma_wait3A_1728, %dma_wait3A_1729, %dma_wait3A_1730] : memref<2x128x128xf32, #tpu.memory_space<vmem>> -> memref<1x128x128xf32, #tpu.memory_space<vmem>>
      %dma_wait3A_1732 = tpu.memref_squeeze %dma_wait3A_1731 : memref<1x128x128xf32, #tpu.memory_space<vmem>> -> memref<128x128xf32, #tpu.memory_space<vmem>>
      %dma_wait3A_1733 = arith.constant 0 : i32
      %dma_wait3A_1734 = tpu.memref_slice %arg11[%dma_wait3A_1727, %dma_wait3A_1733] : memref<16x128xi32, #tpu.memory_space<vmem>> -> memref<1x128xi32, #tpu.memory_space<vmem>>
      %dma_wait3A_1735 = tpu.memref_squeeze %dma_wait3A_1734 : memref<1x128xi32, #tpu.memory_space<vmem>> -> memref<128xi32, #tpu.memory_space<vmem>>
      %dma_wait3A_1736 = arith.constant 0 : i32
      %dma_wait3A_1737 = arith.constant 0 : i32
      %dma_wait3A_1738 = tpu.memref_slice %arg20[%dma_wait3A_1736, %dma_wait3A_1737] : memref<133x128xf32, #tpu.memory_space<vmem_shared>> -> memref<133x128xf32, #tpu.memory_space<vmem_shared>>
      tpu.wait_indirect_dma semaphore(%arg15 : memref<!tpu.dma_semaphore, #tpu.memory_space<semaphore_mem>>) src(%dma_wait3A_1738 : memref<133x128xf32, #tpu.memory_space<vmem_shared>>) dst(%dma_wait3A_1732 : memref<128x128xf32, #tpu.memory_space<vmem>>)
      %add3A_1739 = arith.constant 11 : i32
      %add3A_1740 = arith.addi %add3A_13, %add3A_1739 : i32
      %mul3A_1741 = arith.constant 128 : i32
      %mul3A_1742 = arith.muli %add3A_1740, %mul3A_1741 : i32
      %dma_start3A_1743 = arith.constant 1 : i32
      %dma_start3A_1744 = arith.constant 0 : i32
      %dma_start3A_1745 = arith.constant 0 : i32
      %dma_start3A_1746 = tpu.memref_slice %arg12[%dma_start3A_1743, %dma_start3A_1744, %dma_start3A_1745] : memref<2x128x128xf32, #tpu.memory_space<vmem>> -> memref<1x128x128xf32, #tpu.memory_space<vmem>>
      %dma_start3A_1747 = tpu.memref_squeeze %dma_start3A_1746 : memref<1x128x128xf32, #tpu.memory_space<vmem>> -> memref<128x128xf32, #tpu.memory_space<vmem>>
      %dma_start3A_1748 = arith.constant 0 : i32
      %dma_start3A_1749 = tpu.memref_slice %arg8[%mul3A_1742, %dma_start3A_1748] : memref<3276800x384xf32, #tpu.memory_space<hbm>> -> memref<128x128xf32, #tpu.memory_space<hbm>>
      %dma_start3A_1750 = arith.constant 0 : i32
      %dma_start3A_1751 = tpu.memref_slice %arg8[%mul3A_1742, %dma_start3A_1750] : memref<3276800x384xf32, #tpu.memory_space<hbm>> -> memref<128x128xf32, #tpu.memory_space<hbm>>
      %dma_start3A_1752 = arith.constant 0 : i32
      %dma_start3A_1753 = arith.constant 0 : i32
      %dma_start3A_1754 = tpu.memref_slice %arg12[%dma_start3A_1743, %dma_start3A_1752, %dma_start3A_1753] : memref<2x128x128xf32, #tpu.memory_space<vmem>> -> memref<1x128x128xf32, #tpu.memory_space<vmem>>
      %dma_start3A_1755 = tpu.memref_squeeze %dma_start3A_1754 : memref<1x128x128xf32, #tpu.memory_space<vmem>> -> memref<128x128xf32, #tpu.memory_space<vmem>>
      tpu.enqueue_dma source(%dma_start3A_1755 : memref<128x128xf32, #tpu.memory_space<vmem>>) target(%dma_start3A_1751 : memref<128x128xf32, #tpu.memory_space<hbm>>) target_semaphore(%arg17 : memref<!tpu.dma_semaphore, #tpu.memory_space<semaphore_mem>>)
      %dma_start3A_1756 = arith.constant 1 : i32
      %dma_start3A_1757 = arith.constant 0 : i32
      %dma_start3A_1758 = arith.constant 0 : i32
      %dma_start3A_1759 = tpu.memref_slice %arg13[%dma_start3A_1756, %dma_start3A_1757, %dma_start3A_1758] : memref<2x128x128xf32, #tpu.memory_space<vmem>> -> memref<1x128x128xf32, #tpu.memory_space<vmem>>
      %dma_start3A_1760 = tpu.memref_squeeze %dma_start3A_1759 : memref<1x128x128xf32, #tpu.memory_space<vmem>> -> memref<128x128xf32, #tpu.memory_space<vmem>>
      %dma_start3A_1761 = arith.constant 128 : i32
      %dma_start3A_1762 = tpu.memref_slice %arg8[%mul3A_1742, %dma_start3A_1761] : memref<3276800x384xf32, #tpu.memory_space<hbm>> -> memref<128x128xf32, #tpu.memory_space<hbm>>
      %dma_start3A_1763 = arith.constant 128 : i32
      %dma_start3A_1764 = tpu.memref_slice %arg8[%mul3A_1742, %dma_start3A_1763] : memref<3276800x384xf32, #tpu.memory_space<hbm>> -> memref<128x128xf32, #tpu.memory_space<hbm>>
      %dma_start3A_1765 = arith.constant 0 : i32
      %dma_start3A_1766 = arith.constant 0 : i32
      %dma_start3A_1767 = tpu.memref_slice %arg13[%dma_start3A_1756, %dma_start3A_1765, %dma_start3A_1766] : memref<2x128x128xf32, #tpu.memory_space<vmem>> -> memref<1x128x128xf32, #tpu.memory_space<vmem>>
      %dma_start3A_1768 = tpu.memref_squeeze %dma_start3A_1767 : memref<1x128x128xf32, #tpu.memory_space<vmem>> -> memref<128x128xf32, #tpu.memory_space<vmem>>
      tpu.enqueue_dma source(%dma_start3A_1768 : memref<128x128xf32, #tpu.memory_space<vmem>>) target(%dma_start3A_1764 : memref<128x128xf32, #tpu.memory_space<hbm>>) target_semaphore(%arg17 : memref<!tpu.dma_semaphore, #tpu.memory_space<semaphore_mem>>)
      %dma_start3A_1769 = arith.constant 1 : i32
      %dma_start3A_1770 = arith.constant 0 : i32
      %dma_start3A_1771 = arith.constant 0 : i32
      %dma_start3A_1772 = tpu.memref_slice %arg14[%dma_start3A_1769, %dma_start3A_1770, %dma_start3A_1771] : memref<2x128x128xf32, #tpu.memory_space<vmem>> -> memref<1x128x128xf32, #tpu.memory_space<vmem>>
      %dma_start3A_1773 = tpu.memref_squeeze %dma_start3A_1772 : memref<1x128x128xf32, #tpu.memory_space<vmem>> -> memref<128x128xf32, #tpu.memory_space<vmem>>
      %dma_start3A_1774 = arith.constant 256 : i32
      %dma_start3A_1775 = tpu.memref_slice %arg8[%mul3A_1742, %dma_start3A_1774] : memref<3276800x384xf32, #tpu.memory_space<hbm>> -> memref<128x128xf32, #tpu.memory_space<hbm>>
      %dma_start3A_1776 = arith.constant 256 : i32
      %dma_start3A_1777 = tpu.memref_slice %arg8[%mul3A_1742, %dma_start3A_1776] : memref<3276800x384xf32, #tpu.memory_space<hbm>> -> memref<128x128xf32, #tpu.memory_space<hbm>>
      %dma_start3A_1778 = arith.constant 0 : i32
      %dma_start3A_1779 = arith.constant 0 : i32
      %dma_start3A_1780 = tpu.memref_slice %arg14[%dma_start3A_1769, %dma_start3A_1778, %dma_start3A_1779] : memref<2x128x128xf32, #tpu.memory_space<vmem>> -> memref<1x128x128xf32, #tpu.memory_space<vmem>>
      %dma_start3A_1781 = tpu.memref_squeeze %dma_start3A_1780 : memref<1x128x128xf32, #tpu.memory_space<vmem>> -> memref<128x128xf32, #tpu.memory_space<vmem>>
      tpu.enqueue_dma source(%dma_start3A_1781 : memref<128x128xf32, #tpu.memory_space<vmem>>) target(%dma_start3A_1777 : memref<128x128xf32, #tpu.memory_space<hbm>>) target_semaphore(%arg17 : memref<!tpu.dma_semaphore, #tpu.memory_space<semaphore_mem>>)
      %dma_wait3A_1782 = arith.constant 0 : i32
      %dma_wait3A_1783 = arith.constant 0 : i32
      %dma_wait3A_1784 = arith.constant 0 : i32
      %dma_wait3A_1785 = tpu.memref_slice %arg12[%dma_wait3A_1782, %dma_wait3A_1783, %dma_wait3A_1784] : memref<2x128x128xf32, #tpu.memory_space<vmem>> -> memref<1x128x128xf32, #tpu.memory_space<vmem>>
      %dma_wait3A_1786 = tpu.memref_squeeze %dma_wait3A_1785 : memref<1x128x128xf32, #tpu.memory_space<vmem>> -> memref<128x128xf32, #tpu.memory_space<vmem>>
      %dma_wait3A_1787 = arith.constant 0 : i32
      %dma_wait3A_1788 = tpu.memref_slice %arg8[%mul3A_1588, %dma_wait3A_1787] : memref<3276800x384xf32, #tpu.memory_space<hbm>> -> memref<128x128xf32, #tpu.memory_space<hbm>>
      %dma_wait3A_1789 = arith.constant 0 : i32
      %dma_wait3A_1790 = tpu.memref_slice %arg8[%mul3A_1588, %dma_wait3A_1789] : memref<3276800x384xf32, #tpu.memory_space<hbm>> -> memref<128x128xf32, #tpu.memory_space<hbm>>
      %dma_wait3A_1791 = arith.constant 0 : i32
      %dma_wait3A_1792 = arith.constant 0 : i32
      %dma_wait3A_1793 = tpu.memref_slice %arg12[%dma_wait3A_1782, %dma_wait3A_1791, %dma_wait3A_1792] : memref<2x128x128xf32, #tpu.memory_space<vmem>> -> memref<1x128x128xf32, #tpu.memory_space<vmem>>
      %dma_wait3A_1794 = tpu.memref_squeeze %dma_wait3A_1793 : memref<1x128x128xf32, #tpu.memory_space<vmem>> -> memref<128x128xf32, #tpu.memory_space<vmem>>
      tpu.wait_dma2 semaphore(%arg16 : memref<!tpu.dma_semaphore, #tpu.memory_space<semaphore_mem>>) src(%dma_wait3A_1794 : memref<128x128xf32, #tpu.memory_space<vmem>>) dst(%dma_wait3A_1790 : memref<128x128xf32, #tpu.memory_space<hbm>>)
      %dma_wait3A_1795 = arith.constant 0 : i32
      %dma_wait3A_1796 = arith.constant 0 : i32
      %dma_wait3A_1797 = arith.constant 0 : i32
      %dma_wait3A_1798 = tpu.memref_slice %arg13[%dma_wait3A_1795, %dma_wait3A_1796, %dma_wait3A_1797] : memref<2x128x128xf32, #tpu.memory_space<vmem>> -> memref<1x128x128xf32, #tpu.memory_space<vmem>>
      %dma_wait3A_1799 = tpu.memref_squeeze %dma_wait3A_1798 : memref<1x128x128xf32, #tpu.memory_space<vmem>> -> memref<128x128xf32, #tpu.memory_space<vmem>>
      %dma_wait3A_1800 = arith.constant 128 : i32
      %dma_wait3A_1801 = tpu.memref_slice %arg8[%mul3A_1588, %dma_wait3A_1800] : memref<3276800x384xf32, #tpu.memory_space<hbm>> -> memref<128x128xf32, #tpu.memory_space<hbm>>
      %dma_wait3A_1802 = arith.constant 128 : i32
      %dma_wait3A_1803 = tpu.memref_slice %arg8[%mul3A_1588, %dma_wait3A_1802] : memref<3276800x384xf32, #tpu.memory_space<hbm>> -> memref<128x128xf32, #tpu.memory_space<hbm>>
      %dma_wait3A_1804 = arith.constant 0 : i32
      %dma_wait3A_1805 = arith.constant 0 : i32
      %dma_wait3A_1806 = tpu.memref_slice %arg13[%dma_wait3A_1795, %dma_wait3A_1804, %dma_wait3A_1805] : memref<2x128x128xf32, #tpu.memory_space<vmem>> -> memref<1x128x128xf32, #tpu.memory_space<vmem>>
      %dma_wait3A_1807 = tpu.memref_squeeze %dma_wait3A_1806 : memref<1x128x128xf32, #tpu.memory_space<vmem>> -> memref<128x128xf32, #tpu.memory_space<vmem>>
      tpu.wait_dma2 semaphore(%arg16 : memref<!tpu.dma_semaphore, #tpu.memory_space<semaphore_mem>>) src(%dma_wait3A_1807 : memref<128x128xf32, #tpu.memory_space<vmem>>) dst(%dma_wait3A_1803 : memref<128x128xf32, #tpu.memory_space<hbm>>)
      %dma_wait3A_1808 = arith.constant 0 : i32
      %dma_wait3A_1809 = arith.constant 0 : i32
      %dma_wait3A_1810 = arith.constant 0 : i32
      %dma_wait3A_1811 = tpu.memref_slice %arg14[%dma_wait3A_1808, %dma_wait3A_1809, %dma_wait3A_1810] : memref<2x128x128xf32, #tpu.memory_space<vmem>> -> memref<1x128x128xf32, #tpu.memory_space<vmem>>
      %dma_wait3A_1812 = tpu.memref_squeeze %dma_wait3A_1811 : memref<1x128x128xf32, #tpu.memory_space<vmem>> -> memref<128x128xf32, #tpu.memory_space<vmem>>
      %dma_wait3A_1813 = arith.constant 256 : i32
      %dma_wait3A_1814 = tpu.memref_slice %arg8[%mul3A_1588, %dma_wait3A_1813] : memref<3276800x384xf32, #tpu.memory_space<hbm>> -> memref<128x128xf32, #tpu.memory_space<hbm>>
      %dma_wait3A_1815 = arith.constant 256 : i32
      %dma_wait3A_1816 = tpu.memref_slice %arg8[%mul3A_1588, %dma_wait3A_1815] : memref<3276800x384xf32, #tpu.memory_space<hbm>> -> memref<128x128xf32, #tpu.memory_space<hbm>>
      %dma_wait3A_1817 = arith.constant 0 : i32
      %dma_wait3A_1818 = arith.constant 0 : i32
      %dma_wait3A_1819 = tpu.memref_slice %arg14[%dma_wait3A_1808, %dma_wait3A_1817, %dma_wait3A_1818] : memref<2x128x128xf32, #tpu.memory_space<vmem>> -> memref<1x128x128xf32, #tpu.memory_space<vmem>>
      %dma_wait3A_1820 = tpu.memref_squeeze %dma_wait3A_1819 : memref<1x128x128xf32, #tpu.memory_space<vmem>> -> memref<128x128xf32, #tpu.memory_space<vmem>>
      tpu.wait_dma2 semaphore(%arg16 : memref<!tpu.dma_semaphore, #tpu.memory_space<semaphore_mem>>) src(%dma_wait3A_1820 : memref<128x128xf32, #tpu.memory_space<vmem>>) dst(%dma_wait3A_1816 : memref<128x128xf32, #tpu.memory_space<hbm>>)
      %dma_start3A_1821 = arith.constant 12 : i32
      %dma_start3A_1822 = arith.constant 0 : i32
      %dma_start3A_1823 = arith.constant 0 : i32
      %dma_start3A_1824 = arith.constant 0 : i32
      %dma_start3A_1825 = tpu.memref_slice %arg12[%dma_start3A_1822, %dma_start3A_1823, %dma_start3A_1824] : memref<2x128x128xf32, #tpu.memory_space<vmem>> -> memref<1x128x128xf32, #tpu.memory_space<vmem>>
      %dma_start3A_1826 = tpu.memref_squeeze %dma_start3A_1825 : memref<1x128x128xf32, #tpu.memory_space<vmem>> -> memref<128x128xf32, #tpu.memory_space<vmem>>
      %dma_start3A_1827 = arith.constant 0 : i32
      %dma_start3A_1828 = tpu.memref_slice %arg9[%dma_start3A_1821, %dma_start3A_1827] : memref<16x128xi32, #tpu.memory_space<vmem>> -> memref<1x128xi32, #tpu.memory_space<vmem>>
      %dma_start3A_1829 = tpu.memref_squeeze %dma_start3A_1828 : memref<1x128xi32, #tpu.memory_space<vmem>> -> memref<128xi32, #tpu.memory_space<vmem>>
      %dma_start3A_1830 = arith.constant 0 : i32
      %dma_start3A_1831 = arith.constant 0 : i32
      %dma_start3A_1832 = tpu.memref_slice %arg18[%dma_start3A_1830, %dma_start3A_1831] : memref<256x128xf32, #tpu.memory_space<vmem_shared>> -> memref<256x128xf32, #tpu.memory_space<vmem_shared>>
      tpu.enqueue_indirect_dma source(%dma_start3A_1832 : memref<256x128xf32, #tpu.memory_space<vmem_shared>>) target(%dma_start3A_1826 : memref<128x128xf32, #tpu.memory_space<vmem>>) offsets(%dma_start3A_1829 : memref<128xi32, #tpu.memory_space<vmem>>) semaphore(%arg15 : memref<!tpu.dma_semaphore, #tpu.memory_space<semaphore_mem>>)
      %dma_start3A_1833 = arith.constant 12 : i32
      %dma_start3A_1834 = arith.constant 0 : i32
      %dma_start3A_1835 = arith.constant 0 : i32
      %dma_start3A_1836 = arith.constant 0 : i32
      %dma_start3A_1837 = tpu.memref_slice %arg13[%dma_start3A_1834, %dma_start3A_1835, %dma_start3A_1836] : memref<2x128x128xf32, #tpu.memory_space<vmem>> -> memref<1x128x128xf32, #tpu.memory_space<vmem>>
      %dma_start3A_1838 = tpu.memref_squeeze %dma_start3A_1837 : memref<1x128x128xf32, #tpu.memory_space<vmem>> -> memref<128x128xf32, #tpu.memory_space<vmem>>
      %dma_start3A_1839 = arith.constant 0 : i32
      %dma_start3A_1840 = tpu.memref_slice %arg10[%dma_start3A_1833, %dma_start3A_1839] : memref<16x128xi32, #tpu.memory_space<vmem>> -> memref<1x128xi32, #tpu.memory_space<vmem>>
      %dma_start3A_1841 = tpu.memref_squeeze %dma_start3A_1840 : memref<1x128xi32, #tpu.memory_space<vmem>> -> memref<128xi32, #tpu.memory_space<vmem>>
      %dma_start3A_1842 = arith.constant 0 : i32
      %dma_start3A_1843 = arith.constant 0 : i32
      %dma_start3A_1844 = tpu.memref_slice %arg19[%dma_start3A_1842, %dma_start3A_1843] : memref<212x128xf32, #tpu.memory_space<vmem_shared>> -> memref<212x128xf32, #tpu.memory_space<vmem_shared>>
      tpu.enqueue_indirect_dma source(%dma_start3A_1844 : memref<212x128xf32, #tpu.memory_space<vmem_shared>>) target(%dma_start3A_1838 : memref<128x128xf32, #tpu.memory_space<vmem>>) offsets(%dma_start3A_1841 : memref<128xi32, #tpu.memory_space<vmem>>) semaphore(%arg15 : memref<!tpu.dma_semaphore, #tpu.memory_space<semaphore_mem>>)
      %dma_start3A_1845 = arith.constant 12 : i32
      %dma_start3A_1846 = arith.constant 0 : i32
      %dma_start3A_1847 = arith.constant 0 : i32
      %dma_start3A_1848 = arith.constant 0 : i32
      %dma_start3A_1849 = tpu.memref_slice %arg14[%dma_start3A_1846, %dma_start3A_1847, %dma_start3A_1848] : memref<2x128x128xf32, #tpu.memory_space<vmem>> -> memref<1x128x128xf32, #tpu.memory_space<vmem>>
      %dma_start3A_1850 = tpu.memref_squeeze %dma_start3A_1849 : memref<1x128x128xf32, #tpu.memory_space<vmem>> -> memref<128x128xf32, #tpu.memory_space<vmem>>
      %dma_start3A_1851 = arith.constant 0 : i32
      %dma_start3A_1852 = tpu.memref_slice %arg11[%dma_start3A_1845, %dma_start3A_1851] : memref<16x128xi32, #tpu.memory_space<vmem>> -> memref<1x128xi32, #tpu.memory_space<vmem>>
      %dma_start3A_1853 = tpu.memref_squeeze %dma_start3A_1852 : memref<1x128xi32, #tpu.memory_space<vmem>> -> memref<128xi32, #tpu.memory_space<vmem>>
      %dma_start3A_1854 = arith.constant 0 : i32
      %dma_start3A_1855 = arith.constant 0 : i32
      %dma_start3A_1856 = tpu.memref_slice %arg20[%dma_start3A_1854, %dma_start3A_1855] : memref<133x128xf32, #tpu.memory_space<vmem_shared>> -> memref<133x128xf32, #tpu.memory_space<vmem_shared>>
      tpu.enqueue_indirect_dma source(%dma_start3A_1856 : memref<133x128xf32, #tpu.memory_space<vmem_shared>>) target(%dma_start3A_1850 : memref<128x128xf32, #tpu.memory_space<vmem>>) offsets(%dma_start3A_1853 : memref<128xi32, #tpu.memory_space<vmem>>) semaphore(%arg15 : memref<!tpu.dma_semaphore, #tpu.memory_space<semaphore_mem>>)
      %dma_wait3A_1857 = arith.constant 12 : i32
      %dma_wait3A_1858 = arith.constant 0 : i32
      %dma_wait3A_1859 = arith.constant 0 : i32
      %dma_wait3A_1860 = arith.constant 0 : i32
      %dma_wait3A_1861 = tpu.memref_slice %arg12[%dma_wait3A_1858, %dma_wait3A_1859, %dma_wait3A_1860] : memref<2x128x128xf32, #tpu.memory_space<vmem>> -> memref<1x128x128xf32, #tpu.memory_space<vmem>>
      %dma_wait3A_1862 = tpu.memref_squeeze %dma_wait3A_1861 : memref<1x128x128xf32, #tpu.memory_space<vmem>> -> memref<128x128xf32, #tpu.memory_space<vmem>>
      %dma_wait3A_1863 = arith.constant 0 : i32
      %dma_wait3A_1864 = tpu.memref_slice %arg9[%dma_wait3A_1857, %dma_wait3A_1863] : memref<16x128xi32, #tpu.memory_space<vmem>> -> memref<1x128xi32, #tpu.memory_space<vmem>>
      %dma_wait3A_1865 = tpu.memref_squeeze %dma_wait3A_1864 : memref<1x128xi32, #tpu.memory_space<vmem>> -> memref<128xi32, #tpu.memory_space<vmem>>
      %dma_wait3A_1866 = arith.constant 0 : i32
      %dma_wait3A_1867 = arith.constant 0 : i32
      %dma_wait3A_1868 = tpu.memref_slice %arg18[%dma_wait3A_1866, %dma_wait3A_1867] : memref<256x128xf32, #tpu.memory_space<vmem_shared>> -> memref<256x128xf32, #tpu.memory_space<vmem_shared>>
      tpu.wait_indirect_dma semaphore(%arg15 : memref<!tpu.dma_semaphore, #tpu.memory_space<semaphore_mem>>) src(%dma_wait3A_1868 : memref<256x128xf32, #tpu.memory_space<vmem_shared>>) dst(%dma_wait3A_1862 : memref<128x128xf32, #tpu.memory_space<vmem>>)
      %dma_wait3A_1869 = arith.constant 12 : i32
      %dma_wait3A_1870 = arith.constant 0 : i32
      %dma_wait3A_1871 = arith.constant 0 : i32
      %dma_wait3A_1872 = arith.constant 0 : i32
      %dma_wait3A_1873 = tpu.memref_slice %arg13[%dma_wait3A_1870, %dma_wait3A_1871, %dma_wait3A_1872] : memref<2x128x128xf32, #tpu.memory_space<vmem>> -> memref<1x128x128xf32, #tpu.memory_space<vmem>>
      %dma_wait3A_1874 = tpu.memref_squeeze %dma_wait3A_1873 : memref<1x128x128xf32, #tpu.memory_space<vmem>> -> memref<128x128xf32, #tpu.memory_space<vmem>>
      %dma_wait3A_1875 = arith.constant 0 : i32
      %dma_wait3A_1876 = tpu.memref_slice %arg10[%dma_wait3A_1869, %dma_wait3A_1875] : memref<16x128xi32, #tpu.memory_space<vmem>> -> memref<1x128xi32, #tpu.memory_space<vmem>>
      %dma_wait3A_1877 = tpu.memref_squeeze %dma_wait3A_1876 : memref<1x128xi32, #tpu.memory_space<vmem>> -> memref<128xi32, #tpu.memory_space<vmem>>
      %dma_wait3A_1878 = arith.constant 0 : i32
      %dma_wait3A_1879 = arith.constant 0 : i32
      %dma_wait3A_1880 = tpu.memref_slice %arg19[%dma_wait3A_1878, %dma_wait3A_1879] : memref<212x128xf32, #tpu.memory_space<vmem_shared>> -> memref<212x128xf32, #tpu.memory_space<vmem_shared>>
      tpu.wait_indirect_dma semaphore(%arg15 : memref<!tpu.dma_semaphore, #tpu.memory_space<semaphore_mem>>) src(%dma_wait3A_1880 : memref<212x128xf32, #tpu.memory_space<vmem_shared>>) dst(%dma_wait3A_1874 : memref<128x128xf32, #tpu.memory_space<vmem>>)
      %dma_wait3A_1881 = arith.constant 12 : i32
      %dma_wait3A_1882 = arith.constant 0 : i32
      %dma_wait3A_1883 = arith.constant 0 : i32
      %dma_wait3A_1884 = arith.constant 0 : i32
      %dma_wait3A_1885 = tpu.memref_slice %arg14[%dma_wait3A_1882, %dma_wait3A_1883, %dma_wait3A_1884] : memref<2x128x128xf32, #tpu.memory_space<vmem>> -> memref<1x128x128xf32, #tpu.memory_space<vmem>>
      %dma_wait3A_1886 = tpu.memref_squeeze %dma_wait3A_1885 : memref<1x128x128xf32, #tpu.memory_space<vmem>> -> memref<128x128xf32, #tpu.memory_space<vmem>>
      %dma_wait3A_1887 = arith.constant 0 : i32
      %dma_wait3A_1888 = tpu.memref_slice %arg11[%dma_wait3A_1881, %dma_wait3A_1887] : memref<16x128xi32, #tpu.memory_space<vmem>> -> memref<1x128xi32, #tpu.memory_space<vmem>>
      %dma_wait3A_1889 = tpu.memref_squeeze %dma_wait3A_1888 : memref<1x128xi32, #tpu.memory_space<vmem>> -> memref<128xi32, #tpu.memory_space<vmem>>
      %dma_wait3A_1890 = arith.constant 0 : i32
      %dma_wait3A_1891 = arith.constant 0 : i32
      %dma_wait3A_1892 = tpu.memref_slice %arg20[%dma_wait3A_1890, %dma_wait3A_1891] : memref<133x128xf32, #tpu.memory_space<vmem_shared>> -> memref<133x128xf32, #tpu.memory_space<vmem_shared>>
      tpu.wait_indirect_dma semaphore(%arg15 : memref<!tpu.dma_semaphore, #tpu.memory_space<semaphore_mem>>) src(%dma_wait3A_1892 : memref<133x128xf32, #tpu.memory_space<vmem_shared>>) dst(%dma_wait3A_1886 : memref<128x128xf32, #tpu.memory_space<vmem>>)
      %add3A_1893 = arith.constant 12 : i32
      %add3A_1894 = arith.addi %add3A_13, %add3A_1893 : i32
      %mul3A_1895 = arith.constant 128 : i32
      %mul3A_1896 = arith.muli %add3A_1894, %mul3A_1895 : i32
      %dma_start3A_1897 = arith.constant 0 : i32
      %dma_start3A_1898 = arith.constant 0 : i32
      %dma_start3A_1899 = arith.constant 0 : i32
      %dma_start3A_1900 = tpu.memref_slice %arg12[%dma_start3A_1897, %dma_start3A_1898, %dma_start3A_1899] : memref<2x128x128xf32, #tpu.memory_space<vmem>> -> memref<1x128x128xf32, #tpu.memory_space<vmem>>
      %dma_start3A_1901 = tpu.memref_squeeze %dma_start3A_1900 : memref<1x128x128xf32, #tpu.memory_space<vmem>> -> memref<128x128xf32, #tpu.memory_space<vmem>>
      %dma_start3A_1902 = arith.constant 0 : i32
      %dma_start3A_1903 = tpu.memref_slice %arg8[%mul3A_1896, %dma_start3A_1902] : memref<3276800x384xf32, #tpu.memory_space<hbm>> -> memref<128x128xf32, #tpu.memory_space<hbm>>
      %dma_start3A_1904 = arith.constant 0 : i32
      %dma_start3A_1905 = tpu.memref_slice %arg8[%mul3A_1896, %dma_start3A_1904] : memref<3276800x384xf32, #tpu.memory_space<hbm>> -> memref<128x128xf32, #tpu.memory_space<hbm>>
      %dma_start3A_1906 = arith.constant 0 : i32
      %dma_start3A_1907 = arith.constant 0 : i32
      %dma_start3A_1908 = tpu.memref_slice %arg12[%dma_start3A_1897, %dma_start3A_1906, %dma_start3A_1907] : memref<2x128x128xf32, #tpu.memory_space<vmem>> -> memref<1x128x128xf32, #tpu.memory_space<vmem>>
      %dma_start3A_1909 = tpu.memref_squeeze %dma_start3A_1908 : memref<1x128x128xf32, #tpu.memory_space<vmem>> -> memref<128x128xf32, #tpu.memory_space<vmem>>
      tpu.enqueue_dma source(%dma_start3A_1909 : memref<128x128xf32, #tpu.memory_space<vmem>>) target(%dma_start3A_1905 : memref<128x128xf32, #tpu.memory_space<hbm>>) target_semaphore(%arg16 : memref<!tpu.dma_semaphore, #tpu.memory_space<semaphore_mem>>)
      %dma_start3A_1910 = arith.constant 0 : i32
      %dma_start3A_1911 = arith.constant 0 : i32
      %dma_start3A_1912 = arith.constant 0 : i32
      %dma_start3A_1913 = tpu.memref_slice %arg13[%dma_start3A_1910, %dma_start3A_1911, %dma_start3A_1912] : memref<2x128x128xf32, #tpu.memory_space<vmem>> -> memref<1x128x128xf32, #tpu.memory_space<vmem>>
      %dma_start3A_1914 = tpu.memref_squeeze %dma_start3A_1913 : memref<1x128x128xf32, #tpu.memory_space<vmem>> -> memref<128x128xf32, #tpu.memory_space<vmem>>
      %dma_start3A_1915 = arith.constant 128 : i32
      %dma_start3A_1916 = tpu.memref_slice %arg8[%mul3A_1896, %dma_start3A_1915] : memref<3276800x384xf32, #tpu.memory_space<hbm>> -> memref<128x128xf32, #tpu.memory_space<hbm>>
      %dma_start3A_1917 = arith.constant 128 : i32
      %dma_start3A_1918 = tpu.memref_slice %arg8[%mul3A_1896, %dma_start3A_1917] : memref<3276800x384xf32, #tpu.memory_space<hbm>> -> memref<128x128xf32, #tpu.memory_space<hbm>>
      %dma_start3A_1919 = arith.constant 0 : i32
      %dma_start3A_1920 = arith.constant 0 : i32
      %dma_start3A_1921 = tpu.memref_slice %arg13[%dma_start3A_1910, %dma_start3A_1919, %dma_start3A_1920] : memref<2x128x128xf32, #tpu.memory_space<vmem>> -> memref<1x128x128xf32, #tpu.memory_space<vmem>>
      %dma_start3A_1922 = tpu.memref_squeeze %dma_start3A_1921 : memref<1x128x128xf32, #tpu.memory_space<vmem>> -> memref<128x128xf32, #tpu.memory_space<vmem>>
      tpu.enqueue_dma source(%dma_start3A_1922 : memref<128x128xf32, #tpu.memory_space<vmem>>) target(%dma_start3A_1918 : memref<128x128xf32, #tpu.memory_space<hbm>>) target_semaphore(%arg16 : memref<!tpu.dma_semaphore, #tpu.memory_space<semaphore_mem>>)
      %dma_start3A_1923 = arith.constant 0 : i32
      %dma_start3A_1924 = arith.constant 0 : i32
      %dma_start3A_1925 = arith.constant 0 : i32
      %dma_start3A_1926 = tpu.memref_slice %arg14[%dma_start3A_1923, %dma_start3A_1924, %dma_start3A_1925] : memref<2x128x128xf32, #tpu.memory_space<vmem>> -> memref<1x128x128xf32, #tpu.memory_space<vmem>>
      %dma_start3A_1927 = tpu.memref_squeeze %dma_start3A_1926 : memref<1x128x128xf32, #tpu.memory_space<vmem>> -> memref<128x128xf32, #tpu.memory_space<vmem>>
      %dma_start3A_1928 = arith.constant 256 : i32
      %dma_start3A_1929 = tpu.memref_slice %arg8[%mul3A_1896, %dma_start3A_1928] : memref<3276800x384xf32, #tpu.memory_space<hbm>> -> memref<128x128xf32, #tpu.memory_space<hbm>>
      %dma_start3A_1930 = arith.constant 256 : i32
      %dma_start3A_1931 = tpu.memref_slice %arg8[%mul3A_1896, %dma_start3A_1930] : memref<3276800x384xf32, #tpu.memory_space<hbm>> -> memref<128x128xf32, #tpu.memory_space<hbm>>
      %dma_start3A_1932 = arith.constant 0 : i32
      %dma_start3A_1933 = arith.constant 0 : i32
      %dma_start3A_1934 = tpu.memref_slice %arg14[%dma_start3A_1923, %dma_start3A_1932, %dma_start3A_1933] : memref<2x128x128xf32, #tpu.memory_space<vmem>> -> memref<1x128x128xf32, #tpu.memory_space<vmem>>
      %dma_start3A_1935 = tpu.memref_squeeze %dma_start3A_1934 : memref<1x128x128xf32, #tpu.memory_space<vmem>> -> memref<128x128xf32, #tpu.memory_space<vmem>>
      tpu.enqueue_dma source(%dma_start3A_1935 : memref<128x128xf32, #tpu.memory_space<vmem>>) target(%dma_start3A_1931 : memref<128x128xf32, #tpu.memory_space<hbm>>) target_semaphore(%arg16 : memref<!tpu.dma_semaphore, #tpu.memory_space<semaphore_mem>>)
      %dma_wait3A_1936 = arith.constant 1 : i32
      %dma_wait3A_1937 = arith.constant 0 : i32
      %dma_wait3A_1938 = arith.constant 0 : i32
      %dma_wait3A_1939 = tpu.memref_slice %arg12[%dma_wait3A_1936, %dma_wait3A_1937, %dma_wait3A_1938] : memref<2x128x128xf32, #tpu.memory_space<vmem>> -> memref<1x128x128xf32, #tpu.memory_space<vmem>>
      %dma_wait3A_1940 = tpu.memref_squeeze %dma_wait3A_1939 : memref<1x128x128xf32, #tpu.memory_space<vmem>> -> memref<128x128xf32, #tpu.memory_space<vmem>>
      %dma_wait3A_1941 = arith.constant 0 : i32
      %dma_wait3A_1942 = tpu.memref_slice %arg8[%mul3A_1742, %dma_wait3A_1941] : memref<3276800x384xf32, #tpu.memory_space<hbm>> -> memref<128x128xf32, #tpu.memory_space<hbm>>
      %dma_wait3A_1943 = arith.constant 0 : i32
      %dma_wait3A_1944 = tpu.memref_slice %arg8[%mul3A_1742, %dma_wait3A_1943] : memref<3276800x384xf32, #tpu.memory_space<hbm>> -> memref<128x128xf32, #tpu.memory_space<hbm>>
      %dma_wait3A_1945 = arith.constant 0 : i32
      %dma_wait3A_1946 = arith.constant 0 : i32
      %dma_wait3A_1947 = tpu.memref_slice %arg12[%dma_wait3A_1936, %dma_wait3A_1945, %dma_wait3A_1946] : memref<2x128x128xf32, #tpu.memory_space<vmem>> -> memref<1x128x128xf32, #tpu.memory_space<vmem>>
      %dma_wait3A_1948 = tpu.memref_squeeze %dma_wait3A_1947 : memref<1x128x128xf32, #tpu.memory_space<vmem>> -> memref<128x128xf32, #tpu.memory_space<vmem>>
      tpu.wait_dma2 semaphore(%arg17 : memref<!tpu.dma_semaphore, #tpu.memory_space<semaphore_mem>>) src(%dma_wait3A_1948 : memref<128x128xf32, #tpu.memory_space<vmem>>) dst(%dma_wait3A_1944 : memref<128x128xf32, #tpu.memory_space<hbm>>)
      %dma_wait3A_1949 = arith.constant 1 : i32
      %dma_wait3A_1950 = arith.constant 0 : i32
      %dma_wait3A_1951 = arith.constant 0 : i32
      %dma_wait3A_1952 = tpu.memref_slice %arg13[%dma_wait3A_1949, %dma_wait3A_1950, %dma_wait3A_1951] : memref<2x128x128xf32, #tpu.memory_space<vmem>> -> memref<1x128x128xf32, #tpu.memory_space<vmem>>
      %dma_wait3A_1953 = tpu.memref_squeeze %dma_wait3A_1952 : memref<1x128x128xf32, #tpu.memory_space<vmem>> -> memref<128x128xf32, #tpu.memory_space<vmem>>
      %dma_wait3A_1954 = arith.constant 128 : i32
      %dma_wait3A_1955 = tpu.memref_slice %arg8[%mul3A_1742, %dma_wait3A_1954] : memref<3276800x384xf32, #tpu.memory_space<hbm>> -> memref<128x128xf32, #tpu.memory_space<hbm>>
      %dma_wait3A_1956 = arith.constant 128 : i32
      %dma_wait3A_1957 = tpu.memref_slice %arg8[%mul3A_1742, %dma_wait3A_1956] : memref<3276800x384xf32, #tpu.memory_space<hbm>> -> memref<128x128xf32, #tpu.memory_space<hbm>>
      %dma_wait3A_1958 = arith.constant 0 : i32
      %dma_wait3A_1959 = arith.constant 0 : i32
      %dma_wait3A_1960 = tpu.memref_slice %arg13[%dma_wait3A_1949, %dma_wait3A_1958, %dma_wait3A_1959] : memref<2x128x128xf32, #tpu.memory_space<vmem>> -> memref<1x128x128xf32, #tpu.memory_space<vmem>>
      %dma_wait3A_1961 = tpu.memref_squeeze %dma_wait3A_1960 : memref<1x128x128xf32, #tpu.memory_space<vmem>> -> memref<128x128xf32, #tpu.memory_space<vmem>>
      tpu.wait_dma2 semaphore(%arg17 : memref<!tpu.dma_semaphore, #tpu.memory_space<semaphore_mem>>) src(%dma_wait3A_1961 : memref<128x128xf32, #tpu.memory_space<vmem>>) dst(%dma_wait3A_1957 : memref<128x128xf32, #tpu.memory_space<hbm>>)
      %dma_wait3A_1962 = arith.constant 1 : i32
      %dma_wait3A_1963 = arith.constant 0 : i32
      %dma_wait3A_1964 = arith.constant 0 : i32
      %dma_wait3A_1965 = tpu.memref_slice %arg14[%dma_wait3A_1962, %dma_wait3A_1963, %dma_wait3A_1964] : memref<2x128x128xf32, #tpu.memory_space<vmem>> -> memref<1x128x128xf32, #tpu.memory_space<vmem>>
      %dma_wait3A_1966 = tpu.memref_squeeze %dma_wait3A_1965 : memref<1x128x128xf32, #tpu.memory_space<vmem>> -> memref<128x128xf32, #tpu.memory_space<vmem>>
      %dma_wait3A_1967 = arith.constant 256 : i32
      %dma_wait3A_1968 = tpu.memref_slice %arg8[%mul3A_1742, %dma_wait3A_1967] : memref<3276800x384xf32, #tpu.memory_space<hbm>> -> memref<128x128xf32, #tpu.memory_space<hbm>>
      %dma_wait3A_1969 = arith.constant 256 : i32
      %dma_wait3A_1970 = tpu.memref_slice %arg8[%mul3A_1742, %dma_wait3A_1969] : memref<3276800x384xf32, #tpu.memory_space<hbm>> -> memref<128x128xf32, #tpu.memory_space<hbm>>
      %dma_wait3A_1971 = arith.constant 0 : i32
      %dma_wait3A_1972 = arith.constant 0 : i32
      %dma_wait3A_1973 = tpu.memref_slice %arg14[%dma_wait3A_1962, %dma_wait3A_1971, %dma_wait3A_1972] : memref<2x128x128xf32, #tpu.memory_space<vmem>> -> memref<1x128x128xf32, #tpu.memory_space<vmem>>
      %dma_wait3A_1974 = tpu.memref_squeeze %dma_wait3A_1973 : memref<1x128x128xf32, #tpu.memory_space<vmem>> -> memref<128x128xf32, #tpu.memory_space<vmem>>
      tpu.wait_dma2 semaphore(%arg17 : memref<!tpu.dma_semaphore, #tpu.memory_space<semaphore_mem>>) src(%dma_wait3A_1974 : memref<128x128xf32, #tpu.memory_space<vmem>>) dst(%dma_wait3A_1970 : memref<128x128xf32, #tpu.memory_space<hbm>>)
      %dma_start3A_1975 = arith.constant 13 : i32
      %dma_start3A_1976 = arith.constant 1 : i32
      %dma_start3A_1977 = arith.constant 0 : i32
      %dma_start3A_1978 = arith.constant 0 : i32
      %dma_start3A_1979 = tpu.memref_slice %arg12[%dma_start3A_1976, %dma_start3A_1977, %dma_start3A_1978] : memref<2x128x128xf32, #tpu.memory_space<vmem>> -> memref<1x128x128xf32, #tpu.memory_space<vmem>>
      %dma_start3A_1980 = tpu.memref_squeeze %dma_start3A_1979 : memref<1x128x128xf32, #tpu.memory_space<vmem>> -> memref<128x128xf32, #tpu.memory_space<vmem>>
      %dma_start3A_1981 = arith.constant 0 : i32
      %dma_start3A_1982 = tpu.memref_slice %arg9[%dma_start3A_1975, %dma_start3A_1981] : memref<16x128xi32, #tpu.memory_space<vmem>> -> memref<1x128xi32, #tpu.memory_space<vmem>>
      %dma_start3A_1983 = tpu.memref_squeeze %dma_start3A_1982 : memref<1x128xi32, #tpu.memory_space<vmem>> -> memref<128xi32, #tpu.memory_space<vmem>>
      %dma_start3A_1984 = arith.constant 0 : i32
      %dma_start3A_1985 = arith.constant 0 : i32
      %dma_start3A_1986 = tpu.memref_slice %arg18[%dma_start3A_1984, %dma_start3A_1985] : memref<256x128xf32, #tpu.memory_space<vmem_shared>> -> memref<256x128xf32, #tpu.memory_space<vmem_shared>>
      tpu.enqueue_indirect_dma source(%dma_start3A_1986 : memref<256x128xf32, #tpu.memory_space<vmem_shared>>) target(%dma_start3A_1980 : memref<128x128xf32, #tpu.memory_space<vmem>>) offsets(%dma_start3A_1983 : memref<128xi32, #tpu.memory_space<vmem>>) semaphore(%arg15 : memref<!tpu.dma_semaphore, #tpu.memory_space<semaphore_mem>>)
      %dma_start3A_1987 = arith.constant 13 : i32
      %dma_start3A_1988 = arith.constant 1 : i32
      %dma_start3A_1989 = arith.constant 0 : i32
      %dma_start3A_1990 = arith.constant 0 : i32
      %dma_start3A_1991 = tpu.memref_slice %arg13[%dma_start3A_1988, %dma_start3A_1989, %dma_start3A_1990] : memref<2x128x128xf32, #tpu.memory_space<vmem>> -> memref<1x128x128xf32, #tpu.memory_space<vmem>>
      %dma_start3A_1992 = tpu.memref_squeeze %dma_start3A_1991 : memref<1x128x128xf32, #tpu.memory_space<vmem>> -> memref<128x128xf32, #tpu.memory_space<vmem>>
      %dma_start3A_1993 = arith.constant 0 : i32
      %dma_start3A_1994 = tpu.memref_slice %arg10[%dma_start3A_1987, %dma_start3A_1993] : memref<16x128xi32, #tpu.memory_space<vmem>> -> memref<1x128xi32, #tpu.memory_space<vmem>>
      %dma_start3A_1995 = tpu.memref_squeeze %dma_start3A_1994 : memref<1x128xi32, #tpu.memory_space<vmem>> -> memref<128xi32, #tpu.memory_space<vmem>>
      %dma_start3A_1996 = arith.constant 0 : i32
      %dma_start3A_1997 = arith.constant 0 : i32
      %dma_start3A_1998 = tpu.memref_slice %arg19[%dma_start3A_1996, %dma_start3A_1997] : memref<212x128xf32, #tpu.memory_space<vmem_shared>> -> memref<212x128xf32, #tpu.memory_space<vmem_shared>>
      tpu.enqueue_indirect_dma source(%dma_start3A_1998 : memref<212x128xf32, #tpu.memory_space<vmem_shared>>) target(%dma_start3A_1992 : memref<128x128xf32, #tpu.memory_space<vmem>>) offsets(%dma_start3A_1995 : memref<128xi32, #tpu.memory_space<vmem>>) semaphore(%arg15 : memref<!tpu.dma_semaphore, #tpu.memory_space<semaphore_mem>>)
      %dma_start3A_1999 = arith.constant 13 : i32
      %dma_start3A_2000 = arith.constant 1 : i32
      %dma_start3A_2001 = arith.constant 0 : i32
      %dma_start3A_2002 = arith.constant 0 : i32
      %dma_start3A_2003 = tpu.memref_slice %arg14[%dma_start3A_2000, %dma_start3A_2001, %dma_start3A_2002] : memref<2x128x128xf32, #tpu.memory_space<vmem>> -> memref<1x128x128xf32, #tpu.memory_space<vmem>>
      %dma_start3A_2004 = tpu.memref_squeeze %dma_start3A_2003 : memref<1x128x128xf32, #tpu.memory_space<vmem>> -> memref<128x128xf32, #tpu.memory_space<vmem>>
      %dma_start3A_2005 = arith.constant 0 : i32
      %dma_start3A_2006 = tpu.memref_slice %arg11[%dma_start3A_1999, %dma_start3A_2005] : memref<16x128xi32, #tpu.memory_space<vmem>> -> memref<1x128xi32, #tpu.memory_space<vmem>>
      %dma_start3A_2007 = tpu.memref_squeeze %dma_start3A_2006 : memref<1x128xi32, #tpu.memory_space<vmem>> -> memref<128xi32, #tpu.memory_space<vmem>>
      %dma_start3A_2008 = arith.constant 0 : i32
      %dma_start3A_2009 = arith.constant 0 : i32
      %dma_start3A_2010 = tpu.memref_slice %arg20[%dma_start3A_2008, %dma_start3A_2009] : memref<133x128xf32, #tpu.memory_space<vmem_shared>> -> memref<133x128xf32, #tpu.memory_space<vmem_shared>>
      tpu.enqueue_indirect_dma source(%dma_start3A_2010 : memref<133x128xf32, #tpu.memory_space<vmem_shared>>) target(%dma_start3A_2004 : memref<128x128xf32, #tpu.memory_space<vmem>>) offsets(%dma_start3A_2007 : memref<128xi32, #tpu.memory_space<vmem>>) semaphore(%arg15 : memref<!tpu.dma_semaphore, #tpu.memory_space<semaphore_mem>>)
      %dma_wait3A_2011 = arith.constant 13 : i32
      %dma_wait3A_2012 = arith.constant 1 : i32
      %dma_wait3A_2013 = arith.constant 0 : i32
      %dma_wait3A_2014 = arith.constant 0 : i32
      %dma_wait3A_2015 = tpu.memref_slice %arg12[%dma_wait3A_2012, %dma_wait3A_2013, %dma_wait3A_2014] : memref<2x128x128xf32, #tpu.memory_space<vmem>> -> memref<1x128x128xf32, #tpu.memory_space<vmem>>
      %dma_wait3A_2016 = tpu.memref_squeeze %dma_wait3A_2015 : memref<1x128x128xf32, #tpu.memory_space<vmem>> -> memref<128x128xf32, #tpu.memory_space<vmem>>
      %dma_wait3A_2017 = arith.constant 0 : i32
      %dma_wait3A_2018 = tpu.memref_slice %arg9[%dma_wait3A_2011, %dma_wait3A_2017] : memref<16x128xi32, #tpu.memory_space<vmem>> -> memref<1x128xi32, #tpu.memory_space<vmem>>
      %dma_wait3A_2019 = tpu.memref_squeeze %dma_wait3A_2018 : memref<1x128xi32, #tpu.memory_space<vmem>> -> memref<128xi32, #tpu.memory_space<vmem>>
      %dma_wait3A_2020 = arith.constant 0 : i32
      %dma_wait3A_2021 = arith.constant 0 : i32
      %dma_wait3A_2022 = tpu.memref_slice %arg18[%dma_wait3A_2020, %dma_wait3A_2021] : memref<256x128xf32, #tpu.memory_space<vmem_shared>> -> memref<256x128xf32, #tpu.memory_space<vmem_shared>>
      tpu.wait_indirect_dma semaphore(%arg15 : memref<!tpu.dma_semaphore, #tpu.memory_space<semaphore_mem>>) src(%dma_wait3A_2022 : memref<256x128xf32, #tpu.memory_space<vmem_shared>>) dst(%dma_wait3A_2016 : memref<128x128xf32, #tpu.memory_space<vmem>>)
      %dma_wait3A_2023 = arith.constant 13 : i32
      %dma_wait3A_2024 = arith.constant 1 : i32
      %dma_wait3A_2025 = arith.constant 0 : i32
      %dma_wait3A_2026 = arith.constant 0 : i32
      %dma_wait3A_2027 = tpu.memref_slice %arg13[%dma_wait3A_2024, %dma_wait3A_2025, %dma_wait3A_2026] : memref<2x128x128xf32, #tpu.memory_space<vmem>> -> memref<1x128x128xf32, #tpu.memory_space<vmem>>
      %dma_wait3A_2028 = tpu.memref_squeeze %dma_wait3A_2027 : memref<1x128x128xf32, #tpu.memory_space<vmem>> -> memref<128x128xf32, #tpu.memory_space<vmem>>
      %dma_wait3A_2029 = arith.constant 0 : i32
      %dma_wait3A_2030 = tpu.memref_slice %arg10[%dma_wait3A_2023, %dma_wait3A_2029] : memref<16x128xi32, #tpu.memory_space<vmem>> -> memref<1x128xi32, #tpu.memory_space<vmem>>
      %dma_wait3A_2031 = tpu.memref_squeeze %dma_wait3A_2030 : memref<1x128xi32, #tpu.memory_space<vmem>> -> memref<128xi32, #tpu.memory_space<vmem>>
      %dma_wait3A_2032 = arith.constant 0 : i32
      %dma_wait3A_2033 = arith.constant 0 : i32
      %dma_wait3A_2034 = tpu.memref_slice %arg19[%dma_wait3A_2032, %dma_wait3A_2033] : memref<212x128xf32, #tpu.memory_space<vmem_shared>> -> memref<212x128xf32, #tpu.memory_space<vmem_shared>>
      tpu.wait_indirect_dma semaphore(%arg15 : memref<!tpu.dma_semaphore, #tpu.memory_space<semaphore_mem>>) src(%dma_wait3A_2034 : memref<212x128xf32, #tpu.memory_space<vmem_shared>>) dst(%dma_wait3A_2028 : memref<128x128xf32, #tpu.memory_space<vmem>>)
      %dma_wait3A_2035 = arith.constant 13 : i32
      %dma_wait3A_2036 = arith.constant 1 : i32
      %dma_wait3A_2037 = arith.constant 0 : i32
      %dma_wait3A_2038 = arith.constant 0 : i32
      %dma_wait3A_2039 = tpu.memref_slice %arg14[%dma_wait3A_2036, %dma_wait3A_2037, %dma_wait3A_2038] : memref<2x128x128xf32, #tpu.memory_space<vmem>> -> memref<1x128x128xf32, #tpu.memory_space<vmem>>
      %dma_wait3A_2040 = tpu.memref_squeeze %dma_wait3A_2039 : memref<1x128x128xf32, #tpu.memory_space<vmem>> -> memref<128x128xf32, #tpu.memory_space<vmem>>
      %dma_wait3A_2041 = arith.constant 0 : i32
      %dma_wait3A_2042 = tpu.memref_slice %arg11[%dma_wait3A_2035, %dma_wait3A_2041] : memref<16x128xi32, #tpu.memory_space<vmem>> -> memref<1x128xi32, #tpu.memory_space<vmem>>
      %dma_wait3A_2043 = tpu.memref_squeeze %dma_wait3A_2042 : memref<1x128xi32, #tpu.memory_space<vmem>> -> memref<128xi32, #tpu.memory_space<vmem>>
      %dma_wait3A_2044 = arith.constant 0 : i32
      %dma_wait3A_2045 = arith.constant 0 : i32
      %dma_wait3A_2046 = tpu.memref_slice %arg20[%dma_wait3A_2044, %dma_wait3A_2045] : memref<133x128xf32, #tpu.memory_space<vmem_shared>> -> memref<133x128xf32, #tpu.memory_space<vmem_shared>>
      tpu.wait_indirect_dma semaphore(%arg15 : memref<!tpu.dma_semaphore, #tpu.memory_space<semaphore_mem>>) src(%dma_wait3A_2046 : memref<133x128xf32, #tpu.memory_space<vmem_shared>>) dst(%dma_wait3A_2040 : memref<128x128xf32, #tpu.memory_space<vmem>>)
      %add3A_2047 = arith.constant 13 : i32
      %add3A_2048 = arith.addi %add3A_13, %add3A_2047 : i32
      %mul3A_2049 = arith.constant 128 : i32
      %mul3A_2050 = arith.muli %add3A_2048, %mul3A_2049 : i32
      %dma_start3A_2051 = arith.constant 1 : i32
      %dma_start3A_2052 = arith.constant 0 : i32
      %dma_start3A_2053 = arith.constant 0 : i32
      %dma_start3A_2054 = tpu.memref_slice %arg12[%dma_start3A_2051, %dma_start3A_2052, %dma_start3A_2053] : memref<2x128x128xf32, #tpu.memory_space<vmem>> -> memref<1x128x128xf32, #tpu.memory_space<vmem>>
      %dma_start3A_2055 = tpu.memref_squeeze %dma_start3A_2054 : memref<1x128x128xf32, #tpu.memory_space<vmem>> -> memref<128x128xf32, #tpu.memory_space<vmem>>
      %dma_start3A_2056 = arith.constant 0 : i32
      %dma_start3A_2057 = tpu.memref_slice %arg8[%mul3A_2050, %dma_start3A_2056] : memref<3276800x384xf32, #tpu.memory_space<hbm>> -> memref<128x128xf32, #tpu.memory_space<hbm>>
      %dma_start3A_2058 = arith.constant 0 : i32
      %dma_start3A_2059 = tpu.memref_slice %arg8[%mul3A_2050, %dma_start3A_2058] : memref<3276800x384xf32, #tpu.memory_space<hbm>> -> memref<128x128xf32, #tpu.memory_space<hbm>>
      %dma_start3A_2060 = arith.constant 0 : i32
      %dma_start3A_2061 = arith.constant 0 : i32
      %dma_start3A_2062 = tpu.memref_slice %arg12[%dma_start3A_2051, %dma_start3A_2060, %dma_start3A_2061] : memref<2x128x128xf32, #tpu.memory_space<vmem>> -> memref<1x128x128xf32, #tpu.memory_space<vmem>>
      %dma_start3A_2063 = tpu.memref_squeeze %dma_start3A_2062 : memref<1x128x128xf32, #tpu.memory_space<vmem>> -> memref<128x128xf32, #tpu.memory_space<vmem>>
      tpu.enqueue_dma source(%dma_start3A_2063 : memref<128x128xf32, #tpu.memory_space<vmem>>) target(%dma_start3A_2059 : memref<128x128xf32, #tpu.memory_space<hbm>>) target_semaphore(%arg17 : memref<!tpu.dma_semaphore, #tpu.memory_space<semaphore_mem>>)
      %dma_start3A_2064 = arith.constant 1 : i32
      %dma_start3A_2065 = arith.constant 0 : i32
      %dma_start3A_2066 = arith.constant 0 : i32
      %dma_start3A_2067 = tpu.memref_slice %arg13[%dma_start3A_2064, %dma_start3A_2065, %dma_start3A_2066] : memref<2x128x128xf32, #tpu.memory_space<vmem>> -> memref<1x128x128xf32, #tpu.memory_space<vmem>>
      %dma_start3A_2068 = tpu.memref_squeeze %dma_start3A_2067 : memref<1x128x128xf32, #tpu.memory_space<vmem>> -> memref<128x128xf32, #tpu.memory_space<vmem>>
      %dma_start3A_2069 = arith.constant 128 : i32
      %dma_start3A_2070 = tpu.memref_slice %arg8[%mul3A_2050, %dma_start3A_2069] : memref<3276800x384xf32, #tpu.memory_space<hbm>> -> memref<128x128xf32, #tpu.memory_space<hbm>>
      %dma_start3A_2071 = arith.constant 128 : i32
      %dma_start3A_2072 = tpu.memref_slice %arg8[%mul3A_2050, %dma_start3A_2071] : memref<3276800x384xf32, #tpu.memory_space<hbm>> -> memref<128x128xf32, #tpu.memory_space<hbm>>
      %dma_start3A_2073 = arith.constant 0 : i32
      %dma_start3A_2074 = arith.constant 0 : i32
      %dma_start3A_2075 = tpu.memref_slice %arg13[%dma_start3A_2064, %dma_start3A_2073, %dma_start3A_2074] : memref<2x128x128xf32, #tpu.memory_space<vmem>> -> memref<1x128x128xf32, #tpu.memory_space<vmem>>
      %dma_start3A_2076 = tpu.memref_squeeze %dma_start3A_2075 : memref<1x128x128xf32, #tpu.memory_space<vmem>> -> memref<128x128xf32, #tpu.memory_space<vmem>>
      tpu.enqueue_dma source(%dma_start3A_2076 : memref<128x128xf32, #tpu.memory_space<vmem>>) target(%dma_start3A_2072 : memref<128x128xf32, #tpu.memory_space<hbm>>) target_semaphore(%arg17 : memref<!tpu.dma_semaphore, #tpu.memory_space<semaphore_mem>>)
      %dma_start3A_2077 = arith.constant 1 : i32
      %dma_start3A_2078 = arith.constant 0 : i32
      %dma_start3A_2079 = arith.constant 0 : i32
      %dma_start3A_2080 = tpu.memref_slice %arg14[%dma_start3A_2077, %dma_start3A_2078, %dma_start3A_2079] : memref<2x128x128xf32, #tpu.memory_space<vmem>> -> memref<1x128x128xf32, #tpu.memory_space<vmem>>
      %dma_start3A_2081 = tpu.memref_squeeze %dma_start3A_2080 : memref<1x128x128xf32, #tpu.memory_space<vmem>> -> memref<128x128xf32, #tpu.memory_space<vmem>>
      %dma_start3A_2082 = arith.constant 256 : i32
      %dma_start3A_2083 = tpu.memref_slice %arg8[%mul3A_2050, %dma_start3A_2082] : memref<3276800x384xf32, #tpu.memory_space<hbm>> -> memref<128x128xf32, #tpu.memory_space<hbm>>
      %dma_start3A_2084 = arith.constant 256 : i32
      %dma_start3A_2085 = tpu.memref_slice %arg8[%mul3A_2050, %dma_start3A_2084] : memref<3276800x384xf32, #tpu.memory_space<hbm>> -> memref<128x128xf32, #tpu.memory_space<hbm>>
      %dma_start3A_2086 = arith.constant 0 : i32
      %dma_start3A_2087 = arith.constant 0 : i32
      %dma_start3A_2088 = tpu.memref_slice %arg14[%dma_start3A_2077, %dma_start3A_2086, %dma_start3A_2087] : memref<2x128x128xf32, #tpu.memory_space<vmem>> -> memref<1x128x128xf32, #tpu.memory_space<vmem>>
      %dma_start3A_2089 = tpu.memref_squeeze %dma_start3A_2088 : memref<1x128x128xf32, #tpu.memory_space<vmem>> -> memref<128x128xf32, #tpu.memory_space<vmem>>
      tpu.enqueue_dma source(%dma_start3A_2089 : memref<128x128xf32, #tpu.memory_space<vmem>>) target(%dma_start3A_2085 : memref<128x128xf32, #tpu.memory_space<hbm>>) target_semaphore(%arg17 : memref<!tpu.dma_semaphore, #tpu.memory_space<semaphore_mem>>)
      %dma_wait3A_2090 = arith.constant 0 : i32
      %dma_wait3A_2091 = arith.constant 0 : i32
      %dma_wait3A_2092 = arith.constant 0 : i32
      %dma_wait3A_2093 = tpu.memref_slice %arg12[%dma_wait3A_2090, %dma_wait3A_2091, %dma_wait3A_2092] : memref<2x128x128xf32, #tpu.memory_space<vmem>> -> memref<1x128x128xf32, #tpu.memory_space<vmem>>
      %dma_wait3A_2094 = tpu.memref_squeeze %dma_wait3A_2093 : memref<1x128x128xf32, #tpu.memory_space<vmem>> -> memref<128x128xf32, #tpu.memory_space<vmem>>
      %dma_wait3A_2095 = arith.constant 0 : i32
      %dma_wait3A_2096 = tpu.memref_slice %arg8[%mul3A_1896, %dma_wait3A_2095] : memref<3276800x384xf32, #tpu.memory_space<hbm>> -> memref<128x128xf32, #tpu.memory_space<hbm>>
      %dma_wait3A_2097 = arith.constant 0 : i32
      %dma_wait3A_2098 = tpu.memref_slice %arg8[%mul3A_1896, %dma_wait3A_2097] : memref<3276800x384xf32, #tpu.memory_space<hbm>> -> memref<128x128xf32, #tpu.memory_space<hbm>>
      %dma_wait3A_2099 = arith.constant 0 : i32
      %dma_wait3A_2100 = arith.constant 0 : i32
      %dma_wait3A_2101 = tpu.memref_slice %arg12[%dma_wait3A_2090, %dma_wait3A_2099, %dma_wait3A_2100] : memref<2x128x128xf32, #tpu.memory_space<vmem>> -> memref<1x128x128xf32, #tpu.memory_space<vmem>>
      %dma_wait3A_2102 = tpu.memref_squeeze %dma_wait3A_2101 : memref<1x128x128xf32, #tpu.memory_space<vmem>> -> memref<128x128xf32, #tpu.memory_space<vmem>>
      tpu.wait_dma2 semaphore(%arg16 : memref<!tpu.dma_semaphore, #tpu.memory_space<semaphore_mem>>) src(%dma_wait3A_2102 : memref<128x128xf32, #tpu.memory_space<vmem>>) dst(%dma_wait3A_2098 : memref<128x128xf32, #tpu.memory_space<hbm>>)
      %dma_wait3A_2103 = arith.constant 0 : i32
      %dma_wait3A_2104 = arith.constant 0 : i32
      %dma_wait3A_2105 = arith.constant 0 : i32
      %dma_wait3A_2106 = tpu.memref_slice %arg13[%dma_wait3A_2103, %dma_wait3A_2104, %dma_wait3A_2105] : memref<2x128x128xf32, #tpu.memory_space<vmem>> -> memref<1x128x128xf32, #tpu.memory_space<vmem>>
      %dma_wait3A_2107 = tpu.memref_squeeze %dma_wait3A_2106 : memref<1x128x128xf32, #tpu.memory_space<vmem>> -> memref<128x128xf32, #tpu.memory_space<vmem>>
      %dma_wait3A_2108 = arith.constant 128 : i32
      %dma_wait3A_2109 = tpu.memref_slice %arg8[%mul3A_1896, %dma_wait3A_2108] : memref<3276800x384xf32, #tpu.memory_space<hbm>> -> memref<128x128xf32, #tpu.memory_space<hbm>>
      %dma_wait3A_2110 = arith.constant 128 : i32
      %dma_wait3A_2111 = tpu.memref_slice %arg8[%mul3A_1896, %dma_wait3A_2110] : memref<3276800x384xf32, #tpu.memory_space<hbm>> -> memref<128x128xf32, #tpu.memory_space<hbm>>
      %dma_wait3A_2112 = arith.constant 0 : i32
      %dma_wait3A_2113 = arith.constant 0 : i32
      %dma_wait3A_2114 = tpu.memref_slice %arg13[%dma_wait3A_2103, %dma_wait3A_2112, %dma_wait3A_2113] : memref<2x128x128xf32, #tpu.memory_space<vmem>> -> memref<1x128x128xf32, #tpu.memory_space<vmem>>
      %dma_wait3A_2115 = tpu.memref_squeeze %dma_wait3A_2114 : memref<1x128x128xf32, #tpu.memory_space<vmem>> -> memref<128x128xf32, #tpu.memory_space<vmem>>
      tpu.wait_dma2 semaphore(%arg16 : memref<!tpu.dma_semaphore, #tpu.memory_space<semaphore_mem>>) src(%dma_wait3A_2115 : memref<128x128xf32, #tpu.memory_space<vmem>>) dst(%dma_wait3A_2111 : memref<128x128xf32, #tpu.memory_space<hbm>>)
      %dma_wait3A_2116 = arith.constant 0 : i32
      %dma_wait3A_2117 = arith.constant 0 : i32
      %dma_wait3A_2118 = arith.constant 0 : i32
      %dma_wait3A_2119 = tpu.memref_slice %arg14[%dma_wait3A_2116, %dma_wait3A_2117, %dma_wait3A_2118] : memref<2x128x128xf32, #tpu.memory_space<vmem>> -> memref<1x128x128xf32, #tpu.memory_space<vmem>>
      %dma_wait3A_2120 = tpu.memref_squeeze %dma_wait3A_2119 : memref<1x128x128xf32, #tpu.memory_space<vmem>> -> memref<128x128xf32, #tpu.memory_space<vmem>>
      %dma_wait3A_2121 = arith.constant 256 : i32
      %dma_wait3A_2122 = tpu.memref_slice %arg8[%mul3A_1896, %dma_wait3A_2121] : memref<3276800x384xf32, #tpu.memory_space<hbm>> -> memref<128x128xf32, #tpu.memory_space<hbm>>
      %dma_wait3A_2123 = arith.constant 256 : i32
      %dma_wait3A_2124 = tpu.memref_slice %arg8[%mul3A_1896, %dma_wait3A_2123] : memref<3276800x384xf32, #tpu.memory_space<hbm>> -> memref<128x128xf32, #tpu.memory_space<hbm>>
      %dma_wait3A_2125 = arith.constant 0 : i32
      %dma_wait3A_2126 = arith.constant 0 : i32
      %dma_wait3A_2127 = tpu.memref_slice %arg14[%dma_wait3A_2116, %dma_wait3A_2125, %dma_wait3A_2126] : memref<2x128x128xf32, #tpu.memory_space<vmem>> -> memref<1x128x128xf32, #tpu.memory_space<vmem>>
      %dma_wait3A_2128 = tpu.memref_squeeze %dma_wait3A_2127 : memref<1x128x128xf32, #tpu.memory_space<vmem>> -> memref<128x128xf32, #tpu.memory_space<vmem>>
      tpu.wait_dma2 semaphore(%arg16 : memref<!tpu.dma_semaphore, #tpu.memory_space<semaphore_mem>>) src(%dma_wait3A_2128 : memref<128x128xf32, #tpu.memory_space<vmem>>) dst(%dma_wait3A_2124 : memref<128x128xf32, #tpu.memory_space<hbm>>)
      %dma_start3A_2129 = arith.constant 14 : i32
      %dma_start3A_2130 = arith.constant 0 : i32
      %dma_start3A_2131 = arith.constant 0 : i32
      %dma_start3A_2132 = arith.constant 0 : i32
      %dma_start3A_2133 = tpu.memref_slice %arg12[%dma_start3A_2130, %dma_start3A_2131, %dma_start3A_2132] : memref<2x128x128xf32, #tpu.memory_space<vmem>> -> memref<1x128x128xf32, #tpu.memory_space<vmem>>
      %dma_start3A_2134 = tpu.memref_squeeze %dma_start3A_2133 : memref<1x128x128xf32, #tpu.memory_space<vmem>> -> memref<128x128xf32, #tpu.memory_space<vmem>>
      %dma_start3A_2135 = arith.constant 0 : i32
      %dma_start3A_2136 = tpu.memref_slice %arg9[%dma_start3A_2129, %dma_start3A_2135] : memref<16x128xi32, #tpu.memory_space<vmem>> -> memref<1x128xi32, #tpu.memory_space<vmem>>
      %dma_start3A_2137 = tpu.memref_squeeze %dma_start3A_2136 : memref<1x128xi32, #tpu.memory_space<vmem>> -> memref<128xi32, #tpu.memory_space<vmem>>
      %dma_start3A_2138 = arith.constant 0 : i32
      %dma_start3A_2139 = arith.constant 0 : i32
      %dma_start3A_2140 = tpu.memref_slice %arg18[%dma_start3A_2138, %dma_start3A_2139] : memref<256x128xf32, #tpu.memory_space<vmem_shared>> -> memref<256x128xf32, #tpu.memory_space<vmem_shared>>
      tpu.enqueue_indirect_dma source(%dma_start3A_2140 : memref<256x128xf32, #tpu.memory_space<vmem_shared>>) target(%dma_start3A_2134 : memref<128x128xf32, #tpu.memory_space<vmem>>) offsets(%dma_start3A_2137 : memref<128xi32, #tpu.memory_space<vmem>>) semaphore(%arg15 : memref<!tpu.dma_semaphore, #tpu.memory_space<semaphore_mem>>)
      %dma_start3A_2141 = arith.constant 14 : i32
      %dma_start3A_2142 = arith.constant 0 : i32
      %dma_start3A_2143 = arith.constant 0 : i32
      %dma_start3A_2144 = arith.constant 0 : i32
      %dma_start3A_2145 = tpu.memref_slice %arg13[%dma_start3A_2142, %dma_start3A_2143, %dma_start3A_2144] : memref<2x128x128xf32, #tpu.memory_space<vmem>> -> memref<1x128x128xf32, #tpu.memory_space<vmem>>
      %dma_start3A_2146 = tpu.memref_squeeze %dma_start3A_2145 : memref<1x128x128xf32, #tpu.memory_space<vmem>> -> memref<128x128xf32, #tpu.memory_space<vmem>>
      %dma_start3A_2147 = arith.constant 0 : i32
      %dma_start3A_2148 = tpu.memref_slice %arg10[%dma_start3A_2141, %dma_start3A_2147] : memref<16x128xi32, #tpu.memory_space<vmem>> -> memref<1x128xi32, #tpu.memory_space<vmem>>
      %dma_start3A_2149 = tpu.memref_squeeze %dma_start3A_2148 : memref<1x128xi32, #tpu.memory_space<vmem>> -> memref<128xi32, #tpu.memory_space<vmem>>
      %dma_start3A_2150 = arith.constant 0 : i32
      %dma_start3A_2151 = arith.constant 0 : i32
      %dma_start3A_2152 = tpu.memref_slice %arg19[%dma_start3A_2150, %dma_start3A_2151] : memref<212x128xf32, #tpu.memory_space<vmem_shared>> -> memref<212x128xf32, #tpu.memory_space<vmem_shared>>
      tpu.enqueue_indirect_dma source(%dma_start3A_2152 : memref<212x128xf32, #tpu.memory_space<vmem_shared>>) target(%dma_start3A_2146 : memref<128x128xf32, #tpu.memory_space<vmem>>) offsets(%dma_start3A_2149 : memref<128xi32, #tpu.memory_space<vmem>>) semaphore(%arg15 : memref<!tpu.dma_semaphore, #tpu.memory_space<semaphore_mem>>)
      %dma_start3A_2153 = arith.constant 14 : i32
      %dma_start3A_2154 = arith.constant 0 : i32
      %dma_start3A_2155 = arith.constant 0 : i32
      %dma_start3A_2156 = arith.constant 0 : i32
      %dma_start3A_2157 = tpu.memref_slice %arg14[%dma_start3A_2154, %dma_start3A_2155, %dma_start3A_2156] : memref<2x128x128xf32, #tpu.memory_space<vmem>> -> memref<1x128x128xf32, #tpu.memory_space<vmem>>
      %dma_start3A_2158 = tpu.memref_squeeze %dma_start3A_2157 : memref<1x128x128xf32, #tpu.memory_space<vmem>> -> memref<128x128xf32, #tpu.memory_space<vmem>>
      %dma_start3A_2159 = arith.constant 0 : i32
      %dma_start3A_2160 = tpu.memref_slice %arg11[%dma_start3A_2153, %dma_start3A_2159] : memref<16x128xi32, #tpu.memory_space<vmem>> -> memref<1x128xi32, #tpu.memory_space<vmem>>
      %dma_start3A_2161 = tpu.memref_squeeze %dma_start3A_2160 : memref<1x128xi32, #tpu.memory_space<vmem>> -> memref<128xi32, #tpu.memory_space<vmem>>
      %dma_start3A_2162 = arith.constant 0 : i32
      %dma_start3A_2163 = arith.constant 0 : i32
      %dma_start3A_2164 = tpu.memref_slice %arg20[%dma_start3A_2162, %dma_start3A_2163] : memref<133x128xf32, #tpu.memory_space<vmem_shared>> -> memref<133x128xf32, #tpu.memory_space<vmem_shared>>
      tpu.enqueue_indirect_dma source(%dma_start3A_2164 : memref<133x128xf32, #tpu.memory_space<vmem_shared>>) target(%dma_start3A_2158 : memref<128x128xf32, #tpu.memory_space<vmem>>) offsets(%dma_start3A_2161 : memref<128xi32, #tpu.memory_space<vmem>>) semaphore(%arg15 : memref<!tpu.dma_semaphore, #tpu.memory_space<semaphore_mem>>)
      %dma_wait3A_2165 = arith.constant 14 : i32
      %dma_wait3A_2166 = arith.constant 0 : i32
      %dma_wait3A_2167 = arith.constant 0 : i32
      %dma_wait3A_2168 = arith.constant 0 : i32
      %dma_wait3A_2169 = tpu.memref_slice %arg12[%dma_wait3A_2166, %dma_wait3A_2167, %dma_wait3A_2168] : memref<2x128x128xf32, #tpu.memory_space<vmem>> -> memref<1x128x128xf32, #tpu.memory_space<vmem>>
      %dma_wait3A_2170 = tpu.memref_squeeze %dma_wait3A_2169 : memref<1x128x128xf32, #tpu.memory_space<vmem>> -> memref<128x128xf32, #tpu.memory_space<vmem>>
      %dma_wait3A_2171 = arith.constant 0 : i32
      %dma_wait3A_2172 = tpu.memref_slice %arg9[%dma_wait3A_2165, %dma_wait3A_2171] : memref<16x128xi32, #tpu.memory_space<vmem>> -> memref<1x128xi32, #tpu.memory_space<vmem>>
      %dma_wait3A_2173 = tpu.memref_squeeze %dma_wait3A_2172 : memref<1x128xi32, #tpu.memory_space<vmem>> -> memref<128xi32, #tpu.memory_space<vmem>>
      %dma_wait3A_2174 = arith.constant 0 : i32
      %dma_wait3A_2175 = arith.constant 0 : i32
      %dma_wait3A_2176 = tpu.memref_slice %arg18[%dma_wait3A_2174, %dma_wait3A_2175] : memref<256x128xf32, #tpu.memory_space<vmem_shared>> -> memref<256x128xf32, #tpu.memory_space<vmem_shared>>
      tpu.wait_indirect_dma semaphore(%arg15 : memref<!tpu.dma_semaphore, #tpu.memory_space<semaphore_mem>>) src(%dma_wait3A_2176 : memref<256x128xf32, #tpu.memory_space<vmem_shared>>) dst(%dma_wait3A_2170 : memref<128x128xf32, #tpu.memory_space<vmem>>)
      %dma_wait3A_2177 = arith.constant 14 : i32
      %dma_wait3A_2178 = arith.constant 0 : i32
      %dma_wait3A_2179 = arith.constant 0 : i32
      %dma_wait3A_2180 = arith.constant 0 : i32
      %dma_wait3A_2181 = tpu.memref_slice %arg13[%dma_wait3A_2178, %dma_wait3A_2179, %dma_wait3A_2180] : memref<2x128x128xf32, #tpu.memory_space<vmem>> -> memref<1x128x128xf32, #tpu.memory_space<vmem>>
      %dma_wait3A_2182 = tpu.memref_squeeze %dma_wait3A_2181 : memref<1x128x128xf32, #tpu.memory_space<vmem>> -> memref<128x128xf32, #tpu.memory_space<vmem>>
      %dma_wait3A_2183 = arith.constant 0 : i32
      %dma_wait3A_2184 = tpu.memref_slice %arg10[%dma_wait3A_2177, %dma_wait3A_2183] : memref<16x128xi32, #tpu.memory_space<vmem>> -> memref<1x128xi32, #tpu.memory_space<vmem>>
      %dma_wait3A_2185 = tpu.memref_squeeze %dma_wait3A_2184 : memref<1x128xi32, #tpu.memory_space<vmem>> -> memref<128xi32, #tpu.memory_space<vmem>>
      %dma_wait3A_2186 = arith.constant 0 : i32
      %dma_wait3A_2187 = arith.constant 0 : i32
      %dma_wait3A_2188 = tpu.memref_slice %arg19[%dma_wait3A_2186, %dma_wait3A_2187] : memref<212x128xf32, #tpu.memory_space<vmem_shared>> -> memref<212x128xf32, #tpu.memory_space<vmem_shared>>
      tpu.wait_indirect_dma semaphore(%arg15 : memref<!tpu.dma_semaphore, #tpu.memory_space<semaphore_mem>>) src(%dma_wait3A_2188 : memref<212x128xf32, #tpu.memory_space<vmem_shared>>) dst(%dma_wait3A_2182 : memref<128x128xf32, #tpu.memory_space<vmem>>)
      %dma_wait3A_2189 = arith.constant 14 : i32
      %dma_wait3A_2190 = arith.constant 0 : i32
      %dma_wait3A_2191 = arith.constant 0 : i32
      %dma_wait3A_2192 = arith.constant 0 : i32
      %dma_wait3A_2193 = tpu.memref_slice %arg14[%dma_wait3A_2190, %dma_wait3A_2191, %dma_wait3A_2192] : memref<2x128x128xf32, #tpu.memory_space<vmem>> -> memref<1x128x128xf32, #tpu.memory_space<vmem>>
      %dma_wait3A_2194 = tpu.memref_squeeze %dma_wait3A_2193 : memref<1x128x128xf32, #tpu.memory_space<vmem>> -> memref<128x128xf32, #tpu.memory_space<vmem>>
      %dma_wait3A_2195 = arith.constant 0 : i32
      %dma_wait3A_2196 = tpu.memref_slice %arg11[%dma_wait3A_2189, %dma_wait3A_2195] : memref<16x128xi32, #tpu.memory_space<vmem>> -> memref<1x128xi32, #tpu.memory_space<vmem>>
      %dma_wait3A_2197 = tpu.memref_squeeze %dma_wait3A_2196 : memref<1x128xi32, #tpu.memory_space<vmem>> -> memref<128xi32, #tpu.memory_space<vmem>>
      %dma_wait3A_2198 = arith.constant 0 : i32
      %dma_wait3A_2199 = arith.constant 0 : i32
      %dma_wait3A_2200 = tpu.memref_slice %arg20[%dma_wait3A_2198, %dma_wait3A_2199] : memref<133x128xf32, #tpu.memory_space<vmem_shared>> -> memref<133x128xf32, #tpu.memory_space<vmem_shared>>
      tpu.wait_indirect_dma semaphore(%arg15 : memref<!tpu.dma_semaphore, #tpu.memory_space<semaphore_mem>>) src(%dma_wait3A_2200 : memref<133x128xf32, #tpu.memory_space<vmem_shared>>) dst(%dma_wait3A_2194 : memref<128x128xf32, #tpu.memory_space<vmem>>)
      %add3A_2201 = arith.constant 14 : i32
      %add3A_2202 = arith.addi %add3A_13, %add3A_2201 : i32
      %mul3A_2203 = arith.constant 128 : i32
      %mul3A_2204 = arith.muli %add3A_2202, %mul3A_2203 : i32
      %dma_start3A_2205 = arith.constant 0 : i32
      %dma_start3A_2206 = arith.constant 0 : i32
      %dma_start3A_2207 = arith.constant 0 : i32
      %dma_start3A_2208 = tpu.memref_slice %arg12[%dma_start3A_2205, %dma_start3A_2206, %dma_start3A_2207] : memref<2x128x128xf32, #tpu.memory_space<vmem>> -> memref<1x128x128xf32, #tpu.memory_space<vmem>>
      %dma_start3A_2209 = tpu.memref_squeeze %dma_start3A_2208 : memref<1x128x128xf32, #tpu.memory_space<vmem>> -> memref<128x128xf32, #tpu.memory_space<vmem>>
      %dma_start3A_2210 = arith.constant 0 : i32
      %dma_start3A_2211 = tpu.memref_slice %arg8[%mul3A_2204, %dma_start3A_2210] : memref<3276800x384xf32, #tpu.memory_space<hbm>> -> memref<128x128xf32, #tpu.memory_space<hbm>>
      %dma_start3A_2212 = arith.constant 0 : i32
      %dma_start3A_2213 = tpu.memref_slice %arg8[%mul3A_2204, %dma_start3A_2212] : memref<3276800x384xf32, #tpu.memory_space<hbm>> -> memref<128x128xf32, #tpu.memory_space<hbm>>
      %dma_start3A_2214 = arith.constant 0 : i32
      %dma_start3A_2215 = arith.constant 0 : i32
      %dma_start3A_2216 = tpu.memref_slice %arg12[%dma_start3A_2205, %dma_start3A_2214, %dma_start3A_2215] : memref<2x128x128xf32, #tpu.memory_space<vmem>> -> memref<1x128x128xf32, #tpu.memory_space<vmem>>
      %dma_start3A_2217 = tpu.memref_squeeze %dma_start3A_2216 : memref<1x128x128xf32, #tpu.memory_space<vmem>> -> memref<128x128xf32, #tpu.memory_space<vmem>>
      tpu.enqueue_dma source(%dma_start3A_2217 : memref<128x128xf32, #tpu.memory_space<vmem>>) target(%dma_start3A_2213 : memref<128x128xf32, #tpu.memory_space<hbm>>) target_semaphore(%arg16 : memref<!tpu.dma_semaphore, #tpu.memory_space<semaphore_mem>>)
      %dma_start3A_2218 = arith.constant 0 : i32
      %dma_start3A_2219 = arith.constant 0 : i32
      %dma_start3A_2220 = arith.constant 0 : i32
      %dma_start3A_2221 = tpu.memref_slice %arg13[%dma_start3A_2218, %dma_start3A_2219, %dma_start3A_2220] : memref<2x128x128xf32, #tpu.memory_space<vmem>> -> memref<1x128x128xf32, #tpu.memory_space<vmem>>
      %dma_start3A_2222 = tpu.memref_squeeze %dma_start3A_2221 : memref<1x128x128xf32, #tpu.memory_space<vmem>> -> memref<128x128xf32, #tpu.memory_space<vmem>>
      %dma_start3A_2223 = arith.constant 128 : i32
      %dma_start3A_2224 = tpu.memref_slice %arg8[%mul3A_2204, %dma_start3A_2223] : memref<3276800x384xf32, #tpu.memory_space<hbm>> -> memref<128x128xf32, #tpu.memory_space<hbm>>
      %dma_start3A_2225 = arith.constant 128 : i32
      %dma_start3A_2226 = tpu.memref_slice %arg8[%mul3A_2204, %dma_start3A_2225] : memref<3276800x384xf32, #tpu.memory_space<hbm>> -> memref<128x128xf32, #tpu.memory_space<hbm>>
      %dma_start3A_2227 = arith.constant 0 : i32
      %dma_start3A_2228 = arith.constant 0 : i32
      %dma_start3A_2229 = tpu.memref_slice %arg13[%dma_start3A_2218, %dma_start3A_2227, %dma_start3A_2228] : memref<2x128x128xf32, #tpu.memory_space<vmem>> -> memref<1x128x128xf32, #tpu.memory_space<vmem>>
      %dma_start3A_2230 = tpu.memref_squeeze %dma_start3A_2229 : memref<1x128x128xf32, #tpu.memory_space<vmem>> -> memref<128x128xf32, #tpu.memory_space<vmem>>
      tpu.enqueue_dma source(%dma_start3A_2230 : memref<128x128xf32, #tpu.memory_space<vmem>>) target(%dma_start3A_2226 : memref<128x128xf32, #tpu.memory_space<hbm>>) target_semaphore(%arg16 : memref<!tpu.dma_semaphore, #tpu.memory_space<semaphore_mem>>)
      %dma_start3A_2231 = arith.constant 0 : i32
      %dma_start3A_2232 = arith.constant 0 : i32
      %dma_start3A_2233 = arith.constant 0 : i32
      %dma_start3A_2234 = tpu.memref_slice %arg14[%dma_start3A_2231, %dma_start3A_2232, %dma_start3A_2233] : memref<2x128x128xf32, #tpu.memory_space<vmem>> -> memref<1x128x128xf32, #tpu.memory_space<vmem>>
      %dma_start3A_2235 = tpu.memref_squeeze %dma_start3A_2234 : memref<1x128x128xf32, #tpu.memory_space<vmem>> -> memref<128x128xf32, #tpu.memory_space<vmem>>
      %dma_start3A_2236 = arith.constant 256 : i32
      %dma_start3A_2237 = tpu.memref_slice %arg8[%mul3A_2204, %dma_start3A_2236] : memref<3276800x384xf32, #tpu.memory_space<hbm>> -> memref<128x128xf32, #tpu.memory_space<hbm>>
      %dma_start3A_2238 = arith.constant 256 : i32
      %dma_start3A_2239 = tpu.memref_slice %arg8[%mul3A_2204, %dma_start3A_2238] : memref<3276800x384xf32, #tpu.memory_space<hbm>> -> memref<128x128xf32, #tpu.memory_space<hbm>>
      %dma_start3A_2240 = arith.constant 0 : i32
      %dma_start3A_2241 = arith.constant 0 : i32
      %dma_start3A_2242 = tpu.memref_slice %arg14[%dma_start3A_2231, %dma_start3A_2240, %dma_start3A_2241] : memref<2x128x128xf32, #tpu.memory_space<vmem>> -> memref<1x128x128xf32, #tpu.memory_space<vmem>>
      %dma_start3A_2243 = tpu.memref_squeeze %dma_start3A_2242 : memref<1x128x128xf32, #tpu.memory_space<vmem>> -> memref<128x128xf32, #tpu.memory_space<vmem>>
      tpu.enqueue_dma source(%dma_start3A_2243 : memref<128x128xf32, #tpu.memory_space<vmem>>) target(%dma_start3A_2239 : memref<128x128xf32, #tpu.memory_space<hbm>>) target_semaphore(%arg16 : memref<!tpu.dma_semaphore, #tpu.memory_space<semaphore_mem>>)
      %dma_wait3A_2244 = arith.constant 1 : i32
      %dma_wait3A_2245 = arith.constant 0 : i32
      %dma_wait3A_2246 = arith.constant 0 : i32
      %dma_wait3A_2247 = tpu.memref_slice %arg12[%dma_wait3A_2244, %dma_wait3A_2245, %dma_wait3A_2246] : memref<2x128x128xf32, #tpu.memory_space<vmem>> -> memref<1x128x128xf32, #tpu.memory_space<vmem>>
      %dma_wait3A_2248 = tpu.memref_squeeze %dma_wait3A_2247 : memref<1x128x128xf32, #tpu.memory_space<vmem>> -> memref<128x128xf32, #tpu.memory_space<vmem>>
      %dma_wait3A_2249 = arith.constant 0 : i32
      %dma_wait3A_2250 = tpu.memref_slice %arg8[%mul3A_2050, %dma_wait3A_2249] : memref<3276800x384xf32, #tpu.memory_space<hbm>> -> memref<128x128xf32, #tpu.memory_space<hbm>>
      %dma_wait3A_2251 = arith.constant 0 : i32
      %dma_wait3A_2252 = tpu.memref_slice %arg8[%mul3A_2050, %dma_wait3A_2251] : memref<3276800x384xf32, #tpu.memory_space<hbm>> -> memref<128x128xf32, #tpu.memory_space<hbm>>
      %dma_wait3A_2253 = arith.constant 0 : i32
      %dma_wait3A_2254 = arith.constant 0 : i32
      %dma_wait3A_2255 = tpu.memref_slice %arg12[%dma_wait3A_2244, %dma_wait3A_2253, %dma_wait3A_2254] : memref<2x128x128xf32, #tpu.memory_space<vmem>> -> memref<1x128x128xf32, #tpu.memory_space<vmem>>
      %dma_wait3A_2256 = tpu.memref_squeeze %dma_wait3A_2255 : memref<1x128x128xf32, #tpu.memory_space<vmem>> -> memref<128x128xf32, #tpu.memory_space<vmem>>
      tpu.wait_dma2 semaphore(%arg17 : memref<!tpu.dma_semaphore, #tpu.memory_space<semaphore_mem>>) src(%dma_wait3A_2256 : memref<128x128xf32, #tpu.memory_space<vmem>>) dst(%dma_wait3A_2252 : memref<128x128xf32, #tpu.memory_space<hbm>>)
      %dma_wait3A_2257 = arith.constant 1 : i32
      %dma_wait3A_2258 = arith.constant 0 : i32
      %dma_wait3A_2259 = arith.constant 0 : i32
      %dma_wait3A_2260 = tpu.memref_slice %arg13[%dma_wait3A_2257, %dma_wait3A_2258, %dma_wait3A_2259] : memref<2x128x128xf32, #tpu.memory_space<vmem>> -> memref<1x128x128xf32, #tpu.memory_space<vmem>>
      %dma_wait3A_2261 = tpu.memref_squeeze %dma_wait3A_2260 : memref<1x128x128xf32, #tpu.memory_space<vmem>> -> memref<128x128xf32, #tpu.memory_space<vmem>>
      %dma_wait3A_2262 = arith.constant 128 : i32
      %dma_wait3A_2263 = tpu.memref_slice %arg8[%mul3A_2050, %dma_wait3A_2262] : memref<3276800x384xf32, #tpu.memory_space<hbm>> -> memref<128x128xf32, #tpu.memory_space<hbm>>
      %dma_wait3A_2264 = arith.constant 128 : i32
      %dma_wait3A_2265 = tpu.memref_slice %arg8[%mul3A_2050, %dma_wait3A_2264] : memref<3276800x384xf32, #tpu.memory_space<hbm>> -> memref<128x128xf32, #tpu.memory_space<hbm>>
      %dma_wait3A_2266 = arith.constant 0 : i32
      %dma_wait3A_2267 = arith.constant 0 : i32
      %dma_wait3A_2268 = tpu.memref_slice %arg13[%dma_wait3A_2257, %dma_wait3A_2266, %dma_wait3A_2267] : memref<2x128x128xf32, #tpu.memory_space<vmem>> -> memref<1x128x128xf32, #tpu.memory_space<vmem>>
      %dma_wait3A_2269 = tpu.memref_squeeze %dma_wait3A_2268 : memref<1x128x128xf32, #tpu.memory_space<vmem>> -> memref<128x128xf32, #tpu.memory_space<vmem>>
      tpu.wait_dma2 semaphore(%arg17 : memref<!tpu.dma_semaphore, #tpu.memory_space<semaphore_mem>>) src(%dma_wait3A_2269 : memref<128x128xf32, #tpu.memory_space<vmem>>) dst(%dma_wait3A_2265 : memref<128x128xf32, #tpu.memory_space<hbm>>)
      %dma_wait3A_2270 = arith.constant 1 : i32
      %dma_wait3A_2271 = arith.constant 0 : i32
      %dma_wait3A_2272 = arith.constant 0 : i32
      %dma_wait3A_2273 = tpu.memref_slice %arg14[%dma_wait3A_2270, %dma_wait3A_2271, %dma_wait3A_2272] : memref<2x128x128xf32, #tpu.memory_space<vmem>> -> memref<1x128x128xf32, #tpu.memory_space<vmem>>
      %dma_wait3A_2274 = tpu.memref_squeeze %dma_wait3A_2273 : memref<1x128x128xf32, #tpu.memory_space<vmem>> -> memref<128x128xf32, #tpu.memory_space<vmem>>
      %dma_wait3A_2275 = arith.constant 256 : i32
      %dma_wait3A_2276 = tpu.memref_slice %arg8[%mul3A_2050, %dma_wait3A_2275] : memref<3276800x384xf32, #tpu.memory_space<hbm>> -> memref<128x128xf32, #tpu.memory_space<hbm>>
      %dma_wait3A_2277 = arith.constant 256 : i32
      %dma_wait3A_2278 = tpu.memref_slice %arg8[%mul3A_2050, %dma_wait3A_2277] : memref<3276800x384xf32, #tpu.memory_space<hbm>> -> memref<128x128xf32, #tpu.memory_space<hbm>>
      %dma_wait3A_2279 = arith.constant 0 : i32
      %dma_wait3A_2280 = arith.constant 0 : i32
      %dma_wait3A_2281 = tpu.memref_slice %arg14[%dma_wait3A_2270, %dma_wait3A_2279, %dma_wait3A_2280] : memref<2x128x128xf32, #tpu.memory_space<vmem>> -> memref<1x128x128xf32, #tpu.memory_space<vmem>>
      %dma_wait3A_2282 = tpu.memref_squeeze %dma_wait3A_2281 : memref<1x128x128xf32, #tpu.memory_space<vmem>> -> memref<128x128xf32, #tpu.memory_space<vmem>>
      tpu.wait_dma2 semaphore(%arg17 : memref<!tpu.dma_semaphore, #tpu.memory_space<semaphore_mem>>) src(%dma_wait3A_2282 : memref<128x128xf32, #tpu.memory_space<vmem>>) dst(%dma_wait3A_2278 : memref<128x128xf32, #tpu.memory_space<hbm>>)
      %dma_start3A_2283 = arith.constant 15 : i32
      %dma_start3A_2284 = arith.constant 1 : i32
      %dma_start3A_2285 = arith.constant 0 : i32
      %dma_start3A_2286 = arith.constant 0 : i32
      %dma_start3A_2287 = tpu.memref_slice %arg12[%dma_start3A_2284, %dma_start3A_2285, %dma_start3A_2286] : memref<2x128x128xf32, #tpu.memory_space<vmem>> -> memref<1x128x128xf32, #tpu.memory_space<vmem>>
      %dma_start3A_2288 = tpu.memref_squeeze %dma_start3A_2287 : memref<1x128x128xf32, #tpu.memory_space<vmem>> -> memref<128x128xf32, #tpu.memory_space<vmem>>
      %dma_start3A_2289 = arith.constant 0 : i32
      %dma_start3A_2290 = tpu.memref_slice %arg9[%dma_start3A_2283, %dma_start3A_2289] : memref<16x128xi32, #tpu.memory_space<vmem>> -> memref<1x128xi32, #tpu.memory_space<vmem>>
      %dma_start3A_2291 = tpu.memref_squeeze %dma_start3A_2290 : memref<1x128xi32, #tpu.memory_space<vmem>> -> memref<128xi32, #tpu.memory_space<vmem>>
      %dma_start3A_2292 = arith.constant 0 : i32
      %dma_start3A_2293 = arith.constant 0 : i32
      %dma_start3A_2294 = tpu.memref_slice %arg18[%dma_start3A_2292, %dma_start3A_2293] : memref<256x128xf32, #tpu.memory_space<vmem_shared>> -> memref<256x128xf32, #tpu.memory_space<vmem_shared>>
      tpu.enqueue_indirect_dma source(%dma_start3A_2294 : memref<256x128xf32, #tpu.memory_space<vmem_shared>>) target(%dma_start3A_2288 : memref<128x128xf32, #tpu.memory_space<vmem>>) offsets(%dma_start3A_2291 : memref<128xi32, #tpu.memory_space<vmem>>) semaphore(%arg15 : memref<!tpu.dma_semaphore, #tpu.memory_space<semaphore_mem>>)
      %dma_start3A_2295 = arith.constant 15 : i32
      %dma_start3A_2296 = arith.constant 1 : i32
      %dma_start3A_2297 = arith.constant 0 : i32
      %dma_start3A_2298 = arith.constant 0 : i32
      %dma_start3A_2299 = tpu.memref_slice %arg13[%dma_start3A_2296, %dma_start3A_2297, %dma_start3A_2298] : memref<2x128x128xf32, #tpu.memory_space<vmem>> -> memref<1x128x128xf32, #tpu.memory_space<vmem>>
      %dma_start3A_2300 = tpu.memref_squeeze %dma_start3A_2299 : memref<1x128x128xf32, #tpu.memory_space<vmem>> -> memref<128x128xf32, #tpu.memory_space<vmem>>
      %dma_start3A_2301 = arith.constant 0 : i32
      %dma_start3A_2302 = tpu.memref_slice %arg10[%dma_start3A_2295, %dma_start3A_2301] : memref<16x128xi32, #tpu.memory_space<vmem>> -> memref<1x128xi32, #tpu.memory_space<vmem>>
      %dma_start3A_2303 = tpu.memref_squeeze %dma_start3A_2302 : memref<1x128xi32, #tpu.memory_space<vmem>> -> memref<128xi32, #tpu.memory_space<vmem>>
      %dma_start3A_2304 = arith.constant 0 : i32
      %dma_start3A_2305 = arith.constant 0 : i32
      %dma_start3A_2306 = tpu.memref_slice %arg19[%dma_start3A_2304, %dma_start3A_2305] : memref<212x128xf32, #tpu.memory_space<vmem_shared>> -> memref<212x128xf32, #tpu.memory_space<vmem_shared>>
      tpu.enqueue_indirect_dma source(%dma_start3A_2306 : memref<212x128xf32, #tpu.memory_space<vmem_shared>>) target(%dma_start3A_2300 : memref<128x128xf32, #tpu.memory_space<vmem>>) offsets(%dma_start3A_2303 : memref<128xi32, #tpu.memory_space<vmem>>) semaphore(%arg15 : memref<!tpu.dma_semaphore, #tpu.memory_space<semaphore_mem>>)
      %dma_start3A_2307 = arith.constant 15 : i32
      %dma_start3A_2308 = arith.constant 1 : i32
      %dma_start3A_2309 = arith.constant 0 : i32
      %dma_start3A_2310 = arith.constant 0 : i32
      %dma_start3A_2311 = tpu.memref_slice %arg14[%dma_start3A_2308, %dma_start3A_2309, %dma_start3A_2310] : memref<2x128x128xf32, #tpu.memory_space<vmem>> -> memref<1x128x128xf32, #tpu.memory_space<vmem>>
      %dma_start3A_2312 = tpu.memref_squeeze %dma_start3A_2311 : memref<1x128x128xf32, #tpu.memory_space<vmem>> -> memref<128x128xf32, #tpu.memory_space<vmem>>
      %dma_start3A_2313 = arith.constant 0 : i32
      %dma_start3A_2314 = tpu.memref_slice %arg11[%dma_start3A_2307, %dma_start3A_2313] : memref<16x128xi32, #tpu.memory_space<vmem>> -> memref<1x128xi32, #tpu.memory_space<vmem>>
      %dma_start3A_2315 = tpu.memref_squeeze %dma_start3A_2314 : memref<1x128xi32, #tpu.memory_space<vmem>> -> memref<128xi32, #tpu.memory_space<vmem>>
      %dma_start3A_2316 = arith.constant 0 : i32
      %dma_start3A_2317 = arith.constant 0 : i32
      %dma_start3A_2318 = tpu.memref_slice %arg20[%dma_start3A_2316, %dma_start3A_2317] : memref<133x128xf32, #tpu.memory_space<vmem_shared>> -> memref<133x128xf32, #tpu.memory_space<vmem_shared>>
      tpu.enqueue_indirect_dma source(%dma_start3A_2318 : memref<133x128xf32, #tpu.memory_space<vmem_shared>>) target(%dma_start3A_2312 : memref<128x128xf32, #tpu.memory_space<vmem>>) offsets(%dma_start3A_2315 : memref<128xi32, #tpu.memory_space<vmem>>) semaphore(%arg15 : memref<!tpu.dma_semaphore, #tpu.memory_space<semaphore_mem>>)
      %dma_wait3A_2319 = arith.constant 15 : i32
      %dma_wait3A_2320 = arith.constant 1 : i32
      %dma_wait3A_2321 = arith.constant 0 : i32
      %dma_wait3A_2322 = arith.constant 0 : i32
      %dma_wait3A_2323 = tpu.memref_slice %arg12[%dma_wait3A_2320, %dma_wait3A_2321, %dma_wait3A_2322] : memref<2x128x128xf32, #tpu.memory_space<vmem>> -> memref<1x128x128xf32, #tpu.memory_space<vmem>>
      %dma_wait3A_2324 = tpu.memref_squeeze %dma_wait3A_2323 : memref<1x128x128xf32, #tpu.memory_space<vmem>> -> memref<128x128xf32, #tpu.memory_space<vmem>>
      %dma_wait3A_2325 = arith.constant 0 : i32
      %dma_wait3A_2326 = tpu.memref_slice %arg9[%dma_wait3A_2319, %dma_wait3A_2325] : memref<16x128xi32, #tpu.memory_space<vmem>> -> memref<1x128xi32, #tpu.memory_space<vmem>>
      %dma_wait3A_2327 = tpu.memref_squeeze %dma_wait3A_2326 : memref<1x128xi32, #tpu.memory_space<vmem>> -> memref<128xi32, #tpu.memory_space<vmem>>
      %dma_wait3A_2328 = arith.constant 0 : i32
      %dma_wait3A_2329 = arith.constant 0 : i32
      %dma_wait3A_2330 = tpu.memref_slice %arg18[%dma_wait3A_2328, %dma_wait3A_2329] : memref<256x128xf32, #tpu.memory_space<vmem_shared>> -> memref<256x128xf32, #tpu.memory_space<vmem_shared>>
      tpu.wait_indirect_dma semaphore(%arg15 : memref<!tpu.dma_semaphore, #tpu.memory_space<semaphore_mem>>) src(%dma_wait3A_2330 : memref<256x128xf32, #tpu.memory_space<vmem_shared>>) dst(%dma_wait3A_2324 : memref<128x128xf32, #tpu.memory_space<vmem>>)
      %dma_wait3A_2331 = arith.constant 15 : i32
      %dma_wait3A_2332 = arith.constant 1 : i32
      %dma_wait3A_2333 = arith.constant 0 : i32
      %dma_wait3A_2334 = arith.constant 0 : i32
      %dma_wait3A_2335 = tpu.memref_slice %arg13[%dma_wait3A_2332, %dma_wait3A_2333, %dma_wait3A_2334] : memref<2x128x128xf32, #tpu.memory_space<vmem>> -> memref<1x128x128xf32, #tpu.memory_space<vmem>>
      %dma_wait3A_2336 = tpu.memref_squeeze %dma_wait3A_2335 : memref<1x128x128xf32, #tpu.memory_space<vmem>> -> memref<128x128xf32, #tpu.memory_space<vmem>>
      %dma_wait3A_2337 = arith.constant 0 : i32
      %dma_wait3A_2338 = tpu.memref_slice %arg10[%dma_wait3A_2331, %dma_wait3A_2337] : memref<16x128xi32, #tpu.memory_space<vmem>> -> memref<1x128xi32, #tpu.memory_space<vmem>>
      %dma_wait3A_2339 = tpu.memref_squeeze %dma_wait3A_2338 : memref<1x128xi32, #tpu.memory_space<vmem>> -> memref<128xi32, #tpu.memory_space<vmem>>
      %dma_wait3A_2340 = arith.constant 0 : i32
      %dma_wait3A_2341 = arith.constant 0 : i32
      %dma_wait3A_2342 = tpu.memref_slice %arg19[%dma_wait3A_2340, %dma_wait3A_2341] : memref<212x128xf32, #tpu.memory_space<vmem_shared>> -> memref<212x128xf32, #tpu.memory_space<vmem_shared>>
      tpu.wait_indirect_dma semaphore(%arg15 : memref<!tpu.dma_semaphore, #tpu.memory_space<semaphore_mem>>) src(%dma_wait3A_2342 : memref<212x128xf32, #tpu.memory_space<vmem_shared>>) dst(%dma_wait3A_2336 : memref<128x128xf32, #tpu.memory_space<vmem>>)
      %dma_wait3A_2343 = arith.constant 15 : i32
      %dma_wait3A_2344 = arith.constant 1 : i32
      %dma_wait3A_2345 = arith.constant 0 : i32
      %dma_wait3A_2346 = arith.constant 0 : i32
      %dma_wait3A_2347 = tpu.memref_slice %arg14[%dma_wait3A_2344, %dma_wait3A_2345, %dma_wait3A_2346] : memref<2x128x128xf32, #tpu.memory_space<vmem>> -> memref<1x128x128xf32, #tpu.memory_space<vmem>>
      %dma_wait3A_2348 = tpu.memref_squeeze %dma_wait3A_2347 : memref<1x128x128xf32, #tpu.memory_space<vmem>> -> memref<128x128xf32, #tpu.memory_space<vmem>>
      %dma_wait3A_2349 = arith.constant 0 : i32
      %dma_wait3A_2350 = tpu.memref_slice %arg11[%dma_wait3A_2343, %dma_wait3A_2349] : memref<16x128xi32, #tpu.memory_space<vmem>> -> memref<1x128xi32, #tpu.memory_space<vmem>>
      %dma_wait3A_2351 = tpu.memref_squeeze %dma_wait3A_2350 : memref<1x128xi32, #tpu.memory_space<vmem>> -> memref<128xi32, #tpu.memory_space<vmem>>
      %dma_wait3A_2352 = arith.constant 0 : i32
      %dma_wait3A_2353 = arith.constant 0 : i32
      %dma_wait3A_2354 = tpu.memref_slice %arg20[%dma_wait3A_2352, %dma_wait3A_2353] : memref<133x128xf32, #tpu.memory_space<vmem_shared>> -> memref<133x128xf32, #tpu.memory_space<vmem_shared>>
      tpu.wait_indirect_dma semaphore(%arg15 : memref<!tpu.dma_semaphore, #tpu.memory_space<semaphore_mem>>) src(%dma_wait3A_2354 : memref<133x128xf32, #tpu.memory_space<vmem_shared>>) dst(%dma_wait3A_2348 : memref<128x128xf32, #tpu.memory_space<vmem>>)
      %add3A_2355 = arith.constant 15 : i32
      %add3A_2356 = arith.addi %add3A_13, %add3A_2355 : i32
      %mul3A_2357 = arith.constant 128 : i32
      %mul3A_2358 = arith.muli %add3A_2356, %mul3A_2357 : i32
      %dma_start3A_2359 = arith.constant 1 : i32
      %dma_start3A_2360 = arith.constant 0 : i32
      %dma_start3A_2361 = arith.constant 0 : i32
      %dma_start3A_2362 = tpu.memref_slice %arg12[%dma_start3A_2359, %dma_start3A_2360, %dma_start3A_2361] : memref<2x128x128xf32, #tpu.memory_space<vmem>> -> memref<1x128x128xf32, #tpu.memory_space<vmem>>
      %dma_start3A_2363 = tpu.memref_squeeze %dma_start3A_2362 : memref<1x128x128xf32, #tpu.memory_space<vmem>> -> memref<128x128xf32, #tpu.memory_space<vmem>>
      %dma_start3A_2364 = arith.constant 0 : i32
      %dma_start3A_2365 = tpu.memref_slice %arg8[%mul3A_2358, %dma_start3A_2364] : memref<3276800x384xf32, #tpu.memory_space<hbm>> -> memref<128x128xf32, #tpu.memory_space<hbm>>
      %dma_start3A_2366 = arith.constant 0 : i32
      %dma_start3A_2367 = tpu.memref_slice %arg8[%mul3A_2358, %dma_start3A_2366] : memref<3276800x384xf32, #tpu.memory_space<hbm>> -> memref<128x128xf32, #tpu.memory_space<hbm>>
      %dma_start3A_2368 = arith.constant 0 : i32
      %dma_start3A_2369 = arith.constant 0 : i32
      %dma_start3A_2370 = tpu.memref_slice %arg12[%dma_start3A_2359, %dma_start3A_2368, %dma_start3A_2369] : memref<2x128x128xf32, #tpu.memory_space<vmem>> -> memref<1x128x128xf32, #tpu.memory_space<vmem>>
      %dma_start3A_2371 = tpu.memref_squeeze %dma_start3A_2370 : memref<1x128x128xf32, #tpu.memory_space<vmem>> -> memref<128x128xf32, #tpu.memory_space<vmem>>
      tpu.enqueue_dma source(%dma_start3A_2371 : memref<128x128xf32, #tpu.memory_space<vmem>>) target(%dma_start3A_2367 : memref<128x128xf32, #tpu.memory_space<hbm>>) target_semaphore(%arg17 : memref<!tpu.dma_semaphore, #tpu.memory_space<semaphore_mem>>)
      %dma_start3A_2372 = arith.constant 1 : i32
      %dma_start3A_2373 = arith.constant 0 : i32
      %dma_start3A_2374 = arith.constant 0 : i32
      %dma_start3A_2375 = tpu.memref_slice %arg13[%dma_start3A_2372, %dma_start3A_2373, %dma_start3A_2374] : memref<2x128x128xf32, #tpu.memory_space<vmem>> -> memref<1x128x128xf32, #tpu.memory_space<vmem>>
      %dma_start3A_2376 = tpu.memref_squeeze %dma_start3A_2375 : memref<1x128x128xf32, #tpu.memory_space<vmem>> -> memref<128x128xf32, #tpu.memory_space<vmem>>
      %dma_start3A_2377 = arith.constant 128 : i32
      %dma_start3A_2378 = tpu.memref_slice %arg8[%mul3A_2358, %dma_start3A_2377] : memref<3276800x384xf32, #tpu.memory_space<hbm>> -> memref<128x128xf32, #tpu.memory_space<hbm>>
      %dma_start3A_2379 = arith.constant 128 : i32
      %dma_start3A_2380 = tpu.memref_slice %arg8[%mul3A_2358, %dma_start3A_2379] : memref<3276800x384xf32, #tpu.memory_space<hbm>> -> memref<128x128xf32, #tpu.memory_space<hbm>>
      %dma_start3A_2381 = arith.constant 0 : i32
      %dma_start3A_2382 = arith.constant 0 : i32
      %dma_start3A_2383 = tpu.memref_slice %arg13[%dma_start3A_2372, %dma_start3A_2381, %dma_start3A_2382] : memref<2x128x128xf32, #tpu.memory_space<vmem>> -> memref<1x128x128xf32, #tpu.memory_space<vmem>>
      %dma_start3A_2384 = tpu.memref_squeeze %dma_start3A_2383 : memref<1x128x128xf32, #tpu.memory_space<vmem>> -> memref<128x128xf32, #tpu.memory_space<vmem>>
      tpu.enqueue_dma source(%dma_start3A_2384 : memref<128x128xf32, #tpu.memory_space<vmem>>) target(%dma_start3A_2380 : memref<128x128xf32, #tpu.memory_space<hbm>>) target_semaphore(%arg17 : memref<!tpu.dma_semaphore, #tpu.memory_space<semaphore_mem>>)
      %dma_start3A_2385 = arith.constant 1 : i32
      %dma_start3A_2386 = arith.constant 0 : i32
      %dma_start3A_2387 = arith.constant 0 : i32
      %dma_start3A_2388 = tpu.memref_slice %arg14[%dma_start3A_2385, %dma_start3A_2386, %dma_start3A_2387] : memref<2x128x128xf32, #tpu.memory_space<vmem>> -> memref<1x128x128xf32, #tpu.memory_space<vmem>>
      %dma_start3A_2389 = tpu.memref_squeeze %dma_start3A_2388 : memref<1x128x128xf32, #tpu.memory_space<vmem>> -> memref<128x128xf32, #tpu.memory_space<vmem>>
      %dma_start3A_2390 = arith.constant 256 : i32
      %dma_start3A_2391 = tpu.memref_slice %arg8[%mul3A_2358, %dma_start3A_2390] : memref<3276800x384xf32, #tpu.memory_space<hbm>> -> memref<128x128xf32, #tpu.memory_space<hbm>>
      %dma_start3A_2392 = arith.constant 256 : i32
      %dma_start3A_2393 = tpu.memref_slice %arg8[%mul3A_2358, %dma_start3A_2392] : memref<3276800x384xf32, #tpu.memory_space<hbm>> -> memref<128x128xf32, #tpu.memory_space<hbm>>
      %dma_start3A_2394 = arith.constant 0 : i32
      %dma_start3A_2395 = arith.constant 0 : i32
      %dma_start3A_2396 = tpu.memref_slice %arg14[%dma_start3A_2385, %dma_start3A_2394, %dma_start3A_2395] : memref<2x128x128xf32, #tpu.memory_space<vmem>> -> memref<1x128x128xf32, #tpu.memory_space<vmem>>
      %dma_start3A_2397 = tpu.memref_squeeze %dma_start3A_2396 : memref<1x128x128xf32, #tpu.memory_space<vmem>> -> memref<128x128xf32, #tpu.memory_space<vmem>>
      tpu.enqueue_dma source(%dma_start3A_2397 : memref<128x128xf32, #tpu.memory_space<vmem>>) target(%dma_start3A_2393 : memref<128x128xf32, #tpu.memory_space<hbm>>) target_semaphore(%arg17 : memref<!tpu.dma_semaphore, #tpu.memory_space<semaphore_mem>>)
      %dma_wait3A_2398 = arith.constant 0 : i32
      %dma_wait3A_2399 = arith.constant 0 : i32
      %dma_wait3A_2400 = arith.constant 0 : i32
      %dma_wait3A_2401 = tpu.memref_slice %arg12[%dma_wait3A_2398, %dma_wait3A_2399, %dma_wait3A_2400] : memref<2x128x128xf32, #tpu.memory_space<vmem>> -> memref<1x128x128xf32, #tpu.memory_space<vmem>>
      %dma_wait3A_2402 = tpu.memref_squeeze %dma_wait3A_2401 : memref<1x128x128xf32, #tpu.memory_space<vmem>> -> memref<128x128xf32, #tpu.memory_space<vmem>>
      %dma_wait3A_2403 = arith.constant 0 : i32
      %dma_wait3A_2404 = tpu.memref_slice %arg8[%mul3A_2204, %dma_wait3A_2403] : memref<3276800x384xf32, #tpu.memory_space<hbm>> -> memref<128x128xf32, #tpu.memory_space<hbm>>
      %dma_wait3A_2405 = arith.constant 0 : i32
      %dma_wait3A_2406 = tpu.memref_slice %arg8[%mul3A_2204, %dma_wait3A_2405] : memref<3276800x384xf32, #tpu.memory_space<hbm>> -> memref<128x128xf32, #tpu.memory_space<hbm>>
      %dma_wait3A_2407 = arith.constant 0 : i32
      %dma_wait3A_2408 = arith.constant 0 : i32
      %dma_wait3A_2409 = tpu.memref_slice %arg12[%dma_wait3A_2398, %dma_wait3A_2407, %dma_wait3A_2408] : memref<2x128x128xf32, #tpu.memory_space<vmem>> -> memref<1x128x128xf32, #tpu.memory_space<vmem>>
      %dma_wait3A_2410 = tpu.memref_squeeze %dma_wait3A_2409 : memref<1x128x128xf32, #tpu.memory_space<vmem>> -> memref<128x128xf32, #tpu.memory_space<vmem>>
      tpu.wait_dma2 semaphore(%arg16 : memref<!tpu.dma_semaphore, #tpu.memory_space<semaphore_mem>>) src(%dma_wait3A_2410 : memref<128x128xf32, #tpu.memory_space<vmem>>) dst(%dma_wait3A_2406 : memref<128x128xf32, #tpu.memory_space<hbm>>)
      %dma_wait3A_2411 = arith.constant 0 : i32
      %dma_wait3A_2412 = arith.constant 0 : i32
      %dma_wait3A_2413 = arith.constant 0 : i32
      %dma_wait3A_2414 = tpu.memref_slice %arg13[%dma_wait3A_2411, %dma_wait3A_2412, %dma_wait3A_2413] : memref<2x128x128xf32, #tpu.memory_space<vmem>> -> memref<1x128x128xf32, #tpu.memory_space<vmem>>
      %dma_wait3A_2415 = tpu.memref_squeeze %dma_wait3A_2414 : memref<1x128x128xf32, #tpu.memory_space<vmem>> -> memref<128x128xf32, #tpu.memory_space<vmem>>
      %dma_wait3A_2416 = arith.constant 128 : i32
      %dma_wait3A_2417 = tpu.memref_slice %arg8[%mul3A_2204, %dma_wait3A_2416] : memref<3276800x384xf32, #tpu.memory_space<hbm>> -> memref<128x128xf32, #tpu.memory_space<hbm>>
      %dma_wait3A_2418 = arith.constant 128 : i32
      %dma_wait3A_2419 = tpu.memref_slice %arg8[%mul3A_2204, %dma_wait3A_2418] : memref<3276800x384xf32, #tpu.memory_space<hbm>> -> memref<128x128xf32, #tpu.memory_space<hbm>>
      %dma_wait3A_2420 = arith.constant 0 : i32
      %dma_wait3A_2421 = arith.constant 0 : i32
      %dma_wait3A_2422 = tpu.memref_slice %arg13[%dma_wait3A_2411, %dma_wait3A_2420, %dma_wait3A_2421] : memref<2x128x128xf32, #tpu.memory_space<vmem>> -> memref<1x128x128xf32, #tpu.memory_space<vmem>>
      %dma_wait3A_2423 = tpu.memref_squeeze %dma_wait3A_2422 : memref<1x128x128xf32, #tpu.memory_space<vmem>> -> memref<128x128xf32, #tpu.memory_space<vmem>>
      tpu.wait_dma2 semaphore(%arg16 : memref<!tpu.dma_semaphore, #tpu.memory_space<semaphore_mem>>) src(%dma_wait3A_2423 : memref<128x128xf32, #tpu.memory_space<vmem>>) dst(%dma_wait3A_2419 : memref<128x128xf32, #tpu.memory_space<hbm>>)
      %dma_wait3A_2424 = arith.constant 0 : i32
      %dma_wait3A_2425 = arith.constant 0 : i32
      %dma_wait3A_2426 = arith.constant 0 : i32
      %dma_wait3A_2427 = tpu.memref_slice %arg14[%dma_wait3A_2424, %dma_wait3A_2425, %dma_wait3A_2426] : memref<2x128x128xf32, #tpu.memory_space<vmem>> -> memref<1x128x128xf32, #tpu.memory_space<vmem>>
      %dma_wait3A_2428 = tpu.memref_squeeze %dma_wait3A_2427 : memref<1x128x128xf32, #tpu.memory_space<vmem>> -> memref<128x128xf32, #tpu.memory_space<vmem>>
      %dma_wait3A_2429 = arith.constant 256 : i32
      %dma_wait3A_2430 = tpu.memref_slice %arg8[%mul3A_2204, %dma_wait3A_2429] : memref<3276800x384xf32, #tpu.memory_space<hbm>> -> memref<128x128xf32, #tpu.memory_space<hbm>>
      %dma_wait3A_2431 = arith.constant 256 : i32
      %dma_wait3A_2432 = tpu.memref_slice %arg8[%mul3A_2204, %dma_wait3A_2431] : memref<3276800x384xf32, #tpu.memory_space<hbm>> -> memref<128x128xf32, #tpu.memory_space<hbm>>
      %dma_wait3A_2433 = arith.constant 0 : i32
      %dma_wait3A_2434 = arith.constant 0 : i32
      %dma_wait3A_2435 = tpu.memref_slice %arg14[%dma_wait3A_2424, %dma_wait3A_2433, %dma_wait3A_2434] : memref<2x128x128xf32, #tpu.memory_space<vmem>> -> memref<1x128x128xf32, #tpu.memory_space<vmem>>
      %dma_wait3A_2436 = tpu.memref_squeeze %dma_wait3A_2435 : memref<1x128x128xf32, #tpu.memory_space<vmem>> -> memref<128x128xf32, #tpu.memory_space<vmem>>
      tpu.wait_dma2 semaphore(%arg16 : memref<!tpu.dma_semaphore, #tpu.memory_space<semaphore_mem>>) src(%dma_wait3A_2436 : memref<128x128xf32, #tpu.memory_space<vmem>>) dst(%dma_wait3A_2432 : memref<128x128xf32, #tpu.memory_space<hbm>>)
      %dma_wait3A_2437 = arith.constant 1 : i32
      %dma_wait3A_2438 = arith.constant 0 : i32
      %dma_wait3A_2439 = arith.constant 0 : i32
      %dma_wait3A_2440 = tpu.memref_slice %arg12[%dma_wait3A_2437, %dma_wait3A_2438, %dma_wait3A_2439] : memref<2x128x128xf32, #tpu.memory_space<vmem>> -> memref<1x128x128xf32, #tpu.memory_space<vmem>>
      %dma_wait3A_2441 = tpu.memref_squeeze %dma_wait3A_2440 : memref<1x128x128xf32, #tpu.memory_space<vmem>> -> memref<128x128xf32, #tpu.memory_space<vmem>>
      %dma_wait3A_2442 = arith.constant 0 : i32
      %dma_wait3A_2443 = tpu.memref_slice %arg8[%mul3A_2358, %dma_wait3A_2442] : memref<3276800x384xf32, #tpu.memory_space<hbm>> -> memref<128x128xf32, #tpu.memory_space<hbm>>
      %dma_wait3A_2444 = arith.constant 0 : i32
      %dma_wait3A_2445 = tpu.memref_slice %arg8[%mul3A_2358, %dma_wait3A_2444] : memref<3276800x384xf32, #tpu.memory_space<hbm>> -> memref<128x128xf32, #tpu.memory_space<hbm>>
      %dma_wait3A_2446 = arith.constant 0 : i32
      %dma_wait3A_2447 = arith.constant 0 : i32
      %dma_wait3A_2448 = tpu.memref_slice %arg12[%dma_wait3A_2437, %dma_wait3A_2446, %dma_wait3A_2447] : memref<2x128x128xf32, #tpu.memory_space<vmem>> -> memref<1x128x128xf32, #tpu.memory_space<vmem>>
      %dma_wait3A_2449 = tpu.memref_squeeze %dma_wait3A_2448 : memref<1x128x128xf32, #tpu.memory_space<vmem>> -> memref<128x128xf32, #tpu.memory_space<vmem>>
      tpu.wait_dma2 semaphore(%arg17 : memref<!tpu.dma_semaphore, #tpu.memory_space<semaphore_mem>>) src(%dma_wait3A_2449 : memref<128x128xf32, #tpu.memory_space<vmem>>) dst(%dma_wait3A_2445 : memref<128x128xf32, #tpu.memory_space<hbm>>)
      %dma_wait3A_2450 = arith.constant 1 : i32
      %dma_wait3A_2451 = arith.constant 0 : i32
      %dma_wait3A_2452 = arith.constant 0 : i32
      %dma_wait3A_2453 = tpu.memref_slice %arg13[%dma_wait3A_2450, %dma_wait3A_2451, %dma_wait3A_2452] : memref<2x128x128xf32, #tpu.memory_space<vmem>> -> memref<1x128x128xf32, #tpu.memory_space<vmem>>
      %dma_wait3A_2454 = tpu.memref_squeeze %dma_wait3A_2453 : memref<1x128x128xf32, #tpu.memory_space<vmem>> -> memref<128x128xf32, #tpu.memory_space<vmem>>
      %dma_wait3A_2455 = arith.constant 128 : i32
      %dma_wait3A_2456 = tpu.memref_slice %arg8[%mul3A_2358, %dma_wait3A_2455] : memref<3276800x384xf32, #tpu.memory_space<hbm>> -> memref<128x128xf32, #tpu.memory_space<hbm>>
      %dma_wait3A_2457 = arith.constant 128 : i32
      %dma_wait3A_2458 = tpu.memref_slice %arg8[%mul3A_2358, %dma_wait3A_2457] : memref<3276800x384xf32, #tpu.memory_space<hbm>> -> memref<128x128xf32, #tpu.memory_space<hbm>>
      %dma_wait3A_2459 = arith.constant 0 : i32
      %dma_wait3A_2460 = arith.constant 0 : i32
      %dma_wait3A_2461 = tpu.memref_slice %arg13[%dma_wait3A_2450, %dma_wait3A_2459, %dma_wait3A_2460] : memref<2x128x128xf32, #tpu.memory_space<vmem>> -> memref<1x128x128xf32, #tpu.memory_space<vmem>>
      %dma_wait3A_2462 = tpu.memref_squeeze %dma_wait3A_2461 : memref<1x128x128xf32, #tpu.memory_space<vmem>> -> memref<128x128xf32, #tpu.memory_space<vmem>>
      tpu.wait_dma2 semaphore(%arg17 : memref<!tpu.dma_semaphore, #tpu.memory_space<semaphore_mem>>) src(%dma_wait3A_2462 : memref<128x128xf32, #tpu.memory_space<vmem>>) dst(%dma_wait3A_2458 : memref<128x128xf32, #tpu.memory_space<hbm>>)
      %dma_wait3A_2463 = arith.constant 1 : i32
      %dma_wait3A_2464 = arith.constant 0 : i32
      %dma_wait3A_2465 = arith.constant 0 : i32
      %dma_wait3A_2466 = tpu.memref_slice %arg14[%dma_wait3A_2463, %dma_wait3A_2464, %dma_wait3A_2465] : memref<2x128x128xf32, #tpu.memory_space<vmem>> -> memref<1x128x128xf32, #tpu.memory_space<vmem>>
      %dma_wait3A_2467 = tpu.memref_squeeze %dma_wait3A_2466 : memref<1x128x128xf32, #tpu.memory_space<vmem>> -> memref<128x128xf32, #tpu.memory_space<vmem>>
      %dma_wait3A_2468 = arith.constant 256 : i32
      %dma_wait3A_2469 = tpu.memref_slice %arg8[%mul3A_2358, %dma_wait3A_2468] : memref<3276800x384xf32, #tpu.memory_space<hbm>> -> memref<128x128xf32, #tpu.memory_space<hbm>>
      %dma_wait3A_2470 = arith.constant 256 : i32
      %dma_wait3A_2471 = tpu.memref_slice %arg8[%mul3A_2358, %dma_wait3A_2470] : memref<3276800x384xf32, #tpu.memory_space<hbm>> -> memref<128x128xf32, #tpu.memory_space<hbm>>
      %dma_wait3A_2472 = arith.constant 0 : i32
      %dma_wait3A_2473 = arith.constant 0 : i32
      %dma_wait3A_2474 = tpu.memref_slice %arg14[%dma_wait3A_2463, %dma_wait3A_2472, %dma_wait3A_2473] : memref<2x128x128xf32, #tpu.memory_space<vmem>> -> memref<1x128x128xf32, #tpu.memory_space<vmem>>
      %dma_wait3A_2475 = tpu.memref_squeeze %dma_wait3A_2474 : memref<1x128x128xf32, #tpu.memory_space<vmem>> -> memref<128x128xf32, #tpu.memory_space<vmem>>
      tpu.wait_dma2 semaphore(%arg17 : memref<!tpu.dma_semaphore, #tpu.memory_space<semaphore_mem>>) src(%dma_wait3A_2475 : memref<128x128xf32, #tpu.memory_space<vmem>>) dst(%dma_wait3A_2471 : memref<128x128xf32, #tpu.memory_space<hbm>>)
    }
    %scan3A_9 = arith.constant 50 : i32
    return
  }
}

</mosaic_0001>

<sc_bundles>
// kernel: kernel.3.cloned.1.call-start
scs
__scs_entry_jumppad:
0x0: {  	(pc) =	sbr.rel $0x88, $3  }
0x1: {  	(tag) =	ssettag $0x0;
	lr =	simm.s32 $0x1  }
0x2: {  	[smem:$0x3F9B] =	sst lr;
	_ =	strace $0xD0000000  }
0x3: {  	_ = 	snop  }
0x4: {  	_ = 	snop  }
0x5: {  	_ = 	snop  }
0x6: {  	_ = 	snop  }
0x7: {  	_ = 	snop  }
__scs_overlays_trampoline_lowered:
0x8: {  	[smem:$0x3FAA] =	sst s0  }
0x9: {  	[smem:$0x3FAB] =	sst s1  }
0xa: {  	[smem:$0x3FAC] =	sst s2  }
0xb: {  	[smem:$0x3FAD] =	sst s3  }
0xc: {  	[smem:$0x3FAE] =	sst s4  }
0xd: {  	[smem:$0x3FAF] =	sst s5  }
0xe: {  	[smem:$0x3FB0] =	sst s6  }
0xf: {  	[smem:$0x3FB1] =	sst s7  }
0x10: {  	[smem:$0x3FB2] =	sst s8  }
0x11: {  	[smem:$0x3FB3] =	sst s9;
	s0 =	simm.s32 @!p0 $0x0  }
0x12: {  	s1 =	sld [smem:$0x3F99];
	s0 =	simm.s32 @p0 $0x1  }
0x13: {  	[smem:$0x3FB4] =	sst s0;
	s0 =	simm.s32 @!p1 $0x0  }
0x14: {  	s2 =	sld [smem:$0x3F98];
	s0 =	simm.s32 @p1 $0x1  }
0x15: {  	[smem:$0x3FB5] =	sst s0;
	s0 =	simm.s32 @!p2 $0x0  }
0x16: {  	s3 =	sld [smem:$0x3FDB];
	s0 =	simm.s32 @p2 $0x1  }
0x17: {  	s4 =	simm.s32 $0x1BF5;
	[smem:$0x3FB7] =	sst s0  }
0x18: {  	s0 =	sld [smem:$0x3F9A];
	_ =	swait.ge [sflag:s4], $0x0  }
0x19: {  	s7 =	sld [smem:$0x3F9B]  }
0x1a: {  	s8 =	sadd.s32 $0xFFFFE003, lr  }
0x1b: {  	s9 =	sadd.s32 $0xFFFFFEF7, lr;
	s5 =	simm.s32 $0xFFFFFFFF;
	p2 =	slt.u32 s8, $0xFFFFF086  }
0x1c: {  	p1 =	slt.u32 s9, $0xF7A;
	s5 =	simm.s32 @!p2 $0x0  }
0x1d: {  	s5 =	simm.s32 @p1 $0x1;
	p0 =	seq.s32 s7, s2  }
0x1e: {  	s7 =	smul.u32 @!p0 $0xF7A, s2;
	p2 =	seq.s32 @!p0 s5, $0x0  }
0x1f: {  	s9 =	smul.u32 $0xF7A, s1;
	s8 =	simm.s32 @!p0 $0x1BF5;
	p2 =	por !p2, p0  }
0x20: {  	[sflag:s8] =	ssyncset.s32 @!p0 $0xFFFFF086;
	s6 =	sadd.s32 @!p0 s3, s7;
	s7 =	simm.s32 @!p0 $0x108  }
0x21: {  	s3 =	sadd.s32 s3, s9;
	s6 =	sadd.s32 @!p0 $0x88, s6;
	s7 =	simm.s32 @p2 $0x1082  }
0x22: {  	[simem:s7], [sflag:s8] =	dma.local @!p0 [hbm:s6], $0xF7A  }
0x23: {  	s9 =	sor.u32 $0xD0000000, s2;
	s6 =	simm.s32 $0x108;
	_ =	swait.ge @!p0 [sflag:s8], $0x0  }
0x24: {  	s3 =	sadd.s32 $0x88, s3;
	s6 =	simm.s32 @!p1 $0x1082;
	[sflag:s4] =	ssyncset.s32 $0xFFFFF086  }
0x25: {  	[simem:s6], [sflag:s4] =	dma.local [hbm:s3], $0xF7A  }
0x26: {  	[smem:$0x3F9B] =	sst s1;
	(tag) =	ssettag s2;
	_ =	strace s9  }
0x27: {  	s1 =	sld [smem:$0x3FAB]  }
0x28: {  	s2 =	sld [smem:$0x3FAC]  }
0x29: {  	s4 =	sld [smem:$0x3FAE]  }
0x2a: {  	p0 =	seq.s32 s5, $0x0;
	s5 =	sld [smem:$0x3FAF]  }
0x2b: {  	s6 =	sld [smem:$0x3FB0]  }
0x2c: {  	s7 =	sld [smem:$0x3FB1]  }
0x2d: {  	s3 =	simm.s32 $0x108;
	s8 =	sld [smem:$0x3FB2]  }
0x2e: {  	s3 =	simm.s32 @!p0 $0x1082;
	s9 =	sld [smem:$0x3FB3]  }
0x2f: {  	lr =	sadd.s32 s0, s3;
	s0 =	sld [smem:$0x3FAA]  }
0x30: {  	s3 =	sld [smem:$0x3FAD]  }
0x31: {  	[smem:$0x3FB6] =	sst s10  }
0x32: {  	s10 =	sld [smem:$0x3FB4];
	_ =	sdelay $0x3  }
0x33: {  	p0 =	seq.s32 s10, $0x1;
	s10 =	sld [smem:$0x3FB6];
	_ =	sdelay $0x3  }
0x34: {  	[smem:$0x3FB6] =	sst s10  }
0x35: {  	s10 =	sld [smem:$0x3FB5];
	_ =	sdelay $0x3  }
0x36: {  	p1 =	seq.s32 s10, $0x1;
	s10 =	sld [smem:$0x3FB6];
	_ =	sdelay $0x3  }
0x37: {  	[smem:$0x3FB6] =	sst s10  }
0x38: {  	s10 =	sld [smem:$0x3FB7]  }
0x39: {  	_ = 	snop;
	(pc) =	sbr.ind lr, $3  }
0x3a: {  	_ = 	snop  }
0x3b: {  	_ = 	snop  }
0x3c: {  	p2 =	seq.s32 s10, $0x1;
	s10 =	sld [smem:$0x3FB6]  }
0x3d: {  	_ =	shalt  }
0x3e: {  	_ =	shalt  }
0x3f: {  	_ =	shalt  }
0x40: {  	_ =	shalt  }
0x41: {  	_ =	shalt  }
0x42: {  	_ =	shalt  }
0x43: {  	_ =	shalt  }
0x44: {  	_ =	shalt  }
0x45: {  	_ =	shalt  }
0x46: {  	_ =	shalt  }
0x47: {  	_ =	shalt  }
0x48: {  	_ =	shalt  }
0x49: {  	_ =	shalt  }
0x4a: {  	_ =	shalt  }
0x4b: {  	_ =	shalt  }
0x4c: {  	_ =	shalt  }
0x4d: {  	_ =	shalt  }
0x4e: {  	_ =	shalt  }
0x4f: {  	_ =	shalt  }
0x50: {  	_ =	shalt  }
0x51: {  	_ =	shalt  }
0x52: {  	_ =	shalt  }
0x53: {  	_ =	shalt  }
0x54: {  	_ =	shalt  }
0x55: {  	_ =	shalt  }
0x56: {  	_ =	shalt  }
0x57: {  	_ =	shalt  }
0x58: {  	_ =	shalt  }
0x59: {  	_ =	shalt  }
0x5a: {  	_ =	shalt  }
0x5b: {  	_ =	shalt  }
0x5c: {  	_ =	shalt  }
0x5d: {  	_ =	shalt  }
0x5e: {  	_ =	shalt  }
0x5f: {  	_ =	shalt  }
0x60: {  	_ =	shalt  }
0x61: {  	_ =	shalt  }
0x62: {  	_ =	shalt  }
0x63: {  	_ =	shalt  }
0x64: {  	_ =	shalt  }
0x65: {  	_ =	shalt  }
0x66: {  	_ =	shalt  }
0x67: {  	_ =	shalt  }
0x68: {  	_ =	shalt  }
0x69: {  	_ =	shalt  }
0x6a: {  	_ =	shalt  }
0x6b: {  	_ =	shalt  }
0x6c: {  	_ =	shalt  }
0x6d: {  	_ =	shalt  }
0x6e: {  	_ =	shalt  }
0x6f: {  	_ =	shalt  }
0x70: {  	_ =	shalt  }
0x71: {  	_ =	shalt  }
0x72: {  	_ =	shalt  }
0x73: {  	_ =	shalt  }
0x74: {  	_ =	shalt  }
0x75: {  	_ =	shalt  }
0x76: {  	_ =	shalt  }
0x77: {  	_ =	shalt  }
0x78: {  	_ =	shalt  }
0x79: {  	_ =	shalt  }
0x7a: {  	_ =	shalt  }
0x7b: {  	_ =	shalt  }
0x7c: {  	_ =	shalt  }
0x7d: {  	_ =	shalt  }
0x7e: {  	_ =	shalt  }
0x7f: {  	_ =	shalt  }
0x80: {  	_ =	shalt  }
0x81: {  	_ =	shalt  }
0x82: {  	_ =	shalt  }
0x83: {  	_ =	shalt  }
0x84: {  	_ =	shalt  }
0x85: {  	_ =	shalt  }
0x86: {  	_ =	shalt  }
0x87: {  	_ =	shalt  }
.Lfunc_end0:
.L_simem_size_0:
called_computation_lowered:
.L_overlay_start_0:
0x88: {  	s2 =	sld [smem:$0x3FD9]  }
0x89: {  	s3 =	sld [smem:$0x3FFE];
	_ =	sdelay $0x1  }
0x8a: {  	s1 =	srdreg.scid  }
0x8b: {  	s0 =	sand.u32 $0x1, s1  }
0x8c: {  	s17 =	sshll.u32 s0, $0xA;
	s2 =	sadd.s32 s3, s2  }
0x8d: {  	s2 =	sadd.s32 s2, s17  }
0x8e: {  	[smem:$0x3FC2] =	sst s2  }
0x8f: {  	_ = 	snop  }
0x90: {  	s2 =	sld [smem:$0x3FC6]  }
0x91: {  	s18 =	sld [smem:$0x3FC5]  }
0x92: {  	s4 =	sld [smem:$0x3FC4]  }
0x93: {  	s5 =	sld [smem:$0x3FD0];
	(tm) =	ssettm $0x1  }
0x94: {  	s6 =	sld [smem:$0x3FFB];
	_ =	sdelay $0x3  }
0x95: {  	_ =	strace s6  }
0x96: {  	s6 =	sld [smem:$0x3FFC];
	_ =	sdelay $0x3  }
0x97: {  	_ =	strace s6  }
0x98: {  	s6 =	sld [smem:$0x3FFD];
	_ =	sdelay $0x3  }
0x99: {  	_ =	strace s6  }
0x9a: {  	_ =	strace $0x8FFFFFFF  }
0x9b: {  	s19 =	sld [smem:$0x3FDB];
	_ =	sdelay $0x1  }
0x9c: {  	s7 =	simm.s32 $_scs_section_size  }
0x9d: {  	s8 =	simm.s32 $_size__tile_overlayer_lowered;
	s9 =	simm.s32 $_tile_overlayer_lowered  }
0x9e: {  	s22 =	simm.s32 $0x1BFF;
	s21 =	sshll.u32 s9, $0x1;
	s6 =	sadd.s32 s7, s19  }
0x9f: {  	s10 =	simm.s32 $0x0;
	s20 =	sshll.u32 s8, $0x1;
	s8 =	sadd.s32 s21, s6  }
0xa0: {  	[timem:s10], [sflag:s22] =	dma.local [hbm:s8], s20  }
0xa1: {  	_ =	swait.ge [sflag:s22], s20  }
0xa2: {  	s7 =	ssub.s32 $0x0, s20;
	[sflag:s22] =	ssyncset.done $0x0  }
0xa3: {  	[sflag:s22] =	ssyncadd.s32 s7;
	_ =	sdelay $0x1  }
0xa4: {  	s23 =	simm.s32 $0x1B8B  }
0xa5: {  	_ =	swait.ge [sflag:s23], $0x1  }
0xa6: {  	[sflag:s23] =	ssyncset.done $0x0  }
0xa7: {  	s25 =	simm.s32 $0x1B8E;
	s24 =	sld [smem:$0x3FFE];
	[sflag:s23] =	ssyncadd.s32 $0xFFFFFFFF  }
0xa8: {  	s26 =	simm.s32 $execute0_lowered;
	[smem:$0x3FD2] =	sst s25  }
0xa9: {  	s8 =	sshll.u32 s26, $0x1;
	_ =	strace $0x80000046;
	[dreg:$0x1] =	wrdreg $0xFFFFFFFF  }
0xaa: {  	s28 =	simm.s32 $_size_execute0_lowered;
	s6 =	sadd.s32 s6, s8;
	[dreg:$0x0] =	wrdreg $0x0  }
0xab: {  	s8 =	sshll.u32 s28, $0x1;
	[dreg:$0x2] =	wrdreg s6  }
0xac: {  	[dreg:$0x3] =	wrdreg s8  }
0xad: {  	[dreg:$0x4] =	wrdreg $0xC0  }
0xae: {  	_ =	task [dreg:s10], $0x5FFFF  }
0xaf: {  	[dreg:$0x1] =	wrdreg $0xFFFFFFFF  }
0xb0: {  	[dreg:$0x0] =	wrdreg $0x60  }
0xb1: {  	[dreg:$0x2] =	wrdreg s24  }
0xb2: {  	[dreg:$0x3] =	wrdreg s2  }
0xb3: {  	[dreg:$0x4] =	wrdreg s18  }
0xb4: {  	[dreg:$0x5] =	wrdreg s4  }
0xb5: {  	[dreg:$0x6] =	wrdreg s5  }
0xb6: {  	[dreg:$0x7] =	wrdreg $0x198000  }
0xb7: {  	[dreg:$0x8] =	wrdreg $0x1A0000  }
0xb8: {  	[dreg:$0x9] =	wrdreg $0x1A6A00  }
0xb9: {  	[dreg:$0xa] =	wrdreg $0x9  }
0xba: {  	_ =	task.clear_ibuf [dreg:s10], $0xBFFFF;
	_ =	strace $0x90000046  }
0xbb: {  	s29 =	simm.s32 $0x9;
	_ =	strace $0x80000048  }
0xbc: {  	_ =	swait.ge [sflag:s29], $0x1  }
0xbd: {  	[sflag:s29] =	ssyncadd.s32 $0xFFFFFFFF  }
0xbe: {  	_ =	strace $0x90000048  }
0xbf: {  	_ =	sfence  }
0xc0: {  	s30 =	sld [smem:$0x0];
	_ =	sdelay $0x2  }
0xc1: {  	s31 =	sshll.u32 s1, $0xD;
	s1 =	sshrl.u32 s1, $0x2  }
0xc2: {  	s3 =	sand.u32 $0x4000, s31;
	s1 =	sadd.s32 s1, s30  }
0xc3: {  	s0 =	sor.u32 s3, s0;
	s1 =	sshll.u32 s1, $0x11  }
0xc4: {  	s0 =	sor.u32 s1, s0  }
0xc5: {  	s0 =	sadd.s32 $0x8F2B, s0  }
0xc6: {  	[sflag:s0] =	ssyncadd.remote.s32 $0x1  }
0xc7: {  	_ =	sfence.sel $0xFFFF  }
0xc8: {  	[dreg:$0x0] =	wrdreg $0xFFFFFFFF;
	(pc) =	sbr.abs _section_cstart, $3  }
0xc9: {  	[dreg:$0x1] =	wrdreg $0xFFFFFFFF  }
0xca: {  	_ =	task.clear_ibuf [dreg:s10], $0x2FFFF;
	_ =	strace $0x9FFFFFFF  }
0xcb: {  	(tm) =	ssettm $0x7FFFFFFF  }
tec
execute0_lowered:
.L_overlay_start_1:
0x0: {  	(tag) =	ssettag $0x1  }
0x1: {  	s4 =	rddreg [dreg:$0x0]  }
0x2: {  	s8 =	rddreg [dreg:$0x4]  }
0x3: {  	s0 =	stileid.u32;
	s1 =	srdreg.scid  }
0x4: {  	s3 =	rddreg [dreg:$0x5];
	s1 =	sand.u32 $0x1, s1;
	s9 =	smul.u32 $0x4B00000, s0  }
0x5: {  	s5 =	rddreg [dreg:$0x6];
	s10 =	smul.u32 $0x2580000, s1  }
0x6: {  	s6 =	rddreg [dreg:$0x7];
	s7 =	simm.s32 $0x0  }
0x7: {  	[smem:$0x7FF] =	sst s7;
	s9 =	sadd.s32 s10, s9  }
0x8: {  	_ =	strace $0x80000047;
	s10 =	sadd.s32 $0xB4000, s9;
	s11 =	sadd.s32 $0xB4400, s9  }
0x9: {  	s12 =	sadd.s32 $0xB4800, s9;
	s20 =	sadd.s32 $0xA8000, s9;
	s22 =	sadd.s32 $0xA8400, s9  }
0xa: {  	s23 =	sadd.s32 $0xA8800, s9;
	s29 =	sadd.s32 $0x9C000, s9;
	s31 =	sadd.s32 $0x9C400, s9  }
0xb: {  	s2 =	sadd.s32 $0x9C800, s9;
	s16 =	sadd.s32 $0x90000, s9;
	s10 =	sshrl.u32 s10, $0x3  }
0xc: {  	s11 =	sshrl.u32 s11, $0x3;
	s18 =	sshrl.u32 s12, $0x3;
	s21 =	sshrl.u32 s20, $0x3  }
0xd: {  	s25 =	sshrl.u32 s23, $0x3;
	s30 =	sshrl.u32 s29, $0x3;
	s14 =	sshrl.u32 s2, $0x3  }
0xe: {  	s23 =	sadd.s32 $0x84000, s9;
	s2 =	sor.u32 $0x78000, s9;
	s10 =	sadd.s32 s10, s8  }
0xf: {  	s17 =	sadd.s32 s11, s8;
	s19 =	sadd.s32 s18, s8;
	s11 =	sshrl.u32 s22, $0x3  }
0x10: {  	s26 =	sadd.s32 s25, s8;
	s15 =	sadd.s32 s14, s8;
	[dreg:$0x9] =	wrdreg s10  }
0x11: {  	s18 =	sadd.s32 $0x90400, s9;
	s25 =	sadd.s32 $0x84400, s9;
	[dreg:$0xa] =	wrdreg s17  }
0x12: {  	s12 =	sshrl.u32 s2, $0x3;
	s14 =	sor.u32 $0x78800, s9;
	[dreg:$0xb] =	wrdreg s19  }
0x13: {  	s10 =	sadd.s32 s21, s8;
	s24 =	sadd.s32 s11, s8;
	[dreg:$0xe] =	wrdreg s26  }
0x14: {  	s11 =	sshrl.u32 s31, $0x3;
	[dreg:$0x11] =	wrdreg s15;
	s17 =	sshrl.u32 s16, $0x3  }
0x15: {  	s19 =	sadd.s32 $0x90800, s9;
	s26 =	sadd.s32 $0x84800, s9;
	[dreg:$0xc] =	wrdreg s10  }
0x16: {  	s16 =	sshrl.u32 s14, $0x3;
	[dreg:$0xd] =	wrdreg s24;
	s10 =	sadd.s32 s30, s8  }
0x17: {  	s13 =	sadd.s32 s11, s8;
	s11 =	sshrl.u32 s18, $0x3;
	s21 =	sshrl.u32 s19, $0x3  }
0x18: {  	s24 =	sshrl.u32 s23, $0x3;
	s30 =	sshrl.u32 s26, $0x3;
	[dreg:$0xf] =	wrdreg s10  }
0x19: {  	s18 =	sor.u32 $0x6C000, s9;
	[dreg:$0x10] =	wrdreg s13;
	s10 =	sadd.s32 s17, s8  }
0x1a: {  	s20 =	sadd.s32 s11, s8;
	s22 =	sadd.s32 s21, s8;
	[dreg:$0x12] =	wrdreg s10  }
0x1b: {  	s11 =	sshrl.u32 s25, $0x3;
	s31 =	sadd.s32 s30, s8;
	[dreg:$0x13] =	wrdreg s20  }
0x1c: {  	s13 =	sor.u32 $0x78400, s9;
	s17 =	sadd.s32 s16, s8;
	[dreg:$0x14] =	wrdreg s22  }
0x1d: {  	s19 =	sshrl.u32 s18, $0x3;
	s21 =	sor.u32 $0x6C800, s9;
	[dreg:$0x17] =	wrdreg s31  }
0x1e: {  	s30 =	sor.u32 $0x60800, s9;
	s10 =	sadd.s32 s24, s8;
	[dreg:$0x1a] =	wrdreg s17  }
0x1f: {  	s16 =	sor.u32 $0x54800, s9;
	s29 =	sadd.s32 s11, s8;
	[dreg:$0x15] =	wrdreg s10  }
0x20: {  	s2 =	sshrl.u32 s30, $0x3;
	s30 =	simm.s32 $0x1080;
	[dreg:$0x16] =	wrdreg s29  }
0x21: {  	s18 =	sshrl.u32 s16, $0x3;
	s16 =	simm.s32 $0x280;
	[smem:$0x7D4] =	sst s30  }
0x22: {  	s11 =	sshrl.u32 s13, $0x3;
	s10 =	sadd.s32 s12, s8;
	[smem:$0x7DE] =	sst s16  }
0x23: {  	s23 =	sshrl.u32 s21, $0x3;
	s15 =	sadd.s32 s11, s8;
	[dreg:$0x18] =	wrdreg s10  }
0x24: {  	s24 =	sadd.s32 s23, s8;
	[dreg:$0x19] =	wrdreg s15  }
0x25: {  	s12 =	sadd.s32 s2, s8;
	[dreg:$0x1d] =	wrdreg s24  }
0x26: {  	s13 =	sor.u32 $0x54000, s9;
	s2 =	simm.s32 $0x900;
	[smem:$0x7CB] =	sst s12  }
0x27: {  	s14 =	sshrl.u32 s13, $0x3;
	s13 =	simm.s32 $0x200;
	[smem:$0x7D6] =	sst s2  }
0x28: {  	s30 =	simm.s32 $0x480;
	[smem:$0x7DB] =	sst s13  }
0x29: {  	s20 =	sor.u32 $0x6C400, s9;
	s16 =	simm.s32 $0xD80;
	[smem:$0x7E8] =	sst s30  }
0x2a: {  	s11 =	sshrl.u32 s20, $0x3;
	s10 =	sadd.s32 s19, s8;
	[smem:$0x7F0] =	sst s16  }
0x2b: {  	s22 =	sadd.s32 s11, s8;
	[dreg:$0x1b] =	wrdreg s10  }
0x2c: {  	s29 =	sor.u32 $0x60400, s9;
	s19 =	sadd.s32 s18, s8;
	[dreg:$0x1c] =	wrdreg s22  }
0x2d: {  	s11 =	sshrl.u32 s29, $0x3;
	s29 =	simm.s32 $0x880;
	[smem:$0x7CE] =	sst s19  }
0x2e: {  	s12 =	simm.s32 $0x1180;
	[smem:$0x7D3] =	sst s29  }
0x2f: {  	s20 =	sor.u32 $0x48000, s9;
	s18 =	simm.s32 $0x1280;
	[smem:$0x7DA] =	sst s12  }
0x30: {  	s21 =	sshrl.u32 s20, $0x3;
	s20 =	simm.s32 $0xB00;
	[smem:$0x7E0] =	sst s18  }
0x31: {  	s2 =	simm.s32 $0xC80;
	[smem:$0x7E2] =	sst s20  }
0x32: {  	s25 =	sor.u32 $0x60000, s9;
	s13 =	simm.s32 $0xD00;
	[smem:$0x7E9] =	sst s2  }
0x33: {  	s26 =	sshrl.u32 s25, $0x3;
	s30 =	simm.s32 $0xF80;
	[smem:$0x7ED] =	sst s13  }
0x34: {  	s23 =	sor.u32 $0x48800, s9;
	s10 =	sadd.s32 s26, s8;
	[smem:$0x7FC] =	sst s30  }
0x35: {  	s25 =	sshrl.u32 s23, $0x3;
	s31 =	sadd.s32 s11, s8;
	[dreg:$0x1e] =	wrdreg s10  }
0x36: {  	s15 =	sor.u32 $0x54400, s9;
	s26 =	sadd.s32 s25, s8;
	[dreg:$0x1f] =	wrdreg s31  }
0x37: {  	s11 =	sshrl.u32 s15, $0x3;
	s15 =	simm.s32 $0x1200;
	[smem:$0x7D1] =	sst s26  }
0x38: {  	s19 =	simm.s32 $0x300;
	[smem:$0x7DD] =	sst s15  }
0x39: {  	s25 =	simm.s32 $0x1380;
	[smem:$0x7E1] =	sst s19  }
0x3a: {  	s12 =	simm.s32 $0x500;
	[smem:$0x7E6] =	sst s25  }
0x3b: {  	s18 =	simm.s32 $0x600;
	[smem:$0x7EC] =	sst s12  }
0x3c: {  	s20 =	simm.s32 $0x1600;
	[smem:$0x7F2] =	sst s18  }
0x3d: {  	s10 =	sadd.s32 s14, s8;
	[smem:$0x7F4] =	sst s20  }
0x3e: {  	s28 =	simm.s32 $0x0;
	s17 =	sadd.s32 s11, s8;
	[smem:$0x7CC] =	sst s10  }
0x3f: {  	p0 =	sne.s32 s0, $0x0;
	s31 =	simm.s32 $0x100;
	[smem:$0x7CD] =	sst s17  }
0x40: {  	s22 =	sor.u32 $0x48400, s9;
	s14 =	simm.s32 $0xA00;
	[smem:$0x7D5] =	sst s31  }
0x41: {  	s11 =	sshrl.u32 s22, $0x3;
	s22 =	simm.s32 $0x380;
	[smem:$0x7DC] =	sst s14  }
0x42: {  	s23 =	smul.u32 $0x6400, s0;
	s26 =	simm.s32 $0x1400;
	[smem:$0x7E4] =	sst s22  }
0x43: {  	s16 =	simm.s32 $0x1800;
	s15 =	simm.s32 $0x580;
	[smem:$0x7E7] =	sst s26  }
0x44: {  	s9 =	sshrl.u32 s9, $0x3;
	s19 =	simm.s32 $0xE00;
	[smem:$0x7EF] =	sst s15  }
0x45: {  	s4 =	sadd.s32 s23, s4;
	s23 =	simm.s32 $0x1680;
	[smem:$0x7F3] =	sst s19  }
0x46: {  	s29 =	ssub.s32 $0x2, s1;
	s25 =	simm.s32 $0xF00;
	[smem:$0x7F7] =	sst s23  }
0x47: {  	s1 =	smul.u32 $0x3200, s1;
	s10 =	sadd.s32 s21, s8;
	[smem:$0x7F9] =	sst s25  }
0x48: {  	s13 =	simm.s32 $0x800;
	s24 =	sadd.s32 s11, s8;
	[smem:$0x7CF] =	sst s10  }
0x49: {  	s12 =	simm.s32 $0x4;
	s8 =	sadd.s32 s9, s8;
	[smem:$0x7D0] =	sst s24  }
0x4a: {  	s18 =	simm.s32 $0x11800;
	s9 =	simm.s32 $0x1100;
	[smem:$0x7D2] =	sst s8  }
0x4b: {  	s20 =	simm.s32 $0x400;
	s11 =	simm.s32 $0x980;
	[smem:$0x7D7] =	sst s9  }
0x4c: {  	s17 =	simm.s32 $0xA80;
	s21 =	simm.s32 $0x1300;
	[smem:$0x7D9] =	sst s11  }
0x4d: {  	s31 =	sshrl.u32 s29, $0x1;
	s1 =	sadd.s32 s1, s4;
	[smem:$0x7DF] =	sst s17  }
0x4e: {  	s14 =	simm.s32 $0x1500;
	s15 =	simm.s32 $0x80;
	[smem:$0x7E3] =	sst s21  }
0x4f: {  	s22 =	simm.s32 $0xE80;
	s19 =	simm.s32 $0x1;
	[smem:$0x7EE] =	sst s14  }
0x50: {  	s26 =	simm.s32 $0x1700;
	s23 =	simm.s32 $0xD800;
	[smem:$0x7F6] =	sst s22  }
0x51: {  	s25 =	simm.s32 $0x2;
	s10 =	simm.s32 $0x180;
	[smem:$0x7FA] =	sst s26  }
0x52: {  	s24 =	simm.s32 $0xB80;
	s9 =	ssub.s32 s29, s31;
	[smem:$0x7D8] =	sst s10  }
0x53: {  	s11 =	simm.s32 $0x1480;
	s4 =	sadd.s32 $0x65400, s1;
	[smem:$0x7E5] =	sst s24  }
0x54: {  	s17 =	simm.s32 $0x1580;
	s14 =	simm.s32 $0x1000;
	[smem:$0x7EA] =	sst s11  }
0x55: {  	s21 =	simm.s32 $0x680;
	s29 =	simm.s32 $0x780;
	[smem:$0x7F1] =	sst s17  }
0x56: {  	s22 =	simm.s32 $0x5800;
	s31 =	simm.s32 $0x1780;
	[smem:$0x7F5] =	sst s21  }
0x57: {  	s26 =	simm.s32 $0x3;
	s2 =	smax.u32 s9, $0x1;
	[smem:$0x7FB] =	sst s29  }
0x58: {  	s9 =	sadd.s32 $0xC9400, s1;
	s11 =	sadd.s32 $0x1400, s1;
	[smem:$0x7FD] =	sst s31  }
0x59: {  	s17 =	simm.s32 $0x9800;
	s24 =	simm.s32 $0x700;
	[smem:$0x7EB] =	sst s2  }
0x5a: {  	s21 =	simm.s32 $0xC00;
	[smem:$0x7F8] =	sst s24;
	s24 =	simm.s32 $0x15800  }
.LBB2_1:
0x5b: {  	s0 =	sshrl.u32 @!p0 s3, $0x3;
	s1 =	simm.s32 @!p0 $0x1C04;
	s2 =	rddreg [dreg:$0x1]  }
0x5c: {  	[spmem:s0], [sflag:s1] =	dma.local @!p0 [hbm:s2], $0x1000  }
0x5d: {  	s0 =	simm.s32 @!p0 $0x4  }
0x5e: {  	_ =	swait.ge @!p0 [sflag:s0], $0x1000  }
0x5f: {  	[sflag:s0] =	ssyncset.done @!p0 $0x0  }
0x60: {  	[sflag:s0] =	ssyncadd.s32 @!p0 $0xFFFFF000  }
0x61: {  	s10 =	sshrl.u32 @!p0 s5, $0x3;
	s2 =	rddreg [dreg:$0x2]  }
0x62: {  	[spmem:s10], [sflag:s1] =	dma.local @!p0 [hbm:s2], $0xD40  }
0x63: {  	_ =	swait.ge @!p0 [sflag:s0], $0xD40  }
0x64: {  	[sflag:s0] =	ssyncset.done @!p0 $0x0  }
0x65: {  	[sflag:s0] =	ssyncadd.s32 @!p0 $0xFFFFF2C0  }
0x66: {  	s10 =	sshrl.u32 @!p0 s6, $0x3;
	s2 =	rddreg [dreg:$0x3]  }
0x67: {  	[spmem:s10], [sflag:s1] =	dma.local @!p0 [hbm:s2], $0x850  }
0x68: {  	_ =	swait.ge @!p0 [sflag:s0], $0x850  }
0x69: {  	[sflag:s0] =	ssyncset.done @!p0 $0x0  }
0x6a: {  	[sflag:s0] =	ssyncadd.s32 @!p0 $0xFFFFF7B0  }
0x6b: {  	[bflag:$0x0] =	sbarrier.arrive $0xFFFF  }
0x6c: {  	[tilespmem:s7], [sflag:$0x4] =	stream.linear.gather [hbm4b:s11+s7], $0x800, $0x38;
	[tilespmem:$0x1AAC8] =	vst v63  }
0x6d: {  	_ =	swait.ge [sflag:s12], $0x800  }
0x6e: {  	[sflag:s12] =	ssyncset.done $0x0  }
0x6f: {  	[sflag:s12] =	ssyncadd.s32 $0xFFFFF800  }
0x70: {  	[tilespmem:s13], [sflag:$0x4] =	stream.linear.gather [hbm4b:s4+s7], $0x800, $0x38;
	[tilespmem:$0x1AAC8] =	vst v63  }
0x71: {  	_ =	swait.ge [sflag:s12], $0x800  }
0x72: {  	[sflag:s12] =	ssyncset.done $0x0  }
0x73: {  	[sflag:s12] =	ssyncadd.s32 $0xFFFFF800  }
0x74: {  	[tilespmem:s14], [sflag:$0x4] =	stream.linear.gather [hbm4b:s9+s7], $0x800, $0x38;
	[tilespmem:$0x1AAC8] =	vst v63  }
0x75: {  	_ =	swait.ge [sflag:s12], $0x800  }
0x76: {  	[sflag:s12] =	ssyncset.done $0x0  }
0x77: {  	[sflag:s12] =	ssyncadd.s32 $0xFFFFF800  }
0x78: {  	[tilespmem:s16], [sflag:$0x1] =	stream.indirect.gather [spmem:s3], $0x80, s7, s15, $0xb8;
	[tilespmem:$0x1AAC8] =	vst v63  }
0x79: {  	_ = 	snop  }
0x7a: {  	[tilespmem:s17], [sflag:$0x1] =	stream.indirect.gather [spmem:s5], $0x80, s13, s15, $0xb8;
	[tilespmem:$0x1AAC8] =	vst v63  }
0x7b: {  	_ = 	snop  }
0x7c: {  	[tilespmem:s18], [sflag:$0x1] =	stream.indirect.gather [spmem:s6], $0x80, s14, s15, $0xb8;
	[tilespmem:$0x1AAC8] =	vst v63  }
0x7d: {  	_ =	swait.ge [sflag:s19], $0x4000  }
0x7e: {  	[sflag:s19] =	ssyncset.done $0x0  }
0x7f: {  	[sflag:s19] =	ssyncadd.s32 $0xFFFFC000  }
0x80: {  	_ =	swait.ge [sflag:s19], $0x4000  }
0x81: {  	[sflag:s19] =	ssyncset.done $0x0  }
0x82: {  	[sflag:s19] =	ssyncadd.s32 $0xFFFFC000  }
0x83: {  	_ =	swait.ge [sflag:s19], $0x4000  }
0x84: {  	s2 =	sld [smem:$0x7D2];
	_ =	sdelay $0x1  }
0x85: {  	[sflag:s19] =	ssyncset.done $0x0  }
0x86: {  	[sflag:s19] =	ssyncadd.s32 $0xFFFFC000;
	s0 =	sadd.s32 $0x0, s2  }
0x87: {  	[hbm4b:s0+s20] =	stream.strided.scatter [tilespmem:s16], [sflag:$0x2], $0x4000, s21, s20, $0x38;
	[tilespmem:$0x1AAC8] =	vst v63  }
0x88: {  	s8 =	sadd.s32 $0x80, s0  }
0x89: {  	[hbm4b:s8+s20] =	stream.strided.scatter [tilespmem:s17], [sflag:$0x2], $0x4000, s21, s20, $0x38;
	[tilespmem:$0x1AAC8] =	vst v63  }
0x8a: {  	s10 =	sadd.s32 $0x100, s0  }
0x8b: {  	[hbm4b:s10+s20] =	stream.strided.scatter [tilespmem:s18], [sflag:$0x2], $0x4000, s21, s20, $0x38;
	[tilespmem:$0x1AAC8] =	vst v63  }
0x8c: {  	s2 =	sld [smem:$0x7D3]  }
0x8d: {  	[tilespmem:s22], [sflag:$0x1] =	stream.indirect.gather [spmem:s3], $0x80, s15, s15, $0xb8;
	[tilespmem:$0x1AAC8] =	vst v63  }
0x8e: {  	s8 =	sld [smem:$0x7D4]  }
0x8f: {  	[tilespmem:s23], [sflag:$0x1] =	stream.indirect.gather [spmem:s5], $0x80, s2, s15, $0xb8;
	[tilespmem:$0x1AAC8] =	vst v63  }
0x90: {  	_ = 	snop  }
0x91: {  	[tilespmem:s24], [sflag:$0x1] =	stream.indirect.gather [spmem:s6], $0x80, s8, s15, $0xb8;
	[tilespmem:$0x1AAC8] =	vst v63  }
0x92: {  	_ =	swait.ge [sflag:s19], $0x4000  }
0x93: {  	[sflag:s19] =	ssyncset.done $0x0  }
0x94: {  	[sflag:s19] =	ssyncadd.s32 $0xFFFFC000  }
0x95: {  	_ =	swait.ge [sflag:s19], $0x4000  }
0x96: {  	[sflag:s19] =	ssyncset.done $0x0  }
0x97: {  	[sflag:s19] =	ssyncadd.s32 $0xFFFFC000  }
0x98: {  	_ =	swait.ge [sflag:s19], $0x4000  }
0x99: {  	[sflag:s19] =	ssyncset.done $0x0  }
0x9a: {  	s10 =	sadd.s32 $0x1800, s0;
	[sflag:s19] =	ssyncadd.s32 $0xFFFFC000  }
0x9b: {  	[hbm4b:s10+s20] =	stream.strided.scatter [tilespmem:s22], [sflag:$0x3], $0x4000, s21, s20, $0x38;
	[tilespmem:$0x1AAC8] =	vst v63  }
0x9c: {  	s2 =	sadd.s32 $0x1880, s0  }
0x9d: {  	[hbm4b:s2+s20] =	stream.strided.scatter [tilespmem:s23], [sflag:$0x3], $0x4000, s21, s20, $0x38;
	[tilespmem:$0x1AAC8] =	vst v63  }
0x9e: {  	s8 =	sadd.s32 $0x1900, s0  }
0x9f: {  	[hbm4b:s8+s20] =	stream.strided.scatter [tilespmem:s24], [sflag:$0x3], $0x4000, s21, s20, $0x38;
	[tilespmem:$0x1AAC8] =	vst v63  }
0xa0: {  	_ =	swait.ge [sflag:s25], $0x4000  }
0xa1: {  	[sflag:s25] =	ssyncset.done $0x0  }
0xa2: {  	[sflag:s25] =	ssyncadd.s32 $0xFFFFC000  }
0xa3: {  	_ =	swait.ge [sflag:s25], $0x4000  }
0xa4: {  	[sflag:s25] =	ssyncset.done $0x0  }
0xa5: {  	[sflag:s25] =	ssyncadd.s32 $0xFFFFC000  }
0xa6: {  	_ =	swait.ge [sflag:s25], $0x4000  }
0xa7: {  	s10 =	sld [smem:$0x7D5]  }
0xa8: {  	[sflag:s25] =	ssyncset.done $0x0  }
0xa9: {  	s2 =	sld [smem:$0x7D6];
	[sflag:s25] =	ssyncadd.s32 $0xFFFFC000  }
0xaa: {  	[tilespmem:s16], [sflag:$0x1] =	stream.indirect.gather [spmem:s3], $0x80, s10, s15, $0xb8;
	[tilespmem:$0x1AAC8] =	vst v63  }
0xab: {  	s8 =	sld [smem:$0x7D7]  }
0xac: {  	[tilespmem:s17], [sflag:$0x1] =	stream.indirect.gather [spmem:s5], $0x80, s2, s15, $0xb8;
	[tilespmem:$0x1AAC8] =	vst v63  }
0xad: {  	_ = 	snop  }
0xae: {  	[tilespmem:s18], [sflag:$0x1] =	stream.indirect.gather [spmem:s6], $0x80, s8, s15, $0xb8;
	[tilespmem:$0x1AAC8] =	vst v63  }
0xaf: {  	_ =	swait.ge [sflag:s19], $0x4000  }
0xb0: {  	[sflag:s19] =	ssyncset.done $0x0  }
0xb1: {  	[sflag:s19] =	ssyncadd.s32 $0xFFFFC000  }
0xb2: {  	_ =	swait.ge [sflag:s19], $0x4000  }
0xb3: {  	[sflag:s19] =	ssyncset.done $0x0  }
0xb4: {  	[sflag:s19] =	ssyncadd.s32 $0xFFFFC000  }
0xb5: {  	_ =	swait.ge [sflag:s19], $0x4000  }
0xb6: {  	[sflag:s19] =	ssyncset.done $0x0  }
0xb7: {  	s10 =	sadd.s32 $0x3000, s0;
	[sflag:s19] =	ssyncadd.s32 $0xFFFFC000  }
0xb8: {  	[hbm4b:s10+s20] =	stream.strided.scatter [tilespmem:s16], [sflag:$0x2], $0x4000, s21, s20, $0x38;
	[tilespmem:$0x1AAC8] =	vst v63  }
0xb9: {  	s2 =	sadd.s32 $0x3080, s0  }
0xba: {  	[hbm4b:s2+s20] =	stream.strided.scatter [tilespmem:s17], [sflag:$0x2], $0x4000, s21, s20, $0x38;
	[tilespmem:$0x1AAC8] =	vst v63  }
0xbb: {  	s8 =	sadd.s32 $0x3100, s0  }
0xbc: {  	[hbm4b:s8+s20] =	stream.strided.scatter [tilespmem:s18], [sflag:$0x2], $0x4000, s21, s20, $0x38;
	[tilespmem:$0x1AAC8] =	vst v63  }
0xbd: {  	_ =	swait.ge [sflag:s26], $0x4000  }
0xbe: {  	[sflag:s26] =	ssyncset.done $0x0  }
0xbf: {  	[sflag:s26] =	ssyncadd.s32 $0xFFFFC000  }
0xc0: {  	_ =	swait.ge [sflag:s26], $0x4000  }
0xc1: {  	[sflag:s26] =	ssyncset.done $0x0  }
0xc2: {  	[sflag:s26] =	ssyncadd.s32 $0xFFFFC000  }
0xc3: {  	_ =	swait.ge [sflag:s26], $0x4000  }
0xc4: {  	s10 =	sld [smem:$0x7D8]  }
0xc5: {  	[sflag:s26] =	ssyncset.done $0x0  }
0xc6: {  	s2 =	sld [smem:$0x7D9];
	[sflag:s26] =	ssyncadd.s32 $0xFFFFC000  }
0xc7: {  	[tilespmem:s22], [sflag:$0x1] =	stream.indirect.gather [spmem:s3], $0x80, s10, s15, $0xb8;
	[tilespmem:$0x1AAC8] =	vst v63  }
0xc8: {  	s8 =	sld [smem:$0x7DA]  }
0xc9: {  	[tilespmem:s23], [sflag:$0x1] =	stream.indirect.gather [spmem:s5], $0x80, s2, s15, $0xb8;
	[tilespmem:$0x1AAC8] =	vst v63  }
0xca: {  	_ = 	snop  }
0xcb: {  	[tilespmem:s24], [sflag:$0x1] =	stream.indirect.gather [spmem:s6], $0x80, s8, s15, $0xb8;
	[tilespmem:$0x1AAC8] =	vst v63  }
0xcc: {  	_ =	swait.ge [sflag:s19], $0x4000  }
0xcd: {  	[sflag:s19] =	ssyncset.done $0x0  }
0xce: {  	[sflag:s19] =	ssyncadd.s32 $0xFFFFC000  }
0xcf: {  	_ =	swait.ge [sflag:s19], $0x4000  }
0xd0: {  	[sflag:s19] =	ssyncset.done $0x0  }
0xd1: {  	[sflag:s19] =	ssyncadd.s32 $0xFFFFC000  }
0xd2: {  	_ =	swait.ge [sflag:s19], $0x4000  }
0xd3: {  	[sflag:s19] =	ssyncset.done $0x0  }
0xd4: {  	s10 =	sadd.s32 $0x4800, s0;
	[sflag:s19] =	ssyncadd.s32 $0xFFFFC000  }
0xd5: {  	[hbm4b:s10+s20] =	stream.strided.scatter [tilespmem:s22], [sflag:$0x3], $0x4000, s21, s20, $0x38;
	[tilespmem:$0x1AAC8] =	vst v63  }
0xd6: {  	s2 =	sadd.s32 $0x4880, s0  }
0xd7: {  	[hbm4b:s2+s20] =	stream.strided.scatter [tilespmem:s23], [sflag:$0x3], $0x4000, s21, s20, $0x38;
	[tilespmem:$0x1AAC8] =	vst v63  }
0xd8: {  	s8 =	sadd.s32 $0x4900, s0  }
0xd9: {  	[hbm4b:s8+s20] =	stream.strided.scatter [tilespmem:s24], [sflag:$0x3], $0x4000, s21, s20, $0x38;
	[tilespmem:$0x1AAC8] =	vst v63  }
0xda: {  	_ =	swait.ge [sflag:s25], $0x4000  }
0xdb: {  	[sflag:s25] =	ssyncset.done $0x0  }
0xdc: {  	[sflag:s25] =	ssyncadd.s32 $0xFFFFC000  }
0xdd: {  	_ =	swait.ge [sflag:s25], $0x4000  }
0xde: {  	[sflag:s25] =	ssyncset.done $0x0  }
0xdf: {  	[sflag:s25] =	ssyncadd.s32 $0xFFFFC000  }
0xe0: {  	_ =	swait.ge [sflag:s25], $0x4000  }
0xe1: {  	s10 =	sld [smem:$0x7DB]  }
0xe2: {  	[sflag:s25] =	ssyncset.done $0x0  }
0xe3: {  	s2 =	sld [smem:$0x7DC];
	[sflag:s25] =	ssyncadd.s32 $0xFFFFC000  }
0xe4: {  	[tilespmem:s16], [sflag:$0x1] =	stream.indirect.gather [spmem:s3], $0x80, s10, s15, $0xb8;
	[tilespmem:$0x1AAC8] =	vst v63  }
0xe5: {  	s8 =	sld [smem:$0x7DD]  }
0xe6: {  	[tilespmem:s17], [sflag:$0x1] =	stream.indirect.gather [spmem:s5], $0x80, s2, s15, $0xb8;
	[tilespmem:$0x1AAC8] =	vst v63  }
0xe7: {  	_ = 	snop  }
0xe8: {  	[tilespmem:s18], [sflag:$0x1] =	stream.indirect.gather [spmem:s6], $0x80, s8, s15, $0xb8;
	[tilespmem:$0x1AAC8] =	vst v63  }
0xe9: {  	_ =	swait.ge [sflag:s19], $0x4000  }
0xea: {  	[sflag:s19] =	ssyncset.done $0x0  }
0xeb: {  	[sflag:s19] =	ssyncadd.s32 $0xFFFFC000  }
0xec: {  	_ =	swait.ge [sflag:s19], $0x4000  }
0xed: {  	[sflag:s19] =	ssyncset.done $0x0  }
0xee: {  	[sflag:s19] =	ssyncadd.s32 $0xFFFFC000  }
0xef: {  	_ =	swait.ge [sflag:s19], $0x4000  }
0xf0: {  	[sflag:s19] =	ssyncset.done $0x0  }
0xf1: {  	s10 =	sadd.s32 $0x6000, s0;
	[sflag:s19] =	ssyncadd.s32 $0xFFFFC000  }
0xf2: {  	[hbm4b:s10+s20] =	stream.strided.scatter [tilespmem:s16], [sflag:$0x2], $0x4000, s21, s20, $0x38;
	[tilespmem:$0x1AAC8] =	vst v63  }
0xf3: {  	s2 =	sadd.s32 $0x6080, s0  }
0xf4: {  	[hbm4b:s2+s20] =	stream.strided.scatter [tilespmem:s17], [sflag:$0x2], $0x4000, s21, s20, $0x38;
	[tilespmem:$0x1AAC8] =	vst v63  }
0xf5: {  	s8 =	sadd.s32 $0x6100, s0  }
0xf6: {  	[hbm4b:s8+s20] =	stream.strided.scatter [tilespmem:s18], [sflag:$0x2], $0x4000, s21, s20, $0x38;
	[tilespmem:$0x1AAC8] =	vst v63  }
0xf7: {  	_ =	swait.ge [sflag:s26], $0x4000  }
0xf8: {  	[sflag:s26] =	ssyncset.done $0x0  }
0xf9: {  	[sflag:s26] =	ssyncadd.s32 $0xFFFFC000  }
0xfa: {  	_ =	swait.ge [sflag:s26], $0x4000  }
0xfb: {  	[sflag:s26] =	ssyncset.done $0x0  }
0xfc: {  	[sflag:s26] =	ssyncadd.s32 $0xFFFFC000  }
0xfd: {  	_ =	swait.ge [sflag:s26], $0x4000  }
0xfe: {  	s10 =	sld [smem:$0x7DE]  }
0xff: {  	[sflag:s26] =	ssyncset.done $0x0  }
0x100: {  	s2 =	sld [smem:$0x7DF];
	[sflag:s26] =	ssyncadd.s32 $0xFFFFC000  }
0x101: {  	[tilespmem:s22], [sflag:$0x1] =	stream.indirect.gather [spmem:s3], $0x80, s10, s15, $0xb8;
	[tilespmem:$0x1AAC8] =	vst v63  }
0x102: {  	s8 =	sld [smem:$0x7E0]  }
0x103: {  	[tilespmem:s23], [sflag:$0x1] =	stream.indirect.gather [spmem:s5], $0x80, s2, s15, $0xb8;
	[tilespmem:$0x1AAC8] =	vst v63  }
0x104: {  	_ = 	snop  }
0x105: {  	[tilespmem:s24], [sflag:$0x1] =	stream.indirect.gather [spmem:s6], $0x80, s8, s15, $0xb8;
	[tilespmem:$0x1AAC8] =	vst v63  }
0x106: {  	_ =	swait.ge [sflag:s19], $0x4000  }
0x107: {  	[sflag:s19] =	ssyncset.done $0x0  }
0x108: {  	[sflag:s19] =	ssyncadd.s32 $0xFFFFC000  }
0x109: {  	_ =	swait.ge [sflag:s19], $0x4000  }
0x10a: {  	[sflag:s19] =	ssyncset.done $0x0  }
0x10b: {  	[sflag:s19] =	ssyncadd.s32 $0xFFFFC000  }
0x10c: {  	_ =	swait.ge [sflag:s19], $0x4000  }
0x10d: {  	[sflag:s19] =	ssyncset.done $0x0  }
0x10e: {  	s10 =	sadd.s32 $0x7800, s0;
	[sflag:s19] =	ssyncadd.s32 $0xFFFFC000  }
0x10f: {  	[hbm4b:s10+s20] =	stream.strided.scatter [tilespmem:s22], [sflag:$0x3], $0x4000, s21, s20, $0x38;
	[tilespmem:$0x1AAC8] =	vst v63  }
0x110: {  	s2 =	sadd.s32 $0x7880, s0  }
0x111: {  	[hbm4b:s2+s20] =	stream.strided.scatter [tilespmem:s23], [sflag:$0x3], $0x4000, s21, s20, $0x38;
	[tilespmem:$0x1AAC8] =	vst v63  }
0x112: {  	s0 =	sadd.s32 $0x7900, s0  }
0x113: {  	[hbm4b:s0+s20] =	stream.strided.scatter [tilespmem:s24], [sflag:$0x3], $0x4000, s21, s20, $0x38;
	[tilespmem:$0x1AAC8] =	vst v63  }
0x114: {  	_ =	swait.ge [sflag:s25], $0x4000  }
0x115: {  	[sflag:s25] =	ssyncset.done $0x0  }
0x116: {  	[sflag:s25] =	ssyncadd.s32 $0xFFFFC000  }
0x117: {  	_ =	swait.ge [sflag:s25], $0x4000  }
0x118: {  	[sflag:s25] =	ssyncset.done $0x0  }
0x119: {  	[sflag:s25] =	ssyncadd.s32 $0xFFFFC000  }
0x11a: {  	_ =	swait.ge [sflag:s25], $0x4000  }
0x11b: {  	s8 =	sld [smem:$0x7E1]  }
0x11c: {  	[sflag:s25] =	ssyncset.done $0x0  }
0x11d: {  	s10 =	sld [smem:$0x7E2];
	[sflag:s25] =	ssyncadd.s32 $0xFFFFC000  }
0x11e: {  	[tilespmem:s16], [sflag:$0x1] =	stream.indirect.gather [spmem:s3], $0x80, s8, s15, $0xb8;
	[tilespmem:$0x1AAC8] =	vst v63  }
0x11f: {  	s2 =	sld [smem:$0x7E3]  }
0x120: {  	[tilespmem:s17], [sflag:$0x1] =	stream.indirect.gather [spmem:s5], $0x80, s10, s15, $0xb8;
	[tilespmem:$0x1AAC8] =	vst v63  }
0x121: {  	_ = 	snop  }
0x122: {  	[tilespmem:s18], [sflag:$0x1] =	stream.indirect.gather [spmem:s6], $0x80, s2, s15, $0xb8;
	[tilespmem:$0x1AAC8] =	vst v63  }
0x123: {  	_ =	swait.ge [sflag:s19], $0x4000  }
0x124: {  	[sflag:s19] =	ssyncset.done $0x0  }
0x125: {  	[sflag:s19] =	ssyncadd.s32 $0xFFFFC000  }
0x126: {  	_ =	swait.ge [sflag:s19], $0x4000  }
0x127: {  	[sflag:s19] =	ssyncset.done $0x0  }
0x128: {  	[sflag:s19] =	ssyncadd.s32 $0xFFFFC000  }
0x129: {  	_ =	swait.ge [sflag:s19], $0x4000  }
0x12a: {  	s8 =	sld [smem:$0x7CF];
	_ =	sdelay $0x1  }
0x12b: {  	[sflag:s19] =	ssyncset.done $0x0;
	s10 =	sld [smem:$0x7D0]  }
0x12c: {  	s2 =	sld [smem:$0x7D1];
	[sflag:s19] =	ssyncadd.s32 $0xFFFFC000;
	s0 =	sadd.s32 $0x0, s8  }
0x12d: {  	[hbm4b:s0+s20] =	stream.strided.scatter [tilespmem:s16], [sflag:$0x2], $0x4000, s21, s20, $0x38;
	[tilespmem:$0x1AAC8] =	vst v63  }
0x12e: {  	s8 =	sadd.s32 $0x0, s10  }
0x12f: {  	[hbm4b:s8+s20] =	stream.strided.scatter [tilespmem:s17], [sflag:$0x2], $0x4000, s21, s20, $0x38;
	[tilespmem:$0x1AAC8] =	vst v63  }
0x130: {  	s1 =	sadd.s32 $0x0, s2  }
0x131: {  	[hbm4b:s1+s20] =	stream.strided.scatter [tilespmem:s18], [sflag:$0x2], $0x4000, s21, s20, $0x38;
	[tilespmem:$0x1AAC8] =	vst v63  }
0x132: {  	_ =	swait.ge [sflag:s26], $0x4000  }
0x133: {  	[sflag:s26] =	ssyncset.done $0x0  }
0x134: {  	[sflag:s26] =	ssyncadd.s32 $0xFFFFC000  }
0x135: {  	_ =	swait.ge [sflag:s26], $0x4000  }
0x136: {  	[sflag:s26] =	ssyncset.done $0x0  }
0x137: {  	[sflag:s26] =	ssyncadd.s32 $0xFFFFC000  }
0x138: {  	_ =	swait.ge [sflag:s26], $0x4000  }
0x139: {  	s2 =	sld [smem:$0x7E4]  }
0x13a: {  	[sflag:s26] =	ssyncset.done $0x0  }
0x13b: {  	s8 =	sld [smem:$0x7E5];
	[sflag:s26] =	ssyncadd.s32 $0xFFFFC000  }
0x13c: {  	[tilespmem:s22], [sflag:$0x1] =	stream.indirect.gather [spmem:s3], $0x80, s2, s15, $0xb8;
	[tilespmem:$0x1AAC8] =	vst v63  }
0x13d: {  	s10 =	sld [smem:$0x7E6]  }
0x13e: {  	[tilespmem:s23], [sflag:$0x1] =	stream.indirect.gather [spmem:s5], $0x80, s8, s15, $0xb8;
	[tilespmem:$0x1AAC8] =	vst v63  }
0x13f: {  	_ = 	snop  }
0x140: {  	[tilespmem:s24], [sflag:$0x1] =	stream.indirect.gather [spmem:s6], $0x80, s10, s15, $0xb8;
	[tilespmem:$0x1AAC8] =	vst v63  }
0x141: {  	_ =	swait.ge [sflag:s19], $0x4000  }
0x142: {  	[sflag:s19] =	ssyncset.done $0x0  }
0x143: {  	[sflag:s19] =	ssyncadd.s32 $0xFFFFC000  }
0x144: {  	_ =	swait.ge [sflag:s19], $0x4000  }
0x145: {  	[sflag:s19] =	ssyncset.done $0x0  }
0x146: {  	[sflag:s19] =	ssyncadd.s32 $0xFFFFC000  }
0x147: {  	_ =	swait.ge [sflag:s19], $0x4000  }
0x148: {  	s1 =	sld [smem:$0x7CC];
	_ =	sdelay $0x1  }
0x149: {  	[sflag:s19] =	ssyncset.done $0x0;
	s2 =	sld [smem:$0x7CD]  }
0x14a: {  	s8 =	sld [smem:$0x7CE];
	[sflag:s19] =	ssyncadd.s32 $0xFFFFC000;
	s0 =	sadd.s32 $0x0, s1  }
0x14b: {  	[hbm4b:s0+s20] =	stream.strided.scatter [tilespmem:s22], [sflag:$0x3], $0x4000, s21, s20, $0x38;
	[tilespmem:$0x1AAC8] =	vst v63  }
0x14c: {  	s2 =	sadd.s32 $0x0, s2  }
0x14d: {  	[hbm4b:s2+s20] =	stream.strided.scatter [tilespmem:s23], [sflag:$0x3], $0x4000, s21, s20, $0x38;
	[tilespmem:$0x1AAC8] =	vst v63  }
0x14e: {  	s8 =	sadd.s32 $0x0, s8  }
0x14f: {  	[hbm4b:s8+s20] =	stream.strided.scatter [tilespmem:s24], [sflag:$0x3], $0x4000, s21, s20, $0x38;
	[tilespmem:$0x1AAC8] =	vst v63  }
0x150: {  	_ =	swait.ge [sflag:s25], $0x4000  }
0x151: {  	[sflag:s25] =	ssyncset.done $0x0  }
0x152: {  	[sflag:s25] =	ssyncadd.s32 $0xFFFFC000  }
0x153: {  	_ =	swait.ge [sflag:s25], $0x4000  }
0x154: {  	[sflag:s25] =	ssyncset.done $0x0  }
0x155: {  	[sflag:s25] =	ssyncadd.s32 $0xFFFFC000  }
0x156: {  	_ =	swait.ge [sflag:s25], $0x4000  }
0x157: {  	[sflag:s25] =	ssyncset.done $0x0  }
0x158: {  	[sflag:s25] =	ssyncadd.s32 $0xFFFFC000  }
0x159: {  	[tilespmem:s16], [sflag:$0x1] =	stream.indirect.gather [spmem:s3], $0x80, s20, s15, $0xb8;
	[tilespmem:$0x1AAC8] =	vst v63  }
0x15a: {  	s10 =	sld [smem:$0x7E7]  }
0x15b: {  	[tilespmem:s17], [sflag:$0x1] =	stream.indirect.gather [spmem:s5], $0x80, s21, s15, $0xb8;
	[tilespmem:$0x1AAC8] =	vst v63  }
0x15c: {  	_ = 	snop  }
0x15d: {  	[tilespmem:s18], [sflag:$0x1] =	stream.indirect.gather [spmem:s6], $0x80, s10, s15, $0xb8;
	[tilespmem:$0x1AAC8] =	vst v63  }
0x15e: {  	_ =	swait.ge [sflag:s19], $0x4000  }
0x15f: {  	[sflag:s19] =	ssyncset.done $0x0  }
0x160: {  	[sflag:s19] =	ssyncadd.s32 $0xFFFFC000  }
0x161: {  	_ =	swait.ge [sflag:s19], $0x4000  }
0x162: {  	[sflag:s19] =	ssyncset.done $0x0  }
0x163: {  	[sflag:s19] =	ssyncadd.s32 $0xFFFFC000  }
0x164: {  	_ =	swait.ge [sflag:s19], $0x4000  }
0x165: {  	s1 =	rddreg [dreg:$0x1e]  }
0x166: {  	[sflag:s19] =	ssyncset.done $0x0;
	s2 =	rddreg [dreg:$0x1f]  }
0x167: {  	s8 =	sld [smem:$0x7CB];
	[sflag:s19] =	ssyncadd.s32 $0xFFFFC000;
	s0 =	sadd.s32 $0x0, s1  }
0x168: {  	[hbm4b:s0+s20] =	stream.strided.scatter [tilespmem:s16], [sflag:$0x2], $0x4000, s21, s20, $0x38;
	[tilespmem:$0x1AAC8] =	vst v63  }
0x169: {  	s1 =	sadd.s32 $0x0, s2  }
0x16a: {  	[hbm4b:s1+s20] =	stream.strided.scatter [tilespmem:s17], [sflag:$0x2], $0x4000, s21, s20, $0x38;
	[tilespmem:$0x1AAC8] =	vst v63  }
0x16b: {  	s2 =	sadd.s32 $0x0, s8  }
0x16c: {  	[hbm4b:s2+s20] =	stream.strided.scatter [tilespmem:s18], [sflag:$0x2], $0x4000, s21, s20, $0x38;
	[tilespmem:$0x1AAC8] =	vst v63  }
0x16d: {  	_ =	swait.ge [sflag:s26], $0x4000  }
0x16e: {  	[sflag:s26] =	ssyncset.done $0x0  }
0x16f: {  	[sflag:s26] =	ssyncadd.s32 $0xFFFFC000  }
0x170: {  	_ =	swait.ge [sflag:s26], $0x4000  }
0x171: {  	[sflag:s26] =	ssyncset.done $0x0  }
0x172: {  	[sflag:s26] =	ssyncadd.s32 $0xFFFFC000  }
0x173: {  	_ =	swait.ge [sflag:s26], $0x4000  }
0x174: {  	s8 =	sld [smem:$0x7E8]  }
0x175: {  	[sflag:s26] =	ssyncset.done $0x0  }
0x176: {  	s10 =	sld [smem:$0x7E9];
	[sflag:s26] =	ssyncadd.s32 $0xFFFFC000  }
0x177: {  	[tilespmem:s22], [sflag:$0x1] =	stream.indirect.gather [spmem:s3], $0x80, s8, s15, $0xb8;
	[tilespmem:$0x1AAC8] =	vst v63  }
0x178: {  	s2 =	sld [smem:$0x7EA]  }
0x179: {  	[tilespmem:s23], [sflag:$0x1] =	stream.indirect.gather [spmem:s5], $0x80, s10, s15, $0xb8;
	[tilespmem:$0x1AAC8] =	vst v63  }
0x17a: {  	_ = 	snop  }
0x17b: {  	[tilespmem:s24], [sflag:$0x1] =	stream.indirect.gather [spmem:s6], $0x80, s2, s15, $0xb8;
	[tilespmem:$0x1AAC8] =	vst v63  }
0x17c: {  	_ =	swait.ge [sflag:s19], $0x4000  }
0x17d: {  	[sflag:s19] =	ssyncset.done $0x0  }
0x17e: {  	[sflag:s19] =	ssyncadd.s32 $0xFFFFC000  }
0x17f: {  	_ =	swait.ge [sflag:s19], $0x4000  }
0x180: {  	[sflag:s19] =	ssyncset.done $0x0  }
0x181: {  	[sflag:s19] =	ssyncadd.s32 $0xFFFFC000  }
0x182: {  	_ =	swait.ge [sflag:s19], $0x4000  }
0x183: {  	s8 =	rddreg [dreg:$0x1b];
	[sflag:s19] =	ssyncset.done $0x0  }
0x184: {  	s10 =	rddreg [dreg:$0x1c];
	[sflag:s19] =	ssyncadd.s32 $0xFFFFC000;
	s0 =	sadd.s32 $0x0, s8  }
0x185: {  	[hbm4b:s0+s20] =	stream.strided.scatter [tilespmem:s22], [sflag:$0x3], $0x4000, s21, s20, $0x38;
	[tilespmem:$0x1AAC8] =	vst v63  }
0x186: {  	s2 =	rddreg [dreg:$0x1d];
	s8 =	sadd.s32 $0x0, s10  }
0x187: {  	[hbm4b:s8+s20] =	stream.strided.scatter [tilespmem:s23], [sflag:$0x3], $0x4000, s21, s20, $0x38;
	[tilespmem:$0x1AAC8] =	vst v63  }
0x188: {  	s1 =	sadd.s32 $0x0, s2  }
0x189: {  	[hbm4b:s1+s20] =	stream.strided.scatter [tilespmem:s24], [sflag:$0x3], $0x4000, s21, s20, $0x38;
	[tilespmem:$0x1AAC8] =	vst v63  }
0x18a: {  	_ =	swait.ge [sflag:s25], $0x4000  }
0x18b: {  	[sflag:s25] =	ssyncset.done $0x0  }
0x18c: {  	[sflag:s25] =	ssyncadd.s32 $0xFFFFC000  }
0x18d: {  	_ =	swait.ge [sflag:s25], $0x4000  }
0x18e: {  	[sflag:s25] =	ssyncset.done $0x0  }
0x18f: {  	[sflag:s25] =	ssyncadd.s32 $0xFFFFC000  }
0x190: {  	_ =	swait.ge [sflag:s25], $0x4000  }
0x191: {  	s2 =	sld [smem:$0x7EC]  }
0x192: {  	[sflag:s25] =	ssyncset.done $0x0  }
0x193: {  	s8 =	sld [smem:$0x7ED];
	[sflag:s25] =	ssyncadd.s32 $0xFFFFC000  }
0x194: {  	[tilespmem:s16], [sflag:$0x1] =	stream.indirect.gather [spmem:s3], $0x80, s2, s15, $0xb8;
	[tilespmem:$0x1AAC8] =	vst v63  }
0x195: {  	s10 =	sld [smem:$0x7EE]  }
0x196: {  	[tilespmem:s17], [sflag:$0x1] =	stream.indirect.gather [spmem:s5], $0x80, s8, s15, $0xb8;
	[tilespmem:$0x1AAC8] =	vst v63  }
0x197: {  	_ = 	snop  }
0x198: {  	[tilespmem:s18], [sflag:$0x1] =	stream.indirect.gather [spmem:s6], $0x80, s10, s15, $0xb8;
	[tilespmem:$0x1AAC8] =	vst v63  }
0x199: {  	_ =	swait.ge [sflag:s19], $0x4000  }
0x19a: {  	[sflag:s19] =	ssyncset.done $0x0  }
0x19b: {  	[sflag:s19] =	ssyncadd.s32 $0xFFFFC000  }
0x19c: {  	_ =	swait.ge [sflag:s19], $0x4000  }
0x19d: {  	[sflag:s19] =	ssyncset.done $0x0  }
0x19e: {  	[sflag:s19] =	ssyncadd.s32 $0xFFFFC000  }
0x19f: {  	_ =	swait.ge [sflag:s19], $0x4000  }
0x1a0: {  	s1 =	rddreg [dreg:$0x18];
	[sflag:s19] =	ssyncset.done $0x0  }
0x1a1: {  	s2 =	rddreg [dreg:$0x19];
	[sflag:s19] =	ssyncadd.s32 $0xFFFFC000;
	s0 =	sadd.s32 $0x0, s1  }
0x1a2: {  	[hbm4b:s0+s20] =	stream.strided.scatter [tilespmem:s16], [sflag:$0x2], $0x4000, s21, s20, $0x38;
	[tilespmem:$0x1AAC8] =	vst v63  }
0x1a3: {  	s8 =	rddreg [dreg:$0x1a];
	s1 =	sadd.s32 $0x0, s2  }
0x1a4: {  	[hbm4b:s1+s20] =	stream.strided.scatter [tilespmem:s17], [sflag:$0x2], $0x4000, s21, s20, $0x38;
	[tilespmem:$0x1AAC8] =	vst v63  }
0x1a5: {  	s2 =	sadd.s32 $0x0, s8  }
0x1a6: {  	[hbm4b:s2+s20] =	stream.strided.scatter [tilespmem:s18], [sflag:$0x2], $0x4000, s21, s20, $0x38;
	[tilespmem:$0x1AAC8] =	vst v63  }
0x1a7: {  	_ =	swait.ge [sflag:s26], $0x4000  }
0x1a8: {  	[sflag:s26] =	ssyncset.done $0x0  }
0x1a9: {  	[sflag:s26] =	ssyncadd.s32 $0xFFFFC000  }
0x1aa: {  	_ =	swait.ge [sflag:s26], $0x4000  }
0x1ab: {  	[sflag:s26] =	ssyncset.done $0x0  }
0x1ac: {  	[sflag:s26] =	ssyncadd.s32 $0xFFFFC000  }
0x1ad: {  	_ =	swait.ge [sflag:s26], $0x4000  }
0x1ae: {  	s8 =	sld [smem:$0x7EF]  }
0x1af: {  	[sflag:s26] =	ssyncset.done $0x0  }
0x1b0: {  	s10 =	sld [smem:$0x7F0];
	[sflag:s26] =	ssyncadd.s32 $0xFFFFC000  }
0x1b1: {  	[tilespmem:s22], [sflag:$0x1] =	stream.indirect.gather [spmem:s3], $0x80, s8, s15, $0xb8;
	[tilespmem:$0x1AAC8] =	vst v63  }
0x1b2: {  	s2 =	sld [smem:$0x7F1]  }
0x1b3: {  	[tilespmem:s23], [sflag:$0x1] =	stream.indirect.gather [spmem:s5], $0x80, s10, s15, $0xb8;
	[tilespmem:$0x1AAC8] =	vst v63  }
0x1b4: {  	_ = 	snop  }
0x1b5: {  	[tilespmem:s24], [sflag:$0x1] =	stream.indirect.gather [spmem:s6], $0x80, s2, s15, $0xb8;
	[tilespmem:$0x1AAC8] =	vst v63  }
0x1b6: {  	_ =	swait.ge [sflag:s19], $0x4000  }
0x1b7: {  	[sflag:s19] =	ssyncset.done $0x0  }
0x1b8: {  	[sflag:s19] =	ssyncadd.s32 $0xFFFFC000  }
0x1b9: {  	_ =	swait.ge [sflag:s19], $0x4000  }
0x1ba: {  	[sflag:s19] =	ssyncset.done $0x0  }
0x1bb: {  	[sflag:s19] =	ssyncadd.s32 $0xFFFFC000  }
0x1bc: {  	_ =	swait.ge [sflag:s19], $0x4000  }
0x1bd: {  	s8 =	rddreg [dreg:$0x15];
	[sflag:s19] =	ssyncset.done $0x0  }
0x1be: {  	s10 =	rddreg [dreg:$0x16];
	[sflag:s19] =	ssyncadd.s32 $0xFFFFC000;
	s0 =	sadd.s32 $0x0, s8  }
0x1bf: {  	[hbm4b:s0+s20] =	stream.strided.scatter [tilespmem:s22], [sflag:$0x3], $0x4000, s21, s20, $0x38;
	[tilespmem:$0x1AAC8] =	vst v63  }
0x1c0: {  	s2 =	rddreg [dreg:$0x17];
	s8 =	sadd.s32 $0x0, s10  }
0x1c1: {  	[hbm4b:s8+s20] =	stream.strided.scatter [tilespmem:s23], [sflag:$0x3], $0x4000, s21, s20, $0x38;
	[tilespmem:$0x1AAC8] =	vst v63  }
0x1c2: {  	s1 =	sadd.s32 $0x0, s2  }
0x1c3: {  	[hbm4b:s1+s20] =	stream.strided.scatter [tilespmem:s24], [sflag:$0x3], $0x4000, s21, s20, $0x38;
	[tilespmem:$0x1AAC8] =	vst v63  }
0x1c4: {  	_ =	swait.ge [sflag:s25], $0x4000  }
0x1c5: {  	[sflag:s25] =	ssyncset.done $0x0  }
0x1c6: {  	[sflag:s25] =	ssyncadd.s32 $0xFFFFC000  }
0x1c7: {  	_ =	swait.ge [sflag:s25], $0x4000  }
0x1c8: {  	[sflag:s25] =	ssyncset.done $0x0  }
0x1c9: {  	[sflag:s25] =	ssyncadd.s32 $0xFFFFC000  }
0x1ca: {  	_ =	swait.ge [sflag:s25], $0x4000  }
0x1cb: {  	s2 =	sld [smem:$0x7F2]  }
0x1cc: {  	[sflag:s25] =	ssyncset.done $0x0  }
0x1cd: {  	s8 =	sld [smem:$0x7F3];
	[sflag:s25] =	ssyncadd.s32 $0xFFFFC000  }
0x1ce: {  	[tilespmem:s16], [sflag:$0x1] =	stream.indirect.gather [spmem:s3], $0x80, s2, s15, $0xb8;
	[tilespmem:$0x1AAC8] =	vst v63  }
0x1cf: {  	s10 =	sld [smem:$0x7F4]  }
0x1d0: {  	[tilespmem:s17], [sflag:$0x1] =	stream.indirect.gather [spmem:s5], $0x80, s8, s15, $0xb8;
	[tilespmem:$0x1AAC8] =	vst v63  }
0x1d1: {  	_ = 	snop  }
0x1d2: {  	[tilespmem:s18], [sflag:$0x1] =	stream.indirect.gather [spmem:s6], $0x80, s10, s15, $0xb8;
	[tilespmem:$0x1AAC8] =	vst v63  }
0x1d3: {  	_ =	swait.ge [sflag:s19], $0x4000  }
0x1d4: {  	[sflag:s19] =	ssyncset.done $0x0  }
0x1d5: {  	[sflag:s19] =	ssyncadd.s32 $0xFFFFC000  }
0x1d6: {  	_ =	swait.ge [sflag:s19], $0x4000  }
0x1d7: {  	[sflag:s19] =	ssyncset.done $0x0  }
0x1d8: {  	[sflag:s19] =	ssyncadd.s32 $0xFFFFC000  }
0x1d9: {  	_ =	swait.ge [sflag:s19], $0x4000  }
0x1da: {  	s1 =	rddreg [dreg:$0x12];
	[sflag:s19] =	ssyncset.done $0x0  }
0x1db: {  	s2 =	rddreg [dreg:$0x13];
	[sflag:s19] =	ssyncadd.s32 $0xFFFFC000;
	s0 =	sadd.s32 $0x0, s1  }
0x1dc: {  	[hbm4b:s0+s20] =	stream.strided.scatter [tilespmem:s16], [sflag:$0x2], $0x4000, s21, s20, $0x38;
	[tilespmem:$0x1AAC8] =	vst v63  }
0x1dd: {  	s8 =	rddreg [dreg:$0x14];
	s1 =	sadd.s32 $0x0, s2  }
0x1de: {  	[hbm4b:s1+s20] =	stream.strided.scatter [tilespmem:s17], [sflag:$0x2], $0x4000, s21, s20, $0x38;
	[tilespmem:$0x1AAC8] =	vst v63  }
0x1df: {  	s2 =	sadd.s32 $0x0, s8  }
0x1e0: {  	[hbm4b:s2+s20] =	stream.strided.scatter [tilespmem:s18], [sflag:$0x2], $0x4000, s21, s20, $0x38;
	[tilespmem:$0x1AAC8] =	vst v63  }
0x1e1: {  	_ =	swait.ge [sflag:s26], $0x4000  }
0x1e2: {  	[sflag:s26] =	ssyncset.done $0x0  }
0x1e3: {  	[sflag:s26] =	ssyncadd.s32 $0xFFFFC000  }
0x1e4: {  	_ =	swait.ge [sflag:s26], $0x4000  }
0x1e5: {  	[sflag:s26] =	ssyncset.done $0x0  }
0x1e6: {  	[sflag:s26] =	ssyncadd.s32 $0xFFFFC000  }
0x1e7: {  	_ =	swait.ge [sflag:s26], $0x4000  }
0x1e8: {  	s8 =	sld [smem:$0x7F5]  }
0x1e9: {  	[sflag:s26] =	ssyncset.done $0x0  }
0x1ea: {  	s10 =	sld [smem:$0x7F6];
	[sflag:s26] =	ssyncadd.s32 $0xFFFFC000  }
0x1eb: {  	[tilespmem:s22], [sflag:$0x1] =	stream.indirect.gather [spmem:s3], $0x80, s8, s15, $0xb8;
	[tilespmem:$0x1AAC8] =	vst v63  }
0x1ec: {  	s2 =	sld [smem:$0x7F7]  }
0x1ed: {  	[tilespmem:s23], [sflag:$0x1] =	stream.indirect.gather [spmem:s5], $0x80, s10, s15, $0xb8;
	[tilespmem:$0x1AAC8] =	vst v63  }
0x1ee: {  	_ = 	snop  }
0x1ef: {  	[tilespmem:s24], [sflag:$0x1] =	stream.indirect.gather [spmem:s6], $0x80, s2, s15, $0xb8;
	[tilespmem:$0x1AAC8] =	vst v63  }
0x1f0: {  	_ =	swait.ge [sflag:s19], $0x4000  }
0x1f1: {  	[sflag:s19] =	ssyncset.done $0x0  }
0x1f2: {  	[sflag:s19] =	ssyncadd.s32 $0xFFFFC000  }
0x1f3: {  	_ =	swait.ge [sflag:s19], $0x4000  }
0x1f4: {  	[sflag:s19] =	ssyncset.done $0x0  }
0x1f5: {  	[sflag:s19] =	ssyncadd.s32 $0xFFFFC000  }
0x1f6: {  	_ =	swait.ge [sflag:s19], $0x4000  }
0x1f7: {  	s8 =	rddreg [dreg:$0xf];
	[sflag:s19] =	ssyncset.done $0x0  }
0x1f8: {  	s10 =	rddreg [dreg:$0x10];
	[sflag:s19] =	ssyncadd.s32 $0xFFFFC000;
	s0 =	sadd.s32 $0x0, s8  }
0x1f9: {  	[hbm4b:s0+s20] =	stream.strided.scatter [tilespmem:s22], [sflag:$0x3], $0x4000, s21, s20, $0x38;
	[tilespmem:$0x1AAC8] =	vst v63  }
0x1fa: {  	s2 =	rddreg [dreg:$0x11];
	s8 =	sadd.s32 $0x0, s10  }
0x1fb: {  	[hbm4b:s8+s20] =	stream.strided.scatter [tilespmem:s23], [sflag:$0x3], $0x4000, s21, s20, $0x38;
	[tilespmem:$0x1AAC8] =	vst v63  }
0x1fc: {  	s1 =	sadd.s32 $0x0, s2  }
0x1fd: {  	[hbm4b:s1+s20] =	stream.strided.scatter [tilespmem:s24], [sflag:$0x3], $0x4000, s21, s20, $0x38;
	[tilespmem:$0x1AAC8] =	vst v63  }
0x1fe: {  	_ =	swait.ge [sflag:s25], $0x4000  }
0x1ff: {  	[sflag:s25] =	ssyncset.done $0x0  }
0x200: {  	[sflag:s25] =	ssyncadd.s32 $0xFFFFC000  }
0x201: {  	_ =	swait.ge [sflag:s25], $0x4000  }
0x202: {  	[sflag:s25] =	ssyncset.done $0x0  }
0x203: {  	[sflag:s25] =	ssyncadd.s32 $0xFFFFC000  }
0x204: {  	_ =	swait.ge [sflag:s25], $0x4000  }
0x205: {  	s2 =	sld [smem:$0x7F8]  }
0x206: {  	[sflag:s25] =	ssyncset.done $0x0  }
0x207: {  	s8 =	sld [smem:$0x7F9];
	[sflag:s25] =	ssyncadd.s32 $0xFFFFC000  }
0x208: {  	[tilespmem:s16], [sflag:$0x1] =	stream.indirect.gather [spmem:s3], $0x80, s2, s15, $0xb8;
	[tilespmem:$0x1AAC8] =	vst v63  }
0x209: {  	s10 =	sld [smem:$0x7FA]  }
0x20a: {  	[tilespmem:s17], [sflag:$0x1] =	stream.indirect.gather [spmem:s5], $0x80, s8, s15, $0xb8;
	[tilespmem:$0x1AAC8] =	vst v63  }
0x20b: {  	_ = 	snop  }
0x20c: {  	[tilespmem:s18], [sflag:$0x1] =	stream.indirect.gather [spmem:s6], $0x80, s10, s15, $0xb8;
	[tilespmem:$0x1AAC8] =	vst v63  }
0x20d: {  	_ =	swait.ge [sflag:s19], $0x4000  }
0x20e: {  	[sflag:s19] =	ssyncset.done $0x0  }
0x20f: {  	[sflag:s19] =	ssyncadd.s32 $0xFFFFC000  }
0x210: {  	_ =	swait.ge [sflag:s19], $0x4000  }
0x211: {  	[sflag:s19] =	ssyncset.done $0x0  }
0x212: {  	[sflag:s19] =	ssyncadd.s32 $0xFFFFC000  }
0x213: {  	_ =	swait.ge [sflag:s19], $0x4000  }
0x214: {  	s1 =	rddreg [dreg:$0xc];
	[sflag:s19] =	ssyncset.done $0x0  }
0x215: {  	s2 =	rddreg [dreg:$0xd];
	[sflag:s19] =	ssyncadd.s32 $0xFFFFC000;
	s0 =	sadd.s32 $0x0, s1  }
0x216: {  	[hbm4b:s0+s20] =	stream.strided.scatter [tilespmem:s16], [sflag:$0x2], $0x4000, s21, s20, $0x38;
	[tilespmem:$0x1AAC8] =	vst v63  }
0x217: {  	s8 =	rddreg [dreg:$0xe];
	s1 =	sadd.s32 $0x0, s2  }
0x218: {  	[hbm4b:s1+s20] =	stream.strided.scatter [tilespmem:s17], [sflag:$0x2], $0x4000, s21, s20, $0x38;
	[tilespmem:$0x1AAC8] =	vst v63  }
0x219: {  	s2 =	sadd.s32 $0x0, s8  }
0x21a: {  	[hbm4b:s2+s20] =	stream.strided.scatter [tilespmem:s18], [sflag:$0x2], $0x4000, s21, s20, $0x38;
	[tilespmem:$0x1AAC8] =	vst v63  }
0x21b: {  	_ =	swait.ge [sflag:s26], $0x4000  }
0x21c: {  	[sflag:s26] =	ssyncset.done $0x0  }
0x21d: {  	[sflag:s26] =	ssyncadd.s32 $0xFFFFC000  }
0x21e: {  	_ =	swait.ge [sflag:s26], $0x4000  }
0x21f: {  	[sflag:s26] =	ssyncset.done $0x0  }
0x220: {  	[sflag:s26] =	ssyncadd.s32 $0xFFFFC000  }
0x221: {  	_ =	swait.ge [sflag:s26], $0x4000  }
0x222: {  	s8 =	sld [smem:$0x7FB]  }
0x223: {  	[sflag:s26] =	ssyncset.done $0x0  }
0x224: {  	s10 =	sld [smem:$0x7FC];
	[sflag:s26] =	ssyncadd.s32 $0xFFFFC000  }
0x225: {  	[tilespmem:s22], [sflag:$0x1] =	stream.indirect.gather [spmem:s3], $0x80, s8, s15, $0xb8;
	[tilespmem:$0x1AAC8] =	vst v63  }
0x226: {  	s2 =	sld [smem:$0x7FD]  }
0x227: {  	[tilespmem:s23], [sflag:$0x1] =	stream.indirect.gather [spmem:s5], $0x80, s10, s15, $0xb8;
	[tilespmem:$0x1AAC8] =	vst v63  }
0x228: {  	_ = 	snop  }
0x229: {  	[tilespmem:s24], [sflag:$0x1] =	stream.indirect.gather [spmem:s6], $0x80, s2, s15, $0xb8;
	[tilespmem:$0x1AAC8] =	vst v63  }
0x22a: {  	_ =	swait.ge [sflag:s19], $0x4000  }
0x22b: {  	[sflag:s19] =	ssyncset.done $0x0  }
0x22c: {  	[sflag:s19] =	ssyncadd.s32 $0xFFFFC000  }
0x22d: {  	_ =	swait.ge [sflag:s19], $0x4000  }
0x22e: {  	[sflag:s19] =	ssyncset.done $0x0  }
0x22f: {  	[sflag:s19] =	ssyncadd.s32 $0xFFFFC000  }
0x230: {  	_ =	swait.ge [sflag:s19], $0x4000  }
0x231: {  	s8 =	rddreg [dreg:$0x9];
	[sflag:s19] =	ssyncset.done $0x0  }
0x232: {  	s10 =	rddreg [dreg:$0xa];
	[sflag:s19] =	ssyncadd.s32 $0xFFFFC000;
	s0 =	sadd.s32 $0x0, s8  }
0x233: {  	[hbm4b:s0+s20] =	stream.strided.scatter [tilespmem:s22], [sflag:$0x3], $0x4000, s21, s20, $0x38;
	[tilespmem:$0x1AAC8] =	vst v63  }
0x234: {  	s2 =	rddreg [dreg:$0xb];
	s8 =	sadd.s32 $0x0, s10  }
0x235: {  	[hbm4b:s8+s20] =	stream.strided.scatter [tilespmem:s23], [sflag:$0x3], $0x4000, s21, s20, $0x38;
	[tilespmem:$0x1AAC8] =	vst v63  }
0x236: {  	s10 =	sadd.s32 $0x0, s2  }
0x237: {  	[hbm4b:s10+s20] =	stream.strided.scatter [tilespmem:s24], [sflag:$0x3], $0x4000, s21, s20, $0x38;
	[tilespmem:$0x1AAC8] =	vst v63  }
0x238: {  	_ =	swait.ge [sflag:s25], $0x4000  }
0x239: {  	[sflag:s25] =	ssyncset.done $0x0  }
0x23a: {  	[sflag:s25] =	ssyncadd.s32 $0xFFFFC000  }
0x23b: {  	_ =	swait.ge [sflag:s25], $0x4000  }
0x23c: {  	[sflag:s25] =	ssyncset.done $0x0  }
0x23d: {  	[sflag:s25] =	ssyncadd.s32 $0xFFFFC000  }
0x23e: {  	_ =	swait.ge [sflag:s25], $0x4000  }
0x23f: {  	[sflag:s25] =	ssyncset.done $0x0  }
0x240: {  	[sflag:s25] =	ssyncadd.s32 $0xFFFFC000  }
0x241: {  	_ =	swait.ge [sflag:s26], $0x4000  }
0x242: {  	[sflag:s26] =	ssyncset.done $0x0  }
0x243: {  	[sflag:s26] =	ssyncadd.s32 $0xFFFFC000  }
0x244: {  	_ =	swait.ge [sflag:s26], $0x4000  }
0x245: {  	[sflag:s26] =	ssyncset.done $0x0  }
0x246: {  	[sflag:s26] =	ssyncadd.s32 $0xFFFFC000  }
0x247: {  	s29 =	simm.s32 $0x18000;
	s30 =	sadd.s32 $0x100, s11;
	_ =	swait.ge [sflag:s26], $0x4000  }
0x248: {  	s31 =	smov.u32 s9;
	s10 =	smov.u32 s4;
	[sflag:s26] =	ssyncset.done $0x0  }
.LBB2_2:
0x249: {  	[sflag:s26] =	ssyncadd.s32 $0xFFFFC000  }
0x24a: {  	[tilespmem:s7], [sflag:$0x4] =	stream.linear.gather [hbm4b:s30+s7], $0x800, $0x38;
	[tilespmem:$0x1AAC8] =	vst v63  }
0x24b: {  	_ =	swait.ge [sflag:s12], $0x800  }
0x24c: {  	[sflag:s12] =	ssyncset.done $0x0  }
0x24d: {  	s10 =	sadd.s32 $0x100, s10;
	[sflag:s12] =	ssyncadd.s32 $0xFFFFF800  }
0x24e: {  	[tilespmem:s13], [sflag:$0x4] =	stream.linear.gather [hbm4b:s10+s7], $0x800, $0x38;
	[tilespmem:$0x1AAC8] =	vst v63  }
0x24f: {  	_ =	swait.ge [sflag:s12], $0x800  }
0x250: {  	[sflag:s12] =	ssyncset.done $0x0  }
0x251: {  	s31 =	sadd.s32 $0x100, s31;
	[sflag:s12] =	ssyncadd.s32 $0xFFFFF800  }
0x252: {  	[tilespmem:s14], [sflag:$0x4] =	stream.linear.gather [hbm4b:s31+s7], $0x800, $0x38;
	[tilespmem:$0x1AAC8] =	vst v63  }
0x253: {  	_ =	swait.ge [sflag:s12], $0x800  }
0x254: {  	[sflag:s12] =	ssyncset.done $0x0  }
0x255: {  	[sflag:s12] =	ssyncadd.s32 $0xFFFFF800  }
0x256: {  	[tilespmem:s16], [sflag:$0x1] =	stream.indirect.gather [spmem:s3], $0x80, s7, s15, $0xb8;
	[tilespmem:$0x1AAC8] =	vst v63  }
0x257: {  	_ = 	snop  }
0x258: {  	[tilespmem:s17], [sflag:$0x1] =	stream.indirect.gather [spmem:s5], $0x80, s13, s15, $0xb8;
	[tilespmem:$0x1AAC8] =	vst v63  }
0x259: {  	_ = 	snop  }
0x25a: {  	[tilespmem:s18], [sflag:$0x1] =	stream.indirect.gather [spmem:s6], $0x80, s14, s15, $0xb8;
	[tilespmem:$0x1AAC8] =	vst v63  }
0x25b: {  	_ =	swait.ge [sflag:s19], $0x4000  }
0x25c: {  	[sflag:s19] =	ssyncset.done $0x0  }
0x25d: {  	[sflag:s19] =	ssyncadd.s32 $0xFFFFC000  }
0x25e: {  	_ =	swait.ge [sflag:s19], $0x4000  }
0x25f: {  	[sflag:s19] =	ssyncset.done $0x0  }
0x260: {  	[sflag:s19] =	ssyncadd.s32 $0xFFFFC000  }
0x261: {  	_ =	swait.ge [sflag:s19], $0x4000  }
0x262: {  	s1 =	sld [smem:$0x7D2];
	_ =	sdelay $0x1  }
0x263: {  	s0 =	smov.u32 s29;
	[sflag:s19] =	ssyncset.done $0x0  }
0x264: {  	[sflag:s19] =	ssyncadd.s32 $0xFFFFC000;
	s1 =	sadd.s32 s0, s1  }
0x265: {  	[hbm4b:s1+s20] =	stream.strided.scatter [tilespmem:s16], [sflag:$0x2], $0x4000, s21, s20, $0x38;
	[tilespmem:$0x1AAC8] =	vst v63  }
0x266: {  	s2 =	sadd.s32 $0x80, s1  }
0x267: {  	[hbm4b:s2+s20] =	stream.strided.scatter [tilespmem:s17], [sflag:$0x2], $0x4000, s21, s20, $0x38;
	[tilespmem:$0x1AAC8] =	vst v63  }
0x268: {  	s8 =	sadd.s32 $0x100, s1  }
0x269: {  	[hbm4b:s8+s20] =	stream.strided.scatter [tilespmem:s18], [sflag:$0x2], $0x4000, s21, s20, $0x38;
	[tilespmem:$0x1AAC8] =	vst v63  }
0x26a: {  	s2 =	sld [smem:$0x7D3]  }
0x26b: {  	[tilespmem:s22], [sflag:$0x1] =	stream.indirect.gather [spmem:s3], $0x80, s15, s15, $0xb8;
	[tilespmem:$0x1AAC8] =	vst v63  }
0x26c: {  	s8 =	sld [smem:$0x7D4]  }
0x26d: {  	[tilespmem:s23], [sflag:$0x1] =	stream.indirect.gather [spmem:s5], $0x80, s2, s15, $0xb8;
	[tilespmem:$0x1AAC8] =	vst v63  }
0x26e: {  	_ = 	snop  }
0x26f: {  	[tilespmem:s24], [sflag:$0x1] =	stream.indirect.gather [spmem:s6], $0x80, s8, s15, $0xb8;
	[tilespmem:$0x1AAC8] =	vst v63  }
0x270: {  	_ =	swait.ge [sflag:s19], $0x4000  }
0x271: {  	[sflag:s19] =	ssyncset.done $0x0  }
0x272: {  	[sflag:s19] =	ssyncadd.s32 $0xFFFFC000  }
0x273: {  	_ =	swait.ge [sflag:s19], $0x4000  }
0x274: {  	[sflag:s19] =	ssyncset.done $0x0  }
0x275: {  	[sflag:s19] =	ssyncadd.s32 $0xFFFFC000  }
0x276: {  	_ =	swait.ge [sflag:s19], $0x4000  }
0x277: {  	[sflag:s19] =	ssyncset.done $0x0  }
0x278: {  	s8 =	sadd.s32 $0x1800, s1;
	[sflag:s19] =	ssyncadd.s32 $0xFFFFC000  }
0x279: {  	[hbm4b:s8+s20] =	stream.strided.scatter [tilespmem:s22], [sflag:$0x3], $0x4000, s21, s20, $0x38;
	[tilespmem:$0x1AAC8] =	vst v63  }
0x27a: {  	s8 =	sadd.s32 $0x1880, s1  }
0x27b: {  	[hbm4b:s8+s20] =	stream.strided.scatter [tilespmem:s23], [sflag:$0x3], $0x4000, s21, s20, $0x38;
	[tilespmem:$0x1AAC8] =	vst v63  }
0x27c: {  	s8 =	sadd.s32 $0x1900, s1  }
0x27d: {  	[hbm4b:s8+s20] =	stream.strided.scatter [tilespmem:s24], [sflag:$0x3], $0x4000, s21, s20, $0x38;
	[tilespmem:$0x1AAC8] =	vst v63  }
0x27e: {  	_ =	swait.ge [sflag:s25], $0x4000  }
0x27f: {  	[sflag:s25] =	ssyncset.done $0x0  }
0x280: {  	[sflag:s25] =	ssyncadd.s32 $0xFFFFC000  }
0x281: {  	_ =	swait.ge [sflag:s25], $0x4000  }
0x282: {  	[sflag:s25] =	ssyncset.done $0x0  }
0x283: {  	[sflag:s25] =	ssyncadd.s32 $0xFFFFC000  }
0x284: {  	_ =	swait.ge [sflag:s25], $0x4000  }
0x285: {  	s2 =	sld [smem:$0x7D5]  }
0x286: {  	[sflag:s25] =	ssyncset.done $0x0  }
0x287: {  	s8 =	sld [smem:$0x7D6];
	[sflag:s25] =	ssyncadd.s32 $0xFFFFC000  }
0x288: {  	[tilespmem:s16], [sflag:$0x1] =	stream.indirect.gather [spmem:s3], $0x80, s2, s15, $0xb8;
	[tilespmem:$0x1AAC8] =	vst v63  }
0x289: {  	s2 =	sld [smem:$0x7D7]  }
0x28a: {  	[tilespmem:s17], [sflag:$0x1] =	stream.indirect.gather [spmem:s5], $0x80, s8, s15, $0xb8;
	[tilespmem:$0x1AAC8] =	vst v63  }
0x28b: {  	_ = 	snop  }
0x28c: {  	[tilespmem:s18], [sflag:$0x1] =	stream.indirect.gather [spmem:s6], $0x80, s2, s15, $0xb8;
	[tilespmem:$0x1AAC8] =	vst v63  }
0x28d: {  	_ =	swait.ge [sflag:s19], $0x4000  }
0x28e: {  	[sflag:s19] =	ssyncset.done $0x0  }
0x28f: {  	[sflag:s19] =	ssyncadd.s32 $0xFFFFC000  }
0x290: {  	_ =	swait.ge [sflag:s19], $0x4000  }
0x291: {  	[sflag:s19] =	ssyncset.done $0x0  }
0x292: {  	[sflag:s19] =	ssyncadd.s32 $0xFFFFC000  }
0x293: {  	_ =	swait.ge [sflag:s19], $0x4000  }
0x294: {  	[sflag:s19] =	ssyncset.done $0x0  }
0x295: {  	s8 =	sadd.s32 $0x3000, s1;
	[sflag:s19] =	ssyncadd.s32 $0xFFFFC000  }
0x296: {  	[hbm4b:s8+s20] =	stream.strided.scatter [tilespmem:s16], [sflag:$0x2], $0x4000, s21, s20, $0x38;
	[tilespmem:$0x1AAC8] =	vst v63  }
0x297: {  	s8 =	sadd.s32 $0x3080, s1  }
0x298: {  	[hbm4b:s8+s20] =	stream.strided.scatter [tilespmem:s17], [sflag:$0x2], $0x4000, s21, s20, $0x38;
	[tilespmem:$0x1AAC8] =	vst v63  }
0x299: {  	s8 =	sadd.s32 $0x3100, s1  }
0x29a: {  	[hbm4b:s8+s20] =	stream.strided.scatter [tilespmem:s18], [sflag:$0x2], $0x4000, s21, s20, $0x38;
	[tilespmem:$0x1AAC8] =	vst v63  }
0x29b: {  	_ =	swait.ge [sflag:s26], $0x4000  }
0x29c: {  	[sflag:s26] =	ssyncset.done $0x0  }
0x29d: {  	[sflag:s26] =	ssyncadd.s32 $0xFFFFC000  }
0x29e: {  	_ =	swait.ge [sflag:s26], $0x4000  }
0x29f: {  	[sflag:s26] =	ssyncset.done $0x0  }
0x2a0: {  	[sflag:s26] =	ssyncadd.s32 $0xFFFFC000  }
0x2a1: {  	_ =	swait.ge [sflag:s26], $0x4000  }
0x2a2: {  	s2 =	sld [smem:$0x7D8]  }
0x2a3: {  	[sflag:s26] =	ssyncset.done $0x0  }
0x2a4: {  	s8 =	sld [smem:$0x7D9];
	[sflag:s26] =	ssyncadd.s32 $0xFFFFC000  }
0x2a5: {  	[tilespmem:s22], [sflag:$0x1] =	stream.indirect.gather [spmem:s3], $0x80, s2, s15, $0xb8;
	[tilespmem:$0x1AAC8] =	vst v63  }
0x2a6: {  	s2 =	sld [smem:$0x7DA]  }
0x2a7: {  	[tilespmem:s23], [sflag:$0x1] =	stream.indirect.gather [spmem:s5], $0x80, s8, s15, $0xb8;
	[tilespmem:$0x1AAC8] =	vst v63  }
0x2a8: {  	_ = 	snop  }
0x2a9: {  	[tilespmem:s24], [sflag:$0x1] =	stream.indirect.gather [spmem:s6], $0x80, s2, s15, $0xb8;
	[tilespmem:$0x1AAC8] =	vst v63  }
0x2aa: {  	_ =	swait.ge [sflag:s19], $0x4000  }
0x2ab: {  	[sflag:s19] =	ssyncset.done $0x0  }
0x2ac: {  	[sflag:s19] =	ssyncadd.s32 $0xFFFFC000  }
0x2ad: {  	_ =	swait.ge [sflag:s19], $0x4000  }
0x2ae: {  	[sflag:s19] =	ssyncset.done $0x0  }
0x2af: {  	[sflag:s19] =	ssyncadd.s32 $0xFFFFC000  }
0x2b0: {  	_ =	swait.ge [sflag:s19], $0x4000  }
0x2b1: {  	[sflag:s19] =	ssyncset.done $0x0  }
0x2b2: {  	s8 =	sadd.s32 $0x4800, s1;
	[sflag:s19] =	ssyncadd.s32 $0xFFFFC000  }
0x2b3: {  	[hbm4b:s8+s20] =	stream.strided.scatter [tilespmem:s22], [sflag:$0x3], $0x4000, s21, s20, $0x38;
	[tilespmem:$0x1AAC8] =	vst v63  }
0x2b4: {  	s8 =	sadd.s32 $0x4880, s1  }
0x2b5: {  	[hbm4b:s8+s20] =	stream.strided.scatter [tilespmem:s23], [sflag:$0x3], $0x4000, s21, s20, $0x38;
	[tilespmem:$0x1AAC8] =	vst v63  }
0x2b6: {  	s8 =	sadd.s32 $0x4900, s1  }
0x2b7: {  	[hbm4b:s8+s20] =	stream.strided.scatter [tilespmem:s24], [sflag:$0x3], $0x4000, s21, s20, $0x38;
	[tilespmem:$0x1AAC8] =	vst v63  }
0x2b8: {  	_ =	swait.ge [sflag:s25], $0x4000  }
0x2b9: {  	[sflag:s25] =	ssyncset.done $0x0  }
0x2ba: {  	[sflag:s25] =	ssyncadd.s32 $0xFFFFC000  }
0x2bb: {  	_ =	swait.ge [sflag:s25], $0x4000  }
0x2bc: {  	[sflag:s25] =	ssyncset.done $0x0  }
0x2bd: {  	[sflag:s25] =	ssyncadd.s32 $0xFFFFC000  }
0x2be: {  	_ =	swait.ge [sflag:s25], $0x4000  }
0x2bf: {  	s2 =	sld [smem:$0x7DB]  }
0x2c0: {  	[sflag:s25] =	ssyncset.done $0x0  }
0x2c1: {  	s8 =	sld [smem:$0x7DC];
	[sflag:s25] =	ssyncadd.s32 $0xFFFFC000  }
0x2c2: {  	[tilespmem:s16], [sflag:$0x1] =	stream.indirect.gather [spmem:s3], $0x80, s2, s15, $0xb8;
	[tilespmem:$0x1AAC8] =	vst v63  }
0x2c3: {  	s2 =	sld [smem:$0x7DD]  }
0x2c4: {  	[tilespmem:s17], [sflag:$0x1] =	stream.indirect.gather [spmem:s5], $0x80, s8, s15, $0xb8;
	[tilespmem:$0x1AAC8] =	vst v63  }
0x2c5: {  	_ = 	snop  }
0x2c6: {  	[tilespmem:s18], [sflag:$0x1] =	stream.indirect.gather [spmem:s6], $0x80, s2, s15, $0xb8;
	[tilespmem:$0x1AAC8] =	vst v63  }
0x2c7: {  	_ =	swait.ge [sflag:s19], $0x4000  }
0x2c8: {  	[sflag:s19] =	ssyncset.done $0x0  }
0x2c9: {  	[sflag:s19] =	ssyncadd.s32 $0xFFFFC000  }
0x2ca: {  	_ =	swait.ge [sflag:s19], $0x4000  }
0x2cb: {  	[sflag:s19] =	ssyncset.done $0x0  }
0x2cc: {  	[sflag:s19] =	ssyncadd.s32 $0xFFFFC000  }
0x2cd: {  	_ =	swait.ge [sflag:s19], $0x4000  }
0x2ce: {  	[sflag:s19] =	ssyncset.done $0x0  }
0x2cf: {  	s8 =	sadd.s32 $0x6000, s1;
	[sflag:s19] =	ssyncadd.s32 $0xFFFFC000  }
0x2d0: {  	[hbm4b:s8+s20] =	stream.strided.scatter [tilespmem:s16], [sflag:$0x2], $0x4000, s21, s20, $0x38;
	[tilespmem:$0x1AAC8] =	vst v63  }
0x2d1: {  	s8 =	sadd.s32 $0x6080, s1  }
0x2d2: {  	[hbm4b:s8+s20] =	stream.strided.scatter [tilespmem:s17], [sflag:$0x2], $0x4000, s21, s20, $0x38;
	[tilespmem:$0x1AAC8] =	vst v63  }
0x2d3: {  	s8 =	sadd.s32 $0x6100, s1  }
0x2d4: {  	[hbm4b:s8+s20] =	stream.strided.scatter [tilespmem:s18], [sflag:$0x2], $0x4000, s21, s20, $0x38;
	[tilespmem:$0x1AAC8] =	vst v63  }
0x2d5: {  	_ =	swait.ge [sflag:s26], $0x4000  }
0x2d6: {  	[sflag:s26] =	ssyncset.done $0x0  }
0x2d7: {  	[sflag:s26] =	ssyncadd.s32 $0xFFFFC000  }
0x2d8: {  	_ =	swait.ge [sflag:s26], $0x4000  }
0x2d9: {  	[sflag:s26] =	ssyncset.done $0x0  }
0x2da: {  	[sflag:s26] =	ssyncadd.s32 $0xFFFFC000  }
0x2db: {  	_ =	swait.ge [sflag:s26], $0x4000  }
0x2dc: {  	s2 =	sld [smem:$0x7DE]  }
0x2dd: {  	[sflag:s26] =	ssyncset.done $0x0  }
0x2de: {  	s8 =	sld [smem:$0x7DF];
	[sflag:s26] =	ssyncadd.s32 $0xFFFFC000  }
0x2df: {  	[tilespmem:s22], [sflag:$0x1] =	stream.indirect.gather [spmem:s3], $0x80, s2, s15, $0xb8;
	[tilespmem:$0x1AAC8] =	vst v63  }
0x2e0: {  	s2 =	sld [smem:$0x7E0]  }
0x2e1: {  	[tilespmem:s23], [sflag:$0x1] =	stream.indirect.gather [spmem:s5], $0x80, s8, s15, $0xb8;
	[tilespmem:$0x1AAC8] =	vst v63  }
0x2e2: {  	_ = 	snop  }
0x2e3: {  	[tilespmem:s24], [sflag:$0x1] =	stream.indirect.gather [spmem:s6], $0x80, s2, s15, $0xb8;
	[tilespmem:$0x1AAC8] =	vst v63  }
0x2e4: {  	_ =	swait.ge [sflag:s19], $0x4000  }
0x2e5: {  	[sflag:s19] =	ssyncset.done $0x0  }
0x2e6: {  	[sflag:s19] =	ssyncadd.s32 $0xFFFFC000  }
0x2e7: {  	_ =	swait.ge [sflag:s19], $0x4000  }
0x2e8: {  	[sflag:s19] =	ssyncset.done $0x0  }
0x2e9: {  	[sflag:s19] =	ssyncadd.s32 $0xFFFFC000  }
0x2ea: {  	_ =	swait.ge [sflag:s19], $0x4000  }
0x2eb: {  	[sflag:s19] =	ssyncset.done $0x0  }
0x2ec: {  	s8 =	sadd.s32 $0x7800, s1;
	[sflag:s19] =	ssyncadd.s32 $0xFFFFC000  }
0x2ed: {  	[hbm4b:s8+s20] =	stream.strided.scatter [tilespmem:s22], [sflag:$0x3], $0x4000, s21, s20, $0x38;
	[tilespmem:$0x1AAC8] =	vst v63  }
0x2ee: {  	s8 =	sadd.s32 $0x7880, s1  }
0x2ef: {  	[hbm4b:s8+s20] =	stream.strided.scatter [tilespmem:s23], [sflag:$0x3], $0x4000, s21, s20, $0x38;
	[tilespmem:$0x1AAC8] =	vst v63  }
0x2f0: {  	s1 =	sadd.s32 $0x7900, s1  }
0x2f1: {  	[hbm4b:s1+s20] =	stream.strided.scatter [tilespmem:s24], [sflag:$0x3], $0x4000, s21, s20, $0x38;
	[tilespmem:$0x1AAC8] =	vst v63  }
0x2f2: {  	_ =	swait.ge [sflag:s25], $0x4000  }
0x2f3: {  	[sflag:s25] =	ssyncset.done $0x0  }
0x2f4: {  	[sflag:s25] =	ssyncadd.s32 $0xFFFFC000  }
0x2f5: {  	_ =	swait.ge [sflag:s25], $0x4000  }
0x2f6: {  	[sflag:s25] =	ssyncset.done $0x0  }
0x2f7: {  	[sflag:s25] =	ssyncadd.s32 $0xFFFFC000  }
0x2f8: {  	_ =	swait.ge [sflag:s25], $0x4000  }
0x2f9: {  	s8 =	sld [smem:$0x7E1]  }
0x2fa: {  	[sflag:s25] =	ssyncset.done $0x0  }
0x2fb: {  	s2 =	sld [smem:$0x7E2];
	[sflag:s25] =	ssyncadd.s32 $0xFFFFC000  }
0x2fc: {  	[tilespmem:s16], [sflag:$0x1] =	stream.indirect.gather [spmem:s3], $0x80, s8, s15, $0xb8;
	[tilespmem:$0x1AAC8] =	vst v63  }
0x2fd: {  	s8 =	sld [smem:$0x7E3]  }
0x2fe: {  	[tilespmem:s17], [sflag:$0x1] =	stream.indirect.gather [spmem:s5], $0x80, s2, s15, $0xb8;
	[tilespmem:$0x1AAC8] =	vst v63  }
0x2ff: {  	_ = 	snop  }
0x300: {  	[tilespmem:s18], [sflag:$0x1] =	stream.indirect.gather [spmem:s6], $0x80, s8, s15, $0xb8;
	[tilespmem:$0x1AAC8] =	vst v63  }
0x301: {  	_ =	swait.ge [sflag:s19], $0x4000  }
0x302: {  	[sflag:s19] =	ssyncset.done $0x0  }
0x303: {  	[sflag:s19] =	ssyncadd.s32 $0xFFFFC000  }
0x304: {  	_ =	swait.ge [sflag:s19], $0x4000  }
0x305: {  	[sflag:s19] =	ssyncset.done $0x0  }
0x306: {  	[sflag:s19] =	ssyncadd.s32 $0xFFFFC000  }
0x307: {  	_ =	swait.ge [sflag:s19], $0x4000  }
0x308: {  	s8 =	sld [smem:$0x7CF];
	_ =	sdelay $0x1  }
0x309: {  	[sflag:s19] =	ssyncset.done $0x0;
	s2 =	sld [smem:$0x7D0]  }
0x30a: {  	[sflag:s19] =	ssyncadd.s32 $0xFFFFC000;
	s1 =	sadd.s32 s0, s8;
	s8 =	sld [smem:$0x7D1]  }
0x30b: {  	[hbm4b:s1+s20] =	stream.strided.scatter [tilespmem:s16], [sflag:$0x2], $0x4000, s21, s20, $0x38;
	[tilespmem:$0x1AAC8] =	vst v63  }
0x30c: {  	s2 =	sadd.s32 s0, s2  }
0x30d: {  	[hbm4b:s2+s20] =	stream.strided.scatter [tilespmem:s17], [sflag:$0x2], $0x4000, s21, s20, $0x38;
	[tilespmem:$0x1AAC8] =	vst v63  }
0x30e: {  	s2 =	sadd.s32 s0, s8  }
0x30f: {  	[hbm4b:s2+s20] =	stream.strided.scatter [tilespmem:s18], [sflag:$0x2], $0x4000, s21, s20, $0x38;
	[tilespmem:$0x1AAC8] =	vst v63  }
0x310: {  	_ =	swait.ge [sflag:s26], $0x4000  }
0x311: {  	[sflag:s26] =	ssyncset.done $0x0  }
0x312: {  	[sflag:s26] =	ssyncadd.s32 $0xFFFFC000  }
0x313: {  	_ =	swait.ge [sflag:s26], $0x4000  }
0x314: {  	[sflag:s26] =	ssyncset.done $0x0  }
0x315: {  	[sflag:s26] =	ssyncadd.s32 $0xFFFFC000  }
0x316: {  	_ =	swait.ge [sflag:s26], $0x4000  }
0x317: {  	s8 =	sld [smem:$0x7E4]  }
0x318: {  	[sflag:s26] =	ssyncset.done $0x0  }
0x319: {  	s2 =	sld [smem:$0x7E5];
	[sflag:s26] =	ssyncadd.s32 $0xFFFFC000  }
0x31a: {  	[tilespmem:s22], [sflag:$0x1] =	stream.indirect.gather [spmem:s3], $0x80, s8, s15, $0xb8;
	[tilespmem:$0x1AAC8] =	vst v63  }
0x31b: {  	s8 =	sld [smem:$0x7E6]  }
0x31c: {  	[tilespmem:s23], [sflag:$0x1] =	stream.indirect.gather [spmem:s5], $0x80, s2, s15, $0xb8;
	[tilespmem:$0x1AAC8] =	vst v63  }
0x31d: {  	_ = 	snop  }
0x31e: {  	[tilespmem:s24], [sflag:$0x1] =	stream.indirect.gather [spmem:s6], $0x80, s8, s15, $0xb8;
	[tilespmem:$0x1AAC8] =	vst v63  }
0x31f: {  	_ =	swait.ge [sflag:s19], $0x4000  }
0x320: {  	[sflag:s19] =	ssyncset.done $0x0  }
0x321: {  	[sflag:s19] =	ssyncadd.s32 $0xFFFFC000  }
0x322: {  	_ =	swait.ge [sflag:s19], $0x4000  }
0x323: {  	[sflag:s19] =	ssyncset.done $0x0  }
0x324: {  	[sflag:s19] =	ssyncadd.s32 $0xFFFFC000  }
0x325: {  	_ =	swait.ge [sflag:s19], $0x4000  }
0x326: {  	s8 =	sld [smem:$0x7CC];
	_ =	sdelay $0x1  }
0x327: {  	[sflag:s19] =	ssyncset.done $0x0;
	s2 =	sld [smem:$0x7CD]  }
0x328: {  	[sflag:s19] =	ssyncadd.s32 $0xFFFFC000;
	s1 =	sadd.s32 s0, s8;
	s8 =	sld [smem:$0x7CE]  }
0x329: {  	[hbm4b:s1+s20] =	stream.strided.scatter [tilespmem:s22], [sflag:$0x3], $0x4000, s21, s20, $0x38;
	[tilespmem:$0x1AAC8] =	vst v63  }
0x32a: {  	s2 =	sadd.s32 s0, s2  }
0x32b: {  	[hbm4b:s2+s20] =	stream.strided.scatter [tilespmem:s23], [sflag:$0x3], $0x4000, s21, s20, $0x38;
	[tilespmem:$0x1AAC8] =	vst v63  }
0x32c: {  	s8 =	sadd.s32 s0, s8  }
0x32d: {  	[hbm4b:s8+s20] =	stream.strided.scatter [tilespmem:s24], [sflag:$0x3], $0x4000, s21, s20, $0x38;
	[tilespmem:$0x1AAC8] =	vst v63  }
0x32e: {  	_ =	swait.ge [sflag:s25], $0x4000  }
0x32f: {  	[sflag:s25] =	ssyncset.done $0x0  }
0x330: {  	[sflag:s25] =	ssyncadd.s32 $0xFFFFC000  }
0x331: {  	_ =	swait.ge [sflag:s25], $0x4000  }
0x332: {  	[sflag:s25] =	ssyncset.done $0x0  }
0x333: {  	[sflag:s25] =	ssyncadd.s32 $0xFFFFC000  }
0x334: {  	_ =	swait.ge [sflag:s25], $0x4000  }
0x335: {  	[sflag:s25] =	ssyncset.done $0x0  }
0x336: {  	[sflag:s25] =	ssyncadd.s32 $0xFFFFC000  }
0x337: {  	[tilespmem:s16], [sflag:$0x1] =	stream.indirect.gather [spmem:s3], $0x80, s20, s15, $0xb8;
	[tilespmem:$0x1AAC8] =	vst v63  }
0x338: {  	s2 =	sld [smem:$0x7E7]  }
0x339: {  	[tilespmem:s17], [sflag:$0x1] =	stream.indirect.gather [spmem:s5], $0x80, s21, s15, $0xb8;
	[tilespmem:$0x1AAC8] =	vst v63  }
0x33a: {  	_ = 	snop  }
0x33b: {  	[tilespmem:s18], [sflag:$0x1] =	stream.indirect.gather [spmem:s6], $0x80, s2, s15, $0xb8;
	[tilespmem:$0x1AAC8] =	vst v63  }
0x33c: {  	_ =	swait.ge [sflag:s19], $0x4000  }
0x33d: {  	[sflag:s19] =	ssyncset.done $0x0  }
0x33e: {  	[sflag:s19] =	ssyncadd.s32 $0xFFFFC000  }
0x33f: {  	_ =	swait.ge [sflag:s19], $0x4000  }
0x340: {  	[sflag:s19] =	ssyncset.done $0x0  }
0x341: {  	[sflag:s19] =	ssyncadd.s32 $0xFFFFC000  }
0x342: {  	_ =	swait.ge [sflag:s19], $0x4000  }
0x343: {  	s8 =	rddreg [dreg:$0x1e]  }
0x344: {  	[sflag:s19] =	ssyncset.done $0x0;
	s2 =	rddreg [dreg:$0x1f]  }
0x345: {  	[sflag:s19] =	ssyncadd.s32 $0xFFFFC000;
	s1 =	sadd.s32 s0, s8;
	s8 =	sld [smem:$0x7CB]  }
0x346: {  	[hbm4b:s1+s20] =	stream.strided.scatter [tilespmem:s16], [sflag:$0x2], $0x4000, s21, s20, $0x38;
	[tilespmem:$0x1AAC8] =	vst v63  }
0x347: {  	s2 =	sadd.s32 s0, s2  }
0x348: {  	[hbm4b:s2+s20] =	stream.strided.scatter [tilespmem:s17], [sflag:$0x2], $0x4000, s21, s20, $0x38;
	[tilespmem:$0x1AAC8] =	vst v63  }
0x349: {  	s2 =	sadd.s32 s0, s8  }
0x34a: {  	[hbm4b:s2+s20] =	stream.strided.scatter [tilespmem:s18], [sflag:$0x2], $0x4000, s21, s20, $0x38;
	[tilespmem:$0x1AAC8] =	vst v63  }
0x34b: {  	_ =	swait.ge [sflag:s26], $0x4000  }
0x34c: {  	[sflag:s26] =	ssyncset.done $0x0  }
0x34d: {  	[sflag:s26] =	ssyncadd.s32 $0xFFFFC000  }
0x34e: {  	_ =	swait.ge [sflag:s26], $0x4000  }
0x34f: {  	[sflag:s26] =	ssyncset.done $0x0  }
0x350: {  	[sflag:s26] =	ssyncadd.s32 $0xFFFFC000  }
0x351: {  	_ =	swait.ge [sflag:s26], $0x4000  }
0x352: {  	s8 =	sld [smem:$0x7E8]  }
0x353: {  	[sflag:s26] =	ssyncset.done $0x0  }
0x354: {  	s2 =	sld [smem:$0x7E9];
	[sflag:s26] =	ssyncadd.s32 $0xFFFFC000  }
0x355: {  	[tilespmem:s22], [sflag:$0x1] =	stream.indirect.gather [spmem:s3], $0x80, s8, s15, $0xb8;
	[tilespmem:$0x1AAC8] =	vst v63  }
0x356: {  	s8 =	sld [smem:$0x7EA]  }
0x357: {  	[tilespmem:s23], [sflag:$0x1] =	stream.indirect.gather [spmem:s5], $0x80, s2, s15, $0xb8;
	[tilespmem:$0x1AAC8] =	vst v63  }
0x358: {  	_ = 	snop  }
0x359: {  	[tilespmem:s24], [sflag:$0x1] =	stream.indirect.gather [spmem:s6], $0x80, s8, s15, $0xb8;
	[tilespmem:$0x1AAC8] =	vst v63  }
0x35a: {  	_ =	swait.ge [sflag:s19], $0x4000  }
0x35b: {  	[sflag:s19] =	ssyncset.done $0x0  }
0x35c: {  	[sflag:s19] =	ssyncadd.s32 $0xFFFFC000  }
0x35d: {  	_ =	swait.ge [sflag:s19], $0x4000  }
0x35e: {  	[sflag:s19] =	ssyncset.done $0x0  }
0x35f: {  	[sflag:s19] =	ssyncadd.s32 $0xFFFFC000  }
0x360: {  	_ =	swait.ge [sflag:s19], $0x4000  }
0x361: {  	s8 =	rddreg [dreg:$0x1b];
	[sflag:s19] =	ssyncset.done $0x0  }
0x362: {  	s2 =	rddreg [dreg:$0x1c];
	[sflag:s19] =	ssyncadd.s32 $0xFFFFC000;
	s1 =	sadd.s32 s0, s8  }
0x363: {  	[hbm4b:s1+s20] =	stream.strided.scatter [tilespmem:s22], [sflag:$0x3], $0x4000, s21, s20, $0x38;
	[tilespmem:$0x1AAC8] =	vst v63  }
0x364: {  	s8 =	rddreg [dreg:$0x1d];
	s2 =	sadd.s32 s0, s2  }
0x365: {  	[hbm4b:s2+s20] =	stream.strided.scatter [tilespmem:s23], [sflag:$0x3], $0x4000, s21, s20, $0x38;
	[tilespmem:$0x1AAC8] =	vst v63  }
0x366: {  	s2 =	sadd.s32 s0, s8  }
0x367: {  	[hbm4b:s2+s20] =	stream.strided.scatter [tilespmem:s24], [sflag:$0x3], $0x4000, s21, s20, $0x38;
	[tilespmem:$0x1AAC8] =	vst v63  }
0x368: {  	_ =	swait.ge [sflag:s25], $0x4000  }
0x369: {  	[sflag:s25] =	ssyncset.done $0x0  }
0x36a: {  	[sflag:s25] =	ssyncadd.s32 $0xFFFFC000  }
0x36b: {  	_ =	swait.ge [sflag:s25], $0x4000  }
0x36c: {  	[sflag:s25] =	ssyncset.done $0x0  }
0x36d: {  	[sflag:s25] =	ssyncadd.s32 $0xFFFFC000  }
0x36e: {  	_ =	swait.ge [sflag:s25], $0x4000  }
0x36f: {  	s8 =	sld [smem:$0x7EC]  }
0x370: {  	[sflag:s25] =	ssyncset.done $0x0  }
0x371: {  	s2 =	sld [smem:$0x7ED];
	[sflag:s25] =	ssyncadd.s32 $0xFFFFC000  }
0x372: {  	[tilespmem:s16], [sflag:$0x1] =	stream.indirect.gather [spmem:s3], $0x80, s8, s15, $0xb8;
	[tilespmem:$0x1AAC8] =	vst v63  }
0x373: {  	s8 =	sld [smem:$0x7EE]  }
0x374: {  	[tilespmem:s17], [sflag:$0x1] =	stream.indirect.gather [spmem:s5], $0x80, s2, s15, $0xb8;
	[tilespmem:$0x1AAC8] =	vst v63  }
0x375: {  	_ = 	snop  }
0x376: {  	[tilespmem:s18], [sflag:$0x1] =	stream.indirect.gather [spmem:s6], $0x80, s8, s15, $0xb8;
	[tilespmem:$0x1AAC8] =	vst v63  }
0x377: {  	_ =	swait.ge [sflag:s19], $0x4000  }
0x378: {  	[sflag:s19] =	ssyncset.done $0x0  }
0x379: {  	[sflag:s19] =	ssyncadd.s32 $0xFFFFC000  }
0x37a: {  	_ =	swait.ge [sflag:s19], $0x4000  }
0x37b: {  	[sflag:s19] =	ssyncset.done $0x0  }
0x37c: {  	[sflag:s19] =	ssyncadd.s32 $0xFFFFC000  }
0x37d: {  	_ =	swait.ge [sflag:s19], $0x4000  }
0x37e: {  	s8 =	rddreg [dreg:$0x18];
	[sflag:s19] =	ssyncset.done $0x0  }
0x37f: {  	s2 =	rddreg [dreg:$0x19];
	[sflag:s19] =	ssyncadd.s32 $0xFFFFC000;
	s1 =	sadd.s32 s0, s8  }
0x380: {  	[hbm4b:s1+s20] =	stream.strided.scatter [tilespmem:s16], [sflag:$0x2], $0x4000, s21, s20, $0x38;
	[tilespmem:$0x1AAC8] =	vst v63  }
0x381: {  	s8 =	rddreg [dreg:$0x1a];
	s2 =	sadd.s32 s0, s2  }
0x382: {  	[hbm4b:s2+s20] =	stream.strided.scatter [tilespmem:s17], [sflag:$0x2], $0x4000, s21, s20, $0x38;
	[tilespmem:$0x1AAC8] =	vst v63  }
0x383: {  	s2 =	sadd.s32 s0, s8  }
0x384: {  	[hbm4b:s2+s20] =	stream.strided.scatter [tilespmem:s18], [sflag:$0x2], $0x4000, s21, s20, $0x38;
	[tilespmem:$0x1AAC8] =	vst v63  }
0x385: {  	_ =	swait.ge [sflag:s26], $0x4000  }
0x386: {  	[sflag:s26] =	ssyncset.done $0x0  }
0x387: {  	[sflag:s26] =	ssyncadd.s32 $0xFFFFC000  }
0x388: {  	_ =	swait.ge [sflag:s26], $0x4000  }
0x389: {  	[sflag:s26] =	ssyncset.done $0x0  }
0x38a: {  	[sflag:s26] =	ssyncadd.s32 $0xFFFFC000  }
0x38b: {  	_ =	swait.ge [sflag:s26], $0x4000  }
0x38c: {  	s8 =	sld [smem:$0x7EF]  }
0x38d: {  	[sflag:s26] =	ssyncset.done $0x0  }
0x38e: {  	s2 =	sld [smem:$0x7F0];
	[sflag:s26] =	ssyncadd.s32 $0xFFFFC000  }
0x38f: {  	[tilespmem:s22], [sflag:$0x1] =	stream.indirect.gather [spmem:s3], $0x80, s8, s15, $0xb8;
	[tilespmem:$0x1AAC8] =	vst v63  }
0x390: {  	s8 =	sld [smem:$0x7F1]  }
0x391: {  	[tilespmem:s23], [sflag:$0x1] =	stream.indirect.gather [spmem:s5], $0x80, s2, s15, $0xb8;
	[tilespmem:$0x1AAC8] =	vst v63  }
0x392: {  	_ = 	snop  }
0x393: {  	[tilespmem:s24], [sflag:$0x1] =	stream.indirect.gather [spmem:s6], $0x80, s8, s15, $0xb8;
	[tilespmem:$0x1AAC8] =	vst v63  }
0x394: {  	_ =	swait.ge [sflag:s19], $0x4000  }
0x395: {  	[sflag:s19] =	ssyncset.done $0x0  }
0x396: {  	[sflag:s19] =	ssyncadd.s32 $0xFFFFC000  }
0x397: {  	_ =	swait.ge [sflag:s19], $0x4000  }
0x398: {  	[sflag:s19] =	ssyncset.done $0x0  }
0x399: {  	[sflag:s19] =	ssyncadd.s32 $0xFFFFC000  }
0x39a: {  	_ =	swait.ge [sflag:s19], $0x4000  }
0x39b: {  	s8 =	rddreg [dreg:$0x15];
	[sflag:s19] =	ssyncset.done $0x0  }
0x39c: {  	s2 =	rddreg [dreg:$0x16];
	[sflag:s19] =	ssyncadd.s32 $0xFFFFC000;
	s1 =	sadd.s32 s0, s8  }
0x39d: {  	[hbm4b:s1+s20] =	stream.strided.scatter [tilespmem:s22], [sflag:$0x3], $0x4000, s21, s20, $0x38;
	[tilespmem:$0x1AAC8] =	vst v63  }
0x39e: {  	s8 =	rddreg [dreg:$0x17];
	s2 =	sadd.s32 s0, s2  }
0x39f: {  	[hbm4b:s2+s20] =	stream.strided.scatter [tilespmem:s23], [sflag:$0x3], $0x4000, s21, s20, $0x38;
	[tilespmem:$0x1AAC8] =	vst v63  }
0x3a0: {  	s2 =	sadd.s32 s0, s8  }
0x3a1: {  	[hbm4b:s2+s20] =	stream.strided.scatter [tilespmem:s24], [sflag:$0x3], $0x4000, s21, s20, $0x38;
	[tilespmem:$0x1AAC8] =	vst v63  }
0x3a2: {  	_ =	swait.ge [sflag:s25], $0x4000  }
0x3a3: {  	[sflag:s25] =	ssyncset.done $0x0  }
0x3a4: {  	[sflag:s25] =	ssyncadd.s32 $0xFFFFC000  }
0x3a5: {  	_ =	swait.ge [sflag:s25], $0x4000  }
0x3a6: {  	[sflag:s25] =	ssyncset.done $0x0  }
0x3a7: {  	[sflag:s25] =	ssyncadd.s32 $0xFFFFC000  }
0x3a8: {  	_ =	swait.ge [sflag:s25], $0x4000  }
0x3a9: {  	s8 =	sld [smem:$0x7F2]  }
0x3aa: {  	[sflag:s25] =	ssyncset.done $0x0  }
0x3ab: {  	s2 =	sld [smem:$0x7F3];
	[sflag:s25] =	ssyncadd.s32 $0xFFFFC000  }
0x3ac: {  	[tilespmem:s16], [sflag:$0x1] =	stream.indirect.gather [spmem:s3], $0x80, s8, s15, $0xb8;
	[tilespmem:$0x1AAC8] =	vst v63  }
0x3ad: {  	s8 =	sld [smem:$0x7F4]  }
0x3ae: {  	[tilespmem:s17], [sflag:$0x1] =	stream.indirect.gather [spmem:s5], $0x80, s2, s15, $0xb8;
	[tilespmem:$0x1AAC8] =	vst v63  }
0x3af: {  	_ = 	snop  }
0x3b0: {  	[tilespmem:s18], [sflag:$0x1] =	stream.indirect.gather [spmem:s6], $0x80, s8, s15, $0xb8;
	[tilespmem:$0x1AAC8] =	vst v63  }
0x3b1: {  	_ =	swait.ge [sflag:s19], $0x4000  }
0x3b2: {  	[sflag:s19] =	ssyncset.done $0x0  }
0x3b3: {  	[sflag:s19] =	ssyncadd.s32 $0xFFFFC000  }
0x3b4: {  	_ =	swait.ge [sflag:s19], $0x4000  }
0x3b5: {  	[sflag:s19] =	ssyncset.done $0x0  }
0x3b6: {  	[sflag:s19] =	ssyncadd.s32 $0xFFFFC000  }
0x3b7: {  	_ =	swait.ge [sflag:s19], $0x4000  }
0x3b8: {  	s8 =	rddreg [dreg:$0x12];
	[sflag:s19] =	ssyncset.done $0x0  }
0x3b9: {  	s2 =	rddreg [dreg:$0x13];
	[sflag:s19] =	ssyncadd.s32 $0xFFFFC000;
	s1 =	sadd.s32 s0, s8  }
0x3ba: {  	[hbm4b:s1+s20] =	stream.strided.scatter [tilespmem:s16], [sflag:$0x2], $0x4000, s21, s20, $0x38;
	[tilespmem:$0x1AAC8] =	vst v63  }
0x3bb: {  	s8 =	rddreg [dreg:$0x14];
	s2 =	sadd.s32 s0, s2  }
0x3bc: {  	[hbm4b:s2+s20] =	stream.strided.scatter [tilespmem:s17], [sflag:$0x2], $0x4000, s21, s20, $0x38;
	[tilespmem:$0x1AAC8] =	vst v63  }
0x3bd: {  	s2 =	sadd.s32 s0, s8  }
0x3be: {  	[hbm4b:s2+s20] =	stream.strided.scatter [tilespmem:s18], [sflag:$0x2], $0x4000, s21, s20, $0x38;
	[tilespmem:$0x1AAC8] =	vst v63  }
0x3bf: {  	_ =	swait.ge [sflag:s26], $0x4000  }
0x3c0: {  	[sflag:s26] =	ssyncset.done $0x0  }
0x3c1: {  	[sflag:s26] =	ssyncadd.s32 $0xFFFFC000  }
0x3c2: {  	_ =	swait.ge [sflag:s26], $0x4000  }
0x3c3: {  	[sflag:s26] =	ssyncset.done $0x0  }
0x3c4: {  	[sflag:s26] =	ssyncadd.s32 $0xFFFFC000  }
0x3c5: {  	_ =	swait.ge [sflag:s26], $0x4000  }
0x3c6: {  	s8 =	sld [smem:$0x7F5]  }
0x3c7: {  	[sflag:s26] =	ssyncset.done $0x0  }
0x3c8: {  	s2 =	sld [smem:$0x7F6];
	[sflag:s26] =	ssyncadd.s32 $0xFFFFC000  }
0x3c9: {  	[tilespmem:s22], [sflag:$0x1] =	stream.indirect.gather [spmem:s3], $0x80, s8, s15, $0xb8;
	[tilespmem:$0x1AAC8] =	vst v63  }
0x3ca: {  	s8 =	sld [smem:$0x7F7]  }
0x3cb: {  	[tilespmem:s23], [sflag:$0x1] =	stream.indirect.gather [spmem:s5], $0x80, s2, s15, $0xb8;
	[tilespmem:$0x1AAC8] =	vst v63  }
0x3cc: {  	_ = 	snop  }
0x3cd: {  	[tilespmem:s24], [sflag:$0x1] =	stream.indirect.gather [spmem:s6], $0x80, s8, s15, $0xb8;
	[tilespmem:$0x1AAC8] =	vst v63  }
0x3ce: {  	_ =	swait.ge [sflag:s19], $0x4000  }
0x3cf: {  	[sflag:s19] =	ssyncset.done $0x0  }
0x3d0: {  	[sflag:s19] =	ssyncadd.s32 $0xFFFFC000  }
0x3d1: {  	_ =	swait.ge [sflag:s19], $0x4000  }
0x3d2: {  	[sflag:s19] =	ssyncset.done $0x0  }
0x3d3: {  	[sflag:s19] =	ssyncadd.s32 $0xFFFFC000  }
0x3d4: {  	_ =	swait.ge [sflag:s19], $0x4000  }
0x3d5: {  	s8 =	rddreg [dreg:$0xf];
	[sflag:s19] =	ssyncset.done $0x0  }
0x3d6: {  	s2 =	rddreg [dreg:$0x10];
	[sflag:s19] =	ssyncadd.s32 $0xFFFFC000;
	s1 =	sadd.s32 s0, s8  }
0x3d7: {  	[hbm4b:s1+s20] =	stream.strided.scatter [tilespmem:s22], [sflag:$0x3], $0x4000, s21, s20, $0x38;
	[tilespmem:$0x1AAC8] =	vst v63  }
0x3d8: {  	s8 =	rddreg [dreg:$0x11];
	s2 =	sadd.s32 s0, s2  }
0x3d9: {  	[hbm4b:s2+s20] =	stream.strided.scatter [tilespmem:s23], [sflag:$0x3], $0x4000, s21, s20, $0x38;
	[tilespmem:$0x1AAC8] =	vst v63  }
0x3da: {  	s2 =	sadd.s32 s0, s8  }
0x3db: {  	[hbm4b:s2+s20] =	stream.strided.scatter [tilespmem:s24], [sflag:$0x3], $0x4000, s21, s20, $0x38;
	[tilespmem:$0x1AAC8] =	vst v63  }
0x3dc: {  	_ =	swait.ge [sflag:s25], $0x4000  }
0x3dd: {  	[sflag:s25] =	ssyncset.done $0x0  }
0x3de: {  	[sflag:s25] =	ssyncadd.s32 $0xFFFFC000  }
0x3df: {  	_ =	swait.ge [sflag:s25], $0x4000  }
0x3e0: {  	[sflag:s25] =	ssyncset.done $0x0  }
0x3e1: {  	[sflag:s25] =	ssyncadd.s32 $0xFFFFC000  }
0x3e2: {  	_ =	swait.ge [sflag:s25], $0x4000  }
0x3e3: {  	s8 =	sld [smem:$0x7F8]  }
0x3e4: {  	[sflag:s25] =	ssyncset.done $0x0  }
0x3e5: {  	s2 =	sld [smem:$0x7F9];
	[sflag:s25] =	ssyncadd.s32 $0xFFFFC000  }
0x3e6: {  	[tilespmem:s16], [sflag:$0x1] =	stream.indirect.gather [spmem:s3], $0x80, s8, s15, $0xb8;
	[tilespmem:$0x1AAC8] =	vst v63  }
0x3e7: {  	s8 =	sld [smem:$0x7FA]  }
0x3e8: {  	[tilespmem:s17], [sflag:$0x1] =	stream.indirect.gather [spmem:s5], $0x80, s2, s15, $0xb8;
	[tilespmem:$0x1AAC8] =	vst v63  }
0x3e9: {  	_ = 	snop  }
0x3ea: {  	[tilespmem:s18], [sflag:$0x1] =	stream.indirect.gather [spmem:s6], $0x80, s8, s15, $0xb8;
	[tilespmem:$0x1AAC8] =	vst v63  }
0x3eb: {  	_ =	swait.ge [sflag:s19], $0x4000  }
0x3ec: {  	[sflag:s19] =	ssyncset.done $0x0  }
0x3ed: {  	[sflag:s19] =	ssyncadd.s32 $0xFFFFC000  }
0x3ee: {  	_ =	swait.ge [sflag:s19], $0x4000  }
0x3ef: {  	[sflag:s19] =	ssyncset.done $0x0  }
0x3f0: {  	[sflag:s19] =	ssyncadd.s32 $0xFFFFC000  }
0x3f1: {  	_ =	swait.ge [sflag:s19], $0x4000  }
0x3f2: {  	s8 =	rddreg [dreg:$0xc];
	[sflag:s19] =	ssyncset.done $0x0  }
0x3f3: {  	s2 =	rddreg [dreg:$0xd];
	[sflag:s19] =	ssyncadd.s32 $0xFFFFC000;
	s1 =	sadd.s32 s0, s8  }
0x3f4: {  	[hbm4b:s1+s20] =	stream.strided.scatter [tilespmem:s16], [sflag:$0x2], $0x4000, s21, s20, $0x38;
	[tilespmem:$0x1AAC8] =	vst v63  }
0x3f5: {  	s8 =	rddreg [dreg:$0xe];
	s2 =	sadd.s32 s0, s2  }
0x3f6: {  	[hbm4b:s2+s20] =	stream.strided.scatter [tilespmem:s17], [sflag:$0x2], $0x4000, s21, s20, $0x38;
	[tilespmem:$0x1AAC8] =	vst v63  }
0x3f7: {  	s2 =	sadd.s32 s0, s8  }
0x3f8: {  	[hbm4b:s2+s20] =	stream.strided.scatter [tilespmem:s18], [sflag:$0x2], $0x4000, s21, s20, $0x38;
	[tilespmem:$0x1AAC8] =	vst v63  }
0x3f9: {  	_ =	swait.ge [sflag:s26], $0x4000  }
0x3fa: {  	[sflag:s26] =	ssyncset.done $0x0  }
0x3fb: {  	[sflag:s26] =	ssyncadd.s32 $0xFFFFC000  }
0x3fc: {  	_ =	swait.ge [sflag:s26], $0x4000  }
0x3fd: {  	[sflag:s26] =	ssyncset.done $0x0  }
0x3fe: {  	[sflag:s26] =	ssyncadd.s32 $0xFFFFC000  }
0x3ff: {  	_ =	swait.ge [sflag:s26], $0x4000  }
0x400: {  	s8 =	sld [smem:$0x7FB]  }
0x401: {  	[sflag:s26] =	ssyncset.done $0x0  }
0x402: {  	s2 =	sld [smem:$0x7FC];
	[sflag:s26] =	ssyncadd.s32 $0xFFFFC000  }
0x403: {  	[tilespmem:s22], [sflag:$0x1] =	stream.indirect.gather [spmem:s3], $0x80, s8, s15, $0xb8;
	[tilespmem:$0x1AAC8] =	vst v63  }
0x404: {  	s8 =	sld [smem:$0x7FD]  }
0x405: {  	[tilespmem:s23], [sflag:$0x1] =	stream.indirect.gather [spmem:s5], $0x80, s2, s15, $0xb8;
	[tilespmem:$0x1AAC8] =	vst v63  }
0x406: {  	_ = 	snop  }
0x407: {  	[tilespmem:s24], [sflag:$0x1] =	stream.indirect.gather [spmem:s6], $0x80, s8, s15, $0xb8;
	[tilespmem:$0x1AAC8] =	vst v63  }
0x408: {  	_ =	swait.ge [sflag:s19], $0x4000  }
0x409: {  	[sflag:s19] =	ssyncset.done $0x0  }
0x40a: {  	[sflag:s19] =	ssyncadd.s32 $0xFFFFC000  }
0x40b: {  	_ =	swait.ge [sflag:s19], $0x4000  }
0x40c: {  	[sflag:s19] =	ssyncset.done $0x0  }
0x40d: {  	[sflag:s19] =	ssyncadd.s32 $0xFFFFC000  }
0x40e: {  	_ =	swait.ge [sflag:s19], $0x4000  }
0x40f: {  	s8 =	rddreg [dreg:$0x9];
	[sflag:s19] =	ssyncset.done $0x0  }
0x410: {  	s2 =	rddreg [dreg:$0xa];
	[sflag:s19] =	ssyncadd.s32 $0xFFFFC000;
	s1 =	sadd.s32 s0, s8  }
0x411: {  	[hbm4b:s1+s20] =	stream.strided.scatter [tilespmem:s22], [sflag:$0x3], $0x4000, s21, s20, $0x38;
	[tilespmem:$0x1AAC8] =	vst v63  }
0x412: {  	s8 =	rddreg [dreg:$0xb];
	s2 =	sadd.s32 s0, s2  }
0x413: {  	[hbm4b:s2+s20] =	stream.strided.scatter [tilespmem:s23], [sflag:$0x3], $0x4000, s21, s20, $0x38;
	[tilespmem:$0x1AAC8] =	vst v63  }
0x414: {  	s0 =	sadd.s32 s0, s8  }
0x415: {  	[hbm4b:s0+s20] =	stream.strided.scatter [tilespmem:s24], [sflag:$0x3], $0x4000, s21, s20, $0x38;
	[tilespmem:$0x1AAC8] =	vst v63  }
0x416: {  	_ =	swait.ge [sflag:s25], $0x4000  }
0x417: {  	[sflag:s25] =	ssyncset.done $0x0  }
0x418: {  	[sflag:s25] =	ssyncadd.s32 $0xFFFFC000  }
0x419: {  	_ =	swait.ge [sflag:s25], $0x4000  }
0x41a: {  	[sflag:s25] =	ssyncset.done $0x0  }
0x41b: {  	[sflag:s25] =	ssyncadd.s32 $0xFFFFC000  }
0x41c: {  	_ =	swait.ge [sflag:s25], $0x4000  }
0x41d: {  	[sflag:s25] =	ssyncset.done $0x0  }
0x41e: {  	[sflag:s25] =	ssyncadd.s32 $0xFFFFC000  }
0x41f: {  	_ =	swait.ge [sflag:s26], $0x4000  }
0x420: {  	[sflag:s26] =	ssyncset.done $0x0  }
0x421: {  	p1 =	sne.s32 s29, $0x498000;
	[sflag:s26] =	ssyncadd.s32 $0xFFFFC000  }
.Ltmp0:
0x422: {  	_ =	swait.ge [sflag:s26], $0x4000;
	(pc) =	sbr.rel @p1 .LBB2_2-.Ltmp0, $4  }
0x423: {  	[sflag:s26] =	ssyncset.done $0x0  }
0x424: {  	[sflag:s26] =	ssyncadd.s32 $0xFFFFC000  }
0x425: {  	_ =	swait.ge [sflag:s26], $0x4000  }
0x426: {  	s29 =	sadd.s32 $0x18000, s29;
	s30 =	sadd.s32 $0x100, s30;
	[sflag:s26] =	ssyncset.done $0x0  }
0x427: {  	s0 =	sld [smem:$0x7EB];
	_ =	sdelay $0x1  }
0x428: {  	s28 =	sadd.s32 $0x1, s28  }
0x429: {  	p1 =	sne.s32 s28, s0  }
.Ltmp1:
0x42a: {  	_ = 	snop;
	(pc) =	sbr.rel @p1 .LBB2_1-.Ltmp1, $2  }
0x42b: {  	_ =	sdelay $0x2  }
0x42c: {  	[sflag:s26] =	ssyncadd.s32 $0xFFFFC000  }
0x42d: {  	_ =	sfence.sel $0x180000  }
0x42e: {  	[bflag:$0x0] =	sbarrier.arrive $0xFFFF  }
0x42f: {  	_ =	strace $0x90000047  }
0x430: {  	[bflag:$0x2] =	sbarrier.arrive $0xFFFF  }
0x431: {  	s0 =	rddreg [dreg:$0x8]  }
0x432: {  	s0 =	sadd.s32 @!p0 $0x100000, s0  }
0x433: {  	[sflag:s0] =	ssyncadd.tile.s32 @!p0 $0x1;
	_ =	shalt  }
.Lfunc_end2:
_tile_overlayer_lowered:
.L_overlay_start_2:
0x434: {  	(tag) =	ssettag $0x2  }
0x435: {  	s0 =	rddreg [dreg:$0x0];
	s2 =	stileid.u32  }
0x436: {  	s1 =	rddreg [dreg:$0x1];
	p0 =	sne.s32 s2, $0x0  }
0x437: {  	s3 =	rddreg [dreg:$0x2];
	[bflag:$0x3] =	sbarrier.arrive $0xFFFF;
	s2 =	simm.s32 @!p0 $0x1C04  }
0x438: {  	[timem:s3], [sflag:s2] =	dma.local @!p0 [hbm:s0], s1  }
0x439: {  	s0 =	simm.s32 @!p0 $0x4  }
0x43a: {  	_ =	swait.ge @!p0 [sflag:s0], s1  }
0x43b: {  	s1 =	ssub.s32 @!p0 $0x0, s1;
	[sflag:s0] =	ssyncset.done @!p0 $0x0  }
0x43c: {  	[sflag:s0] =	ssyncadd.s32 @!p0 s1  }
0x43d: {  	[bflag:$0x3] =	sbarrier.arrive $0xFFFF  }
0x43e: {  	_ =	shalt  }

</sc_bundles>
